<compile_context>
chip_gen: v7x
topology: tpu7x:2x2x1
jax: 0.10.2.dev20260603
libtpu: 0.0.44.dev20260713+nightly
codegen_flags: <defaults>
</compile_context>

<pallas_src>
import functools

import jax
import jax.numpy as jnp
from jax import lax
from jax.experimental import pallas as pl
from jax.experimental.pallas import tpu as pltpu
from jax.experimental.pallas import tpu_sc as plsc

NUM_CLASSES = 10
NC = 2
NS = 16
L = 16
NW = NC * NS
CHUNK = 16384


def _mesh():
    return plsc.VectorSubcoreMesh(core_axis_name="c", subcore_axis_name="s")


def _wid():
    return lax.axis_index("s") * NC + lax.axis_index("c")


def _minmax_pass_tc(n):
    GRID_MM = 8
    rows = n // 128 // GRID_MM

    def body(x_ref, out_ref):
        xb = x_ref[...].reshape(4, rows // 4, 128)
        out_ref[0:4, :] = jnp.min(xb, axis=1)
        out_ref[4:8, :] = jnp.max(xb, axis=1)

    def run(x):
        xr = x.reshape(GRID_MM * rows, 128)
        return pl.pallas_call(
            body,
            grid=(GRID_MM,),
            in_specs=[pl.BlockSpec((rows, 128), lambda i: (i, 0))],
            out_specs=pl.BlockSpec((8, 128), lambda i: (i, 0)),
            out_shape=jax.ShapeDtypeStruct((GRID_MM * 8, 128), jnp.float32),
        )(xr).reshape(GRID_MM, 8, 128)

    return run


def _assign_pass(n_per):
    n_chunks = n_per // CHUNK

    @functools.partial(
        pl.kernel,
        out_type=jax.ShapeDtypeStruct((n_per * NW,), jnp.int32),
        mesh=_mesh(),
        compiler_params=pltpu.CompilerParams(needs_layout_passes=False),
        scratch_types=[
            pltpu.VMEM((8, 8, 128), jnp.float32),
            pltpu.VMEM((L,), jnp.float32),
            pltpu.VMEM((L,), jnp.float32),
            pltpu.VMEM((CHUNK,), jnp.float32),
            pltpu.VMEM((CHUNK,), jnp.float32),
            pltpu.VMEM((CHUNK,), jnp.float32),
            pltpu.VMEM((CHUNK,), jnp.int32),
            pltpu.VMEM((CHUNK,), jnp.int32),
            pltpu.SemaphoreType.DMA,
            pltpu.SemaphoreType.DMA,
            pltpu.SemaphoreType.DMA,
            pltpu.SemaphoreType.DMA,
            pltpu.SemaphoreType.DMA,
        ],
    )
    def body(x_hbm, mm_hbm, out_hbm, mm_v, mn_v, mx_v, in0, in1, in2,
             o0, o1, si0, si1, si2, so0, so1):
        wid = _wid()
        base = wid * n_per
        ibufs = (in0, in1, in2)
        isems = (si0, si1, si2)
        obufs = (o0, o1)
        osems = (so0, so1)

        pltpu.sync_copy(mm_hbm, mm_v)
        mn = mm_v[0, 0, pl.ds(0, L)]
        mx = mm_v[0, 4, pl.ds(0, L)]

        def mmred(g, carry):
            m0, m1 = carry
            for r in range(4):
                for t in range(128 // L):
                    m0 = jnp.minimum(m0, mm_v[g, r, pl.ds(t * L, L)])
                    m1 = jnp.maximum(m1, mm_v[g, 4 + r, pl.ds(t * L, L)])
            return m0, m1

        mn, mx = lax.fori_loop(0, 8, mmred, (mn, mx))
        iota = lax.iota(jnp.int32, L)
        for shift in (8, 4, 2, 1):
            mn_v[:] = mn
            mx_v[:] = mx
            mn = jnp.minimum(mn, plsc.load_gather(mn_v, [iota ^ shift]))
            mx = jnp.maximum(mx, plsc.load_gather(mx_v, [iota ^ shift]))
        lo = mn + jnp.float32(1e-6)
        hi = mx - jnp.float32(1e-6)
        inv_step = jnp.float32(NUM_CLASSES - 2) / (hi - lo)
        bias = jnp.float32(0.99999988) - lo * inv_step

        in_copies = {}
        out_copies = {}
        for p in range(2):
            in_copies[p] = pltpu.async_copy(
                x_hbm.at[pl.ds(base + p * CHUNK, CHUNK)],
                ibufs[p], isems[p])

        for c in range(n_chunks):
            in_copies.pop(c).wait()
            if c + 2 < n_chunks:
                in_copies[c + 2] = pltpu.async_copy(
                    x_hbm.at[pl.ds(base + (c + 2) * CHUNK, CHUNK)],
                    ibufs[(c + 2) % 3], isems[(c + 2) % 3])
            if c >= 2:
                out_copies.pop(c - 2).wait()
            ibuf = ibufs[c % 3]
            obuf = obufs[c % 2]

            @plsc.parallel_loop(0, CHUNK, step=L, unroll=16)
            def compute(i, ibuf=ibuf, obuf=obuf):
                q = ibuf[pl.ds(i, L)] * inv_step + bias
                obuf[pl.ds(i, L)] = q.astype(jnp.int32)

            out_copies[c] = pltpu.async_copy(
                obuf, out_hbm.at[pl.ds(base + c * CHUNK, CHUNK)],
                osems[c % 2])

        for c in (n_chunks - 2, n_chunks - 1):
            if c >= 0:
                out_copies.pop(c).wait()

    return body


def kernel(input):
    n = input.shape[0]
    n_per = n // NW
    mm = _minmax_pass_tc(n)(input)
    return _assign_pass(n_per)(input, mm)

# --- scband reference (transcript-rebuilt; emitter-appended) ---
"""Pipeline reference for scband-step-function-assigner-64020782514548 (READ-ONLY COPY).

The authoritative reference and input builder live on the scoring server;
editing this copy changes nothing except your own understanding.
"""

import jax, jax.numpy as jnp
import numpy as np

NUM_CLASSES = 10

def setup_inputs(seed: int = 0) -> dict:
    key = jax.random.key(seed)
    x = jax.random.normal(key, (16777216,), dtype=jnp.float32)
    return {"input": x}

def reference(input):
    # input is 1-D (T,), so the random feature-selection branch is skipped
    x = input
    data_min = x.min()
    data_max = x.max()
    eps = 1e-6
    thresholds = jnp.linspace(data_min + eps, data_max - eps, NUM_CLASSES - 1)
    # Deterministic reference: take the no-noise branch of the 50% coin flip
    # (torch code optionally perturbs thresholds with randn noise; RNG branch
    #  is non-deterministic so we fix it to the identity branch).
    labels = (x[:, None] > thresholds[None, :]).sum(axis=1)
    return labels

if __name__ == "__main__":
    import jax
    _d = setup_inputs()
    print(jax.jit(kernel)(*tuple(_d.values())))

</pallas_src>

<mosaic_0001>
#map = affine_map<(d0, d1) -> (0)>
#map1 = affine_map<(d0, d1) -> (0, 0, 0)>
module attributes {stable_mosaic.version = 14 : i64} {
  func.func @body(%arg0: i32, %arg1: i32, %arg2: memref<16777216xf32, #tpu.memory_space<hbm>>, %arg3: memref<8x8x128xf32, #tpu.memory_space<hbm>>, %arg4: memref<16777216xi32, #tpu.memory_space<hbm>>, %arg5: memref<8x8x128xf32, #tpu.memory_space<vmem>>, %arg6: memref<16xf32, #tpu.memory_space<vmem>>, %arg7: memref<16xf32, #tpu.memory_space<vmem>>, %arg8: memref<16384xf32, #tpu.memory_space<vmem>>, %arg9: memref<16384xf32, #tpu.memory_space<vmem>>, %arg10: memref<16384xf32, #tpu.memory_space<vmem>>, %arg11: memref<16384xi32, #tpu.memory_space<vmem>>, %arg12: memref<16384xi32, #tpu.memory_space<vmem>>, %arg13: memref<!tpu.dma_semaphore, #tpu.memory_space<semaphore_mem>>, %arg14: memref<!tpu.dma_semaphore, #tpu.memory_space<semaphore_mem>>, %arg15: memref<!tpu.dma_semaphore, #tpu.memory_space<semaphore_mem>>, %arg16: memref<!tpu.dma_semaphore, #tpu.memory_space<semaphore_mem>>, %arg17: memref<!tpu.dma_semaphore, #tpu.memory_space<semaphore_mem>>) attributes {dimension_semantics = [#tpu.dimension_semantics<core_parallel>, #tpu.dimension_semantics<subcore_parallel>], iteration_bounds = array<i64: 2, 16>, scalar_prefetch = 0 : i64, scratch_operands = 13 : i64, tpu.core_type = #tpu.core_type<sc_vector_subcore>, window_params = [{transform_indices = #map}, {transform_indices = #map1}, {transform_indices = #map}]} {
    %mul3A = arith.constant 2 : i32
    %mul3A_0 = arith.muli %arg1, %mul3A : i32
    %add3A = arith.addi %mul3A_0, %arg0 : i32
    %mul3A_1 = arith.constant 524288 : i32
    %mul3A_2 = arith.muli %add3A, %mul3A_1 : i32
    "tpu.region"() ({
      %run_scoped3A = tpu.sem_alloc : memref<!tpu.dma_semaphore, #tpu.memory_space<semaphore_mem>>
      tpu.enqueue_dma source(%arg3 : memref<8x8x128xf32, #tpu.memory_space<hbm>>) target(%arg5 : memref<8x8x128xf32, #tpu.memory_space<vmem>>) target_semaphore(%run_scoped3A : memref<!tpu.dma_semaphore, #tpu.memory_space<semaphore_mem>>)
      tpu.wait_dma2 semaphore(%run_scoped3A : memref<!tpu.dma_semaphore, #tpu.memory_space<semaphore_mem>>) src(%arg3 : memref<8x8x128xf32, #tpu.memory_space<hbm>>) dst(%arg5 : memref<8x8x128xf32, #tpu.memory_space<vmem>>)
      tpu.yield
    }) : () -> ()
    %get3A = arith.constant 0 : i32
    %get3A_3 = arith.constant 0 : i32
    %get3A_4 = arith.index_cast %get3A : i32 to index
    %get3A_5 = arith.index_cast %get3A_3 : i32 to index
    %get3A_6 = arith.constant 0 : index
    %get3A_7 = tpu.vector_load %arg5[%get3A_4, %get3A_5, %get3A_6] {strides = array<i32>} : memref<8x8x128xf32, #tpu.memory_space<vmem>>, vector<16xf32>,
    %get3A_8 = arith.constant 0 : i32
    %get3A_9 = arith.constant 4 : i32
    %get3A_10 = arith.index_cast %get3A_8 : i32 to index
    %get3A_11 = arith.index_cast %get3A_9 : i32 to index
    %get3A_12 = arith.constant 0 : index
    %get3A_13 = tpu.vector_load %arg5[%get3A_10, %get3A_11, %get3A_12] {strides = array<i32>} : memref<8x8x128xf32, #tpu.memory_space<vmem>>, vector<16xf32>,
    %scan3A = arith.constant 0 : i32
    %scan3A_14 = arith.constant 8 : i32
    %scan3A_15 = arith.addi %scan3A, %scan3A_14 : i32
    %scan3A_16 = arith.constant 1 : i32
    %scan3A_17:2 = scf.for %scan3A_559 = %scan3A to %scan3A_15 step %scan3A_16 iter_args(%scan3A_560 = %get3A_7, %scan3A_561 = %get3A_13) -> (vector<16xf32>, vector<16xf32>)  : i32 {
      %get3A_562 = arith.constant 0 : i32
      %get3A_563 = arith.index_cast %scan3A_559 : i32 to index
      %get3A_564 = arith.index_cast %get3A_562 : i32 to index
      %get3A_565 = arith.constant 0 : index
      %get3A_566 = tpu.vector_load %arg5[%get3A_563, %get3A_564, %get3A_565] {strides = array<i32>} : memref<8x8x128xf32, #tpu.memory_space<vmem>>, vector<16xf32>,
      %min3A_567 = arith.minimumf %scan3A_560, %get3A_566 : vector<16xf32>
      %get3A_568 = arith.constant 4 : i32
      %get3A_569 = arith.index_cast %scan3A_559 : i32 to index
      %get3A_570 = arith.index_cast %get3A_568 : i32 to index
      %get3A_571 = arith.constant 0 : index
      %get3A_572 = tpu.vector_load %arg5[%get3A_569, %get3A_570, %get3A_571] {strides = array<i32>} : memref<8x8x128xf32, #tpu.memory_space<vmem>>, vector<16xf32>,
      %max3A_573 = arith.maximumf %scan3A_561, %get3A_572 : vector<16xf32>
      %get3A_574 = arith.constant 0 : i32
      %get3A_575 = arith.index_cast %scan3A_559 : i32 to index
      %get3A_576 = arith.index_cast %get3A_574 : i32 to index
      %get3A_577 = arith.constant 16 : index
      %get3A_578 = tpu.vector_load %arg5[%get3A_575, %get3A_576, %get3A_577] {strides = array<i32>} : memref<8x8x128xf32, #tpu.memory_space<vmem>>, vector<16xf32>,
      %min3A_579 = arith.minimumf %min3A_567, %get3A_578 : vector<16xf32>
      %get3A_580 = arith.constant 4 : i32
      %get3A_581 = arith.index_cast %scan3A_559 : i32 to index
      %get3A_582 = arith.index_cast %get3A_580 : i32 to index
      %get3A_583 = arith.constant 16 : index
      %get3A_584 = tpu.vector_load %arg5[%get3A_581, %get3A_582, %get3A_583] {strides = array<i32>} : memref<8x8x128xf32, #tpu.memory_space<vmem>>, vector<16xf32>,
      %max3A_585 = arith.maximumf %max3A_573, %get3A_584 : vector<16xf32>
      %get3A_586 = arith.constant 0 : i32
      %get3A_587 = arith.index_cast %scan3A_559 : i32 to index
      %get3A_588 = arith.index_cast %get3A_586 : i32 to index
      %get3A_589 = arith.constant 32 : index
      %get3A_590 = tpu.vector_load %arg5[%get3A_587, %get3A_588, %get3A_589] {strides = array<i32>} : memref<8x8x128xf32, #tpu.memory_space<vmem>>, vector<16xf32>,
      %min3A_591 = arith.minimumf %min3A_579, %get3A_590 : vector<16xf32>
      %get3A_592 = arith.constant 4 : i32
      %get3A_593 = arith.index_cast %scan3A_559 : i32 to index
      %get3A_594 = arith.index_cast %get3A_592 : i32 to index
      %get3A_595 = arith.constant 32 : index
      %get3A_596 = tpu.vector_load %arg5[%get3A_593, %get3A_594, %get3A_595] {strides = array<i32>} : memref<8x8x128xf32, #tpu.memory_space<vmem>>, vector<16xf32>,
      %max3A_597 = arith.maximumf %max3A_585, %get3A_596 : vector<16xf32>
      %get3A_598 = arith.constant 0 : i32
      %get3A_599 = arith.index_cast %scan3A_559 : i32 to index
      %get3A_600 = arith.index_cast %get3A_598 : i32 to index
      %get3A_601 = arith.constant 48 : index
      %get3A_602 = tpu.vector_load %arg5[%get3A_599, %get3A_600, %get3A_601] {strides = array<i32>} : memref<8x8x128xf32, #tpu.memory_space<vmem>>, vector<16xf32>,
      %min3A_603 = arith.minimumf %min3A_591, %get3A_602 : vector<16xf32>
      %get3A_604 = arith.constant 4 : i32
      %get3A_605 = arith.index_cast %scan3A_559 : i32 to index
      %get3A_606 = arith.index_cast %get3A_604 : i32 to index
      %get3A_607 = arith.constant 48 : index
      %get3A_608 = tpu.vector_load %arg5[%get3A_605, %get3A_606, %get3A_607] {strides = array<i32>} : memref<8x8x128xf32, #tpu.memory_space<vmem>>, vector<16xf32>,
      %max3A_609 = arith.maximumf %max3A_597, %get3A_608 : vector<16xf32>
      %get3A_610 = arith.constant 0 : i32
      %get3A_611 = arith.index_cast %scan3A_559 : i32 to index
      %get3A_612 = arith.index_cast %get3A_610 : i32 to index
      %get3A_613 = arith.constant 64 : index
      %get3A_614 = tpu.vector_load %arg5[%get3A_611, %get3A_612, %get3A_613] {strides = array<i32>} : memref<8x8x128xf32, #tpu.memory_space<vmem>>, vector<16xf32>,
      %min3A_615 = arith.minimumf %min3A_603, %get3A_614 : vector<16xf32>
      %get3A_616 = arith.constant 4 : i32
      %get3A_617 = arith.index_cast %scan3A_559 : i32 to index
      %get3A_618 = arith.index_cast %get3A_616 : i32 to index
      %get3A_619 = arith.constant 64 : index
      %get3A_620 = tpu.vector_load %arg5[%get3A_617, %get3A_618, %get3A_619] {strides = array<i32>} : memref<8x8x128xf32, #tpu.memory_space<vmem>>, vector<16xf32>,
      %max3A_621 = arith.maximumf %max3A_609, %get3A_620 : vector<16xf32>
      %get3A_622 = arith.constant 0 : i32
      %get3A_623 = arith.index_cast %scan3A_559 : i32 to index
      %get3A_624 = arith.index_cast %get3A_622 : i32 to index
      %get3A_625 = arith.constant 80 : index
      %get3A_626 = tpu.vector_load %arg5[%get3A_623, %get3A_624, %get3A_625] {strides = array<i32>} : memref<8x8x128xf32, #tpu.memory_space<vmem>>, vector<16xf32>,
      %min3A_627 = arith.minimumf %min3A_615, %get3A_626 : vector<16xf32>
      %get3A_628 = arith.constant 4 : i32
      %get3A_629 = arith.index_cast %scan3A_559 : i32 to index
      %get3A_630 = arith.index_cast %get3A_628 : i32 to index
      %get3A_631 = arith.constant 80 : index
      %get3A_632 = tpu.vector_load %arg5[%get3A_629, %get3A_630, %get3A_631] {strides = array<i32>} : memref<8x8x128xf32, #tpu.memory_space<vmem>>, vector<16xf32>,
      %max3A_633 = arith.maximumf %max3A_621, %get3A_632 : vector<16xf32>
      %get3A_634 = arith.constant 0 : i32
      %get3A_635 = arith.index_cast %scan3A_559 : i32 to index
      %get3A_636 = arith.index_cast %get3A_634 : i32 to index
      %get3A_637 = arith.constant 96 : index
      %get3A_638 = tpu.vector_load %arg5[%get3A_635, %get3A_636, %get3A_637] {strides = array<i32>} : memref<8x8x128xf32, #tpu.memory_space<vmem>>, vector<16xf32>,
      %min3A_639 = arith.minimumf %min3A_627, %get3A_638 : vector<16xf32>
      %get3A_640 = arith.constant 4 : i32
      %get3A_641 = arith.index_cast %scan3A_559 : i32 to index
      %get3A_642 = arith.index_cast %get3A_640 : i32 to index
      %get3A_643 = arith.constant 96 : index
      %get3A_644 = tpu.vector_load %arg5[%get3A_641, %get3A_642, %get3A_643] {strides = array<i32>} : memref<8x8x128xf32, #tpu.memory_space<vmem>>, vector<16xf32>,
      %max3A_645 = arith.maximumf %max3A_633, %get3A_644 : vector<16xf32>
      %get3A_646 = arith.constant 0 : i32
      %get3A_647 = arith.index_cast %scan3A_559 : i32 to index
      %get3A_648 = arith.index_cast %get3A_646 : i32 to index
      %get3A_649 = arith.constant 112 : index
      %get3A_650 = tpu.vector_load %arg5[%get3A_647, %get3A_648, %get3A_649] {strides = array<i32>} : memref<8x8x128xf32, #tpu.memory_space<vmem>>, vector<16xf32>,
      %min3A_651 = arith.minimumf %min3A_639, %get3A_650 : vector<16xf32>
      %get3A_652 = arith.constant 4 : i32
      %get3A_653 = arith.index_cast %scan3A_559 : i32 to index
      %get3A_654 = arith.index_cast %get3A_652 : i32 to index
      %get3A_655 = arith.constant 112 : index
      %get3A_656 = tpu.vector_load %arg5[%get3A_653, %get3A_654, %get3A_655] {strides = array<i32>} : memref<8x8x128xf32, #tpu.memory_space<vmem>>, vector<16xf32>,
      %max3A_657 = arith.maximumf %max3A_645, %get3A_656 : vector<16xf32>
      %get3A_658 = arith.constant 1 : i32
      %get3A_659 = arith.index_cast %scan3A_559 : i32 to index
      %get3A_660 = arith.index_cast %get3A_658 : i32 to index
      %get3A_661 = arith.constant 0 : index
      %get3A_662 = tpu.vector_load %arg5[%get3A_659, %get3A_660, %get3A_661] {strides = array<i32>} : memref<8x8x128xf32, #tpu.memory_space<vmem>>, vector<16xf32>,
      %min3A_663 = arith.minimumf %min3A_651, %get3A_662 : vector<16xf32>
      %get3A_664 = arith.constant 5 : i32
      %get3A_665 = arith.index_cast %scan3A_559 : i32 to index
      %get3A_666 = arith.index_cast %get3A_664 : i32 to index
      %get3A_667 = arith.constant 0 : index
      %get3A_668 = tpu.vector_load %arg5[%get3A_665, %get3A_666, %get3A_667] {strides = array<i32>} : memref<8x8x128xf32, #tpu.memory_space<vmem>>, vector<16xf32>,
      %max3A_669 = arith.maximumf %max3A_657, %get3A_668 : vector<16xf32>
      %get3A_670 = arith.constant 1 : i32
      %get3A_671 = arith.index_cast %scan3A_559 : i32 to index
      %get3A_672 = arith.index_cast %get3A_670 : i32 to index
      %get3A_673 = arith.constant 16 : index
      %get3A_674 = tpu.vector_load %arg5[%get3A_671, %get3A_672, %get3A_673] {strides = array<i32>} : memref<8x8x128xf32, #tpu.memory_space<vmem>>, vector<16xf32>,
      %min3A_675 = arith.minimumf %min3A_663, %get3A_674 : vector<16xf32>
      %get3A_676 = arith.constant 5 : i32
      %get3A_677 = arith.index_cast %scan3A_559 : i32 to index
      %get3A_678 = arith.index_cast %get3A_676 : i32 to index
      %get3A_679 = arith.constant 16 : index
      %get3A_680 = tpu.vector_load %arg5[%get3A_677, %get3A_678, %get3A_679] {strides = array<i32>} : memref<8x8x128xf32, #tpu.memory_space<vmem>>, vector<16xf32>,
      %max3A_681 = arith.maximumf %max3A_669, %get3A_680 : vector<16xf32>
      %get3A_682 = arith.constant 1 : i32
      %get3A_683 = arith.index_cast %scan3A_559 : i32 to index
      %get3A_684 = arith.index_cast %get3A_682 : i32 to index
      %get3A_685 = arith.constant 32 : index
      %get3A_686 = tpu.vector_load %arg5[%get3A_683, %get3A_684, %get3A_685] {strides = array<i32>} : memref<8x8x128xf32, #tpu.memory_space<vmem>>, vector<16xf32>,
      %min3A_687 = arith.minimumf %min3A_675, %get3A_686 : vector<16xf32>
      %get3A_688 = arith.constant 5 : i32
      %get3A_689 = arith.index_cast %scan3A_559 : i32 to index
      %get3A_690 = arith.index_cast %get3A_688 : i32 to index
      %get3A_691 = arith.constant 32 : index
      %get3A_692 = tpu.vector_load %arg5[%get3A_689, %get3A_690, %get3A_691] {strides = array<i32>} : memref<8x8x128xf32, #tpu.memory_space<vmem>>, vector<16xf32>,
      %max3A_693 = arith.maximumf %max3A_681, %get3A_692 : vector<16xf32>
      %get3A_694 = arith.constant 1 : i32
      %get3A_695 = arith.index_cast %scan3A_559 : i32 to index
      %get3A_696 = arith.index_cast %get3A_694 : i32 to index
      %get3A_697 = arith.constant 48 : index
      %get3A_698 = tpu.vector_load %arg5[%get3A_695, %get3A_696, %get3A_697] {strides = array<i32>} : memref<8x8x128xf32, #tpu.memory_space<vmem>>, vector<16xf32>,
      %min3A_699 = arith.minimumf %min3A_687, %get3A_698 : vector<16xf32>
      %get3A_700 = arith.constant 5 : i32
      %get3A_701 = arith.index_cast %scan3A_559 : i32 to index
      %get3A_702 = arith.index_cast %get3A_700 : i32 to index
      %get3A_703 = arith.constant 48 : index
      %get3A_704 = tpu.vector_load %arg5[%get3A_701, %get3A_702, %get3A_703] {strides = array<i32>} : memref<8x8x128xf32, #tpu.memory_space<vmem>>, vector<16xf32>,
      %max3A_705 = arith.maximumf %max3A_693, %get3A_704 : vector<16xf32>
      %get3A_706 = arith.constant 1 : i32
      %get3A_707 = arith.index_cast %scan3A_559 : i32 to index
      %get3A_708 = arith.index_cast %get3A_706 : i32 to index
      %get3A_709 = arith.constant 64 : index
      %get3A_710 = tpu.vector_load %arg5[%get3A_707, %get3A_708, %get3A_709] {strides = array<i32>} : memref<8x8x128xf32, #tpu.memory_space<vmem>>, vector<16xf32>,
      %min3A_711 = arith.minimumf %min3A_699, %get3A_710 : vector<16xf32>
      %get3A_712 = arith.constant 5 : i32
      %get3A_713 = arith.index_cast %scan3A_559 : i32 to index
      %get3A_714 = arith.index_cast %get3A_712 : i32 to index
      %get3A_715 = arith.constant 64 : index
      %get3A_716 = tpu.vector_load %arg5[%get3A_713, %get3A_714, %get3A_715] {strides = array<i32>} : memref<8x8x128xf32, #tpu.memory_space<vmem>>, vector<16xf32>,
      %max3A_717 = arith.maximumf %max3A_705, %get3A_716 : vector<16xf32>
      %get3A_718 = arith.constant 1 : i32
      %get3A_719 = arith.index_cast %scan3A_559 : i32 to index
      %get3A_720 = arith.index_cast %get3A_718 : i32 to index
      %get3A_721 = arith.constant 80 : index
      %get3A_722 = tpu.vector_load %arg5[%get3A_719, %get3A_720, %get3A_721] {strides = array<i32>} : memref<8x8x128xf32, #tpu.memory_space<vmem>>, vector<16xf32>,
      %min3A_723 = arith.minimumf %min3A_711, %get3A_722 : vector<16xf32>
      %get3A_724 = arith.constant 5 : i32
      %get3A_725 = arith.index_cast %scan3A_559 : i32 to index
      %get3A_726 = arith.index_cast %get3A_724 : i32 to index
      %get3A_727 = arith.constant 80 : index
      %get3A_728 = tpu.vector_load %arg5[%get3A_725, %get3A_726, %get3A_727] {strides = array<i32>} : memref<8x8x128xf32, #tpu.memory_space<vmem>>, vector<16xf32>,
      %max3A_729 = arith.maximumf %max3A_717, %get3A_728 : vector<16xf32>
      %get3A_730 = arith.constant 1 : i32
      %get3A_731 = arith.index_cast %scan3A_559 : i32 to index
      %get3A_732 = arith.index_cast %get3A_730 : i32 to index
      %get3A_733 = arith.constant 96 : index
      %get3A_734 = tpu.vector_load %arg5[%get3A_731, %get3A_732, %get3A_733] {strides = array<i32>} : memref<8x8x128xf32, #tpu.memory_space<vmem>>, vector<16xf32>,
      %min3A_735 = arith.minimumf %min3A_723, %get3A_734 : vector<16xf32>
      %get3A_736 = arith.constant 5 : i32
      %get3A_737 = arith.index_cast %scan3A_559 : i32 to index
      %get3A_738 = arith.index_cast %get3A_736 : i32 to index
      %get3A_739 = arith.constant 96 : index
      %get3A_740 = tpu.vector_load %arg5[%get3A_737, %get3A_738, %get3A_739] {strides = array<i32>} : memref<8x8x128xf32, #tpu.memory_space<vmem>>, vector<16xf32>,
      %max3A_741 = arith.maximumf %max3A_729, %get3A_740 : vector<16xf32>
      %get3A_742 = arith.constant 1 : i32
      %get3A_743 = arith.index_cast %scan3A_559 : i32 to index
      %get3A_744 = arith.index_cast %get3A_742 : i32 to index
      %get3A_745 = arith.constant 112 : index
      %get3A_746 = tpu.vector_load %arg5[%get3A_743, %get3A_744, %get3A_745] {strides = array<i32>} : memref<8x8x128xf32, #tpu.memory_space<vmem>>, vector<16xf32>,
      %min3A_747 = arith.minimumf %min3A_735, %get3A_746 : vector<16xf32>
      %get3A_748 = arith.constant 5 : i32
      %get3A_749 = arith.index_cast %scan3A_559 : i32 to index
      %get3A_750 = arith.index_cast %get3A_748 : i32 to index
      %get3A_751 = arith.constant 112 : index
      %get3A_752 = tpu.vector_load %arg5[%get3A_749, %get3A_750, %get3A_751] {strides = array<i32>} : memref<8x8x128xf32, #tpu.memory_space<vmem>>, vector<16xf32>,
      %max3A_753 = arith.maximumf %max3A_741, %get3A_752 : vector<16xf32>
      %get3A_754 = arith.constant 2 : i32
      %get3A_755 = arith.index_cast %scan3A_559 : i32 to index
      %get3A_756 = arith.index_cast %get3A_754 : i32 to index
      %get3A_757 = arith.constant 0 : index
      %get3A_758 = tpu.vector_load %arg5[%get3A_755, %get3A_756, %get3A_757] {strides = array<i32>} : memref<8x8x128xf32, #tpu.memory_space<vmem>>, vector<16xf32>,
      %min3A_759 = arith.minimumf %min3A_747, %get3A_758 : vector<16xf32>
      %get3A_760 = arith.constant 6 : i32
      %get3A_761 = arith.index_cast %scan3A_559 : i32 to index
      %get3A_762 = arith.index_cast %get3A_760 : i32 to index
      %get3A_763 = arith.constant 0 : index
      %get3A_764 = tpu.vector_load %arg5[%get3A_761, %get3A_762, %get3A_763] {strides = array<i32>} : memref<8x8x128xf32, #tpu.memory_space<vmem>>, vector<16xf32>,
      %max3A_765 = arith.maximumf %max3A_753, %get3A_764 : vector<16xf32>
      %get3A_766 = arith.constant 2 : i32
      %get3A_767 = arith.index_cast %scan3A_559 : i32 to index
      %get3A_768 = arith.index_cast %get3A_766 : i32 to index
      %get3A_769 = arith.constant 16 : index
      %get3A_770 = tpu.vector_load %arg5[%get3A_767, %get3A_768, %get3A_769] {strides = array<i32>} : memref<8x8x128xf32, #tpu.memory_space<vmem>>, vector<16xf32>,
      %min3A_771 = arith.minimumf %min3A_759, %get3A_770 : vector<16xf32>
      %get3A_772 = arith.constant 6 : i32
      %get3A_773 = arith.index_cast %scan3A_559 : i32 to index
      %get3A_774 = arith.index_cast %get3A_772 : i32 to index
      %get3A_775 = arith.constant 16 : index
      %get3A_776 = tpu.vector_load %arg5[%get3A_773, %get3A_774, %get3A_775] {strides = array<i32>} : memref<8x8x128xf32, #tpu.memory_space<vmem>>, vector<16xf32>,
      %max3A_777 = arith.maximumf %max3A_765, %get3A_776 : vector<16xf32>
      %get3A_778 = arith.constant 2 : i32
      %get3A_779 = arith.index_cast %scan3A_559 : i32 to index
      %get3A_780 = arith.index_cast %get3A_778 : i32 to index
      %get3A_781 = arith.constant 32 : index
      %get3A_782 = tpu.vector_load %arg5[%get3A_779, %get3A_780, %get3A_781] {strides = array<i32>} : memref<8x8x128xf32, #tpu.memory_space<vmem>>, vector<16xf32>,
      %min3A_783 = arith.minimumf %min3A_771, %get3A_782 : vector<16xf32>
      %get3A_784 = arith.constant 6 : i32
      %get3A_785 = arith.index_cast %scan3A_559 : i32 to index
      %get3A_786 = arith.index_cast %get3A_784 : i32 to index
      %get3A_787 = arith.constant 32 : index
      %get3A_788 = tpu.vector_load %arg5[%get3A_785, %get3A_786, %get3A_787] {strides = array<i32>} : memref<8x8x128xf32, #tpu.memory_space<vmem>>, vector<16xf32>,
      %max3A_789 = arith.maximumf %max3A_777, %get3A_788 : vector<16xf32>
      %get3A_790 = arith.constant 2 : i32
      %get3A_791 = arith.index_cast %scan3A_559 : i32 to index
      %get3A_792 = arith.index_cast %get3A_790 : i32 to index
      %get3A_793 = arith.constant 48 : index
      %get3A_794 = tpu.vector_load %arg5[%get3A_791, %get3A_792, %get3A_793] {strides = array<i32>} : memref<8x8x128xf32, #tpu.memory_space<vmem>>, vector<16xf32>,
      %min3A_795 = arith.minimumf %min3A_783, %get3A_794 : vector<16xf32>
      %get3A_796 = arith.constant 6 : i32
      %get3A_797 = arith.index_cast %scan3A_559 : i32 to index
      %get3A_798 = arith.index_cast %get3A_796 : i32 to index
      %get3A_799 = arith.constant 48 : index
      %get3A_800 = tpu.vector_load %arg5[%get3A_797, %get3A_798, %get3A_799] {strides = array<i32>} : memref<8x8x128xf32, #tpu.memory_space<vmem>>, vector<16xf32>,
      %max3A_801 = arith.maximumf %max3A_789, %get3A_800 : vector<16xf32>
      %get3A_802 = arith.constant 2 : i32
      %get3A_803 = arith.index_cast %scan3A_559 : i32 to index
      %get3A_804 = arith.index_cast %get3A_802 : i32 to index
      %get3A_805 = arith.constant 64 : index
      %get3A_806 = tpu.vector_load %arg5[%get3A_803, %get3A_804, %get3A_805] {strides = array<i32>} : memref<8x8x128xf32, #tpu.memory_space<vmem>>, vector<16xf32>,
      %min3A_807 = arith.minimumf %min3A_795, %get3A_806 : vector<16xf32>
      %get3A_808 = arith.constant 6 : i32
      %get3A_809 = arith.index_cast %scan3A_559 : i32 to index
      %get3A_810 = arith.index_cast %get3A_808 : i32 to index
      %get3A_811 = arith.constant 64 : index
      %get3A_812 = tpu.vector_load %arg5[%get3A_809, %get3A_810, %get3A_811] {strides = array<i32>} : memref<8x8x128xf32, #tpu.memory_space<vmem>>, vector<16xf32>,
      %max3A_813 = arith.maximumf %max3A_801, %get3A_812 : vector<16xf32>
      %get3A_814 = arith.constant 2 : i32
      %get3A_815 = arith.index_cast %scan3A_559 : i32 to index
      %get3A_816 = arith.index_cast %get3A_814 : i32 to index
      %get3A_817 = arith.constant 80 : index
      %get3A_818 = tpu.vector_load %arg5[%get3A_815, %get3A_816, %get3A_817] {strides = array<i32>} : memref<8x8x128xf32, #tpu.memory_space<vmem>>, vector<16xf32>,
      %min3A_819 = arith.minimumf %min3A_807, %get3A_818 : vector<16xf32>
      %get3A_820 = arith.constant 6 : i32
      %get3A_821 = arith.index_cast %scan3A_559 : i32 to index
      %get3A_822 = arith.index_cast %get3A_820 : i32 to index
      %get3A_823 = arith.constant 80 : index
      %get3A_824 = tpu.vector_load %arg5[%get3A_821, %get3A_822, %get3A_823] {strides = array<i32>} : memref<8x8x128xf32, #tpu.memory_space<vmem>>, vector<16xf32>,
      %max3A_825 = arith.maximumf %max3A_813, %get3A_824 : vector<16xf32>
      %get3A_826 = arith.constant 2 : i32
      %get3A_827 = arith.index_cast %scan3A_559 : i32 to index
      %get3A_828 = arith.index_cast %get3A_826 : i32 to index
      %get3A_829 = arith.constant 96 : index
      %get3A_830 = tpu.vector_load %arg5[%get3A_827, %get3A_828, %get3A_829] {strides = array<i32>} : memref<8x8x128xf32, #tpu.memory_space<vmem>>, vector<16xf32>,
      %min3A_831 = arith.minimumf %min3A_819, %get3A_830 : vector<16xf32>
      %get3A_832 = arith.constant 6 : i32
      %get3A_833 = arith.index_cast %scan3A_559 : i32 to index
      %get3A_834 = arith.index_cast %get3A_832 : i32 to index
      %get3A_835 = arith.constant 96 : index
      %get3A_836 = tpu.vector_load %arg5[%get3A_833, %get3A_834, %get3A_835] {strides = array<i32>} : memref<8x8x128xf32, #tpu.memory_space<vmem>>, vector<16xf32>,
      %max3A_837 = arith.maximumf %max3A_825, %get3A_836 : vector<16xf32>
      %get3A_838 = arith.constant 2 : i32
      %get3A_839 = arith.index_cast %scan3A_559 : i32 to index
      %get3A_840 = arith.index_cast %get3A_838 : i32 to index
      %get3A_841 = arith.constant 112 : index
      %get3A_842 = tpu.vector_load %arg5[%get3A_839, %get3A_840, %get3A_841] {strides = array<i32>} : memref<8x8x128xf32, #tpu.memory_space<vmem>>, vector<16xf32>,
      %min3A_843 = arith.minimumf %min3A_831, %get3A_842 : vector<16xf32>
      %get3A_844 = arith.constant 6 : i32
      %get3A_845 = arith.index_cast %scan3A_559 : i32 to index
      %get3A_846 = arith.index_cast %get3A_844 : i32 to index
      %get3A_847 = arith.constant 112 : index
      %get3A_848 = tpu.vector_load %arg5[%get3A_845, %get3A_846, %get3A_847] {strides = array<i32>} : memref<8x8x128xf32, #tpu.memory_space<vmem>>, vector<16xf32>,
      %max3A_849 = arith.maximumf %max3A_837, %get3A_848 : vector<16xf32>
      %get3A_850 = arith.constant 3 : i32
      %get3A_851 = arith.index_cast %scan3A_559 : i32 to index
      %get3A_852 = arith.index_cast %get3A_850 : i32 to index
      %get3A_853 = arith.constant 0 : index
      %get3A_854 = tpu.vector_load %arg5[%get3A_851, %get3A_852, %get3A_853] {strides = array<i32>} : memref<8x8x128xf32, #tpu.memory_space<vmem>>, vector<16xf32>,
      %min3A_855 = arith.minimumf %min3A_843, %get3A_854 : vector<16xf32>
      %get3A_856 = arith.constant 7 : i32
      %get3A_857 = arith.index_cast %scan3A_559 : i32 to index
      %get3A_858 = arith.index_cast %get3A_856 : i32 to index
      %get3A_859 = arith.constant 0 : index
      %get3A_860 = tpu.vector_load %arg5[%get3A_857, %get3A_858, %get3A_859] {strides = array<i32>} : memref<8x8x128xf32, #tpu.memory_space<vmem>>, vector<16xf32>,
      %max3A_861 = arith.maximumf %max3A_849, %get3A_860 : vector<16xf32>
      %get3A_862 = arith.constant 3 : i32
      %get3A_863 = arith.index_cast %scan3A_559 : i32 to index
      %get3A_864 = arith.index_cast %get3A_862 : i32 to index
      %get3A_865 = arith.constant 16 : index
      %get3A_866 = tpu.vector_load %arg5[%get3A_863, %get3A_864, %get3A_865] {strides = array<i32>} : memref<8x8x128xf32, #tpu.memory_space<vmem>>, vector<16xf32>,
      %min3A_867 = arith.minimumf %min3A_855, %get3A_866 : vector<16xf32>
      %get3A_868 = arith.constant 7 : i32
      %get3A_869 = arith.index_cast %scan3A_559 : i32 to index
      %get3A_870 = arith.index_cast %get3A_868 : i32 to index
      %get3A_871 = arith.constant 16 : index
      %get3A_872 = tpu.vector_load %arg5[%get3A_869, %get3A_870, %get3A_871] {strides = array<i32>} : memref<8x8x128xf32, #tpu.memory_space<vmem>>, vector<16xf32>,
      %max3A_873 = arith.maximumf %max3A_861, %get3A_872 : vector<16xf32>
      %get3A_874 = arith.constant 3 : i32
      %get3A_875 = arith.index_cast %scan3A_559 : i32 to index
      %get3A_876 = arith.index_cast %get3A_874 : i32 to index
      %get3A_877 = arith.constant 32 : index
      %get3A_878 = tpu.vector_load %arg5[%get3A_875, %get3A_876, %get3A_877] {strides = array<i32>} : memref<8x8x128xf32, #tpu.memory_space<vmem>>, vector<16xf32>,
      %min3A_879 = arith.minimumf %min3A_867, %get3A_878 : vector<16xf32>
      %get3A_880 = arith.constant 7 : i32
      %get3A_881 = arith.index_cast %scan3A_559 : i32 to index
      %get3A_882 = arith.index_cast %get3A_880 : i32 to index
      %get3A_883 = arith.constant 32 : index
      %get3A_884 = tpu.vector_load %arg5[%get3A_881, %get3A_882, %get3A_883] {strides = array<i32>} : memref<8x8x128xf32, #tpu.memory_space<vmem>>, vector<16xf32>,
      %max3A_885 = arith.maximumf %max3A_873, %get3A_884 : vector<16xf32>
      %get3A_886 = arith.constant 3 : i32
      %get3A_887 = arith.index_cast %scan3A_559 : i32 to index
      %get3A_888 = arith.index_cast %get3A_886 : i32 to index
      %get3A_889 = arith.constant 48 : index
      %get3A_890 = tpu.vector_load %arg5[%get3A_887, %get3A_888, %get3A_889] {strides = array<i32>} : memref<8x8x128xf32, #tpu.memory_space<vmem>>, vector<16xf32>,
      %min3A_891 = arith.minimumf %min3A_879, %get3A_890 : vector<16xf32>
      %get3A_892 = arith.constant 7 : i32
      %get3A_893 = arith.index_cast %scan3A_559 : i32 to index
      %get3A_894 = arith.index_cast %get3A_892 : i32 to index
      %get3A_895 = arith.constant 48 : index
      %get3A_896 = tpu.vector_load %arg5[%get3A_893, %get3A_894, %get3A_895] {strides = array<i32>} : memref<8x8x128xf32, #tpu.memory_space<vmem>>, vector<16xf32>,
      %max3A_897 = arith.maximumf %max3A_885, %get3A_896 : vector<16xf32>
      %get3A_898 = arith.constant 3 : i32
      %get3A_899 = arith.index_cast %scan3A_559 : i32 to index
      %get3A_900 = arith.index_cast %get3A_898 : i32 to index
      %get3A_901 = arith.constant 64 : index
      %get3A_902 = tpu.vector_load %arg5[%get3A_899, %get3A_900, %get3A_901] {strides = array<i32>} : memref<8x8x128xf32, #tpu.memory_space<vmem>>, vector<16xf32>,
      %min3A_903 = arith.minimumf %min3A_891, %get3A_902 : vector<16xf32>
      %get3A_904 = arith.constant 7 : i32
      %get3A_905 = arith.index_cast %scan3A_559 : i32 to index
      %get3A_906 = arith.index_cast %get3A_904 : i32 to index
      %get3A_907 = arith.constant 64 : index
      %get3A_908 = tpu.vector_load %arg5[%get3A_905, %get3A_906, %get3A_907] {strides = array<i32>} : memref<8x8x128xf32, #tpu.memory_space<vmem>>, vector<16xf32>,
      %max3A_909 = arith.maximumf %max3A_897, %get3A_908 : vector<16xf32>
      %get3A_910 = arith.constant 3 : i32
      %get3A_911 = arith.index_cast %scan3A_559 : i32 to index
      %get3A_912 = arith.index_cast %get3A_910 : i32 to index
      %get3A_913 = arith.constant 80 : index
      %get3A_914 = tpu.vector_load %arg5[%get3A_911, %get3A_912, %get3A_913] {strides = array<i32>} : memref<8x8x128xf32, #tpu.memory_space<vmem>>, vector<16xf32>,
      %min3A_915 = arith.minimumf %min3A_903, %get3A_914 : vector<16xf32>
      %get3A_916 = arith.constant 7 : i32
      %get3A_917 = arith.index_cast %scan3A_559 : i32 to index
      %get3A_918 = arith.index_cast %get3A_916 : i32 to index
      %get3A_919 = arith.constant 80 : index
      %get3A_920 = tpu.vector_load %arg5[%get3A_917, %get3A_918, %get3A_919] {strides = array<i32>} : memref<8x8x128xf32, #tpu.memory_space<vmem>>, vector<16xf32>,
      %max3A_921 = arith.maximumf %max3A_909, %get3A_920 : vector<16xf32>
      %get3A_922 = arith.constant 3 : i32
      %get3A_923 = arith.index_cast %scan3A_559 : i32 to index
      %get3A_924 = arith.index_cast %get3A_922 : i32 to index
      %get3A_925 = arith.constant 96 : index
      %get3A_926 = tpu.vector_load %arg5[%get3A_923, %get3A_924, %get3A_925] {strides = array<i32>} : memref<8x8x128xf32, #tpu.memory_space<vmem>>, vector<16xf32>,
      %min3A_927 = arith.minimumf %min3A_915, %get3A_926 : vector<16xf32>
      %get3A_928 = arith.constant 7 : i32
      %get3A_929 = arith.index_cast %scan3A_559 : i32 to index
      %get3A_930 = arith.index_cast %get3A_928 : i32 to index
      %get3A_931 = arith.constant 96 : index
      %get3A_932 = tpu.vector_load %arg5[%get3A_929, %get3A_930, %get3A_931] {strides = array<i32>} : memref<8x8x128xf32, #tpu.memory_space<vmem>>, vector<16xf32>,
      %max3A_933 = arith.maximumf %max3A_921, %get3A_932 : vector<16xf32>
      %get3A_934 = arith.constant 3 : i32
      %get3A_935 = arith.index_cast %scan3A_559 : i32 to index
      %get3A_936 = arith.index_cast %get3A_934 : i32 to index
      %get3A_937 = arith.constant 112 : index
      %get3A_938 = tpu.vector_load %arg5[%get3A_935, %get3A_936, %get3A_937] {strides = array<i32>} : memref<8x8x128xf32, #tpu.memory_space<vmem>>, vector<16xf32>,
      %min3A_939 = arith.minimumf %min3A_927, %get3A_938 : vector<16xf32>
      %get3A_940 = arith.constant 7 : i32
      %get3A_941 = arith.index_cast %scan3A_559 : i32 to index
      %get3A_942 = arith.index_cast %get3A_940 : i32 to index
      %get3A_943 = arith.constant 112 : index
      %get3A_944 = tpu.vector_load %arg5[%get3A_941, %get3A_942, %get3A_943] {strides = array<i32>} : memref<8x8x128xf32, #tpu.memory_space<vmem>>, vector<16xf32>,
      %max3A_945 = arith.maximumf %max3A_933, %get3A_944 : vector<16xf32>
      scf.yield %min3A_939, %max3A_945 : vector<16xf32>, vector<16xf32>
    }
    %scan3A_18 = arith.constant 8 : i32
    %iota3A = tpu.iota {dimensions = array<i32: 0>} : vector<16xi32>
    %swap3A = arith.constant 0 : index
    %swap3A_19 = tpu.vector_load %arg6[%swap3A] {strides = array<i32>} : memref<16xf32, #tpu.memory_space<vmem>>, vector<16xf32>,
    tpu.vector_store %arg6[%swap3A], %scan3A_17#0 {strides = array<i32>} : memref<16xf32, #tpu.memory_space<vmem>>, vector<16xf32>,
    %swap3A_20 = arith.constant 0 : index
    %swap3A_21 = tpu.vector_load %arg7[%swap3A_20] {strides = array<i32>} : memref<16xf32, #tpu.memory_space<vmem>>, vector<16xf32>,
    tpu.vector_store %arg7[%swap3A_20], %scan3A_17#1 {strides = array<i32>} : memref<16xf32, #tpu.memory_space<vmem>>, vector<16xf32>,
    %xor3A = arith.constant 8 : i32
    %xor3A_22 = vector.broadcast %xor3A : i32 to vector<16xi32>
    %xor3A_23 = arith.xori %iota3A, %xor3A_22 : vector<16xi32>
    %gather3A = tpu.vector_load_idx %arg6[%xor3A_23] : memref<16xf32, #tpu.memory_space<vmem>>[vector<16xi32>], vector<16xf32>,
    %min3A = arith.minimumf %scan3A_17#0, %gather3A : vector<16xf32>
    %xor3A_24 = arith.constant 8 : i32
    %xor3A_25 = vector.broadcast %xor3A_24 : i32 to vector<16xi32>
    %xor3A_26 = arith.xori %iota3A, %xor3A_25 : vector<16xi32>
    %gather3A_27 = tpu.vector_load_idx %arg7[%xor3A_26] : memref<16xf32, #tpu.memory_space<vmem>>[vector<16xi32>], vector<16xf32>,
    %max3A = arith.maximumf %scan3A_17#1, %gather3A_27 : vector<16xf32>
    %swap3A_28 = arith.constant 0 : index
    %swap3A_29 = tpu.vector_load %arg6[%swap3A_28] {strides = array<i32>} : memref<16xf32, #tpu.memory_space<vmem>>, vector<16xf32>,
    tpu.vector_store %arg6[%swap3A_28], %min3A {strides = array<i32>} : memref<16xf32, #tpu.memory_space<vmem>>, vector<16xf32>,
    %swap3A_30 = arith.constant 0 : index
    %swap3A_31 = tpu.vector_load %arg7[%swap3A_30] {strides = array<i32>} : memref<16xf32, #tpu.memory_space<vmem>>, vector<16xf32>,
    tpu.vector_store %arg7[%swap3A_30], %max3A {strides = array<i32>} : memref<16xf32, #tpu.memory_space<vmem>>, vector<16xf32>,
    %xor3A_32 = arith.constant 4 : i32
    %xor3A_33 = vector.broadcast %xor3A_32 : i32 to vector<16xi32>
    %xor3A_34 = arith.xori %iota3A, %xor3A_33 : vector<16xi32>
    %gather3A_35 = tpu.vector_load_idx %arg6[%xor3A_34] : memref<16xf32, #tpu.memory_space<vmem>>[vector<16xi32>], vector<16xf32>,
    %min3A_36 = arith.minimumf %min3A, %gather3A_35 : vector<16xf32>
    %xor3A_37 = arith.constant 4 : i32
    %xor3A_38 = vector.broadcast %xor3A_37 : i32 to vector<16xi32>
    %xor3A_39 = arith.xori %iota3A, %xor3A_38 : vector<16xi32>
    %gather3A_40 = tpu.vector_load_idx %arg7[%xor3A_39] : memref<16xf32, #tpu.memory_space<vmem>>[vector<16xi32>], vector<16xf32>,
    %max3A_41 = arith.maximumf %max3A, %gather3A_40 : vector<16xf32>
    %swap3A_42 = arith.constant 0 : index
    %swap3A_43 = tpu.vector_load %arg6[%swap3A_42] {strides = array<i32>} : memref<16xf32, #tpu.memory_space<vmem>>, vector<16xf32>,
    tpu.vector_store %arg6[%swap3A_42], %min3A_36 {strides = array<i32>} : memref<16xf32, #tpu.memory_space<vmem>>, vector<16xf32>,
    %swap3A_44 = arith.constant 0 : index
    %swap3A_45 = tpu.vector_load %arg7[%swap3A_44] {strides = array<i32>} : memref<16xf32, #tpu.memory_space<vmem>>, vector<16xf32>,
    tpu.vector_store %arg7[%swap3A_44], %max3A_41 {strides = array<i32>} : memref<16xf32, #tpu.memory_space<vmem>>, vector<16xf32>,
    %xor3A_46 = arith.constant 2 : i32
    %xor3A_47 = vector.broadcast %xor3A_46 : i32 to vector<16xi32>
    %xor3A_48 = arith.xori %iota3A, %xor3A_47 : vector<16xi32>
    %gather3A_49 = tpu.vector_load_idx %arg6[%xor3A_48] : memref<16xf32, #tpu.memory_space<vmem>>[vector<16xi32>], vector<16xf32>,
    %min3A_50 = arith.minimumf %min3A_36, %gather3A_49 : vector<16xf32>
    %xor3A_51 = arith.constant 2 : i32
    %xor3A_52 = vector.broadcast %xor3A_51 : i32 to vector<16xi32>
    %xor3A_53 = arith.xori %iota3A, %xor3A_52 : vector<16xi32>
    %gather3A_54 = tpu.vector_load_idx %arg7[%xor3A_53] : memref<16xf32, #tpu.memory_space<vmem>>[vector<16xi32>], vector<16xf32>,
    %max3A_55 = arith.maximumf %max3A_41, %gather3A_54 : vector<16xf32>
    %swap3A_56 = arith.constant 0 : index
    %swap3A_57 = tpu.vector_load %arg6[%swap3A_56] {strides = array<i32>} : memref<16xf32, #tpu.memory_space<vmem>>, vector<16xf32>,
    tpu.vector_store %arg6[%swap3A_56], %min3A_50 {strides = array<i32>} : memref<16xf32, #tpu.memory_space<vmem>>, vector<16xf32>,
    %swap3A_58 = arith.constant 0 : index
    %swap3A_59 = tpu.vector_load %arg7[%swap3A_58] {strides = array<i32>} : memref<16xf32, #tpu.memory_space<vmem>>, vector<16xf32>,
    tpu.vector_store %arg7[%swap3A_58], %max3A_55 {strides = array<i32>} : memref<16xf32, #tpu.memory_space<vmem>>, vector<16xf32>,
    %xor3A_60 = arith.constant 1 : i32
    %xor3A_61 = vector.broadcast %xor3A_60 : i32 to vector<16xi32>
    %xor3A_62 = arith.xori %iota3A, %xor3A_61 : vector<16xi32>
    %gather3A_63 = tpu.vector_load_idx %arg6[%xor3A_62] : memref<16xf32, #tpu.memory_space<vmem>>[vector<16xi32>], vector<16xf32>,
    %min3A_64 = arith.minimumf %min3A_50, %gather3A_63 : vector<16xf32>
    %xor3A_65 = arith.constant 1 : i32
    %xor3A_66 = vector.broadcast %xor3A_65 : i32 to vector<16xi32>
    %xor3A_67 = arith.xori %iota3A, %xor3A_66 : vector<16xi32>
    %gather3A_68 = tpu.vector_load_idx %arg7[%xor3A_67] : memref<16xf32, #tpu.memory_space<vmem>>[vector<16xi32>], vector<16xf32>,
    %max3A_69 = arith.maximumf %max3A_55, %gather3A_68 : vector<16xf32>
    %add3A_70 = arith.constant 9.99999997E-7 : f32
    %add3A_71 = vector.broadcast %add3A_70 : f32 to vector<16xf32>
    %add3A_72 = arith.addf %min3A_64, %add3A_71 : vector<16xf32>
    %sub3A = arith.constant 9.99999997E-7 : f32
    %sub3A_73 = vector.broadcast %sub3A : f32 to vector<16xf32>
    %sub3A_74 = arith.subf %max3A_69, %sub3A_73 : vector<16xf32>
    %sub3A_75 = arith.subf %sub3A_74, %add3A_72 : vector<16xf32>
    %div3A = arith.constant 8.000000e+00 : f32
    %div3A_76 = vector.broadcast %div3A : f32 to vector<16xf32>
    %div3A_77 = arith.divf %div3A_76, %sub3A_75 : vector<16xf32>
    %mul3A_78 = arith.mulf %add3A_72, %div3A_77 : vector<16xf32>
    %sub3A_79 = arith.constant 0.99999988 : f32
    %sub3A_80 = vector.broadcast %sub3A_79 : f32 to vector<16xf32>
    %sub3A_81 = arith.subf %sub3A_80, %mul3A_78 : vector<16xf32>
    %add3A_82 = arith.constant 0 : i32
    %add3A_83 = arith.addi %mul3A_2, %add3A_82 : i32
    %dma_start3A = tpu.memref_slice %arg2[%add3A_83] : memref<16777216xf32, #tpu.memory_space<hbm>> -> memref<16384xf32, #tpu.memory_space<hbm>>
    %dma_start3A_84 = tpu.memref_slice %arg2[%add3A_83] : memref<16777216xf32, #tpu.memory_space<hbm>> -> memref<16384xf32, #tpu.memory_space<hbm>>
    tpu.enqueue_dma source(%dma_start3A_84 : memref<16384xf32, #tpu.memory_space<hbm>>) target(%arg8 : memref<16384xf32, #tpu.memory_space<vmem>>) target_semaphore(%arg13 : memref<!tpu.dma_semaphore, #tpu.memory_space<semaphore_mem>>)
    %add3A_85 = arith.constant 16384 : i32
    %add3A_86 = arith.addi %mul3A_2, %add3A_85 : i32
    %dma_start3A_87 = tpu.memref_slice %arg2[%add3A_86] : memref<16777216xf32, #tpu.memory_space<hbm>> -> memref<16384xf32, #tpu.memory_space<hbm>>
    %dma_start3A_88 = tpu.memref_slice %arg2[%add3A_86] : memref<16777216xf32, #tpu.memory_space<hbm>> -> memref<16384xf32, #tpu.memory_space<hbm>>
    tpu.enqueue_dma source(%dma_start3A_88 : memref<16384xf32, #tpu.memory_space<hbm>>) target(%arg9 : memref<16384xf32, #tpu.memory_space<vmem>>) target_semaphore(%arg14 : memref<!tpu.dma_semaphore, #tpu.memory_space<semaphore_mem>>)
    %dma_wait3A = tpu.memref_slice %arg2[%add3A_83] : memref<16777216xf32, #tpu.memory_space<hbm>> -> memref<16384xf32, #tpu.memory_space<hbm>>
    %dma_wait3A_89 = tpu.memref_slice %arg2[%add3A_83] : memref<16777216xf32, #tpu.memory_space<hbm>> -> memref<16384xf32, #tpu.memory_space<hbm>>
    tpu.wait_dma2 semaphore(%arg13 : memref<!tpu.dma_semaphore, #tpu.memory_space<semaphore_mem>>) src(%dma_wait3A_89 : memref<16384xf32, #tpu.memory_space<hbm>>) dst(%arg8 : memref<16384xf32, #tpu.memory_space<vmem>>)
    %add3A_90 = arith.constant 32768 : i32
    %add3A_91 = arith.addi %mul3A_2, %add3A_90 : i32
    %dma_start3A_92 = tpu.memref_slice %arg2[%add3A_91] : memref<16777216xf32, #tpu.memory_space<hbm>> -> memref<16384xf32, #tpu.memory_space<hbm>>
    %dma_start3A_93 = tpu.memref_slice %arg2[%add3A_91] : memref<16777216xf32, #tpu.memory_space<hbm>> -> memref<16384xf32, #tpu.memory_space<hbm>>
    tpu.enqueue_dma source(%dma_start3A_93 : memref<16384xf32, #tpu.memory_space<hbm>>) target(%arg10 : memref<16384xf32, #tpu.memory_space<vmem>>) target_semaphore(%arg15 : memref<!tpu.dma_semaphore, #tpu.memory_space<semaphore_mem>>)
    %parallel_loop3A = arith.constant 0 : i32
    %parallel_loop3A_94 = arith.constant 16384 : i32
    %parallel_loop3A_95 = arith.constant 16 : i32
    scf.for %parallel_loop3A_559 = %parallel_loop3A to %parallel_loop3A_94 step %parallel_loop3A_95  : i32 {
      %parallel_loop3A_560 = arith.index_cast %parallel_loop3A_559 : i32 to index
      %parallel_loop3A_561 = tpu.vector_load %arg8[%parallel_loop3A_560] {strides = array<i32>} : memref<16384xf32, #tpu.memory_space<vmem>>, vector<16xf32>,
      %parallel_loop3A_562 = arith.mulf %parallel_loop3A_561, %div3A_77 : vector<16xf32>
      %parallel_loop3A_563 = arith.addf %parallel_loop3A_562, %sub3A_81 : vector<16xf32>
      %parallel_loop3A_564 = arith.fptosi %parallel_loop3A_563 : vector<16xf32> to vector<16xi32>
      %parallel_loop3A_565 = arith.index_cast %parallel_loop3A_559 : i32 to index
      %parallel_loop3A_566 = tpu.vector_load %arg11[%parallel_loop3A_565] {strides = array<i32>} : memref<16384xi32, #tpu.memory_space<vmem>>, vector<16xi32>,
      tpu.vector_store %arg11[%parallel_loop3A_565], %parallel_loop3A_564 {strides = array<i32>} : memref<16384xi32, #tpu.memory_space<vmem>>, vector<16xi32>,
    } {sc.loop_unroll_factor = 16 : i64, sc.parallel_access}
    %add3A_96 = arith.constant 0 : i32
    %add3A_97 = arith.addi %mul3A_2, %add3A_96 : i32
    %dma_start3A_98 = tpu.memref_slice %arg4[%add3A_97] : memref<16777216xi32, #tpu.memory_space<hbm>> -> memref<16384xi32, #tpu.memory_space<hbm>>
    %dma_start3A_99 = tpu.memref_slice %arg4[%add3A_97] : memref<16777216xi32, #tpu.memory_space<hbm>> -> memref<16384xi32, #tpu.memory_space<hbm>>
    tpu.enqueue_dma source(%arg11 : memref<16384xi32, #tpu.memory_space<vmem>>) target(%dma_start3A_99 : memref<16384xi32, #tpu.memory_space<hbm>>) target_semaphore(%arg16 : memref<!tpu.dma_semaphore, #tpu.memory_space<semaphore_mem>>)
    %dma_wait3A_100 = tpu.memref_slice %arg2[%add3A_86] : memref<16777216xf32, #tpu.memory_space<hbm>> -> memref<16384xf32, #tpu.memory_space<hbm>>
    %dma_wait3A_101 = tpu.memref_slice %arg2[%add3A_86] : memref<16777216xf32, #tpu.memory_space<hbm>> -> memref<16384xf32, #tpu.memory_space<hbm>>
    tpu.wait_dma2 semaphore(%arg14 : memref<!tpu.dma_semaphore, #tpu.memory_space<semaphore_mem>>) src(%dma_wait3A_101 : memref<16384xf32, #tpu.memory_space<hbm>>) dst(%arg9 : memref<16384xf32, #tpu.memory_space<vmem>>)
    %add3A_102 = arith.constant 49152 : i32
    %add3A_103 = arith.addi %mul3A_2, %add3A_102 : i32
    %dma_start3A_104 = tpu.memref_slice %arg2[%add3A_103] : memref<16777216xf32, #tpu.memory_space<hbm>> -> memref<16384xf32, #tpu.memory_space<hbm>>
    %dma_start3A_105 = tpu.memref_slice %arg2[%add3A_103] : memref<16777216xf32, #tpu.memory_space<hbm>> -> memref<16384xf32, #tpu.memory_space<hbm>>
    tpu.enqueue_dma source(%dma_start3A_105 : memref<16384xf32, #tpu.memory_space<hbm>>) target(%arg8 : memref<16384xf32, #tpu.memory_space<vmem>>) target_semaphore(%arg13 : memref<!tpu.dma_semaphore, #tpu.memory_space<semaphore_mem>>)
    %parallel_loop3A_106 = arith.constant 0 : i32
    %parallel_loop3A_107 = arith.constant 16384 : i32
    %parallel_loop3A_108 = arith.constant 16 : i32
    scf.for %parallel_loop3A_559 = %parallel_loop3A_106 to %parallel_loop3A_107 step %parallel_loop3A_108  : i32 {
      %parallel_loop3A_560 = arith.index_cast %parallel_loop3A_559 : i32 to index
      %parallel_loop3A_561 = tpu.vector_load %arg9[%parallel_loop3A_560] {strides = array<i32>} : memref<16384xf32, #tpu.memory_space<vmem>>, vector<16xf32>,
      %parallel_loop3A_562 = arith.mulf %parallel_loop3A_561, %div3A_77 : vector<16xf32>
      %parallel_loop3A_563 = arith.addf %parallel_loop3A_562, %sub3A_81 : vector<16xf32>
      %parallel_loop3A_564 = arith.fptosi %parallel_loop3A_563 : vector<16xf32> to vector<16xi32>
      %parallel_loop3A_565 = arith.index_cast %parallel_loop3A_559 : i32 to index
      %parallel_loop3A_566 = tpu.vector_load %arg12[%parallel_loop3A_565] {strides = array<i32>} : memref<16384xi32, #tpu.memory_space<vmem>>, vector<16xi32>,
      tpu.vector_store %arg12[%parallel_loop3A_565], %parallel_loop3A_564 {strides = array<i32>} : memref<16384xi32, #tpu.memory_space<vmem>>, vector<16xi32>,
    } {sc.loop_unroll_factor = 16 : i64, sc.parallel_access}
    %add3A_109 = arith.constant 16384 : i32
    %add3A_110 = arith.addi %mul3A_2, %add3A_109 : i32
    %dma_start3A_111 = tpu.memref_slice %arg4[%add3A_110] : memref<16777216xi32, #tpu.memory_space<hbm>> -> memref<16384xi32, #tpu.memory_space<hbm>>
    %dma_start3A_112 = tpu.memref_slice %arg4[%add3A_110] : memref<16777216xi32, #tpu.memory_space<hbm>> -> memref<16384xi32, #tpu.memory_space<hbm>>
    tpu.enqueue_dma source(%arg12 : memref<16384xi32, #tpu.memory_space<vmem>>) target(%dma_start3A_112 : memref<16384xi32, #tpu.memory_space<hbm>>) target_semaphore(%arg17 : memref<!tpu.dma_semaphore, #tpu.memory_space<semaphore_mem>>)
    %dma_wait3A_113 = tpu.memref_slice %arg2[%add3A_91] : memref<16777216xf32, #tpu.memory_space<hbm>> -> memref<16384xf32, #tpu.memory_space<hbm>>
    %dma_wait3A_114 = tpu.memref_slice %arg2[%add3A_91] : memref<16777216xf32, #tpu.memory_space<hbm>> -> memref<16384xf32, #tpu.memory_space<hbm>>
    tpu.wait_dma2 semaphore(%arg15 : memref<!tpu.dma_semaphore, #tpu.memory_space<semaphore_mem>>) src(%dma_wait3A_114 : memref<16384xf32, #tpu.memory_space<hbm>>) dst(%arg10 : memref<16384xf32, #tpu.memory_space<vmem>>)
    %add3A_115 = arith.constant 65536 : i32
    %add3A_116 = arith.addi %mul3A_2, %add3A_115 : i32
    %dma_start3A_117 = tpu.memref_slice %arg2[%add3A_116] : memref<16777216xf32, #tpu.memory_space<hbm>> -> memref<16384xf32, #tpu.memory_space<hbm>>
    %dma_start3A_118 = tpu.memref_slice %arg2[%add3A_116] : memref<16777216xf32, #tpu.memory_space<hbm>> -> memref<16384xf32, #tpu.memory_space<hbm>>
    tpu.enqueue_dma source(%dma_start3A_118 : memref<16384xf32, #tpu.memory_space<hbm>>) target(%arg9 : memref<16384xf32, #tpu.memory_space<vmem>>) target_semaphore(%arg14 : memref<!tpu.dma_semaphore, #tpu.memory_space<semaphore_mem>>)
    %dma_wait3A_119 = tpu.memref_slice %arg4[%add3A_97] : memref<16777216xi32, #tpu.memory_space<hbm>> -> memref<16384xi32, #tpu.memory_space<hbm>>
    %dma_wait3A_120 = tpu.memref_slice %arg4[%add3A_97] : memref<16777216xi32, #tpu.memory_space<hbm>> -> memref<16384xi32, #tpu.memory_space<hbm>>
    tpu.wait_dma2 semaphore(%arg16 : memref<!tpu.dma_semaphore, #tpu.memory_space<semaphore_mem>>) src(%arg11 : memref<16384xi32, #tpu.memory_space<vmem>>) dst(%dma_wait3A_120 : memref<16384xi32, #tpu.memory_space<hbm>>)
    %parallel_loop3A_121 = arith.constant 0 : i32
    %parallel_loop3A_122 = arith.constant 16384 : i32
    %parallel_loop3A_123 = arith.constant 16 : i32
    scf.for %parallel_loop3A_559 = %parallel_loop3A_121 to %parallel_loop3A_122 step %parallel_loop3A_123  : i32 {
      %parallel_loop3A_560 = arith.index_cast %parallel_loop3A_559 : i32 to index
      %parallel_loop3A_561 = tpu.vector_load %arg10[%parallel_loop3A_560] {strides = array<i32>} : memref<16384xf32, #tpu.memory_space<vmem>>, vector<16xf32>,
      %parallel_loop3A_562 = arith.mulf %parallel_loop3A_561, %div3A_77 : vector<16xf32>
      %parallel_loop3A_563 = arith.addf %parallel_loop3A_562, %sub3A_81 : vector<16xf32>
      %parallel_loop3A_564 = arith.fptosi %parallel_loop3A_563 : vector<16xf32> to vector<16xi32>
      %parallel_loop3A_565 = arith.index_cast %parallel_loop3A_559 : i32 to index
      %parallel_loop3A_566 = tpu.vector_load %arg11[%parallel_loop3A_565] {strides = array<i32>} : memref<16384xi32, #tpu.memory_space<vmem>>, vector<16xi32>,
      tpu.vector_store %arg11[%parallel_loop3A_565], %parallel_loop3A_564 {strides = array<i32>} : memref<16384xi32, #tpu.memory_space<vmem>>, vector<16xi32>,
    } {sc.loop_unroll_factor = 16 : i64, sc.parallel_access}
    %add3A_124 = arith.constant 32768 : i32
    %add3A_125 = arith.addi %mul3A_2, %add3A_124 : i32
    %dma_start3A_126 = tpu.memref_slice %arg4[%add3A_125] : memref<16777216xi32, #tpu.memory_space<hbm>> -> memref<16384xi32, #tpu.memory_space<hbm>>
    %dma_start3A_127 = tpu.memref_slice %arg4[%add3A_125] : memref<16777216xi32, #tpu.memory_space<hbm>> -> memref<16384xi32, #tpu.memory_space<hbm>>
    tpu.enqueue_dma source(%arg11 : memref<16384xi32, #tpu.memory_space<vmem>>) target(%dma_start3A_127 : memref<16384xi32, #tpu.memory_space<hbm>>) target_semaphore(%arg16 : memref<!tpu.dma_semaphore, #tpu.memory_space<semaphore_mem>>)
    %dma_wait3A_128 = tpu.memref_slice %arg2[%add3A_103] : memref<16777216xf32, #tpu.memory_space<hbm>> -> memref<16384xf32, #tpu.memory_space<hbm>>
    %dma_wait3A_129 = tpu.memref_slice %arg2[%add3A_103] : memref<16777216xf32, #tpu.memory_space<hbm>> -> memref<16384xf32, #tpu.memory_space<hbm>>
    tpu.wait_dma2 semaphore(%arg13 : memref<!tpu.dma_semaphore, #tpu.memory_space<semaphore_mem>>) src(%dma_wait3A_129 : memref<16384xf32, #tpu.memory_space<hbm>>) dst(%arg8 : memref<16384xf32, #tpu.memory_space<vmem>>)
    %add3A_130 = arith.constant 81920 : i32
    %add3A_131 = arith.addi %mul3A_2, %add3A_130 : i32
    %dma_start3A_132 = tpu.memref_slice %arg2[%add3A_131] : memref<16777216xf32, #tpu.memory_space<hbm>> -> memref<16384xf32, #tpu.memory_space<hbm>>
    %dma_start3A_133 = tpu.memref_slice %arg2[%add3A_131] : memref<16777216xf32, #tpu.memory_space<hbm>> -> memref<16384xf32, #tpu.memory_space<hbm>>
    tpu.enqueue_dma source(%dma_start3A_133 : memref<16384xf32, #tpu.memory_space<hbm>>) target(%arg10 : memref<16384xf32, #tpu.memory_space<vmem>>) target_semaphore(%arg15 : memref<!tpu.dma_semaphore, #tpu.memory_space<semaphore_mem>>)
    %dma_wait3A_134 = tpu.memref_slice %arg4[%add3A_110] : memref<16777216xi32, #tpu.memory_space<hbm>> -> memref<16384xi32, #tpu.memory_space<hbm>>
    %dma_wait3A_135 = tpu.memref_slice %arg4[%add3A_110] : memref<16777216xi32, #tpu.memory_space<hbm>> -> memref<16384xi32, #tpu.memory_space<hbm>>
    tpu.wait_dma2 semaphore(%arg17 : memref<!tpu.dma_semaphore, #tpu.memory_space<semaphore_mem>>) src(%arg12 : memref<16384xi32, #tpu.memory_space<vmem>>) dst(%dma_wait3A_135 : memref<16384xi32, #tpu.memory_space<hbm>>)
    %parallel_loop3A_136 = arith.constant 0 : i32
    %parallel_loop3A_137 = arith.constant 16384 : i32
    %parallel_loop3A_138 = arith.constant 16 : i32
    scf.for %parallel_loop3A_559 = %parallel_loop3A_136 to %parallel_loop3A_137 step %parallel_loop3A_138  : i32 {
      %parallel_loop3A_560 = arith.index_cast %parallel_loop3A_559 : i32 to index
      %parallel_loop3A_561 = tpu.vector_load %arg8[%parallel_loop3A_560] {strides = array<i32>} : memref<16384xf32, #tpu.memory_space<vmem>>, vector<16xf32>,
      %parallel_loop3A_562 = arith.mulf %parallel_loop3A_561, %div3A_77 : vector<16xf32>
      %parallel_loop3A_563 = arith.addf %parallel_loop3A_562, %sub3A_81 : vector<16xf32>
      %parallel_loop3A_564 = arith.fptosi %parallel_loop3A_563 : vector<16xf32> to vector<16xi32>
      %parallel_loop3A_565 = arith.index_cast %parallel_loop3A_559 : i32 to index
      %parallel_loop3A_566 = tpu.vector_load %arg12[%parallel_loop3A_565] {strides = array<i32>} : memref<16384xi32, #tpu.memory_space<vmem>>, vector<16xi32>,
      tpu.vector_store %arg12[%parallel_loop3A_565], %parallel_loop3A_564 {strides = array<i32>} : memref<16384xi32, #tpu.memory_space<vmem>>, vector<16xi32>,
    } {sc.loop_unroll_factor = 16 : i64, sc.parallel_access}
    %add3A_139 = arith.constant 49152 : i32
    %add3A_140 = arith.addi %mul3A_2, %add3A_139 : i32
    %dma_start3A_141 = tpu.memref_slice %arg4[%add3A_140] : memref<16777216xi32, #tpu.memory_space<hbm>> -> memref<16384xi32, #tpu.memory_space<hbm>>
    %dma_start3A_142 = tpu.memref_slice %arg4[%add3A_140] : memref<16777216xi32, #tpu.memory_space<hbm>> -> memref<16384xi32, #tpu.memory_space<hbm>>
    tpu.enqueue_dma source(%arg12 : memref<16384xi32, #tpu.memory_space<vmem>>) target(%dma_start3A_142 : memref<16384xi32, #tpu.memory_space<hbm>>) target_semaphore(%arg17 : memref<!tpu.dma_semaphore, #tpu.memory_space<semaphore_mem>>)
    %dma_wait3A_143 = tpu.memref_slice %arg2[%add3A_116] : memref<16777216xf32, #tpu.memory_space<hbm>> -> memref<16384xf32, #tpu.memory_space<hbm>>
    %dma_wait3A_144 = tpu.memref_slice %arg2[%add3A_116] : memref<16777216xf32, #tpu.memory_space<hbm>> -> memref<16384xf32, #tpu.memory_space<hbm>>
    tpu.wait_dma2 semaphore(%arg14 : memref<!tpu.dma_semaphore, #tpu.memory_space<semaphore_mem>>) src(%dma_wait3A_144 : memref<16384xf32, #tpu.memory_space<hbm>>) dst(%arg9 : memref<16384xf32, #tpu.memory_space<vmem>>)
    %add3A_145 = arith.constant 98304 : i32
    %add3A_146 = arith.addi %mul3A_2, %add3A_145 : i32
    %dma_start3A_147 = tpu.memref_slice %arg2[%add3A_146] : memref<16777216xf32, #tpu.memory_space<hbm>> -> memref<16384xf32, #tpu.memory_space<hbm>>
    %dma_start3A_148 = tpu.memref_slice %arg2[%add3A_146] : memref<16777216xf32, #tpu.memory_space<hbm>> -> memref<16384xf32, #tpu.memory_space<hbm>>
    tpu.enqueue_dma source(%dma_start3A_148 : memref<16384xf32, #tpu.memory_space<hbm>>) target(%arg8 : memref<16384xf32, #tpu.memory_space<vmem>>) target_semaphore(%arg13 : memref<!tpu.dma_semaphore, #tpu.memory_space<semaphore_mem>>)
    %dma_wait3A_149 = tpu.memref_slice %arg4[%add3A_125] : memref<16777216xi32, #tpu.memory_space<hbm>> -> memref<16384xi32, #tpu.memory_space<hbm>>
    %dma_wait3A_150 = tpu.memref_slice %arg4[%add3A_125] : memref<16777216xi32, #tpu.memory_space<hbm>> -> memref<16384xi32, #tpu.memory_space<hbm>>
    tpu.wait_dma2 semaphore(%arg16 : memref<!tpu.dma_semaphore, #tpu.memory_space<semaphore_mem>>) src(%arg11 : memref<16384xi32, #tpu.memory_space<vmem>>) dst(%dma_wait3A_150 : memref<16384xi32, #tpu.memory_space<hbm>>)
    %parallel_loop3A_151 = arith.constant 0 : i32
    %parallel_loop3A_152 = arith.constant 16384 : i32
    %parallel_loop3A_153 = arith.constant 16 : i32
    scf.for %parallel_loop3A_559 = %parallel_loop3A_151 to %parallel_loop3A_152 step %parallel_loop3A_153  : i32 {
      %parallel_loop3A_560 = arith.index_cast %parallel_loop3A_559 : i32 to index
      %parallel_loop3A_561 = tpu.vector_load %arg9[%parallel_loop3A_560] {strides = array<i32>} : memref<16384xf32, #tpu.memory_space<vmem>>, vector<16xf32>,
      %parallel_loop3A_562 = arith.mulf %parallel_loop3A_561, %div3A_77 : vector<16xf32>
      %parallel_loop3A_563 = arith.addf %parallel_loop3A_562, %sub3A_81 : vector<16xf32>
      %parallel_loop3A_564 = arith.fptosi %parallel_loop3A_563 : vector<16xf32> to vector<16xi32>
      %parallel_loop3A_565 = arith.index_cast %parallel_loop3A_559 : i32 to index
      %parallel_loop3A_566 = tpu.vector_load %arg11[%parallel_loop3A_565] {strides = array<i32>} : memref<16384xi32, #tpu.memory_space<vmem>>, vector<16xi32>,
      tpu.vector_store %arg11[%parallel_loop3A_565], %parallel_loop3A_564 {strides = array<i32>} : memref<16384xi32, #tpu.memory_space<vmem>>, vector<16xi32>,
    } {sc.loop_unroll_factor = 16 : i64, sc.parallel_access}
    %add3A_154 = arith.constant 65536 : i32
    %add3A_155 = arith.addi %mul3A_2, %add3A_154 : i32
    %dma_start3A_156 = tpu.memref_slice %arg4[%add3A_155] : memref<16777216xi32, #tpu.memory_space<hbm>> -> memref<16384xi32, #tpu.memory_space<hbm>>
    %dma_start3A_157 = tpu.memref_slice %arg4[%add3A_155] : memref<16777216xi32, #tpu.memory_space<hbm>> -> memref<16384xi32, #tpu.memory_space<hbm>>
    tpu.enqueue_dma source(%arg11 : memref<16384xi32, #tpu.memory_space<vmem>>) target(%dma_start3A_157 : memref<16384xi32, #tpu.memory_space<hbm>>) target_semaphore(%arg16 : memref<!tpu.dma_semaphore, #tpu.memory_space<semaphore_mem>>)
    %dma_wait3A_158 = tpu.memref_slice %arg2[%add3A_131] : memref<16777216xf32, #tpu.memory_space<hbm>> -> memref<16384xf32, #tpu.memory_space<hbm>>
    %dma_wait3A_159 = tpu.memref_slice %arg2[%add3A_131] : memref<16777216xf32, #tpu.memory_space<hbm>> -> memref<16384xf32, #tpu.memory_space<hbm>>
    tpu.wait_dma2 semaphore(%arg15 : memref<!tpu.dma_semaphore, #tpu.memory_space<semaphore_mem>>) src(%dma_wait3A_159 : memref<16384xf32, #tpu.memory_space<hbm>>) dst(%arg10 : memref<16384xf32, #tpu.memory_space<vmem>>)
    %add3A_160 = arith.constant 114688 : i32
    %add3A_161 = arith.addi %mul3A_2, %add3A_160 : i32
    %dma_start3A_162 = tpu.memref_slice %arg2[%add3A_161] : memref<16777216xf32, #tpu.memory_space<hbm>> -> memref<16384xf32, #tpu.memory_space<hbm>>
    %dma_start3A_163 = tpu.memref_slice %arg2[%add3A_161] : memref<16777216xf32, #tpu.memory_space<hbm>> -> memref<16384xf32, #tpu.memory_space<hbm>>
    tpu.enqueue_dma source(%dma_start3A_163 : memref<16384xf32, #tpu.memory_space<hbm>>) target(%arg9 : memref<16384xf32, #tpu.memory_space<vmem>>) target_semaphore(%arg14 : memref<!tpu.dma_semaphore, #tpu.memory_space<semaphore_mem>>)
    %dma_wait3A_164 = tpu.memref_slice %arg4[%add3A_140] : memref<16777216xi32, #tpu.memory_space<hbm>> -> memref<16384xi32, #tpu.memory_space<hbm>>
    %dma_wait3A_165 = tpu.memref_slice %arg4[%add3A_140] : memref<16777216xi32, #tpu.memory_space<hbm>> -> memref<16384xi32, #tpu.memory_space<hbm>>
    tpu.wait_dma2 semaphore(%arg17 : memref<!tpu.dma_semaphore, #tpu.memory_space<semaphore_mem>>) src(%arg12 : memref<16384xi32, #tpu.memory_space<vmem>>) dst(%dma_wait3A_165 : memref<16384xi32, #tpu.memory_space<hbm>>)
    %parallel_loop3A_166 = arith.constant 0 : i32
    %parallel_loop3A_167 = arith.constant 16384 : i32
    %parallel_loop3A_168 = arith.constant 16 : i32
    scf.for %parallel_loop3A_559 = %parallel_loop3A_166 to %parallel_loop3A_167 step %parallel_loop3A_168  : i32 {
      %parallel_loop3A_560 = arith.index_cast %parallel_loop3A_559 : i32 to index
      %parallel_loop3A_561 = tpu.vector_load %arg10[%parallel_loop3A_560] {strides = array<i32>} : memref<16384xf32, #tpu.memory_space<vmem>>, vector<16xf32>,
      %parallel_loop3A_562 = arith.mulf %parallel_loop3A_561, %div3A_77 : vector<16xf32>
      %parallel_loop3A_563 = arith.addf %parallel_loop3A_562, %sub3A_81 : vector<16xf32>
      %parallel_loop3A_564 = arith.fptosi %parallel_loop3A_563 : vector<16xf32> to vector<16xi32>
      %parallel_loop3A_565 = arith.index_cast %parallel_loop3A_559 : i32 to index
      %parallel_loop3A_566 = tpu.vector_load %arg12[%parallel_loop3A_565] {strides = array<i32>} : memref<16384xi32, #tpu.memory_space<vmem>>, vector<16xi32>,
      tpu.vector_store %arg12[%parallel_loop3A_565], %parallel_loop3A_564 {strides = array<i32>} : memref<16384xi32, #tpu.memory_space<vmem>>, vector<16xi32>,
    } {sc.loop_unroll_factor = 16 : i64, sc.parallel_access}
    %add3A_169 = arith.constant 81920 : i32
    %add3A_170 = arith.addi %mul3A_2, %add3A_169 : i32
    %dma_start3A_171 = tpu.memref_slice %arg4[%add3A_170] : memref<16777216xi32, #tpu.memory_space<hbm>> -> memref<16384xi32, #tpu.memory_space<hbm>>
    %dma_start3A_172 = tpu.memref_slice %arg4[%add3A_170] : memref<16777216xi32, #tpu.memory_space<hbm>> -> memref<16384xi32, #tpu.memory_space<hbm>>
    tpu.enqueue_dma source(%arg12 : memref<16384xi32, #tpu.memory_space<vmem>>) target(%dma_start3A_172 : memref<16384xi32, #tpu.memory_space<hbm>>) target_semaphore(%arg17 : memref<!tpu.dma_semaphore, #tpu.memory_space<semaphore_mem>>)
    %dma_wait3A_173 = tpu.memref_slice %arg2[%add3A_146] : memref<16777216xf32, #tpu.memory_space<hbm>> -> memref<16384xf32, #tpu.memory_space<hbm>>
    %dma_wait3A_174 = tpu.memref_slice %arg2[%add3A_146] : memref<16777216xf32, #tpu.memory_space<hbm>> -> memref<16384xf32, #tpu.memory_space<hbm>>
    tpu.wait_dma2 semaphore(%arg13 : memref<!tpu.dma_semaphore, #tpu.memory_space<semaphore_mem>>) src(%dma_wait3A_174 : memref<16384xf32, #tpu.memory_space<hbm>>) dst(%arg8 : memref<16384xf32, #tpu.memory_space<vmem>>)
    %add3A_175 = arith.constant 131072 : i32
    %add3A_176 = arith.addi %mul3A_2, %add3A_175 : i32
    %dma_start3A_177 = tpu.memref_slice %arg2[%add3A_176] : memref<16777216xf32, #tpu.memory_space<hbm>> -> memref<16384xf32, #tpu.memory_space<hbm>>
    %dma_start3A_178 = tpu.memref_slice %arg2[%add3A_176] : memref<16777216xf32, #tpu.memory_space<hbm>> -> memref<16384xf32, #tpu.memory_space<hbm>>
    tpu.enqueue_dma source(%dma_start3A_178 : memref<16384xf32, #tpu.memory_space<hbm>>) target(%arg10 : memref<16384xf32, #tpu.memory_space<vmem>>) target_semaphore(%arg15 : memref<!tpu.dma_semaphore, #tpu.memory_space<semaphore_mem>>)
    %dma_wait3A_179 = tpu.memref_slice %arg4[%add3A_155] : memref<16777216xi32, #tpu.memory_space<hbm>> -> memref<16384xi32, #tpu.memory_space<hbm>>
    %dma_wait3A_180 = tpu.memref_slice %arg4[%add3A_155] : memref<16777216xi32, #tpu.memory_space<hbm>> -> memref<16384xi32, #tpu.memory_space<hbm>>
    tpu.wait_dma2 semaphore(%arg16 : memref<!tpu.dma_semaphore, #tpu.memory_space<semaphore_mem>>) src(%arg11 : memref<16384xi32, #tpu.memory_space<vmem>>) dst(%dma_wait3A_180 : memref<16384xi32, #tpu.memory_space<hbm>>)
    %parallel_loop3A_181 = arith.constant 0 : i32
    %parallel_loop3A_182 = arith.constant 16384 : i32
    %parallel_loop3A_183 = arith.constant 16 : i32
    scf.for %parallel_loop3A_559 = %parallel_loop3A_181 to %parallel_loop3A_182 step %parallel_loop3A_183  : i32 {
      %parallel_loop3A_560 = arith.index_cast %parallel_loop3A_559 : i32 to index
      %parallel_loop3A_561 = tpu.vector_load %arg8[%parallel_loop3A_560] {strides = array<i32>} : memref<16384xf32, #tpu.memory_space<vmem>>, vector<16xf32>,
      %parallel_loop3A_562 = arith.mulf %parallel_loop3A_561, %div3A_77 : vector<16xf32>
      %parallel_loop3A_563 = arith.addf %parallel_loop3A_562, %sub3A_81 : vector<16xf32>
      %parallel_loop3A_564 = arith.fptosi %parallel_loop3A_563 : vector<16xf32> to vector<16xi32>
      %parallel_loop3A_565 = arith.index_cast %parallel_loop3A_559 : i32 to index
      %parallel_loop3A_566 = tpu.vector_load %arg11[%parallel_loop3A_565] {strides = array<i32>} : memref<16384xi32, #tpu.memory_space<vmem>>, vector<16xi32>,
      tpu.vector_store %arg11[%parallel_loop3A_565], %parallel_loop3A_564 {strides = array<i32>} : memref<16384xi32, #tpu.memory_space<vmem>>, vector<16xi32>,
    } {sc.loop_unroll_factor = 16 : i64, sc.parallel_access}
    %add3A_184 = arith.constant 98304 : i32
    %add3A_185 = arith.addi %mul3A_2, %add3A_184 : i32
    %dma_start3A_186 = tpu.memref_slice %arg4[%add3A_185] : memref<16777216xi32, #tpu.memory_space<hbm>> -> memref<16384xi32, #tpu.memory_space<hbm>>
    %dma_start3A_187 = tpu.memref_slice %arg4[%add3A_185] : memref<16777216xi32, #tpu.memory_space<hbm>> -> memref<16384xi32, #tpu.memory_space<hbm>>
    tpu.enqueue_dma source(%arg11 : memref<16384xi32, #tpu.memory_space<vmem>>) target(%dma_start3A_187 : memref<16384xi32, #tpu.memory_space<hbm>>) target_semaphore(%arg16 : memref<!tpu.dma_semaphore, #tpu.memory_space<semaphore_mem>>)
    %dma_wait3A_188 = tpu.memref_slice %arg2[%add3A_161] : memref<16777216xf32, #tpu.memory_space<hbm>> -> memref<16384xf32, #tpu.memory_space<hbm>>
    %dma_wait3A_189 = tpu.memref_slice %arg2[%add3A_161] : memref<16777216xf32, #tpu.memory_space<hbm>> -> memref<16384xf32, #tpu.memory_space<hbm>>
    tpu.wait_dma2 semaphore(%arg14 : memref<!tpu.dma_semaphore, #tpu.memory_space<semaphore_mem>>) src(%dma_wait3A_189 : memref<16384xf32, #tpu.memory_space<hbm>>) dst(%arg9 : memref<16384xf32, #tpu.memory_space<vmem>>)
    %add3A_190 = arith.constant 147456 : i32
    %add3A_191 = arith.addi %mul3A_2, %add3A_190 : i32
    %dma_start3A_192 = tpu.memref_slice %arg2[%add3A_191] : memref<16777216xf32, #tpu.memory_space<hbm>> -> memref<16384xf32, #tpu.memory_space<hbm>>
    %dma_start3A_193 = tpu.memref_slice %arg2[%add3A_191] : memref<16777216xf32, #tpu.memory_space<hbm>> -> memref<16384xf32, #tpu.memory_space<hbm>>
    tpu.enqueue_dma source(%dma_start3A_193 : memref<16384xf32, #tpu.memory_space<hbm>>) target(%arg8 : memref<16384xf32, #tpu.memory_space<vmem>>) target_semaphore(%arg13 : memref<!tpu.dma_semaphore, #tpu.memory_space<semaphore_mem>>)
    %dma_wait3A_194 = tpu.memref_slice %arg4[%add3A_170] : memref<16777216xi32, #tpu.memory_space<hbm>> -> memref<16384xi32, #tpu.memory_space<hbm>>
    %dma_wait3A_195 = tpu.memref_slice %arg4[%add3A_170] : memref<16777216xi32, #tpu.memory_space<hbm>> -> memref<16384xi32, #tpu.memory_space<hbm>>
    tpu.wait_dma2 semaphore(%arg17 : memref<!tpu.dma_semaphore, #tpu.memory_space<semaphore_mem>>) src(%arg12 : memref<16384xi32, #tpu.memory_space<vmem>>) dst(%dma_wait3A_195 : memref<16384xi32, #tpu.memory_space<hbm>>)
    %parallel_loop3A_196 = arith.constant 0 : i32
    %parallel_loop3A_197 = arith.constant 16384 : i32
    %parallel_loop3A_198 = arith.constant 16 : i32
    scf.for %parallel_loop3A_559 = %parallel_loop3A_196 to %parallel_loop3A_197 step %parallel_loop3A_198  : i32 {
      %parallel_loop3A_560 = arith.index_cast %parallel_loop3A_559 : i32 to index
      %parallel_loop3A_561 = tpu.vector_load %arg9[%parallel_loop3A_560] {strides = array<i32>} : memref<16384xf32, #tpu.memory_space<vmem>>, vector<16xf32>,
      %parallel_loop3A_562 = arith.mulf %parallel_loop3A_561, %div3A_77 : vector<16xf32>
      %parallel_loop3A_563 = arith.addf %parallel_loop3A_562, %sub3A_81 : vector<16xf32>
      %parallel_loop3A_564 = arith.fptosi %parallel_loop3A_563 : vector<16xf32> to vector<16xi32>
      %parallel_loop3A_565 = arith.index_cast %parallel_loop3A_559 : i32 to index
      %parallel_loop3A_566 = tpu.vector_load %arg12[%parallel_loop3A_565] {strides = array<i32>} : memref<16384xi32, #tpu.memory_space<vmem>>, vector<16xi32>,
      tpu.vector_store %arg12[%parallel_loop3A_565], %parallel_loop3A_564 {strides = array<i32>} : memref<16384xi32, #tpu.memory_space<vmem>>, vector<16xi32>,
    } {sc.loop_unroll_factor = 16 : i64, sc.parallel_access}
    %add3A_199 = arith.constant 114688 : i32
    %add3A_200 = arith.addi %mul3A_2, %add3A_199 : i32
    %dma_start3A_201 = tpu.memref_slice %arg4[%add3A_200] : memref<16777216xi32, #tpu.memory_space<hbm>> -> memref<16384xi32, #tpu.memory_space<hbm>>
    %dma_start3A_202 = tpu.memref_slice %arg4[%add3A_200] : memref<16777216xi32, #tpu.memory_space<hbm>> -> memref<16384xi32, #tpu.memory_space<hbm>>
    tpu.enqueue_dma source(%arg12 : memref<16384xi32, #tpu.memory_space<vmem>>) target(%dma_start3A_202 : memref<16384xi32, #tpu.memory_space<hbm>>) target_semaphore(%arg17 : memref<!tpu.dma_semaphore, #tpu.memory_space<semaphore_mem>>)
    %dma_wait3A_203 = tpu.memref_slice %arg2[%add3A_176] : memref<16777216xf32, #tpu.memory_space<hbm>> -> memref<16384xf32, #tpu.memory_space<hbm>>
    %dma_wait3A_204 = tpu.memref_slice %arg2[%add3A_176] : memref<16777216xf32, #tpu.memory_space<hbm>> -> memref<16384xf32, #tpu.memory_space<hbm>>
    tpu.wait_dma2 semaphore(%arg15 : memref<!tpu.dma_semaphore, #tpu.memory_space<semaphore_mem>>) src(%dma_wait3A_204 : memref<16384xf32, #tpu.memory_space<hbm>>) dst(%arg10 : memref<16384xf32, #tpu.memory_space<vmem>>)
    %add3A_205 = arith.constant 163840 : i32
    %add3A_206 = arith.addi %mul3A_2, %add3A_205 : i32
    %dma_start3A_207 = tpu.memref_slice %arg2[%add3A_206] : memref<16777216xf32, #tpu.memory_space<hbm>> -> memref<16384xf32, #tpu.memory_space<hbm>>
    %dma_start3A_208 = tpu.memref_slice %arg2[%add3A_206] : memref<16777216xf32, #tpu.memory_space<hbm>> -> memref<16384xf32, #tpu.memory_space<hbm>>
    tpu.enqueue_dma source(%dma_start3A_208 : memref<16384xf32, #tpu.memory_space<hbm>>) target(%arg9 : memref<16384xf32, #tpu.memory_space<vmem>>) target_semaphore(%arg14 : memref<!tpu.dma_semaphore, #tpu.memory_space<semaphore_mem>>)
    %dma_wait3A_209 = tpu.memref_slice %arg4[%add3A_185] : memref<16777216xi32, #tpu.memory_space<hbm>> -> memref<16384xi32, #tpu.memory_space<hbm>>
    %dma_wait3A_210 = tpu.memref_slice %arg4[%add3A_185] : memref<16777216xi32, #tpu.memory_space<hbm>> -> memref<16384xi32, #tpu.memory_space<hbm>>
    tpu.wait_dma2 semaphore(%arg16 : memref<!tpu.dma_semaphore, #tpu.memory_space<semaphore_mem>>) src(%arg11 : memref<16384xi32, #tpu.memory_space<vmem>>) dst(%dma_wait3A_210 : memref<16384xi32, #tpu.memory_space<hbm>>)
    %parallel_loop3A_211 = arith.constant 0 : i32
    %parallel_loop3A_212 = arith.constant 16384 : i32
    %parallel_loop3A_213 = arith.constant 16 : i32
    scf.for %parallel_loop3A_559 = %parallel_loop3A_211 to %parallel_loop3A_212 step %parallel_loop3A_213  : i32 {
      %parallel_loop3A_560 = arith.index_cast %parallel_loop3A_559 : i32 to index
      %parallel_loop3A_561 = tpu.vector_load %arg10[%parallel_loop3A_560] {strides = array<i32>} : memref<16384xf32, #tpu.memory_space<vmem>>, vector<16xf32>,
      %parallel_loop3A_562 = arith.mulf %parallel_loop3A_561, %div3A_77 : vector<16xf32>
      %parallel_loop3A_563 = arith.addf %parallel_loop3A_562, %sub3A_81 : vector<16xf32>
      %parallel_loop3A_564 = arith.fptosi %parallel_loop3A_563 : vector<16xf32> to vector<16xi32>
      %parallel_loop3A_565 = arith.index_cast %parallel_loop3A_559 : i32 to index
      %parallel_loop3A_566 = tpu.vector_load %arg11[%parallel_loop3A_565] {strides = array<i32>} : memref<16384xi32, #tpu.memory_space<vmem>>, vector<16xi32>,
      tpu.vector_store %arg11[%parallel_loop3A_565], %parallel_loop3A_564 {strides = array<i32>} : memref<16384xi32, #tpu.memory_space<vmem>>, vector<16xi32>,
    } {sc.loop_unroll_factor = 16 : i64, sc.parallel_access}
    %add3A_214 = arith.constant 131072 : i32
    %add3A_215 = arith.addi %mul3A_2, %add3A_214 : i32
    %dma_start3A_216 = tpu.memref_slice %arg4[%add3A_215] : memref<16777216xi32, #tpu.memory_space<hbm>> -> memref<16384xi32, #tpu.memory_space<hbm>>
    %dma_start3A_217 = tpu.memref_slice %arg4[%add3A_215] : memref<16777216xi32, #tpu.memory_space<hbm>> -> memref<16384xi32, #tpu.memory_space<hbm>>
    tpu.enqueue_dma source(%arg11 : memref<16384xi32, #tpu.memory_space<vmem>>) target(%dma_start3A_217 : memref<16384xi32, #tpu.memory_space<hbm>>) target_semaphore(%arg16 : memref<!tpu.dma_semaphore, #tpu.memory_space<semaphore_mem>>)
    %dma_wait3A_218 = tpu.memref_slice %arg2[%add3A_191] : memref<16777216xf32, #tpu.memory_space<hbm>> -> memref<16384xf32, #tpu.memory_space<hbm>>
    %dma_wait3A_219 = tpu.memref_slice %arg2[%add3A_191] : memref<16777216xf32, #tpu.memory_space<hbm>> -> memref<16384xf32, #tpu.memory_space<hbm>>
    tpu.wait_dma2 semaphore(%arg13 : memref<!tpu.dma_semaphore, #tpu.memory_space<semaphore_mem>>) src(%dma_wait3A_219 : memref<16384xf32, #tpu.memory_space<hbm>>) dst(%arg8 : memref<16384xf32, #tpu.memory_space<vmem>>)
    %add3A_220 = arith.constant 180224 : i32
    %add3A_221 = arith.addi %mul3A_2, %add3A_220 : i32
    %dma_start3A_222 = tpu.memref_slice %arg2[%add3A_221] : memref<16777216xf32, #tpu.memory_space<hbm>> -> memref<16384xf32, #tpu.memory_space<hbm>>
    %dma_start3A_223 = tpu.memref_slice %arg2[%add3A_221] : memref<16777216xf32, #tpu.memory_space<hbm>> -> memref<16384xf32, #tpu.memory_space<hbm>>
    tpu.enqueue_dma source(%dma_start3A_223 : memref<16384xf32, #tpu.memory_space<hbm>>) target(%arg10 : memref<16384xf32, #tpu.memory_space<vmem>>) target_semaphore(%arg15 : memref<!tpu.dma_semaphore, #tpu.memory_space<semaphore_mem>>)
    %dma_wait3A_224 = tpu.memref_slice %arg4[%add3A_200] : memref<16777216xi32, #tpu.memory_space<hbm>> -> memref<16384xi32, #tpu.memory_space<hbm>>
    %dma_wait3A_225 = tpu.memref_slice %arg4[%add3A_200] : memref<16777216xi32, #tpu.memory_space<hbm>> -> memref<16384xi32, #tpu.memory_space<hbm>>
    tpu.wait_dma2 semaphore(%arg17 : memref<!tpu.dma_semaphore, #tpu.memory_space<semaphore_mem>>) src(%arg12 : memref<16384xi32, #tpu.memory_space<vmem>>) dst(%dma_wait3A_225 : memref<16384xi32, #tpu.memory_space<hbm>>)
    %parallel_loop3A_226 = arith.constant 0 : i32
    %parallel_loop3A_227 = arith.constant 16384 : i32
    %parallel_loop3A_228 = arith.constant 16 : i32
    scf.for %parallel_loop3A_559 = %parallel_loop3A_226 to %parallel_loop3A_227 step %parallel_loop3A_228  : i32 {
      %parallel_loop3A_560 = arith.index_cast %parallel_loop3A_559 : i32 to index
      %parallel_loop3A_561 = tpu.vector_load %arg8[%parallel_loop3A_560] {strides = array<i32>} : memref<16384xf32, #tpu.memory_space<vmem>>, vector<16xf32>,
      %parallel_loop3A_562 = arith.mulf %parallel_loop3A_561, %div3A_77 : vector<16xf32>
      %parallel_loop3A_563 = arith.addf %parallel_loop3A_562, %sub3A_81 : vector<16xf32>
      %parallel_loop3A_564 = arith.fptosi %parallel_loop3A_563 : vector<16xf32> to vector<16xi32>
      %parallel_loop3A_565 = arith.index_cast %parallel_loop3A_559 : i32 to index
      %parallel_loop3A_566 = tpu.vector_load %arg12[%parallel_loop3A_565] {strides = array<i32>} : memref<16384xi32, #tpu.memory_space<vmem>>, vector<16xi32>,
      tpu.vector_store %arg12[%parallel_loop3A_565], %parallel_loop3A_564 {strides = array<i32>} : memref<16384xi32, #tpu.memory_space<vmem>>, vector<16xi32>,
    } {sc.loop_unroll_factor = 16 : i64, sc.parallel_access}
    %add3A_229 = arith.constant 147456 : i32
    %add3A_230 = arith.addi %mul3A_2, %add3A_229 : i32
    %dma_start3A_231 = tpu.memref_slice %arg4[%add3A_230] : memref<16777216xi32, #tpu.memory_space<hbm>> -> memref<16384xi32, #tpu.memory_space<hbm>>
    %dma_start3A_232 = tpu.memref_slice %arg4[%add3A_230] : memref<16777216xi32, #tpu.memory_space<hbm>> -> memref<16384xi32, #tpu.memory_space<hbm>>
    tpu.enqueue_dma source(%arg12 : memref<16384xi32, #tpu.memory_space<vmem>>) target(%dma_start3A_232 : memref<16384xi32, #tpu.memory_space<hbm>>) target_semaphore(%arg17 : memref<!tpu.dma_semaphore, #tpu.memory_space<semaphore_mem>>)
    %dma_wait3A_233 = tpu.memref_slice %arg2[%add3A_206] : memref<16777216xf32, #tpu.memory_space<hbm>> -> memref<16384xf32, #tpu.memory_space<hbm>>
    %dma_wait3A_234 = tpu.memref_slice %arg2[%add3A_206] : memref<16777216xf32, #tpu.memory_space<hbm>> -> memref<16384xf32, #tpu.memory_space<hbm>>
    tpu.wait_dma2 semaphore(%arg14 : memref<!tpu.dma_semaphore, #tpu.memory_space<semaphore_mem>>) src(%dma_wait3A_234 : memref<16384xf32, #tpu.memory_space<hbm>>) dst(%arg9 : memref<16384xf32, #tpu.memory_space<vmem>>)
    %add3A_235 = arith.constant 196608 : i32
    %add3A_236 = arith.addi %mul3A_2, %add3A_235 : i32
    %dma_start3A_237 = tpu.memref_slice %arg2[%add3A_236] : memref<16777216xf32, #tpu.memory_space<hbm>> -> memref<16384xf32, #tpu.memory_space<hbm>>
    %dma_start3A_238 = tpu.memref_slice %arg2[%add3A_236] : memref<16777216xf32, #tpu.memory_space<hbm>> -> memref<16384xf32, #tpu.memory_space<hbm>>
    tpu.enqueue_dma source(%dma_start3A_238 : memref<16384xf32, #tpu.memory_space<hbm>>) target(%arg8 : memref<16384xf32, #tpu.memory_space<vmem>>) target_semaphore(%arg13 : memref<!tpu.dma_semaphore, #tpu.memory_space<semaphore_mem>>)
    %dma_wait3A_239 = tpu.memref_slice %arg4[%add3A_215] : memref<16777216xi32, #tpu.memory_space<hbm>> -> memref<16384xi32, #tpu.memory_space<hbm>>
    %dma_wait3A_240 = tpu.memref_slice %arg4[%add3A_215] : memref<16777216xi32, #tpu.memory_space<hbm>> -> memref<16384xi32, #tpu.memory_space<hbm>>
    tpu.wait_dma2 semaphore(%arg16 : memref<!tpu.dma_semaphore, #tpu.memory_space<semaphore_mem>>) src(%arg11 : memref<16384xi32, #tpu.memory_space<vmem>>) dst(%dma_wait3A_240 : memref<16384xi32, #tpu.memory_space<hbm>>)
    %parallel_loop3A_241 = arith.constant 0 : i32
    %parallel_loop3A_242 = arith.constant 16384 : i32
    %parallel_loop3A_243 = arith.constant 16 : i32
    scf.for %parallel_loop3A_559 = %parallel_loop3A_241 to %parallel_loop3A_242 step %parallel_loop3A_243  : i32 {
      %parallel_loop3A_560 = arith.index_cast %parallel_loop3A_559 : i32 to index
      %parallel_loop3A_561 = tpu.vector_load %arg9[%parallel_loop3A_560] {strides = array<i32>} : memref<16384xf32, #tpu.memory_space<vmem>>, vector<16xf32>,
      %parallel_loop3A_562 = arith.mulf %parallel_loop3A_561, %div3A_77 : vector<16xf32>
      %parallel_loop3A_563 = arith.addf %parallel_loop3A_562, %sub3A_81 : vector<16xf32>
      %parallel_loop3A_564 = arith.fptosi %parallel_loop3A_563 : vector<16xf32> to vector<16xi32>
      %parallel_loop3A_565 = arith.index_cast %parallel_loop3A_559 : i32 to index
      %parallel_loop3A_566 = tpu.vector_load %arg11[%parallel_loop3A_565] {strides = array<i32>} : memref<16384xi32, #tpu.memory_space<vmem>>, vector<16xi32>,
      tpu.vector_store %arg11[%parallel_loop3A_565], %parallel_loop3A_564 {strides = array<i32>} : memref<16384xi32, #tpu.memory_space<vmem>>, vector<16xi32>,
    } {sc.loop_unroll_factor = 16 : i64, sc.parallel_access}
    %add3A_244 = arith.constant 163840 : i32
    %add3A_245 = arith.addi %mul3A_2, %add3A_244 : i32
    %dma_start3A_246 = tpu.memref_slice %arg4[%add3A_245] : memref<16777216xi32, #tpu.memory_space<hbm>> -> memref<16384xi32, #tpu.memory_space<hbm>>
    %dma_start3A_247 = tpu.memref_slice %arg4[%add3A_245] : memref<16777216xi32, #tpu.memory_space<hbm>> -> memref<16384xi32, #tpu.memory_space<hbm>>
    tpu.enqueue_dma source(%arg11 : memref<16384xi32, #tpu.memory_space<vmem>>) target(%dma_start3A_247 : memref<16384xi32, #tpu.memory_space<hbm>>) target_semaphore(%arg16 : memref<!tpu.dma_semaphore, #tpu.memory_space<semaphore_mem>>)
    %dma_wait3A_248 = tpu.memref_slice %arg2[%add3A_221] : memref<16777216xf32, #tpu.memory_space<hbm>> -> memref<16384xf32, #tpu.memory_space<hbm>>
    %dma_wait3A_249 = tpu.memref_slice %arg2[%add3A_221] : memref<16777216xf32, #tpu.memory_space<hbm>> -> memref<16384xf32, #tpu.memory_space<hbm>>
    tpu.wait_dma2 semaphore(%arg15 : memref<!tpu.dma_semaphore, #tpu.memory_space<semaphore_mem>>) src(%dma_wait3A_249 : memref<16384xf32, #tpu.memory_space<hbm>>) dst(%arg10 : memref<16384xf32, #tpu.memory_space<vmem>>)
    %add3A_250 = arith.constant 212992 : i32
    %add3A_251 = arith.addi %mul3A_2, %add3A_250 : i32
    %dma_start3A_252 = tpu.memref_slice %arg2[%add3A_251] : memref<16777216xf32, #tpu.memory_space<hbm>> -> memref<16384xf32, #tpu.memory_space<hbm>>
    %dma_start3A_253 = tpu.memref_slice %arg2[%add3A_251] : memref<16777216xf32, #tpu.memory_space<hbm>> -> memref<16384xf32, #tpu.memory_space<hbm>>
    tpu.enqueue_dma source(%dma_start3A_253 : memref<16384xf32, #tpu.memory_space<hbm>>) target(%arg9 : memref<16384xf32, #tpu.memory_space<vmem>>) target_semaphore(%arg14 : memref<!tpu.dma_semaphore, #tpu.memory_space<semaphore_mem>>)
    %dma_wait3A_254 = tpu.memref_slice %arg4[%add3A_230] : memref<16777216xi32, #tpu.memory_space<hbm>> -> memref<16384xi32, #tpu.memory_space<hbm>>
    %dma_wait3A_255 = tpu.memref_slice %arg4[%add3A_230] : memref<16777216xi32, #tpu.memory_space<hbm>> -> memref<16384xi32, #tpu.memory_space<hbm>>
    tpu.wait_dma2 semaphore(%arg17 : memref<!tpu.dma_semaphore, #tpu.memory_space<semaphore_mem>>) src(%arg12 : memref<16384xi32, #tpu.memory_space<vmem>>) dst(%dma_wait3A_255 : memref<16384xi32, #tpu.memory_space<hbm>>)
    %parallel_loop3A_256 = arith.constant 0 : i32
    %parallel_loop3A_257 = arith.constant 16384 : i32
    %parallel_loop3A_258 = arith.constant 16 : i32
    scf.for %parallel_loop3A_559 = %parallel_loop3A_256 to %parallel_loop3A_257 step %parallel_loop3A_258  : i32 {
      %parallel_loop3A_560 = arith.index_cast %parallel_loop3A_559 : i32 to index
      %parallel_loop3A_561 = tpu.vector_load %arg10[%parallel_loop3A_560] {strides = array<i32>} : memref<16384xf32, #tpu.memory_space<vmem>>, vector<16xf32>,
      %parallel_loop3A_562 = arith.mulf %parallel_loop3A_561, %div3A_77 : vector<16xf32>
      %parallel_loop3A_563 = arith.addf %parallel_loop3A_562, %sub3A_81 : vector<16xf32>
      %parallel_loop3A_564 = arith.fptosi %parallel_loop3A_563 : vector<16xf32> to vector<16xi32>
      %parallel_loop3A_565 = arith.index_cast %parallel_loop3A_559 : i32 to index
      %parallel_loop3A_566 = tpu.vector_load %arg12[%parallel_loop3A_565] {strides = array<i32>} : memref<16384xi32, #tpu.memory_space<vmem>>, vector<16xi32>,
      tpu.vector_store %arg12[%parallel_loop3A_565], %parallel_loop3A_564 {strides = array<i32>} : memref<16384xi32, #tpu.memory_space<vmem>>, vector<16xi32>,
    } {sc.loop_unroll_factor = 16 : i64, sc.parallel_access}
    %add3A_259 = arith.constant 180224 : i32
    %add3A_260 = arith.addi %mul3A_2, %add3A_259 : i32
    %dma_start3A_261 = tpu.memref_slice %arg4[%add3A_260] : memref<16777216xi32, #tpu.memory_space<hbm>> -> memref<16384xi32, #tpu.memory_space<hbm>>
    %dma_start3A_262 = tpu.memref_slice %arg4[%add3A_260] : memref<16777216xi32, #tpu.memory_space<hbm>> -> memref<16384xi32, #tpu.memory_space<hbm>>
    tpu.enqueue_dma source(%arg12 : memref<16384xi32, #tpu.memory_space<vmem>>) target(%dma_start3A_262 : memref<16384xi32, #tpu.memory_space<hbm>>) target_semaphore(%arg17 : memref<!tpu.dma_semaphore, #tpu.memory_space<semaphore_mem>>)
    %dma_wait3A_263 = tpu.memref_slice %arg2[%add3A_236] : memref<16777216xf32, #tpu.memory_space<hbm>> -> memref<16384xf32, #tpu.memory_space<hbm>>
    %dma_wait3A_264 = tpu.memref_slice %arg2[%add3A_236] : memref<16777216xf32, #tpu.memory_space<hbm>> -> memref<16384xf32, #tpu.memory_space<hbm>>
    tpu.wait_dma2 semaphore(%arg13 : memref<!tpu.dma_semaphore, #tpu.memory_space<semaphore_mem>>) src(%dma_wait3A_264 : memref<16384xf32, #tpu.memory_space<hbm>>) dst(%arg8 : memref<16384xf32, #tpu.memory_space<vmem>>)
    %add3A_265 = arith.constant 229376 : i32
    %add3A_266 = arith.addi %mul3A_2, %add3A_265 : i32
    %dma_start3A_267 = tpu.memref_slice %arg2[%add3A_266] : memref<16777216xf32, #tpu.memory_space<hbm>> -> memref<16384xf32, #tpu.memory_space<hbm>>
    %dma_start3A_268 = tpu.memref_slice %arg2[%add3A_266] : memref<16777216xf32, #tpu.memory_space<hbm>> -> memref<16384xf32, #tpu.memory_space<hbm>>
    tpu.enqueue_dma source(%dma_start3A_268 : memref<16384xf32, #tpu.memory_space<hbm>>) target(%arg10 : memref<16384xf32, #tpu.memory_space<vmem>>) target_semaphore(%arg15 : memref<!tpu.dma_semaphore, #tpu.memory_space<semaphore_mem>>)
    %dma_wait3A_269 = tpu.memref_slice %arg4[%add3A_245] : memref<16777216xi32, #tpu.memory_space<hbm>> -> memref<16384xi32, #tpu.memory_space<hbm>>
    %dma_wait3A_270 = tpu.memref_slice %arg4[%add3A_245] : memref<16777216xi32, #tpu.memory_space<hbm>> -> memref<16384xi32, #tpu.memory_space<hbm>>
    tpu.wait_dma2 semaphore(%arg16 : memref<!tpu.dma_semaphore, #tpu.memory_space<semaphore_mem>>) src(%arg11 : memref<16384xi32, #tpu.memory_space<vmem>>) dst(%dma_wait3A_270 : memref<16384xi32, #tpu.memory_space<hbm>>)
    %parallel_loop3A_271 = arith.constant 0 : i32
    %parallel_loop3A_272 = arith.constant 16384 : i32
    %parallel_loop3A_273 = arith.constant 16 : i32
    scf.for %parallel_loop3A_559 = %parallel_loop3A_271 to %parallel_loop3A_272 step %parallel_loop3A_273  : i32 {
      %parallel_loop3A_560 = arith.index_cast %parallel_loop3A_559 : i32 to index
      %parallel_loop3A_561 = tpu.vector_load %arg8[%parallel_loop3A_560] {strides = array<i32>} : memref<16384xf32, #tpu.memory_space<vmem>>, vector<16xf32>,
      %parallel_loop3A_562 = arith.mulf %parallel_loop3A_561, %div3A_77 : vector<16xf32>
      %parallel_loop3A_563 = arith.addf %parallel_loop3A_562, %sub3A_81 : vector<16xf32>
      %parallel_loop3A_564 = arith.fptosi %parallel_loop3A_563 : vector<16xf32> to vector<16xi32>
      %parallel_loop3A_565 = arith.index_cast %parallel_loop3A_559 : i32 to index
      %parallel_loop3A_566 = tpu.vector_load %arg11[%parallel_loop3A_565] {strides = array<i32>} : memref<16384xi32, #tpu.memory_space<vmem>>, vector<16xi32>,
      tpu.vector_store %arg11[%parallel_loop3A_565], %parallel_loop3A_564 {strides = array<i32>} : memref<16384xi32, #tpu.memory_space<vmem>>, vector<16xi32>,
    } {sc.loop_unroll_factor = 16 : i64, sc.parallel_access}
    %add3A_274 = arith.constant 196608 : i32
    %add3A_275 = arith.addi %mul3A_2, %add3A_274 : i32
    %dma_start3A_276 = tpu.memref_slice %arg4[%add3A_275] : memref<16777216xi32, #tpu.memory_space<hbm>> -> memref<16384xi32, #tpu.memory_space<hbm>>
    %dma_start3A_277 = tpu.memref_slice %arg4[%add3A_275] : memref<16777216xi32, #tpu.memory_space<hbm>> -> memref<16384xi32, #tpu.memory_space<hbm>>
    tpu.enqueue_dma source(%arg11 : memref<16384xi32, #tpu.memory_space<vmem>>) target(%dma_start3A_277 : memref<16384xi32, #tpu.memory_space<hbm>>) target_semaphore(%arg16 : memref<!tpu.dma_semaphore, #tpu.memory_space<semaphore_mem>>)
    %dma_wait3A_278 = tpu.memref_slice %arg2[%add3A_251] : memref<16777216xf32, #tpu.memory_space<hbm>> -> memref<16384xf32, #tpu.memory_space<hbm>>
    %dma_wait3A_279 = tpu.memref_slice %arg2[%add3A_251] : memref<16777216xf32, #tpu.memory_space<hbm>> -> memref<16384xf32, #tpu.memory_space<hbm>>
    tpu.wait_dma2 semaphore(%arg14 : memref<!tpu.dma_semaphore, #tpu.memory_space<semaphore_mem>>) src(%dma_wait3A_279 : memref<16384xf32, #tpu.memory_space<hbm>>) dst(%arg9 : memref<16384xf32, #tpu.memory_space<vmem>>)
    %add3A_280 = arith.constant 245760 : i32
    %add3A_281 = arith.addi %mul3A_2, %add3A_280 : i32
    %dma_start3A_282 = tpu.memref_slice %arg2[%add3A_281] : memref<16777216xf32, #tpu.memory_space<hbm>> -> memref<16384xf32, #tpu.memory_space<hbm>>
    %dma_start3A_283 = tpu.memref_slice %arg2[%add3A_281] : memref<16777216xf32, #tpu.memory_space<hbm>> -> memref<16384xf32, #tpu.memory_space<hbm>>
    tpu.enqueue_dma source(%dma_start3A_283 : memref<16384xf32, #tpu.memory_space<hbm>>) target(%arg8 : memref<16384xf32, #tpu.memory_space<vmem>>) target_semaphore(%arg13 : memref<!tpu.dma_semaphore, #tpu.memory_space<semaphore_mem>>)
    %dma_wait3A_284 = tpu.memref_slice %arg4[%add3A_260] : memref<16777216xi32, #tpu.memory_space<hbm>> -> memref<16384xi32, #tpu.memory_space<hbm>>
    %dma_wait3A_285 = tpu.memref_slice %arg4[%add3A_260] : memref<16777216xi32, #tpu.memory_space<hbm>> -> memref<16384xi32, #tpu.memory_space<hbm>>
    tpu.wait_dma2 semaphore(%arg17 : memref<!tpu.dma_semaphore, #tpu.memory_space<semaphore_mem>>) src(%arg12 : memref<16384xi32, #tpu.memory_space<vmem>>) dst(%dma_wait3A_285 : memref<16384xi32, #tpu.memory_space<hbm>>)
    %parallel_loop3A_286 = arith.constant 0 : i32
    %parallel_loop3A_287 = arith.constant 16384 : i32
    %parallel_loop3A_288 = arith.constant 16 : i32
    scf.for %parallel_loop3A_559 = %parallel_loop3A_286 to %parallel_loop3A_287 step %parallel_loop3A_288  : i32 {
      %parallel_loop3A_560 = arith.index_cast %parallel_loop3A_559 : i32 to index
      %parallel_loop3A_561 = tpu.vector_load %arg9[%parallel_loop3A_560] {strides = array<i32>} : memref<16384xf32, #tpu.memory_space<vmem>>, vector<16xf32>,
      %parallel_loop3A_562 = arith.mulf %parallel_loop3A_561, %div3A_77 : vector<16xf32>
      %parallel_loop3A_563 = arith.addf %parallel_loop3A_562, %sub3A_81 : vector<16xf32>
      %parallel_loop3A_564 = arith.fptosi %parallel_loop3A_563 : vector<16xf32> to vector<16xi32>
      %parallel_loop3A_565 = arith.index_cast %parallel_loop3A_559 : i32 to index
      %parallel_loop3A_566 = tpu.vector_load %arg12[%parallel_loop3A_565] {strides = array<i32>} : memref<16384xi32, #tpu.memory_space<vmem>>, vector<16xi32>,
      tpu.vector_store %arg12[%parallel_loop3A_565], %parallel_loop3A_564 {strides = array<i32>} : memref<16384xi32, #tpu.memory_space<vmem>>, vector<16xi32>,
    } {sc.loop_unroll_factor = 16 : i64, sc.parallel_access}
    %add3A_289 = arith.constant 212992 : i32
    %add3A_290 = arith.addi %mul3A_2, %add3A_289 : i32
    %dma_start3A_291 = tpu.memref_slice %arg4[%add3A_290] : memref<16777216xi32, #tpu.memory_space<hbm>> -> memref<16384xi32, #tpu.memory_space<hbm>>
    %dma_start3A_292 = tpu.memref_slice %arg4[%add3A_290] : memref<16777216xi32, #tpu.memory_space<hbm>> -> memref<16384xi32, #tpu.memory_space<hbm>>
    tpu.enqueue_dma source(%arg12 : memref<16384xi32, #tpu.memory_space<vmem>>) target(%dma_start3A_292 : memref<16384xi32, #tpu.memory_space<hbm>>) target_semaphore(%arg17 : memref<!tpu.dma_semaphore, #tpu.memory_space<semaphore_mem>>)
    %dma_wait3A_293 = tpu.memref_slice %arg2[%add3A_266] : memref<16777216xf32, #tpu.memory_space<hbm>> -> memref<16384xf32, #tpu.memory_space<hbm>>
    %dma_wait3A_294 = tpu.memref_slice %arg2[%add3A_266] : memref<16777216xf32, #tpu.memory_space<hbm>> -> memref<16384xf32, #tpu.memory_space<hbm>>
    tpu.wait_dma2 semaphore(%arg15 : memref<!tpu.dma_semaphore, #tpu.memory_space<semaphore_mem>>) src(%dma_wait3A_294 : memref<16384xf32, #tpu.memory_space<hbm>>) dst(%arg10 : memref<16384xf32, #tpu.memory_space<vmem>>)
    %add3A_295 = arith.constant 262144 : i32
    %add3A_296 = arith.addi %mul3A_2, %add3A_295 : i32
    %dma_start3A_297 = tpu.memref_slice %arg2[%add3A_296] : memref<16777216xf32, #tpu.memory_space<hbm>> -> memref<16384xf32, #tpu.memory_space<hbm>>
    %dma_start3A_298 = tpu.memref_slice %arg2[%add3A_296] : memref<16777216xf32, #tpu.memory_space<hbm>> -> memref<16384xf32, #tpu.memory_space<hbm>>
    tpu.enqueue_dma source(%dma_start3A_298 : memref<16384xf32, #tpu.memory_space<hbm>>) target(%arg9 : memref<16384xf32, #tpu.memory_space<vmem>>) target_semaphore(%arg14 : memref<!tpu.dma_semaphore, #tpu.memory_space<semaphore_mem>>)
    %dma_wait3A_299 = tpu.memref_slice %arg4[%add3A_275] : memref<16777216xi32, #tpu.memory_space<hbm>> -> memref<16384xi32, #tpu.memory_space<hbm>>
    %dma_wait3A_300 = tpu.memref_slice %arg4[%add3A_275] : memref<16777216xi32, #tpu.memory_space<hbm>> -> memref<16384xi32, #tpu.memory_space<hbm>>
    tpu.wait_dma2 semaphore(%arg16 : memref<!tpu.dma_semaphore, #tpu.memory_space<semaphore_mem>>) src(%arg11 : memref<16384xi32, #tpu.memory_space<vmem>>) dst(%dma_wait3A_300 : memref<16384xi32, #tpu.memory_space<hbm>>)
    %parallel_loop3A_301 = arith.constant 0 : i32
    %parallel_loop3A_302 = arith.constant 16384 : i32
    %parallel_loop3A_303 = arith.constant 16 : i32
    scf.for %parallel_loop3A_559 = %parallel_loop3A_301 to %parallel_loop3A_302 step %parallel_loop3A_303  : i32 {
      %parallel_loop3A_560 = arith.index_cast %parallel_loop3A_559 : i32 to index
      %parallel_loop3A_561 = tpu.vector_load %arg10[%parallel_loop3A_560] {strides = array<i32>} : memref<16384xf32, #tpu.memory_space<vmem>>, vector<16xf32>,
      %parallel_loop3A_562 = arith.mulf %parallel_loop3A_561, %div3A_77 : vector<16xf32>
      %parallel_loop3A_563 = arith.addf %parallel_loop3A_562, %sub3A_81 : vector<16xf32>
      %parallel_loop3A_564 = arith.fptosi %parallel_loop3A_563 : vector<16xf32> to vector<16xi32>
      %parallel_loop3A_565 = arith.index_cast %parallel_loop3A_559 : i32 to index
      %parallel_loop3A_566 = tpu.vector_load %arg11[%parallel_loop3A_565] {strides = array<i32>} : memref<16384xi32, #tpu.memory_space<vmem>>, vector<16xi32>,
      tpu.vector_store %arg11[%parallel_loop3A_565], %parallel_loop3A_564 {strides = array<i32>} : memref<16384xi32, #tpu.memory_space<vmem>>, vector<16xi32>,
    } {sc.loop_unroll_factor = 16 : i64, sc.parallel_access}
    %add3A_304 = arith.constant 229376 : i32
    %add3A_305 = arith.addi %mul3A_2, %add3A_304 : i32
    %dma_start3A_306 = tpu.memref_slice %arg4[%add3A_305] : memref<16777216xi32, #tpu.memory_space<hbm>> -> memref<16384xi32, #tpu.memory_space<hbm>>
    %dma_start3A_307 = tpu.memref_slice %arg4[%add3A_305] : memref<16777216xi32, #tpu.memory_space<hbm>> -> memref<16384xi32, #tpu.memory_space<hbm>>
    tpu.enqueue_dma source(%arg11 : memref<16384xi32, #tpu.memory_space<vmem>>) target(%dma_start3A_307 : memref<16384xi32, #tpu.memory_space<hbm>>) target_semaphore(%arg16 : memref<!tpu.dma_semaphore, #tpu.memory_space<semaphore_mem>>)
    %dma_wait3A_308 = tpu.memref_slice %arg2[%add3A_281] : memref<16777216xf32, #tpu.memory_space<hbm>> -> memref<16384xf32, #tpu.memory_space<hbm>>
    %dma_wait3A_309 = tpu.memref_slice %arg2[%add3A_281] : memref<16777216xf32, #tpu.memory_space<hbm>> -> memref<16384xf32, #tpu.memory_space<hbm>>
    tpu.wait_dma2 semaphore(%arg13 : memref<!tpu.dma_semaphore, #tpu.memory_space<semaphore_mem>>) src(%dma_wait3A_309 : memref<16384xf32, #tpu.memory_space<hbm>>) dst(%arg8 : memref<16384xf32, #tpu.memory_space<vmem>>)
    %add3A_310 = arith.constant 278528 : i32
    %add3A_311 = arith.addi %mul3A_2, %add3A_310 : i32
    %dma_start3A_312 = tpu.memref_slice %arg2[%add3A_311] : memref<16777216xf32, #tpu.memory_space<hbm>> -> memref<16384xf32, #tpu.memory_space<hbm>>
    %dma_start3A_313 = tpu.memref_slice %arg2[%add3A_311] : memref<16777216xf32, #tpu.memory_space<hbm>> -> memref<16384xf32, #tpu.memory_space<hbm>>
    tpu.enqueue_dma source(%dma_start3A_313 : memref<16384xf32, #tpu.memory_space<hbm>>) target(%arg10 : memref<16384xf32, #tpu.memory_space<vmem>>) target_semaphore(%arg15 : memref<!tpu.dma_semaphore, #tpu.memory_space<semaphore_mem>>)
    %dma_wait3A_314 = tpu.memref_slice %arg4[%add3A_290] : memref<16777216xi32, #tpu.memory_space<hbm>> -> memref<16384xi32, #tpu.memory_space<hbm>>
    %dma_wait3A_315 = tpu.memref_slice %arg4[%add3A_290] : memref<16777216xi32, #tpu.memory_space<hbm>> -> memref<16384xi32, #tpu.memory_space<hbm>>
    tpu.wait_dma2 semaphore(%arg17 : memref<!tpu.dma_semaphore, #tpu.memory_space<semaphore_mem>>) src(%arg12 : memref<16384xi32, #tpu.memory_space<vmem>>) dst(%dma_wait3A_315 : memref<16384xi32, #tpu.memory_space<hbm>>)
    %parallel_loop3A_316 = arith.constant 0 : i32
    %parallel_loop3A_317 = arith.constant 16384 : i32
    %parallel_loop3A_318 = arith.constant 16 : i32
    scf.for %parallel_loop3A_559 = %parallel_loop3A_316 to %parallel_loop3A_317 step %parallel_loop3A_318  : i32 {
      %parallel_loop3A_560 = arith.index_cast %parallel_loop3A_559 : i32 to index
      %parallel_loop3A_561 = tpu.vector_load %arg8[%parallel_loop3A_560] {strides = array<i32>} : memref<16384xf32, #tpu.memory_space<vmem>>, vector<16xf32>,
      %parallel_loop3A_562 = arith.mulf %parallel_loop3A_561, %div3A_77 : vector<16xf32>
      %parallel_loop3A_563 = arith.addf %parallel_loop3A_562, %sub3A_81 : vector<16xf32>
      %parallel_loop3A_564 = arith.fptosi %parallel_loop3A_563 : vector<16xf32> to vector<16xi32>
      %parallel_loop3A_565 = arith.index_cast %parallel_loop3A_559 : i32 to index
      %parallel_loop3A_566 = tpu.vector_load %arg12[%parallel_loop3A_565] {strides = array<i32>} : memref<16384xi32, #tpu.memory_space<vmem>>, vector<16xi32>,
      tpu.vector_store %arg12[%parallel_loop3A_565], %parallel_loop3A_564 {strides = array<i32>} : memref<16384xi32, #tpu.memory_space<vmem>>, vector<16xi32>,
    } {sc.loop_unroll_factor = 16 : i64, sc.parallel_access}
    %add3A_319 = arith.constant 245760 : i32
    %add3A_320 = arith.addi %mul3A_2, %add3A_319 : i32
    %dma_start3A_321 = tpu.memref_slice %arg4[%add3A_320] : memref<16777216xi32, #tpu.memory_space<hbm>> -> memref<16384xi32, #tpu.memory_space<hbm>>
    %dma_start3A_322 = tpu.memref_slice %arg4[%add3A_320] : memref<16777216xi32, #tpu.memory_space<hbm>> -> memref<16384xi32, #tpu.memory_space<hbm>>
    tpu.enqueue_dma source(%arg12 : memref<16384xi32, #tpu.memory_space<vmem>>) target(%dma_start3A_322 : memref<16384xi32, #tpu.memory_space<hbm>>) target_semaphore(%arg17 : memref<!tpu.dma_semaphore, #tpu.memory_space<semaphore_mem>>)
    %dma_wait3A_323 = tpu.memref_slice %arg2[%add3A_296] : memref<16777216xf32, #tpu.memory_space<hbm>> -> memref<16384xf32, #tpu.memory_space<hbm>>
    %dma_wait3A_324 = tpu.memref_slice %arg2[%add3A_296] : memref<16777216xf32, #tpu.memory_space<hbm>> -> memref<16384xf32, #tpu.memory_space<hbm>>
    tpu.wait_dma2 semaphore(%arg14 : memref<!tpu.dma_semaphore, #tpu.memory_space<semaphore_mem>>) src(%dma_wait3A_324 : memref<16384xf32, #tpu.memory_space<hbm>>) dst(%arg9 : memref<16384xf32, #tpu.memory_space<vmem>>)
    %add3A_325 = arith.constant 294912 : i32
    %add3A_326 = arith.addi %mul3A_2, %add3A_325 : i32
    %dma_start3A_327 = tpu.memref_slice %arg2[%add3A_326] : memref<16777216xf32, #tpu.memory_space<hbm>> -> memref<16384xf32, #tpu.memory_space<hbm>>
    %dma_start3A_328 = tpu.memref_slice %arg2[%add3A_326] : memref<16777216xf32, #tpu.memory_space<hbm>> -> memref<16384xf32, #tpu.memory_space<hbm>>
    tpu.enqueue_dma source(%dma_start3A_328 : memref<16384xf32, #tpu.memory_space<hbm>>) target(%arg8 : memref<16384xf32, #tpu.memory_space<vmem>>) target_semaphore(%arg13 : memref<!tpu.dma_semaphore, #tpu.memory_space<semaphore_mem>>)
    %dma_wait3A_329 = tpu.memref_slice %arg4[%add3A_305] : memref<16777216xi32, #tpu.memory_space<hbm>> -> memref<16384xi32, #tpu.memory_space<hbm>>
    %dma_wait3A_330 = tpu.memref_slice %arg4[%add3A_305] : memref<16777216xi32, #tpu.memory_space<hbm>> -> memref<16384xi32, #tpu.memory_space<hbm>>
    tpu.wait_dma2 semaphore(%arg16 : memref<!tpu.dma_semaphore, #tpu.memory_space<semaphore_mem>>) src(%arg11 : memref<16384xi32, #tpu.memory_space<vmem>>) dst(%dma_wait3A_330 : memref<16384xi32, #tpu.memory_space<hbm>>)
    %parallel_loop3A_331 = arith.constant 0 : i32
    %parallel_loop3A_332 = arith.constant 16384 : i32
    %parallel_loop3A_333 = arith.constant 16 : i32
    scf.for %parallel_loop3A_559 = %parallel_loop3A_331 to %parallel_loop3A_332 step %parallel_loop3A_333  : i32 {
      %parallel_loop3A_560 = arith.index_cast %parallel_loop3A_559 : i32 to index
      %parallel_loop3A_561 = tpu.vector_load %arg9[%parallel_loop3A_560] {strides = array<i32>} : memref<16384xf32, #tpu.memory_space<vmem>>, vector<16xf32>,
      %parallel_loop3A_562 = arith.mulf %parallel_loop3A_561, %div3A_77 : vector<16xf32>
      %parallel_loop3A_563 = arith.addf %parallel_loop3A_562, %sub3A_81 : vector<16xf32>
      %parallel_loop3A_564 = arith.fptosi %parallel_loop3A_563 : vector<16xf32> to vector<16xi32>
      %parallel_loop3A_565 = arith.index_cast %parallel_loop3A_559 : i32 to index
      %parallel_loop3A_566 = tpu.vector_load %arg11[%parallel_loop3A_565] {strides = array<i32>} : memref<16384xi32, #tpu.memory_space<vmem>>, vector<16xi32>,
      tpu.vector_store %arg11[%parallel_loop3A_565], %parallel_loop3A_564 {strides = array<i32>} : memref<16384xi32, #tpu.memory_space<vmem>>, vector<16xi32>,
    } {sc.loop_unroll_factor = 16 : i64, sc.parallel_access}
    %add3A_334 = arith.constant 262144 : i32
    %add3A_335 = arith.addi %mul3A_2, %add3A_334 : i32
    %dma_start3A_336 = tpu.memref_slice %arg4[%add3A_335] : memref<16777216xi32, #tpu.memory_space<hbm>> -> memref<16384xi32, #tpu.memory_space<hbm>>
    %dma_start3A_337 = tpu.memref_slice %arg4[%add3A_335] : memref<16777216xi32, #tpu.memory_space<hbm>> -> memref<16384xi32, #tpu.memory_space<hbm>>
    tpu.enqueue_dma source(%arg11 : memref<16384xi32, #tpu.memory_space<vmem>>) target(%dma_start3A_337 : memref<16384xi32, #tpu.memory_space<hbm>>) target_semaphore(%arg16 : memref<!tpu.dma_semaphore, #tpu.memory_space<semaphore_mem>>)
    %dma_wait3A_338 = tpu.memref_slice %arg2[%add3A_311] : memref<16777216xf32, #tpu.memory_space<hbm>> -> memref<16384xf32, #tpu.memory_space<hbm>>
    %dma_wait3A_339 = tpu.memref_slice %arg2[%add3A_311] : memref<16777216xf32, #tpu.memory_space<hbm>> -> memref<16384xf32, #tpu.memory_space<hbm>>
    tpu.wait_dma2 semaphore(%arg15 : memref<!tpu.dma_semaphore, #tpu.memory_space<semaphore_mem>>) src(%dma_wait3A_339 : memref<16384xf32, #tpu.memory_space<hbm>>) dst(%arg10 : memref<16384xf32, #tpu.memory_space<vmem>>)
    %add3A_340 = arith.constant 311296 : i32
    %add3A_341 = arith.addi %mul3A_2, %add3A_340 : i32
    %dma_start3A_342 = tpu.memref_slice %arg2[%add3A_341] : memref<16777216xf32, #tpu.memory_space<hbm>> -> memref<16384xf32, #tpu.memory_space<hbm>>
    %dma_start3A_343 = tpu.memref_slice %arg2[%add3A_341] : memref<16777216xf32, #tpu.memory_space<hbm>> -> memref<16384xf32, #tpu.memory_space<hbm>>
    tpu.enqueue_dma source(%dma_start3A_343 : memref<16384xf32, #tpu.memory_space<hbm>>) target(%arg9 : memref<16384xf32, #tpu.memory_space<vmem>>) target_semaphore(%arg14 : memref<!tpu.dma_semaphore, #tpu.memory_space<semaphore_mem>>)
    %dma_wait3A_344 = tpu.memref_slice %arg4[%add3A_320] : memref<16777216xi32, #tpu.memory_space<hbm>> -> memref<16384xi32, #tpu.memory_space<hbm>>
    %dma_wait3A_345 = tpu.memref_slice %arg4[%add3A_320] : memref<16777216xi32, #tpu.memory_space<hbm>> -> memref<16384xi32, #tpu.memory_space<hbm>>
    tpu.wait_dma2 semaphore(%arg17 : memref<!tpu.dma_semaphore, #tpu.memory_space<semaphore_mem>>) src(%arg12 : memref<16384xi32, #tpu.memory_space<vmem>>) dst(%dma_wait3A_345 : memref<16384xi32, #tpu.memory_space<hbm>>)
    %parallel_loop3A_346 = arith.constant 0 : i32
    %parallel_loop3A_347 = arith.constant 16384 : i32
    %parallel_loop3A_348 = arith.constant 16 : i32
    scf.for %parallel_loop3A_559 = %parallel_loop3A_346 to %parallel_loop3A_347 step %parallel_loop3A_348  : i32 {
      %parallel_loop3A_560 = arith.index_cast %parallel_loop3A_559 : i32 to index
      %parallel_loop3A_561 = tpu.vector_load %arg10[%parallel_loop3A_560] {strides = array<i32>} : memref<16384xf32, #tpu.memory_space<vmem>>, vector<16xf32>,
      %parallel_loop3A_562 = arith.mulf %parallel_loop3A_561, %div3A_77 : vector<16xf32>
      %parallel_loop3A_563 = arith.addf %parallel_loop3A_562, %sub3A_81 : vector<16xf32>
      %parallel_loop3A_564 = arith.fptosi %parallel_loop3A_563 : vector<16xf32> to vector<16xi32>
      %parallel_loop3A_565 = arith.index_cast %parallel_loop3A_559 : i32 to index
      %parallel_loop3A_566 = tpu.vector_load %arg12[%parallel_loop3A_565] {strides = array<i32>} : memref<16384xi32, #tpu.memory_space<vmem>>, vector<16xi32>,
      tpu.vector_store %arg12[%parallel_loop3A_565], %parallel_loop3A_564 {strides = array<i32>} : memref<16384xi32, #tpu.memory_space<vmem>>, vector<16xi32>,
    } {sc.loop_unroll_factor = 16 : i64, sc.parallel_access}
    %add3A_349 = arith.constant 278528 : i32
    %add3A_350 = arith.addi %mul3A_2, %add3A_349 : i32
    %dma_start3A_351 = tpu.memref_slice %arg4[%add3A_350] : memref<16777216xi32, #tpu.memory_space<hbm>> -> memref<16384xi32, #tpu.memory_space<hbm>>
    %dma_start3A_352 = tpu.memref_slice %arg4[%add3A_350] : memref<16777216xi32, #tpu.memory_space<hbm>> -> memref<16384xi32, #tpu.memory_space<hbm>>
    tpu.enqueue_dma source(%arg12 : memref<16384xi32, #tpu.memory_space<vmem>>) target(%dma_start3A_352 : memref<16384xi32, #tpu.memory_space<hbm>>) target_semaphore(%arg17 : memref<!tpu.dma_semaphore, #tpu.memory_space<semaphore_mem>>)
    %dma_wait3A_353 = tpu.memref_slice %arg2[%add3A_326] : memref<16777216xf32, #tpu.memory_space<hbm>> -> memref<16384xf32, #tpu.memory_space<hbm>>
    %dma_wait3A_354 = tpu.memref_slice %arg2[%add3A_326] : memref<16777216xf32, #tpu.memory_space<hbm>> -> memref<16384xf32, #tpu.memory_space<hbm>>
    tpu.wait_dma2 semaphore(%arg13 : memref<!tpu.dma_semaphore, #tpu.memory_space<semaphore_mem>>) src(%dma_wait3A_354 : memref<16384xf32, #tpu.memory_space<hbm>>) dst(%arg8 : memref<16384xf32, #tpu.memory_space<vmem>>)
    %add3A_355 = arith.constant 327680 : i32
    %add3A_356 = arith.addi %mul3A_2, %add3A_355 : i32
    %dma_start3A_357 = tpu.memref_slice %arg2[%add3A_356] : memref<16777216xf32, #tpu.memory_space<hbm>> -> memref<16384xf32, #tpu.memory_space<hbm>>
    %dma_start3A_358 = tpu.memref_slice %arg2[%add3A_356] : memref<16777216xf32, #tpu.memory_space<hbm>> -> memref<16384xf32, #tpu.memory_space<hbm>>
    tpu.enqueue_dma source(%dma_start3A_358 : memref<16384xf32, #tpu.memory_space<hbm>>) target(%arg10 : memref<16384xf32, #tpu.memory_space<vmem>>) target_semaphore(%arg15 : memref<!tpu.dma_semaphore, #tpu.memory_space<semaphore_mem>>)
    %dma_wait3A_359 = tpu.memref_slice %arg4[%add3A_335] : memref<16777216xi32, #tpu.memory_space<hbm>> -> memref<16384xi32, #tpu.memory_space<hbm>>
    %dma_wait3A_360 = tpu.memref_slice %arg4[%add3A_335] : memref<16777216xi32, #tpu.memory_space<hbm>> -> memref<16384xi32, #tpu.memory_space<hbm>>
    tpu.wait_dma2 semaphore(%arg16 : memref<!tpu.dma_semaphore, #tpu.memory_space<semaphore_mem>>) src(%arg11 : memref<16384xi32, #tpu.memory_space<vmem>>) dst(%dma_wait3A_360 : memref<16384xi32, #tpu.memory_space<hbm>>)
    %parallel_loop3A_361 = arith.constant 0 : i32
    %parallel_loop3A_362 = arith.constant 16384 : i32
    %parallel_loop3A_363 = arith.constant 16 : i32
    scf.for %parallel_loop3A_559 = %parallel_loop3A_361 to %parallel_loop3A_362 step %parallel_loop3A_363  : i32 {
      %parallel_loop3A_560 = arith.index_cast %parallel_loop3A_559 : i32 to index
      %parallel_loop3A_561 = tpu.vector_load %arg8[%parallel_loop3A_560] {strides = array<i32>} : memref<16384xf32, #tpu.memory_space<vmem>>, vector<16xf32>,
      %parallel_loop3A_562 = arith.mulf %parallel_loop3A_561, %div3A_77 : vector<16xf32>
      %parallel_loop3A_563 = arith.addf %parallel_loop3A_562, %sub3A_81 : vector<16xf32>
      %parallel_loop3A_564 = arith.fptosi %parallel_loop3A_563 : vector<16xf32> to vector<16xi32>
      %parallel_loop3A_565 = arith.index_cast %parallel_loop3A_559 : i32 to index
      %parallel_loop3A_566 = tpu.vector_load %arg11[%parallel_loop3A_565] {strides = array<i32>} : memref<16384xi32, #tpu.memory_space<vmem>>, vector<16xi32>,
      tpu.vector_store %arg11[%parallel_loop3A_565], %parallel_loop3A_564 {strides = array<i32>} : memref<16384xi32, #tpu.memory_space<vmem>>, vector<16xi32>,
    } {sc.loop_unroll_factor = 16 : i64, sc.parallel_access}
    %add3A_364 = arith.constant 294912 : i32
    %add3A_365 = arith.addi %mul3A_2, %add3A_364 : i32
    %dma_start3A_366 = tpu.memref_slice %arg4[%add3A_365] : memref<16777216xi32, #tpu.memory_space<hbm>> -> memref<16384xi32, #tpu.memory_space<hbm>>
    %dma_start3A_367 = tpu.memref_slice %arg4[%add3A_365] : memref<16777216xi32, #tpu.memory_space<hbm>> -> memref<16384xi32, #tpu.memory_space<hbm>>
    tpu.enqueue_dma source(%arg11 : memref<16384xi32, #tpu.memory_space<vmem>>) target(%dma_start3A_367 : memref<16384xi32, #tpu.memory_space<hbm>>) target_semaphore(%arg16 : memref<!tpu.dma_semaphore, #tpu.memory_space<semaphore_mem>>)
    %dma_wait3A_368 = tpu.memref_slice %arg2[%add3A_341] : memref<16777216xf32, #tpu.memory_space<hbm>> -> memref<16384xf32, #tpu.memory_space<hbm>>
    %dma_wait3A_369 = tpu.memref_slice %arg2[%add3A_341] : memref<16777216xf32, #tpu.memory_space<hbm>> -> memref<16384xf32, #tpu.memory_space<hbm>>
    tpu.wait_dma2 semaphore(%arg14 : memref<!tpu.dma_semaphore, #tpu.memory_space<semaphore_mem>>) src(%dma_wait3A_369 : memref<16384xf32, #tpu.memory_space<hbm>>) dst(%arg9 : memref<16384xf32, #tpu.memory_space<vmem>>)
    %add3A_370 = arith.constant 344064 : i32
    %add3A_371 = arith.addi %mul3A_2, %add3A_370 : i32
    %dma_start3A_372 = tpu.memref_slice %arg2[%add3A_371] : memref<16777216xf32, #tpu.memory_space<hbm>> -> memref<16384xf32, #tpu.memory_space<hbm>>
    %dma_start3A_373 = tpu.memref_slice %arg2[%add3A_371] : memref<16777216xf32, #tpu.memory_space<hbm>> -> memref<16384xf32, #tpu.memory_space<hbm>>
    tpu.enqueue_dma source(%dma_start3A_373 : memref<16384xf32, #tpu.memory_space<hbm>>) target(%arg8 : memref<16384xf32, #tpu.memory_space<vmem>>) target_semaphore(%arg13 : memref<!tpu.dma_semaphore, #tpu.memory_space<semaphore_mem>>)
    %dma_wait3A_374 = tpu.memref_slice %arg4[%add3A_350] : memref<16777216xi32, #tpu.memory_space<hbm>> -> memref<16384xi32, #tpu.memory_space<hbm>>
    %dma_wait3A_375 = tpu.memref_slice %arg4[%add3A_350] : memref<16777216xi32, #tpu.memory_space<hbm>> -> memref<16384xi32, #tpu.memory_space<hbm>>
    tpu.wait_dma2 semaphore(%arg17 : memref<!tpu.dma_semaphore, #tpu.memory_space<semaphore_mem>>) src(%arg12 : memref<16384xi32, #tpu.memory_space<vmem>>) dst(%dma_wait3A_375 : memref<16384xi32, #tpu.memory_space<hbm>>)
    %parallel_loop3A_376 = arith.constant 0 : i32
    %parallel_loop3A_377 = arith.constant 16384 : i32
    %parallel_loop3A_378 = arith.constant 16 : i32
    scf.for %parallel_loop3A_559 = %parallel_loop3A_376 to %parallel_loop3A_377 step %parallel_loop3A_378  : i32 {
      %parallel_loop3A_560 = arith.index_cast %parallel_loop3A_559 : i32 to index
      %parallel_loop3A_561 = tpu.vector_load %arg9[%parallel_loop3A_560] {strides = array<i32>} : memref<16384xf32, #tpu.memory_space<vmem>>, vector<16xf32>,
      %parallel_loop3A_562 = arith.mulf %parallel_loop3A_561, %div3A_77 : vector<16xf32>
      %parallel_loop3A_563 = arith.addf %parallel_loop3A_562, %sub3A_81 : vector<16xf32>
      %parallel_loop3A_564 = arith.fptosi %parallel_loop3A_563 : vector<16xf32> to vector<16xi32>
      %parallel_loop3A_565 = arith.index_cast %parallel_loop3A_559 : i32 to index
      %parallel_loop3A_566 = tpu.vector_load %arg12[%parallel_loop3A_565] {strides = array<i32>} : memref<16384xi32, #tpu.memory_space<vmem>>, vector<16xi32>,
      tpu.vector_store %arg12[%parallel_loop3A_565], %parallel_loop3A_564 {strides = array<i32>} : memref<16384xi32, #tpu.memory_space<vmem>>, vector<16xi32>,
    } {sc.loop_unroll_factor = 16 : i64, sc.parallel_access}
    %add3A_379 = arith.constant 311296 : i32
    %add3A_380 = arith.addi %mul3A_2, %add3A_379 : i32
    %dma_start3A_381 = tpu.memref_slice %arg4[%add3A_380] : memref<16777216xi32, #tpu.memory_space<hbm>> -> memref<16384xi32, #tpu.memory_space<hbm>>
    %dma_start3A_382 = tpu.memref_slice %arg4[%add3A_380] : memref<16777216xi32, #tpu.memory_space<hbm>> -> memref<16384xi32, #tpu.memory_space<hbm>>
    tpu.enqueue_dma source(%arg12 : memref<16384xi32, #tpu.memory_space<vmem>>) target(%dma_start3A_382 : memref<16384xi32, #tpu.memory_space<hbm>>) target_semaphore(%arg17 : memref<!tpu.dma_semaphore, #tpu.memory_space<semaphore_mem>>)
    %dma_wait3A_383 = tpu.memref_slice %arg2[%add3A_356] : memref<16777216xf32, #tpu.memory_space<hbm>> -> memref<16384xf32, #tpu.memory_space<hbm>>
    %dma_wait3A_384 = tpu.memref_slice %arg2[%add3A_356] : memref<16777216xf32, #tpu.memory_space<hbm>> -> memref<16384xf32, #tpu.memory_space<hbm>>
    tpu.wait_dma2 semaphore(%arg15 : memref<!tpu.dma_semaphore, #tpu.memory_space<semaphore_mem>>) src(%dma_wait3A_384 : memref<16384xf32, #tpu.memory_space<hbm>>) dst(%arg10 : memref<16384xf32, #tpu.memory_space<vmem>>)
    %add3A_385 = arith.constant 360448 : i32
    %add3A_386 = arith.addi %mul3A_2, %add3A_385 : i32
    %dma_start3A_387 = tpu.memref_slice %arg2[%add3A_386] : memref<16777216xf32, #tpu.memory_space<hbm>> -> memref<16384xf32, #tpu.memory_space<hbm>>
    %dma_start3A_388 = tpu.memref_slice %arg2[%add3A_386] : memref<16777216xf32, #tpu.memory_space<hbm>> -> memref<16384xf32, #tpu.memory_space<hbm>>
    tpu.enqueue_dma source(%dma_start3A_388 : memref<16384xf32, #tpu.memory_space<hbm>>) target(%arg9 : memref<16384xf32, #tpu.memory_space<vmem>>) target_semaphore(%arg14 : memref<!tpu.dma_semaphore, #tpu.memory_space<semaphore_mem>>)
    %dma_wait3A_389 = tpu.memref_slice %arg4[%add3A_365] : memref<16777216xi32, #tpu.memory_space<hbm>> -> memref<16384xi32, #tpu.memory_space<hbm>>
    %dma_wait3A_390 = tpu.memref_slice %arg4[%add3A_365] : memref<16777216xi32, #tpu.memory_space<hbm>> -> memref<16384xi32, #tpu.memory_space<hbm>>
    tpu.wait_dma2 semaphore(%arg16 : memref<!tpu.dma_semaphore, #tpu.memory_space<semaphore_mem>>) src(%arg11 : memref<16384xi32, #tpu.memory_space<vmem>>) dst(%dma_wait3A_390 : memref<16384xi32, #tpu.memory_space<hbm>>)
    %parallel_loop3A_391 = arith.constant 0 : i32
    %parallel_loop3A_392 = arith.constant 16384 : i32
    %parallel_loop3A_393 = arith.constant 16 : i32
    scf.for %parallel_loop3A_559 = %parallel_loop3A_391 to %parallel_loop3A_392 step %parallel_loop3A_393  : i32 {
      %parallel_loop3A_560 = arith.index_cast %parallel_loop3A_559 : i32 to index
      %parallel_loop3A_561 = tpu.vector_load %arg10[%parallel_loop3A_560] {strides = array<i32>} : memref<16384xf32, #tpu.memory_space<vmem>>, vector<16xf32>,
      %parallel_loop3A_562 = arith.mulf %parallel_loop3A_561, %div3A_77 : vector<16xf32>
      %parallel_loop3A_563 = arith.addf %parallel_loop3A_562, %sub3A_81 : vector<16xf32>
      %parallel_loop3A_564 = arith.fptosi %parallel_loop3A_563 : vector<16xf32> to vector<16xi32>
      %parallel_loop3A_565 = arith.index_cast %parallel_loop3A_559 : i32 to index
      %parallel_loop3A_566 = tpu.vector_load %arg11[%parallel_loop3A_565] {strides = array<i32>} : memref<16384xi32, #tpu.memory_space<vmem>>, vector<16xi32>,
      tpu.vector_store %arg11[%parallel_loop3A_565], %parallel_loop3A_564 {strides = array<i32>} : memref<16384xi32, #tpu.memory_space<vmem>>, vector<16xi32>,
    } {sc.loop_unroll_factor = 16 : i64, sc.parallel_access}
    %add3A_394 = arith.constant 327680 : i32
    %add3A_395 = arith.addi %mul3A_2, %add3A_394 : i32
    %dma_start3A_396 = tpu.memref_slice %arg4[%add3A_395] : memref<16777216xi32, #tpu.memory_space<hbm>> -> memref<16384xi32, #tpu.memory_space<hbm>>
    %dma_start3A_397 = tpu.memref_slice %arg4[%add3A_395] : memref<16777216xi32, #tpu.memory_space<hbm>> -> memref<16384xi32, #tpu.memory_space<hbm>>
    tpu.enqueue_dma source(%arg11 : memref<16384xi32, #tpu.memory_space<vmem>>) target(%dma_start3A_397 : memref<16384xi32, #tpu.memory_space<hbm>>) target_semaphore(%arg16 : memref<!tpu.dma_semaphore, #tpu.memory_space<semaphore_mem>>)
    %dma_wait3A_398 = tpu.memref_slice %arg2[%add3A_371] : memref<16777216xf32, #tpu.memory_space<hbm>> -> memref<16384xf32, #tpu.memory_space<hbm>>
    %dma_wait3A_399 = tpu.memref_slice %arg2[%add3A_371] : memref<16777216xf32, #tpu.memory_space<hbm>> -> memref<16384xf32, #tpu.memory_space<hbm>>
    tpu.wait_dma2 semaphore(%arg13 : memref<!tpu.dma_semaphore, #tpu.memory_space<semaphore_mem>>) src(%dma_wait3A_399 : memref<16384xf32, #tpu.memory_space<hbm>>) dst(%arg8 : memref<16384xf32, #tpu.memory_space<vmem>>)
    %add3A_400 = arith.constant 376832 : i32
    %add3A_401 = arith.addi %mul3A_2, %add3A_400 : i32
    %dma_start3A_402 = tpu.memref_slice %arg2[%add3A_401] : memref<16777216xf32, #tpu.memory_space<hbm>> -> memref<16384xf32, #tpu.memory_space<hbm>>
    %dma_start3A_403 = tpu.memref_slice %arg2[%add3A_401] : memref<16777216xf32, #tpu.memory_space<hbm>> -> memref<16384xf32, #tpu.memory_space<hbm>>
    tpu.enqueue_dma source(%dma_start3A_403 : memref<16384xf32, #tpu.memory_space<hbm>>) target(%arg10 : memref<16384xf32, #tpu.memory_space<vmem>>) target_semaphore(%arg15 : memref<!tpu.dma_semaphore, #tpu.memory_space<semaphore_mem>>)
    %dma_wait3A_404 = tpu.memref_slice %arg4[%add3A_380] : memref<16777216xi32, #tpu.memory_space<hbm>> -> memref<16384xi32, #tpu.memory_space<hbm>>
    %dma_wait3A_405 = tpu.memref_slice %arg4[%add3A_380] : memref<16777216xi32, #tpu.memory_space<hbm>> -> memref<16384xi32, #tpu.memory_space<hbm>>
    tpu.wait_dma2 semaphore(%arg17 : memref<!tpu.dma_semaphore, #tpu.memory_space<semaphore_mem>>) src(%arg12 : memref<16384xi32, #tpu.memory_space<vmem>>) dst(%dma_wait3A_405 : memref<16384xi32, #tpu.memory_space<hbm>>)
    %parallel_loop3A_406 = arith.constant 0 : i32
    %parallel_loop3A_407 = arith.constant 16384 : i32
    %parallel_loop3A_408 = arith.constant 16 : i32
    scf.for %parallel_loop3A_559 = %parallel_loop3A_406 to %parallel_loop3A_407 step %parallel_loop3A_408  : i32 {
      %parallel_loop3A_560 = arith.index_cast %parallel_loop3A_559 : i32 to index
      %parallel_loop3A_561 = tpu.vector_load %arg8[%parallel_loop3A_560] {strides = array<i32>} : memref<16384xf32, #tpu.memory_space<vmem>>, vector<16xf32>,
      %parallel_loop3A_562 = arith.mulf %parallel_loop3A_561, %div3A_77 : vector<16xf32>
      %parallel_loop3A_563 = arith.addf %parallel_loop3A_562, %sub3A_81 : vector<16xf32>
      %parallel_loop3A_564 = arith.fptosi %parallel_loop3A_563 : vector<16xf32> to vector<16xi32>
      %parallel_loop3A_565 = arith.index_cast %parallel_loop3A_559 : i32 to index
      %parallel_loop3A_566 = tpu.vector_load %arg12[%parallel_loop3A_565] {strides = array<i32>} : memref<16384xi32, #tpu.memory_space<vmem>>, vector<16xi32>,
      tpu.vector_store %arg12[%parallel_loop3A_565], %parallel_loop3A_564 {strides = array<i32>} : memref<16384xi32, #tpu.memory_space<vmem>>, vector<16xi32>,
    } {sc.loop_unroll_factor = 16 : i64, sc.parallel_access}
    %add3A_409 = arith.constant 344064 : i32
    %add3A_410 = arith.addi %mul3A_2, %add3A_409 : i32
    %dma_start3A_411 = tpu.memref_slice %arg4[%add3A_410] : memref<16777216xi32, #tpu.memory_space<hbm>> -> memref<16384xi32, #tpu.memory_space<hbm>>
    %dma_start3A_412 = tpu.memref_slice %arg4[%add3A_410] : memref<16777216xi32, #tpu.memory_space<hbm>> -> memref<16384xi32, #tpu.memory_space<hbm>>
    tpu.enqueue_dma source(%arg12 : memref<16384xi32, #tpu.memory_space<vmem>>) target(%dma_start3A_412 : memref<16384xi32, #tpu.memory_space<hbm>>) target_semaphore(%arg17 : memref<!tpu.dma_semaphore, #tpu.memory_space<semaphore_mem>>)
    %dma_wait3A_413 = tpu.memref_slice %arg2[%add3A_386] : memref<16777216xf32, #tpu.memory_space<hbm>> -> memref<16384xf32, #tpu.memory_space<hbm>>
    %dma_wait3A_414 = tpu.memref_slice %arg2[%add3A_386] : memref<16777216xf32, #tpu.memory_space<hbm>> -> memref<16384xf32, #tpu.memory_space<hbm>>
    tpu.wait_dma2 semaphore(%arg14 : memref<!tpu.dma_semaphore, #tpu.memory_space<semaphore_mem>>) src(%dma_wait3A_414 : memref<16384xf32, #tpu.memory_space<hbm>>) dst(%arg9 : memref<16384xf32, #tpu.memory_space<vmem>>)
    %add3A_415 = arith.constant 393216 : i32
    %add3A_416 = arith.addi %mul3A_2, %add3A_415 : i32
    %dma_start3A_417 = tpu.memref_slice %arg2[%add3A_416] : memref<16777216xf32, #tpu.memory_space<hbm>> -> memref<16384xf32, #tpu.memory_space<hbm>>
    %dma_start3A_418 = tpu.memref_slice %arg2[%add3A_416] : memref<16777216xf32, #tpu.memory_space<hbm>> -> memref<16384xf32, #tpu.memory_space<hbm>>
    tpu.enqueue_dma source(%dma_start3A_418 : memref<16384xf32, #tpu.memory_space<hbm>>) target(%arg8 : memref<16384xf32, #tpu.memory_space<vmem>>) target_semaphore(%arg13 : memref<!tpu.dma_semaphore, #tpu.memory_space<semaphore_mem>>)
    %dma_wait3A_419 = tpu.memref_slice %arg4[%add3A_395] : memref<16777216xi32, #tpu.memory_space<hbm>> -> memref<16384xi32, #tpu.memory_space<hbm>>
    %dma_wait3A_420 = tpu.memref_slice %arg4[%add3A_395] : memref<16777216xi32, #tpu.memory_space<hbm>> -> memref<16384xi32, #tpu.memory_space<hbm>>
    tpu.wait_dma2 semaphore(%arg16 : memref<!tpu.dma_semaphore, #tpu.memory_space<semaphore_mem>>) src(%arg11 : memref<16384xi32, #tpu.memory_space<vmem>>) dst(%dma_wait3A_420 : memref<16384xi32, #tpu.memory_space<hbm>>)
    %parallel_loop3A_421 = arith.constant 0 : i32
    %parallel_loop3A_422 = arith.constant 16384 : i32
    %parallel_loop3A_423 = arith.constant 16 : i32
    scf.for %parallel_loop3A_559 = %parallel_loop3A_421 to %parallel_loop3A_422 step %parallel_loop3A_423  : i32 {
      %parallel_loop3A_560 = arith.index_cast %parallel_loop3A_559 : i32 to index
      %parallel_loop3A_561 = tpu.vector_load %arg9[%parallel_loop3A_560] {strides = array<i32>} : memref<16384xf32, #tpu.memory_space<vmem>>, vector<16xf32>,
      %parallel_loop3A_562 = arith.mulf %parallel_loop3A_561, %div3A_77 : vector<16xf32>
      %parallel_loop3A_563 = arith.addf %parallel_loop3A_562, %sub3A_81 : vector<16xf32>
      %parallel_loop3A_564 = arith.fptosi %parallel_loop3A_563 : vector<16xf32> to vector<16xi32>
      %parallel_loop3A_565 = arith.index_cast %parallel_loop3A_559 : i32 to index
      %parallel_loop3A_566 = tpu.vector_load %arg11[%parallel_loop3A_565] {strides = array<i32>} : memref<16384xi32, #tpu.memory_space<vmem>>, vector<16xi32>,
      tpu.vector_store %arg11[%parallel_loop3A_565], %parallel_loop3A_564 {strides = array<i32>} : memref<16384xi32, #tpu.memory_space<vmem>>, vector<16xi32>,
    } {sc.loop_unroll_factor = 16 : i64, sc.parallel_access}
    %add3A_424 = arith.constant 360448 : i32
    %add3A_425 = arith.addi %mul3A_2, %add3A_424 : i32
    %dma_start3A_426 = tpu.memref_slice %arg4[%add3A_425] : memref<16777216xi32, #tpu.memory_space<hbm>> -> memref<16384xi32, #tpu.memory_space<hbm>>
    %dma_start3A_427 = tpu.memref_slice %arg4[%add3A_425] : memref<16777216xi32, #tpu.memory_space<hbm>> -> memref<16384xi32, #tpu.memory_space<hbm>>
    tpu.enqueue_dma source(%arg11 : memref<16384xi32, #tpu.memory_space<vmem>>) target(%dma_start3A_427 : memref<16384xi32, #tpu.memory_space<hbm>>) target_semaphore(%arg16 : memref<!tpu.dma_semaphore, #tpu.memory_space<semaphore_mem>>)
    %dma_wait3A_428 = tpu.memref_slice %arg2[%add3A_401] : memref<16777216xf32, #tpu.memory_space<hbm>> -> memref<16384xf32, #tpu.memory_space<hbm>>
    %dma_wait3A_429 = tpu.memref_slice %arg2[%add3A_401] : memref<16777216xf32, #tpu.memory_space<hbm>> -> memref<16384xf32, #tpu.memory_space<hbm>>
    tpu.wait_dma2 semaphore(%arg15 : memref<!tpu.dma_semaphore, #tpu.memory_space<semaphore_mem>>) src(%dma_wait3A_429 : memref<16384xf32, #tpu.memory_space<hbm>>) dst(%arg10 : memref<16384xf32, #tpu.memory_space<vmem>>)
    %add3A_430 = arith.constant 409600 : i32
    %add3A_431 = arith.addi %mul3A_2, %add3A_430 : i32
    %dma_start3A_432 = tpu.memref_slice %arg2[%add3A_431] : memref<16777216xf32, #tpu.memory_space<hbm>> -> memref<16384xf32, #tpu.memory_space<hbm>>
    %dma_start3A_433 = tpu.memref_slice %arg2[%add3A_431] : memref<16777216xf32, #tpu.memory_space<hbm>> -> memref<16384xf32, #tpu.memory_space<hbm>>
    tpu.enqueue_dma source(%dma_start3A_433 : memref<16384xf32, #tpu.memory_space<hbm>>) target(%arg9 : memref<16384xf32, #tpu.memory_space<vmem>>) target_semaphore(%arg14 : memref<!tpu.dma_semaphore, #tpu.memory_space<semaphore_mem>>)
    %dma_wait3A_434 = tpu.memref_slice %arg4[%add3A_410] : memref<16777216xi32, #tpu.memory_space<hbm>> -> memref<16384xi32, #tpu.memory_space<hbm>>
    %dma_wait3A_435 = tpu.memref_slice %arg4[%add3A_410] : memref<16777216xi32, #tpu.memory_space<hbm>> -> memref<16384xi32, #tpu.memory_space<hbm>>
    tpu.wait_dma2 semaphore(%arg17 : memref<!tpu.dma_semaphore, #tpu.memory_space<semaphore_mem>>) src(%arg12 : memref<16384xi32, #tpu.memory_space<vmem>>) dst(%dma_wait3A_435 : memref<16384xi32, #tpu.memory_space<hbm>>)
    %parallel_loop3A_436 = arith.constant 0 : i32
    %parallel_loop3A_437 = arith.constant 16384 : i32
    %parallel_loop3A_438 = arith.constant 16 : i32
    scf.for %parallel_loop3A_559 = %parallel_loop3A_436 to %parallel_loop3A_437 step %parallel_loop3A_438  : i32 {
      %parallel_loop3A_560 = arith.index_cast %parallel_loop3A_559 : i32 to index
      %parallel_loop3A_561 = tpu.vector_load %arg10[%parallel_loop3A_560] {strides = array<i32>} : memref<16384xf32, #tpu.memory_space<vmem>>, vector<16xf32>,
      %parallel_loop3A_562 = arith.mulf %parallel_loop3A_561, %div3A_77 : vector<16xf32>
      %parallel_loop3A_563 = arith.addf %parallel_loop3A_562, %sub3A_81 : vector<16xf32>
      %parallel_loop3A_564 = arith.fptosi %parallel_loop3A_563 : vector<16xf32> to vector<16xi32>
      %parallel_loop3A_565 = arith.index_cast %parallel_loop3A_559 : i32 to index
      %parallel_loop3A_566 = tpu.vector_load %arg12[%parallel_loop3A_565] {strides = array<i32>} : memref<16384xi32, #tpu.memory_space<vmem>>, vector<16xi32>,
      tpu.vector_store %arg12[%parallel_loop3A_565], %parallel_loop3A_564 {strides = array<i32>} : memref<16384xi32, #tpu.memory_space<vmem>>, vector<16xi32>,
    } {sc.loop_unroll_factor = 16 : i64, sc.parallel_access}
    %add3A_439 = arith.constant 376832 : i32
    %add3A_440 = arith.addi %mul3A_2, %add3A_439 : i32
    %dma_start3A_441 = tpu.memref_slice %arg4[%add3A_440] : memref<16777216xi32, #tpu.memory_space<hbm>> -> memref<16384xi32, #tpu.memory_space<hbm>>
    %dma_start3A_442 = tpu.memref_slice %arg4[%add3A_440] : memref<16777216xi32, #tpu.memory_space<hbm>> -> memref<16384xi32, #tpu.memory_space<hbm>>
    tpu.enqueue_dma source(%arg12 : memref<16384xi32, #tpu.memory_space<vmem>>) target(%dma_start3A_442 : memref<16384xi32, #tpu.memory_space<hbm>>) target_semaphore(%arg17 : memref<!tpu.dma_semaphore, #tpu.memory_space<semaphore_mem>>)
    %dma_wait3A_443 = tpu.memref_slice %arg2[%add3A_416] : memref<16777216xf32, #tpu.memory_space<hbm>> -> memref<16384xf32, #tpu.memory_space<hbm>>
    %dma_wait3A_444 = tpu.memref_slice %arg2[%add3A_416] : memref<16777216xf32, #tpu.memory_space<hbm>> -> memref<16384xf32, #tpu.memory_space<hbm>>
    tpu.wait_dma2 semaphore(%arg13 : memref<!tpu.dma_semaphore, #tpu.memory_space<semaphore_mem>>) src(%dma_wait3A_444 : memref<16384xf32, #tpu.memory_space<hbm>>) dst(%arg8 : memref<16384xf32, #tpu.memory_space<vmem>>)
    %add3A_445 = arith.constant 425984 : i32
    %add3A_446 = arith.addi %mul3A_2, %add3A_445 : i32
    %dma_start3A_447 = tpu.memref_slice %arg2[%add3A_446] : memref<16777216xf32, #tpu.memory_space<hbm>> -> memref<16384xf32, #tpu.memory_space<hbm>>
    %dma_start3A_448 = tpu.memref_slice %arg2[%add3A_446] : memref<16777216xf32, #tpu.memory_space<hbm>> -> memref<16384xf32, #tpu.memory_space<hbm>>
    tpu.enqueue_dma source(%dma_start3A_448 : memref<16384xf32, #tpu.memory_space<hbm>>) target(%arg10 : memref<16384xf32, #tpu.memory_space<vmem>>) target_semaphore(%arg15 : memref<!tpu.dma_semaphore, #tpu.memory_space<semaphore_mem>>)
    %dma_wait3A_449 = tpu.memref_slice %arg4[%add3A_425] : memref<16777216xi32, #tpu.memory_space<hbm>> -> memref<16384xi32, #tpu.memory_space<hbm>>
    %dma_wait3A_450 = tpu.memref_slice %arg4[%add3A_425] : memref<16777216xi32, #tpu.memory_space<hbm>> -> memref<16384xi32, #tpu.memory_space<hbm>>
    tpu.wait_dma2 semaphore(%arg16 : memref<!tpu.dma_semaphore, #tpu.memory_space<semaphore_mem>>) src(%arg11 : memref<16384xi32, #tpu.memory_space<vmem>>) dst(%dma_wait3A_450 : memref<16384xi32, #tpu.memory_space<hbm>>)
    %parallel_loop3A_451 = arith.constant 0 : i32
    %parallel_loop3A_452 = arith.constant 16384 : i32
    %parallel_loop3A_453 = arith.constant 16 : i32
    scf.for %parallel_loop3A_559 = %parallel_loop3A_451 to %parallel_loop3A_452 step %parallel_loop3A_453  : i32 {
      %parallel_loop3A_560 = arith.index_cast %parallel_loop3A_559 : i32 to index
      %parallel_loop3A_561 = tpu.vector_load %arg8[%parallel_loop3A_560] {strides = array<i32>} : memref<16384xf32, #tpu.memory_space<vmem>>, vector<16xf32>,
      %parallel_loop3A_562 = arith.mulf %parallel_loop3A_561, %div3A_77 : vector<16xf32>
      %parallel_loop3A_563 = arith.addf %parallel_loop3A_562, %sub3A_81 : vector<16xf32>
      %parallel_loop3A_564 = arith.fptosi %parallel_loop3A_563 : vector<16xf32> to vector<16xi32>
      %parallel_loop3A_565 = arith.index_cast %parallel_loop3A_559 : i32 to index
      %parallel_loop3A_566 = tpu.vector_load %arg11[%parallel_loop3A_565] {strides = array<i32>} : memref<16384xi32, #tpu.memory_space<vmem>>, vector<16xi32>,
      tpu.vector_store %arg11[%parallel_loop3A_565], %parallel_loop3A_564 {strides = array<i32>} : memref<16384xi32, #tpu.memory_space<vmem>>, vector<16xi32>,
    } {sc.loop_unroll_factor = 16 : i64, sc.parallel_access}
    %add3A_454 = arith.constant 393216 : i32
    %add3A_455 = arith.addi %mul3A_2, %add3A_454 : i32
    %dma_start3A_456 = tpu.memref_slice %arg4[%add3A_455] : memref<16777216xi32, #tpu.memory_space<hbm>> -> memref<16384xi32, #tpu.memory_space<hbm>>
    %dma_start3A_457 = tpu.memref_slice %arg4[%add3A_455] : memref<16777216xi32, #tpu.memory_space<hbm>> -> memref<16384xi32, #tpu.memory_space<hbm>>
    tpu.enqueue_dma source(%arg11 : memref<16384xi32, #tpu.memory_space<vmem>>) target(%dma_start3A_457 : memref<16384xi32, #tpu.memory_space<hbm>>) target_semaphore(%arg16 : memref<!tpu.dma_semaphore, #tpu.memory_space<semaphore_mem>>)
    %dma_wait3A_458 = tpu.memref_slice %arg2[%add3A_431] : memref<16777216xf32, #tpu.memory_space<hbm>> -> memref<16384xf32, #tpu.memory_space<hbm>>
    %dma_wait3A_459 = tpu.memref_slice %arg2[%add3A_431] : memref<16777216xf32, #tpu.memory_space<hbm>> -> memref<16384xf32, #tpu.memory_space<hbm>>
    tpu.wait_dma2 semaphore(%arg14 : memref<!tpu.dma_semaphore, #tpu.memory_space<semaphore_mem>>) src(%dma_wait3A_459 : memref<16384xf32, #tpu.memory_space<hbm>>) dst(%arg9 : memref<16384xf32, #tpu.memory_space<vmem>>)
    %add3A_460 = arith.constant 442368 : i32
    %add3A_461 = arith.addi %mul3A_2, %add3A_460 : i32
    %dma_start3A_462 = tpu.memref_slice %arg2[%add3A_461] : memref<16777216xf32, #tpu.memory_space<hbm>> -> memref<16384xf32, #tpu.memory_space<hbm>>
    %dma_start3A_463 = tpu.memref_slice %arg2[%add3A_461] : memref<16777216xf32, #tpu.memory_space<hbm>> -> memref<16384xf32, #tpu.memory_space<hbm>>
    tpu.enqueue_dma source(%dma_start3A_463 : memref<16384xf32, #tpu.memory_space<hbm>>) target(%arg8 : memref<16384xf32, #tpu.memory_space<vmem>>) target_semaphore(%arg13 : memref<!tpu.dma_semaphore, #tpu.memory_space<semaphore_mem>>)
    %dma_wait3A_464 = tpu.memref_slice %arg4[%add3A_440] : memref<16777216xi32, #tpu.memory_space<hbm>> -> memref<16384xi32, #tpu.memory_space<hbm>>
    %dma_wait3A_465 = tpu.memref_slice %arg4[%add3A_440] : memref<16777216xi32, #tpu.memory_space<hbm>> -> memref<16384xi32, #tpu.memory_space<hbm>>
    tpu.wait_dma2 semaphore(%arg17 : memref<!tpu.dma_semaphore, #tpu.memory_space<semaphore_mem>>) src(%arg12 : memref<16384xi32, #tpu.memory_space<vmem>>) dst(%dma_wait3A_465 : memref<16384xi32, #tpu.memory_space<hbm>>)
    %parallel_loop3A_466 = arith.constant 0 : i32
    %parallel_loop3A_467 = arith.constant 16384 : i32
    %parallel_loop3A_468 = arith.constant 16 : i32
    scf.for %parallel_loop3A_559 = %parallel_loop3A_466 to %parallel_loop3A_467 step %parallel_loop3A_468  : i32 {
      %parallel_loop3A_560 = arith.index_cast %parallel_loop3A_559 : i32 to index
      %parallel_loop3A_561 = tpu.vector_load %arg9[%parallel_loop3A_560] {strides = array<i32>} : memref<16384xf32, #tpu.memory_space<vmem>>, vector<16xf32>,
      %parallel_loop3A_562 = arith.mulf %parallel_loop3A_561, %div3A_77 : vector<16xf32>
      %parallel_loop3A_563 = arith.addf %parallel_loop3A_562, %sub3A_81 : vector<16xf32>
      %parallel_loop3A_564 = arith.fptosi %parallel_loop3A_563 : vector<16xf32> to vector<16xi32>
      %parallel_loop3A_565 = arith.index_cast %parallel_loop3A_559 : i32 to index
      %parallel_loop3A_566 = tpu.vector_load %arg12[%parallel_loop3A_565] {strides = array<i32>} : memref<16384xi32, #tpu.memory_space<vmem>>, vector<16xi32>,
      tpu.vector_store %arg12[%parallel_loop3A_565], %parallel_loop3A_564 {strides = array<i32>} : memref<16384xi32, #tpu.memory_space<vmem>>, vector<16xi32>,
    } {sc.loop_unroll_factor = 16 : i64, sc.parallel_access}
    %add3A_469 = arith.constant 409600 : i32
    %add3A_470 = arith.addi %mul3A_2, %add3A_469 : i32
    %dma_start3A_471 = tpu.memref_slice %arg4[%add3A_470] : memref<16777216xi32, #tpu.memory_space<hbm>> -> memref<16384xi32, #tpu.memory_space<hbm>>
    %dma_start3A_472 = tpu.memref_slice %arg4[%add3A_470] : memref<16777216xi32, #tpu.memory_space<hbm>> -> memref<16384xi32, #tpu.memory_space<hbm>>
    tpu.enqueue_dma source(%arg12 : memref<16384xi32, #tpu.memory_space<vmem>>) target(%dma_start3A_472 : memref<16384xi32, #tpu.memory_space<hbm>>) target_semaphore(%arg17 : memref<!tpu.dma_semaphore, #tpu.memory_space<semaphore_mem>>)
    %dma_wait3A_473 = tpu.memref_slice %arg2[%add3A_446] : memref<16777216xf32, #tpu.memory_space<hbm>> -> memref<16384xf32, #tpu.memory_space<hbm>>
    %dma_wait3A_474 = tpu.memref_slice %arg2[%add3A_446] : memref<16777216xf32, #tpu.memory_space<hbm>> -> memref<16384xf32, #tpu.memory_space<hbm>>
    tpu.wait_dma2 semaphore(%arg15 : memref<!tpu.dma_semaphore, #tpu.memory_space<semaphore_mem>>) src(%dma_wait3A_474 : memref<16384xf32, #tpu.memory_space<hbm>>) dst(%arg10 : memref<16384xf32, #tpu.memory_space<vmem>>)
    %add3A_475 = arith.constant 458752 : i32
    %add3A_476 = arith.addi %mul3A_2, %add3A_475 : i32
    %dma_start3A_477 = tpu.memref_slice %arg2[%add3A_476] : memref<16777216xf32, #tpu.memory_space<hbm>> -> memref<16384xf32, #tpu.memory_space<hbm>>
    %dma_start3A_478 = tpu.memref_slice %arg2[%add3A_476] : memref<16777216xf32, #tpu.memory_space<hbm>> -> memref<16384xf32, #tpu.memory_space<hbm>>
    tpu.enqueue_dma source(%dma_start3A_478 : memref<16384xf32, #tpu.memory_space<hbm>>) target(%arg9 : memref<16384xf32, #tpu.memory_space<vmem>>) target_semaphore(%arg14 : memref<!tpu.dma_semaphore, #tpu.memory_space<semaphore_mem>>)
    %dma_wait3A_479 = tpu.memref_slice %arg4[%add3A_455] : memref<16777216xi32, #tpu.memory_space<hbm>> -> memref<16384xi32, #tpu.memory_space<hbm>>
    %dma_wait3A_480 = tpu.memref_slice %arg4[%add3A_455] : memref<16777216xi32, #tpu.memory_space<hbm>> -> memref<16384xi32, #tpu.memory_space<hbm>>
    tpu.wait_dma2 semaphore(%arg16 : memref<!tpu.dma_semaphore, #tpu.memory_space<semaphore_mem>>) src(%arg11 : memref<16384xi32, #tpu.memory_space<vmem>>) dst(%dma_wait3A_480 : memref<16384xi32, #tpu.memory_space<hbm>>)
    %parallel_loop3A_481 = arith.constant 0 : i32
    %parallel_loop3A_482 = arith.constant 16384 : i32
    %parallel_loop3A_483 = arith.constant 16 : i32
    scf.for %parallel_loop3A_559 = %parallel_loop3A_481 to %parallel_loop3A_482 step %parallel_loop3A_483  : i32 {
      %parallel_loop3A_560 = arith.index_cast %parallel_loop3A_559 : i32 to index
      %parallel_loop3A_561 = tpu.vector_load %arg10[%parallel_loop3A_560] {strides = array<i32>} : memref<16384xf32, #tpu.memory_space<vmem>>, vector<16xf32>,
      %parallel_loop3A_562 = arith.mulf %parallel_loop3A_561, %div3A_77 : vector<16xf32>
      %parallel_loop3A_563 = arith.addf %parallel_loop3A_562, %sub3A_81 : vector<16xf32>
      %parallel_loop3A_564 = arith.fptosi %parallel_loop3A_563 : vector<16xf32> to vector<16xi32>
      %parallel_loop3A_565 = arith.index_cast %parallel_loop3A_559 : i32 to index
      %parallel_loop3A_566 = tpu.vector_load %arg11[%parallel_loop3A_565] {strides = array<i32>} : memref<16384xi32, #tpu.memory_space<vmem>>, vector<16xi32>,
      tpu.vector_store %arg11[%parallel_loop3A_565], %parallel_loop3A_564 {strides = array<i32>} : memref<16384xi32, #tpu.memory_space<vmem>>, vector<16xi32>,
    } {sc.loop_unroll_factor = 16 : i64, sc.parallel_access}
    %add3A_484 = arith.constant 425984 : i32
    %add3A_485 = arith.addi %mul3A_2, %add3A_484 : i32
    %dma_start3A_486 = tpu.memref_slice %arg4[%add3A_485] : memref<16777216xi32, #tpu.memory_space<hbm>> -> memref<16384xi32, #tpu.memory_space<hbm>>
    %dma_start3A_487 = tpu.memref_slice %arg4[%add3A_485] : memref<16777216xi32, #tpu.memory_space<hbm>> -> memref<16384xi32, #tpu.memory_space<hbm>>
    tpu.enqueue_dma source(%arg11 : memref<16384xi32, #tpu.memory_space<vmem>>) target(%dma_start3A_487 : memref<16384xi32, #tpu.memory_space<hbm>>) target_semaphore(%arg16 : memref<!tpu.dma_semaphore, #tpu.memory_space<semaphore_mem>>)
    %dma_wait3A_488 = tpu.memref_slice %arg2[%add3A_461] : memref<16777216xf32, #tpu.memory_space<hbm>> -> memref<16384xf32, #tpu.memory_space<hbm>>
    %dma_wait3A_489 = tpu.memref_slice %arg2[%add3A_461] : memref<16777216xf32, #tpu.memory_space<hbm>> -> memref<16384xf32, #tpu.memory_space<hbm>>
    tpu.wait_dma2 semaphore(%arg13 : memref<!tpu.dma_semaphore, #tpu.memory_space<semaphore_mem>>) src(%dma_wait3A_489 : memref<16384xf32, #tpu.memory_space<hbm>>) dst(%arg8 : memref<16384xf32, #tpu.memory_space<vmem>>)
    %add3A_490 = arith.constant 475136 : i32
    %add3A_491 = arith.addi %mul3A_2, %add3A_490 : i32
    %dma_start3A_492 = tpu.memref_slice %arg2[%add3A_491] : memref<16777216xf32, #tpu.memory_space<hbm>> -> memref<16384xf32, #tpu.memory_space<hbm>>
    %dma_start3A_493 = tpu.memref_slice %arg2[%add3A_491] : memref<16777216xf32, #tpu.memory_space<hbm>> -> memref<16384xf32, #tpu.memory_space<hbm>>
    tpu.enqueue_dma source(%dma_start3A_493 : memref<16384xf32, #tpu.memory_space<hbm>>) target(%arg10 : memref<16384xf32, #tpu.memory_space<vmem>>) target_semaphore(%arg15 : memref<!tpu.dma_semaphore, #tpu.memory_space<semaphore_mem>>)
    %dma_wait3A_494 = tpu.memref_slice %arg4[%add3A_470] : memref<16777216xi32, #tpu.memory_space<hbm>> -> memref<16384xi32, #tpu.memory_space<hbm>>
    %dma_wait3A_495 = tpu.memref_slice %arg4[%add3A_470] : memref<16777216xi32, #tpu.memory_space<hbm>> -> memref<16384xi32, #tpu.memory_space<hbm>>
    tpu.wait_dma2 semaphore(%arg17 : memref<!tpu.dma_semaphore, #tpu.memory_space<semaphore_mem>>) src(%arg12 : memref<16384xi32, #tpu.memory_space<vmem>>) dst(%dma_wait3A_495 : memref<16384xi32, #tpu.memory_space<hbm>>)
    %parallel_loop3A_496 = arith.constant 0 : i32
    %parallel_loop3A_497 = arith.constant 16384 : i32
    %parallel_loop3A_498 = arith.constant 16 : i32
    scf.for %parallel_loop3A_559 = %parallel_loop3A_496 to %parallel_loop3A_497 step %parallel_loop3A_498  : i32 {
      %parallel_loop3A_560 = arith.index_cast %parallel_loop3A_559 : i32 to index
      %parallel_loop3A_561 = tpu.vector_load %arg8[%parallel_loop3A_560] {strides = array<i32>} : memref<16384xf32, #tpu.memory_space<vmem>>, vector<16xf32>,
      %parallel_loop3A_562 = arith.mulf %parallel_loop3A_561, %div3A_77 : vector<16xf32>
      %parallel_loop3A_563 = arith.addf %parallel_loop3A_562, %sub3A_81 : vector<16xf32>
      %parallel_loop3A_564 = arith.fptosi %parallel_loop3A_563 : vector<16xf32> to vector<16xi32>
      %parallel_loop3A_565 = arith.index_cast %parallel_loop3A_559 : i32 to index
      %parallel_loop3A_566 = tpu.vector_load %arg12[%parallel_loop3A_565] {strides = array<i32>} : memref<16384xi32, #tpu.memory_space<vmem>>, vector<16xi32>,
      tpu.vector_store %arg12[%parallel_loop3A_565], %parallel_loop3A_564 {strides = array<i32>} : memref<16384xi32, #tpu.memory_space<vmem>>, vector<16xi32>,
    } {sc.loop_unroll_factor = 16 : i64, sc.parallel_access}
    %add3A_499 = arith.constant 442368 : i32
    %add3A_500 = arith.addi %mul3A_2, %add3A_499 : i32
    %dma_start3A_501 = tpu.memref_slice %arg4[%add3A_500] : memref<16777216xi32, #tpu.memory_space<hbm>> -> memref<16384xi32, #tpu.memory_space<hbm>>
    %dma_start3A_502 = tpu.memref_slice %arg4[%add3A_500] : memref<16777216xi32, #tpu.memory_space<hbm>> -> memref<16384xi32, #tpu.memory_space<hbm>>
    tpu.enqueue_dma source(%arg12 : memref<16384xi32, #tpu.memory_space<vmem>>) target(%dma_start3A_502 : memref<16384xi32, #tpu.memory_space<hbm>>) target_semaphore(%arg17 : memref<!tpu.dma_semaphore, #tpu.memory_space<semaphore_mem>>)
    %dma_wait3A_503 = tpu.memref_slice %arg2[%add3A_476] : memref<16777216xf32, #tpu.memory_space<hbm>> -> memref<16384xf32, #tpu.memory_space<hbm>>
    %dma_wait3A_504 = tpu.memref_slice %arg2[%add3A_476] : memref<16777216xf32, #tpu.memory_space<hbm>> -> memref<16384xf32, #tpu.memory_space<hbm>>
    tpu.wait_dma2 semaphore(%arg14 : memref<!tpu.dma_semaphore, #tpu.memory_space<semaphore_mem>>) src(%dma_wait3A_504 : memref<16384xf32, #tpu.memory_space<hbm>>) dst(%arg9 : memref<16384xf32, #tpu.memory_space<vmem>>)
    %add3A_505 = arith.constant 491520 : i32
    %add3A_506 = arith.addi %mul3A_2, %add3A_505 : i32
    %dma_start3A_507 = tpu.memref_slice %arg2[%add3A_506] : memref<16777216xf32, #tpu.memory_space<hbm>> -> memref<16384xf32, #tpu.memory_space<hbm>>
    %dma_start3A_508 = tpu.memref_slice %arg2[%add3A_506] : memref<16777216xf32, #tpu.memory_space<hbm>> -> memref<16384xf32, #tpu.memory_space<hbm>>
    tpu.enqueue_dma source(%dma_start3A_508 : memref<16384xf32, #tpu.memory_space<hbm>>) target(%arg8 : memref<16384xf32, #tpu.memory_space<vmem>>) target_semaphore(%arg13 : memref<!tpu.dma_semaphore, #tpu.memory_space<semaphore_mem>>)
    %dma_wait3A_509 = tpu.memref_slice %arg4[%add3A_485] : memref<16777216xi32, #tpu.memory_space<hbm>> -> memref<16384xi32, #tpu.memory_space<hbm>>
    %dma_wait3A_510 = tpu.memref_slice %arg4[%add3A_485] : memref<16777216xi32, #tpu.memory_space<hbm>> -> memref<16384xi32, #tpu.memory_space<hbm>>
    tpu.wait_dma2 semaphore(%arg16 : memref<!tpu.dma_semaphore, #tpu.memory_space<semaphore_mem>>) src(%arg11 : memref<16384xi32, #tpu.memory_space<vmem>>) dst(%dma_wait3A_510 : memref<16384xi32, #tpu.memory_space<hbm>>)
    %parallel_loop3A_511 = arith.constant 0 : i32
    %parallel_loop3A_512 = arith.constant 16384 : i32
    %parallel_loop3A_513 = arith.constant 16 : i32
    scf.for %parallel_loop3A_559 = %parallel_loop3A_511 to %parallel_loop3A_512 step %parallel_loop3A_513  : i32 {
      %parallel_loop3A_560 = arith.index_cast %parallel_loop3A_559 : i32 to index
      %parallel_loop3A_561 = tpu.vector_load %arg9[%parallel_loop3A_560] {strides = array<i32>} : memref<16384xf32, #tpu.memory_space<vmem>>, vector<16xf32>,
      %parallel_loop3A_562 = arith.mulf %parallel_loop3A_561, %div3A_77 : vector<16xf32>
      %parallel_loop3A_563 = arith.addf %parallel_loop3A_562, %sub3A_81 : vector<16xf32>
      %parallel_loop3A_564 = arith.fptosi %parallel_loop3A_563 : vector<16xf32> to vector<16xi32>
      %parallel_loop3A_565 = arith.index_cast %parallel_loop3A_559 : i32 to index
      %parallel_loop3A_566 = tpu.vector_load %arg11[%parallel_loop3A_565] {strides = array<i32>} : memref<16384xi32, #tpu.memory_space<vmem>>, vector<16xi32>,
      tpu.vector_store %arg11[%parallel_loop3A_565], %parallel_loop3A_564 {strides = array<i32>} : memref<16384xi32, #tpu.memory_space<vmem>>, vector<16xi32>,
    } {sc.loop_unroll_factor = 16 : i64, sc.parallel_access}
    %add3A_514 = arith.constant 458752 : i32
    %add3A_515 = arith.addi %mul3A_2, %add3A_514 : i32
    %dma_start3A_516 = tpu.memref_slice %arg4[%add3A_515] : memref<16777216xi32, #tpu.memory_space<hbm>> -> memref<16384xi32, #tpu.memory_space<hbm>>
    %dma_start3A_517 = tpu.memref_slice %arg4[%add3A_515] : memref<16777216xi32, #tpu.memory_space<hbm>> -> memref<16384xi32, #tpu.memory_space<hbm>>
    tpu.enqueue_dma source(%arg11 : memref<16384xi32, #tpu.memory_space<vmem>>) target(%dma_start3A_517 : memref<16384xi32, #tpu.memory_space<hbm>>) target_semaphore(%arg16 : memref<!tpu.dma_semaphore, #tpu.memory_space<semaphore_mem>>)
    %dma_wait3A_518 = tpu.memref_slice %arg2[%add3A_491] : memref<16777216xf32, #tpu.memory_space<hbm>> -> memref<16384xf32, #tpu.memory_space<hbm>>
    %dma_wait3A_519 = tpu.memref_slice %arg2[%add3A_491] : memref<16777216xf32, #tpu.memory_space<hbm>> -> memref<16384xf32, #tpu.memory_space<hbm>>
    tpu.wait_dma2 semaphore(%arg15 : memref<!tpu.dma_semaphore, #tpu.memory_space<semaphore_mem>>) src(%dma_wait3A_519 : memref<16384xf32, #tpu.memory_space<hbm>>) dst(%arg10 : memref<16384xf32, #tpu.memory_space<vmem>>)
    %add3A_520 = arith.constant 507904 : i32
    %add3A_521 = arith.addi %mul3A_2, %add3A_520 : i32
    %dma_start3A_522 = tpu.memref_slice %arg2[%add3A_521] : memref<16777216xf32, #tpu.memory_space<hbm>> -> memref<16384xf32, #tpu.memory_space<hbm>>
    %dma_start3A_523 = tpu.memref_slice %arg2[%add3A_521] : memref<16777216xf32, #tpu.memory_space<hbm>> -> memref<16384xf32, #tpu.memory_space<hbm>>
    tpu.enqueue_dma source(%dma_start3A_523 : memref<16384xf32, #tpu.memory_space<hbm>>) target(%arg9 : memref<16384xf32, #tpu.memory_space<vmem>>) target_semaphore(%arg14 : memref<!tpu.dma_semaphore, #tpu.memory_space<semaphore_mem>>)
    %dma_wait3A_524 = tpu.memref_slice %arg4[%add3A_500] : memref<16777216xi32, #tpu.memory_space<hbm>> -> memref<16384xi32, #tpu.memory_space<hbm>>
    %dma_wait3A_525 = tpu.memref_slice %arg4[%add3A_500] : memref<16777216xi32, #tpu.memory_space<hbm>> -> memref<16384xi32, #tpu.memory_space<hbm>>
    tpu.wait_dma2 semaphore(%arg17 : memref<!tpu.dma_semaphore, #tpu.memory_space<semaphore_mem>>) src(%arg12 : memref<16384xi32, #tpu.memory_space<vmem>>) dst(%dma_wait3A_525 : memref<16384xi32, #tpu.memory_space<hbm>>)
    %parallel_loop3A_526 = arith.constant 0 : i32
    %parallel_loop3A_527 = arith.constant 16384 : i32
    %parallel_loop3A_528 = arith.constant 16 : i32
    scf.for %parallel_loop3A_559 = %parallel_loop3A_526 to %parallel_loop3A_527 step %parallel_loop3A_528  : i32 {
      %parallel_loop3A_560 = arith.index_cast %parallel_loop3A_559 : i32 to index
      %parallel_loop3A_561 = tpu.vector_load %arg10[%parallel_loop3A_560] {strides = array<i32>} : memref<16384xf32, #tpu.memory_space<vmem>>, vector<16xf32>,
      %parallel_loop3A_562 = arith.mulf %parallel_loop3A_561, %div3A_77 : vector<16xf32>
      %parallel_loop3A_563 = arith.addf %parallel_loop3A_562, %sub3A_81 : vector<16xf32>
      %parallel_loop3A_564 = arith.fptosi %parallel_loop3A_563 : vector<16xf32> to vector<16xi32>
      %parallel_loop3A_565 = arith.index_cast %parallel_loop3A_559 : i32 to index
      %parallel_loop3A_566 = tpu.vector_load %arg12[%parallel_loop3A_565] {strides = array<i32>} : memref<16384xi32, #tpu.memory_space<vmem>>, vector<16xi32>,
      tpu.vector_store %arg12[%parallel_loop3A_565], %parallel_loop3A_564 {strides = array<i32>} : memref<16384xi32, #tpu.memory_space<vmem>>, vector<16xi32>,
    } {sc.loop_unroll_factor = 16 : i64, sc.parallel_access}
    %add3A_529 = arith.constant 475136 : i32
    %add3A_530 = arith.addi %mul3A_2, %add3A_529 : i32
    %dma_start3A_531 = tpu.memref_slice %arg4[%add3A_530] : memref<16777216xi32, #tpu.memory_space<hbm>> -> memref<16384xi32, #tpu.memory_space<hbm>>
    %dma_start3A_532 = tpu.memref_slice %arg4[%add3A_530] : memref<16777216xi32, #tpu.memory_space<hbm>> -> memref<16384xi32, #tpu.memory_space<hbm>>
    tpu.enqueue_dma source(%arg12 : memref<16384xi32, #tpu.memory_space<vmem>>) target(%dma_start3A_532 : memref<16384xi32, #tpu.memory_space<hbm>>) target_semaphore(%arg17 : memref<!tpu.dma_semaphore, #tpu.memory_space<semaphore_mem>>)
    %dma_wait3A_533 = tpu.memref_slice %arg2[%add3A_506] : memref<16777216xf32, #tpu.memory_space<hbm>> -> memref<16384xf32, #tpu.memory_space<hbm>>
    %dma_wait3A_534 = tpu.memref_slice %arg2[%add3A_506] : memref<16777216xf32, #tpu.memory_space<hbm>> -> memref<16384xf32, #tpu.memory_space<hbm>>
    tpu.wait_dma2 semaphore(%arg13 : memref<!tpu.dma_semaphore, #tpu.memory_space<semaphore_mem>>) src(%dma_wait3A_534 : memref<16384xf32, #tpu.memory_space<hbm>>) dst(%arg8 : memref<16384xf32, #tpu.memory_space<vmem>>)
    %dma_wait3A_535 = tpu.memref_slice %arg4[%add3A_515] : memref<16777216xi32, #tpu.memory_space<hbm>> -> memref<16384xi32, #tpu.memory_space<hbm>>
    %dma_wait3A_536 = tpu.memref_slice %arg4[%add3A_515] : memref<16777216xi32, #tpu.memory_space<hbm>> -> memref<16384xi32, #tpu.memory_space<hbm>>
    tpu.wait_dma2 semaphore(%arg16 : memref<!tpu.dma_semaphore, #tpu.memory_space<semaphore_mem>>) src(%arg11 : memref<16384xi32, #tpu.memory_space<vmem>>) dst(%dma_wait3A_536 : memref<16384xi32, #tpu.memory_space<hbm>>)
    %parallel_loop3A_537 = arith.constant 0 : i32
    %parallel_loop3A_538 = arith.constant 16384 : i32
    %parallel_loop3A_539 = arith.constant 16 : i32
    scf.for %parallel_loop3A_559 = %parallel_loop3A_537 to %parallel_loop3A_538 step %parallel_loop3A_539  : i32 {
      %parallel_loop3A_560 = arith.index_cast %parallel_loop3A_559 : i32 to index
      %parallel_loop3A_561 = tpu.vector_load %arg8[%parallel_loop3A_560] {strides = array<i32>} : memref<16384xf32, #tpu.memory_space<vmem>>, vector<16xf32>,
      %parallel_loop3A_562 = arith.mulf %parallel_loop3A_561, %div3A_77 : vector<16xf32>
      %parallel_loop3A_563 = arith.addf %parallel_loop3A_562, %sub3A_81 : vector<16xf32>
      %parallel_loop3A_564 = arith.fptosi %parallel_loop3A_563 : vector<16xf32> to vector<16xi32>
      %parallel_loop3A_565 = arith.index_cast %parallel_loop3A_559 : i32 to index
      %parallel_loop3A_566 = tpu.vector_load %arg11[%parallel_loop3A_565] {strides = array<i32>} : memref<16384xi32, #tpu.memory_space<vmem>>, vector<16xi32>,
      tpu.vector_store %arg11[%parallel_loop3A_565], %parallel_loop3A_564 {strides = array<i32>} : memref<16384xi32, #tpu.memory_space<vmem>>, vector<16xi32>,
    } {sc.loop_unroll_factor = 16 : i64, sc.parallel_access}
    %add3A_540 = arith.constant 491520 : i32
    %add3A_541 = arith.addi %mul3A_2, %add3A_540 : i32
    %dma_start3A_542 = tpu.memref_slice %arg4[%add3A_541] : memref<16777216xi32, #tpu.memory_space<hbm>> -> memref<16384xi32, #tpu.memory_space<hbm>>
    %dma_start3A_543 = tpu.memref_slice %arg4[%add3A_541] : memref<16777216xi32, #tpu.memory_space<hbm>> -> memref<16384xi32, #tpu.memory_space<hbm>>
    tpu.enqueue_dma source(%arg11 : memref<16384xi32, #tpu.memory_space<vmem>>) target(%dma_start3A_543 : memref<16384xi32, #tpu.memory_space<hbm>>) target_semaphore(%arg16 : memref<!tpu.dma_semaphore, #tpu.memory_space<semaphore_mem>>)
    %dma_wait3A_544 = tpu.memref_slice %arg2[%add3A_521] : memref<16777216xf32, #tpu.memory_space<hbm>> -> memref<16384xf32, #tpu.memory_space<hbm>>
    %dma_wait3A_545 = tpu.memref_slice %arg2[%add3A_521] : memref<16777216xf32, #tpu.memory_space<hbm>> -> memref<16384xf32, #tpu.memory_space<hbm>>
    tpu.wait_dma2 semaphore(%arg14 : memref<!tpu.dma_semaphore, #tpu.memory_space<semaphore_mem>>) src(%dma_wait3A_545 : memref<16384xf32, #tpu.memory_space<hbm>>) dst(%arg9 : memref<16384xf32, #tpu.memory_space<vmem>>)
    %dma_wait3A_546 = tpu.memref_slice %arg4[%add3A_530] : memref<16777216xi32, #tpu.memory_space<hbm>> -> memref<16384xi32, #tpu.memory_space<hbm>>
    %dma_wait3A_547 = tpu.memref_slice %arg4[%add3A_530] : memref<16777216xi32, #tpu.memory_space<hbm>> -> memref<16384xi32, #tpu.memory_space<hbm>>
    tpu.wait_dma2 semaphore(%arg17 : memref<!tpu.dma_semaphore, #tpu.memory_space<semaphore_mem>>) src(%arg12 : memref<16384xi32, #tpu.memory_space<vmem>>) dst(%dma_wait3A_547 : memref<16384xi32, #tpu.memory_space<hbm>>)
    %parallel_loop3A_548 = arith.constant 0 : i32
    %parallel_loop3A_549 = arith.constant 16384 : i32
    %parallel_loop3A_550 = arith.constant 16 : i32
    scf.for %parallel_loop3A_559 = %parallel_loop3A_548 to %parallel_loop3A_549 step %parallel_loop3A_550  : i32 {
      %parallel_loop3A_560 = arith.index_cast %parallel_loop3A_559 : i32 to index
      %parallel_loop3A_561 = tpu.vector_load %arg9[%parallel_loop3A_560] {strides = array<i32>} : memref<16384xf32, #tpu.memory_space<vmem>>, vector<16xf32>,
      %parallel_loop3A_562 = arith.mulf %parallel_loop3A_561, %div3A_77 : vector<16xf32>
      %parallel_loop3A_563 = arith.addf %parallel_loop3A_562, %sub3A_81 : vector<16xf32>
      %parallel_loop3A_564 = arith.fptosi %parallel_loop3A_563 : vector<16xf32> to vector<16xi32>
      %parallel_loop3A_565 = arith.index_cast %parallel_loop3A_559 : i32 to index
      %parallel_loop3A_566 = tpu.vector_load %arg12[%parallel_loop3A_565] {strides = array<i32>} : memref<16384xi32, #tpu.memory_space<vmem>>, vector<16xi32>,
      tpu.vector_store %arg12[%parallel_loop3A_565], %parallel_loop3A_564 {strides = array<i32>} : memref<16384xi32, #tpu.memory_space<vmem>>, vector<16xi32>,
    } {sc.loop_unroll_factor = 16 : i64, sc.parallel_access}
    %add3A_551 = arith.constant 507904 : i32
    %add3A_552 = arith.addi %mul3A_2, %add3A_551 : i32
    %dma_start3A_553 = tpu.memref_slice %arg4[%add3A_552] : memref<16777216xi32, #tpu.memory_space<hbm>> -> memref<16384xi32, #tpu.memory_space<hbm>>
    %dma_start3A_554 = tpu.memref_slice %arg4[%add3A_552] : memref<16777216xi32, #tpu.memory_space<hbm>> -> memref<16384xi32, #tpu.memory_space<hbm>>
    tpu.enqueue_dma source(%arg12 : memref<16384xi32, #tpu.memory_space<vmem>>) target(%dma_start3A_554 : memref<16384xi32, #tpu.memory_space<hbm>>) target_semaphore(%arg17 : memref<!tpu.dma_semaphore, #tpu.memory_space<semaphore_mem>>)
    %dma_wait3A_555 = tpu.memref_slice %arg4[%add3A_541] : memref<16777216xi32, #tpu.memory_space<hbm>> -> memref<16384xi32, #tpu.memory_space<hbm>>
    %dma_wait3A_556 = tpu.memref_slice %arg4[%add3A_541] : memref<16777216xi32, #tpu.memory_space<hbm>> -> memref<16384xi32, #tpu.memory_space<hbm>>
    tpu.wait_dma2 semaphore(%arg16 : memref<!tpu.dma_semaphore, #tpu.memory_space<semaphore_mem>>) src(%arg11 : memref<16384xi32, #tpu.memory_space<vmem>>) dst(%dma_wait3A_556 : memref<16384xi32, #tpu.memory_space<hbm>>)
    %dma_wait3A_557 = tpu.memref_slice %arg4[%add3A_552] : memref<16777216xi32, #tpu.memory_space<hbm>> -> memref<16384xi32, #tpu.memory_space<hbm>>
    %dma_wait3A_558 = tpu.memref_slice %arg4[%add3A_552] : memref<16777216xi32, #tpu.memory_space<hbm>> -> memref<16384xi32, #tpu.memory_space<hbm>>
    tpu.wait_dma2 semaphore(%arg17 : memref<!tpu.dma_semaphore, #tpu.memory_space<semaphore_mem>>) src(%arg12 : memref<16384xi32, #tpu.memory_space<vmem>>) dst(%dma_wait3A_558 : memref<16384xi32, #tpu.memory_space<hbm>>)
    return
  }
}

module attributes {stable_mosaic.version = 14 : i64} {
  func.func @body(%arg0: i32, %arg1: memref<16384x128xf32, #tpu.memory_space<vmem>>, %arg2: memref<8x128xf32, #tpu.memory_space<vmem>>) attributes {dimension_semantics = [#tpu.dimension_semantics<arbitrary>], iteration_bounds = array<i64: 8>, scalar_prefetch = 0 : i64, scratch_operands = 0 : i64, tpu.core_type = #tpu.core_type<tc>, window_params = [{transform_indices = @transform_0, window_bounds = array<i64: 16384, 128>}, {transform_indices = @transform_1, window_bounds = array<i64: 8, 128>}]} {
    %get3A = arith.constant 0 : index
    %get3A_0 = arith.constant 0 : index
    %get3A_1 = vector.load %arg1[%get3A, %get3A_0] : memref<16384x128xf32, #tpu.memory_space<vmem>>, vector<16384x128xf32>
    %reshape3A = vector.shape_cast %get3A_1 : vector<16384x128xf32> to vector<4x4096x128xf32>
    %reduce_min3A = arith.constant dense<0x7F800000> : vector<4x128xf32>
    %reduce_min3A_2 = vector.multi_reduction <minimumf>, %reshape3A, %reduce_min3A [1] : vector<4x4096x128xf32> to vector<4x128xf32>
    %swap3A = arith.constant 0 : index
    %swap3A_3 = arith.constant 0 : index
    %swap3A_4 = vector.load %arg2[%swap3A, %swap3A_3] : memref<8x128xf32, #tpu.memory_space<vmem>>, vector<4x128xf32>
    tpu.vector_store %arg2[%swap3A, %swap3A_3], %reduce_min3A_2 {strides = array<i32>} : memref<8x128xf32, #tpu.memory_space<vmem>>, vector<4x128xf32>,
    %reduce_max3A = arith.constant dense<0xFF800000> : vector<4x128xf32>
    %reduce_max3A_5 = vector.multi_reduction <maximumf>, %reshape3A, %reduce_max3A [1] : vector<4x4096x128xf32> to vector<4x128xf32>
    %swap3A_6 = arith.constant 4 : index
    %swap3A_7 = arith.constant 0 : index
    %swap3A_8 = vector.load %arg2[%swap3A_6, %swap3A_7] : memref<8x128xf32, #tpu.memory_space<vmem>>, vector<4x128xf32>
    tpu.vector_store %arg2[%swap3A_6, %swap3A_7], %reduce_max3A_5 {strides = array<i32>} : memref<8x128xf32, #tpu.memory_space<vmem>>, vector<4x128xf32>,
    return
  }
  func.func @transform_0(%arg0: i32) -> (i32, i32) {
    %c0_i32 = arith.constant 0 : i32
    %c0_i32_0 = arith.constant 0 : i32
    return %arg0, %c0_i32 : i32, i32
  }
  func.func @transform_1(%arg0: i32) -> (i32, i32) {
    %c0_i32 = arith.constant 0 : i32
    %c0_i32_0 = arith.constant 0 : i32
    return %arg0, %c0_i32 : i32, i32
  }
}

</mosaic_0001>

<sc_bundles>
// kernel: kernel.4.cloned.1.call-start
scs
__scs_entry_jumppad:
0x0: {  	(pc) =	sbr.rel $0x88, $3  }
0x1: {  	(tag) =	ssettag $0x0;
	lr =	simm.s32 $0x1  }
0x2: {  	[smem:$0x3FA0] =	sst lr;
	_ =	strace $0xD0000000  }
0x3: {  	_ = 	snop  }
0x4: {  	_ = 	snop  }
0x5: {  	_ = 	snop  }
0x6: {  	_ = 	snop  }
0x7: {  	_ = 	snop  }
__scs_overlays_trampoline_lowered:
0x8: {  	[smem:$0x3FAF] =	sst s0  }
0x9: {  	[smem:$0x3FB0] =	sst s1  }
0xa: {  	[smem:$0x3FB1] =	sst s2  }
0xb: {  	[smem:$0x3FB2] =	sst s3  }
0xc: {  	[smem:$0x3FB3] =	sst s4  }
0xd: {  	[smem:$0x3FB4] =	sst s5  }
0xe: {  	[smem:$0x3FB5] =	sst s6  }
0xf: {  	[smem:$0x3FB6] =	sst s7  }
0x10: {  	[smem:$0x3FB7] =	sst s8  }
0x11: {  	[smem:$0x3FB8] =	sst s9;
	s0 =	simm.s32 @!p0 $0x0  }
0x12: {  	s1 =	sld [smem:$0x3F9E];
	s0 =	simm.s32 @p0 $0x1  }
0x13: {  	[smem:$0x3FB9] =	sst s0;
	s0 =	simm.s32 @!p1 $0x0  }
0x14: {  	s2 =	sld [smem:$0x3F9D];
	s0 =	simm.s32 @p1 $0x1  }
0x15: {  	[smem:$0x3FBA] =	sst s0;
	s0 =	simm.s32 @!p2 $0x0  }
0x16: {  	s3 =	sld [smem:$0x3FDB];
	s0 =	simm.s32 @p2 $0x1  }
0x17: {  	s4 =	simm.s32 $0x1BF5;
	[smem:$0x3FBC] =	sst s0  }
0x18: {  	s0 =	sld [smem:$0x3F9F];
	_ =	swait.ge [sflag:s4], $0x0  }
0x19: {  	s7 =	sld [smem:$0x3FA0]  }
0x1a: {  	s8 =	sadd.s32 $0xFFFFE003, lr  }
0x1b: {  	s9 =	sadd.s32 $0xFFFFFEF7, lr;
	s5 =	simm.s32 $0xFFFFFFFF;
	p2 =	slt.u32 s8, $0xFFFFF086  }
0x1c: {  	p1 =	slt.u32 s9, $0xF7A;
	s5 =	simm.s32 @!p2 $0x0  }
0x1d: {  	s5 =	simm.s32 @p1 $0x1;
	p0 =	seq.s32 s7, s2  }
0x1e: {  	s7 =	smul.u32 @!p0 $0xF7A, s2;
	p2 =	seq.s32 @!p0 s5, $0x0  }
0x1f: {  	s9 =	smul.u32 $0xF7A, s1;
	s8 =	simm.s32 @!p0 $0x1BF5;
	p2 =	por !p2, p0  }
0x20: {  	[sflag:s8] =	ssyncset.s32 @!p0 $0xFFFFF086;
	s6 =	sadd.s32 @!p0 s3, s7;
	s7 =	simm.s32 @!p0 $0x108  }
0x21: {  	s3 =	sadd.s32 s3, s9;
	s6 =	sadd.s32 @!p0 $0x88, s6;
	s7 =	simm.s32 @p2 $0x1082  }
0x22: {  	[simem:s7], [sflag:s8] =	dma.local @!p0 [hbm:s6], $0xF7A  }
0x23: {  	s9 =	sor.u32 $0xD0000000, s2;
	s6 =	simm.s32 $0x108;
	_ =	swait.ge @!p0 [sflag:s8], $0x0  }
0x24: {  	s3 =	sadd.s32 $0x88, s3;
	s6 =	simm.s32 @!p1 $0x1082;
	[sflag:s4] =	ssyncset.s32 $0xFFFFF086  }
0x25: {  	[simem:s6], [sflag:s4] =	dma.local [hbm:s3], $0xF7A  }
0x26: {  	[smem:$0x3FA0] =	sst s1;
	(tag) =	ssettag s2;
	_ =	strace s9  }
0x27: {  	s1 =	sld [smem:$0x3FB0]  }
0x28: {  	s2 =	sld [smem:$0x3FB1]  }
0x29: {  	s4 =	sld [smem:$0x3FB3]  }
0x2a: {  	p0 =	seq.s32 s5, $0x0;
	s5 =	sld [smem:$0x3FB4]  }
0x2b: {  	s6 =	sld [smem:$0x3FB5]  }
0x2c: {  	s7 =	sld [smem:$0x3FB6]  }
0x2d: {  	s3 =	simm.s32 $0x108;
	s8 =	sld [smem:$0x3FB7]  }
0x2e: {  	s3 =	simm.s32 @!p0 $0x1082;
	s9 =	sld [smem:$0x3FB8]  }
0x2f: {  	lr =	sadd.s32 s0, s3;
	s0 =	sld [smem:$0x3FAF]  }
0x30: {  	s3 =	sld [smem:$0x3FB2]  }
0x31: {  	[smem:$0x3FBB] =	sst s10  }
0x32: {  	s10 =	sld [smem:$0x3FB9];
	_ =	sdelay $0x3  }
0x33: {  	p0 =	seq.s32 s10, $0x1;
	s10 =	sld [smem:$0x3FBB];
	_ =	sdelay $0x3  }
0x34: {  	[smem:$0x3FBB] =	sst s10  }
0x35: {  	s10 =	sld [smem:$0x3FBA];
	_ =	sdelay $0x3  }
0x36: {  	p1 =	seq.s32 s10, $0x1;
	s10 =	sld [smem:$0x3FBB];
	_ =	sdelay $0x3  }
0x37: {  	[smem:$0x3FBB] =	sst s10  }
0x38: {  	s10 =	sld [smem:$0x3FBC]  }
0x39: {  	_ = 	snop;
	(pc) =	sbr.ind lr, $3  }
0x3a: {  	_ = 	snop  }
0x3b: {  	_ = 	snop  }
0x3c: {  	p2 =	seq.s32 s10, $0x1;
	s10 =	sld [smem:$0x3FBB]  }
0x3d: {  	_ =	shalt  }
0x3e: {  	_ =	shalt  }
0x3f: {  	_ =	shalt  }
0x40: {  	_ =	shalt  }
0x41: {  	_ =	shalt  }
0x42: {  	_ =	shalt  }
0x43: {  	_ =	shalt  }
0x44: {  	_ =	shalt  }
0x45: {  	_ =	shalt  }
0x46: {  	_ =	shalt  }
0x47: {  	_ =	shalt  }
0x48: {  	_ =	shalt  }
0x49: {  	_ =	shalt  }
0x4a: {  	_ =	shalt  }
0x4b: {  	_ =	shalt  }
0x4c: {  	_ =	shalt  }
0x4d: {  	_ =	shalt  }
0x4e: {  	_ =	shalt  }
0x4f: {  	_ =	shalt  }
0x50: {  	_ =	shalt  }
0x51: {  	_ =	shalt  }
0x52: {  	_ =	shalt  }
0x53: {  	_ =	shalt  }
0x54: {  	_ =	shalt  }
0x55: {  	_ =	shalt  }
0x56: {  	_ =	shalt  }
0x57: {  	_ =	shalt  }
0x58: {  	_ =	shalt  }
0x59: {  	_ =	shalt  }
0x5a: {  	_ =	shalt  }
0x5b: {  	_ =	shalt  }
0x5c: {  	_ =	shalt  }
0x5d: {  	_ =	shalt  }
0x5e: {  	_ =	shalt  }
0x5f: {  	_ =	shalt  }
0x60: {  	_ =	shalt  }
0x61: {  	_ =	shalt  }
0x62: {  	_ =	shalt  }
0x63: {  	_ =	shalt  }
0x64: {  	_ =	shalt  }
0x65: {  	_ =	shalt  }
0x66: {  	_ =	shalt  }
0x67: {  	_ =	shalt  }
0x68: {  	_ =	shalt  }
0x69: {  	_ =	shalt  }
0x6a: {  	_ =	shalt  }
0x6b: {  	_ =	shalt  }
0x6c: {  	_ =	shalt  }
0x6d: {  	_ =	shalt  }
0x6e: {  	_ =	shalt  }
0x6f: {  	_ =	shalt  }
0x70: {  	_ =	shalt  }
0x71: {  	_ =	shalt  }
0x72: {  	_ =	shalt  }
0x73: {  	_ =	shalt  }
0x74: {  	_ =	shalt  }
0x75: {  	_ =	shalt  }
0x76: {  	_ =	shalt  }
0x77: {  	_ =	shalt  }
0x78: {  	_ =	shalt  }
0x79: {  	_ =	shalt  }
0x7a: {  	_ =	shalt  }
0x7b: {  	_ =	shalt  }
0x7c: {  	_ =	shalt  }
0x7d: {  	_ =	shalt  }
0x7e: {  	_ =	shalt  }
0x7f: {  	_ =	shalt  }
0x80: {  	_ =	shalt  }
0x81: {  	_ =	shalt  }
0x82: {  	_ =	shalt  }
0x83: {  	_ =	shalt  }
0x84: {  	_ =	shalt  }
0x85: {  	_ =	shalt  }
0x86: {  	_ =	shalt  }
0x87: {  	_ =	shalt  }
.Lfunc_end0:
.L_simem_size_0:
called_computation_lowered:
.L_overlay_start_0:
0x88: {  	s2 =	sld [smem:$0x3FD9]  }
0x89: {  	s3 =	sld [smem:$0x3FFE];
	_ =	sdelay $0x1  }
0x8a: {  	s1 =	srdreg.scid  }
0x8b: {  	s0 =	sand.u32 $0x1, s1  }
0x8c: {  	s17 =	sshll.u32 s0, $0xA;
	s2 =	sadd.s32 s3, s2  }
0x8d: {  	s2 =	sadd.s32 s2, s17  }
0x8e: {  	[smem:$0x3FC7] =	sst s2  }
0x8f: {  	_ = 	snop  }
0x90: {  	s2 =	sld [smem:$0x3FC9]  }
0x91: {  	s18 =	sld [smem:$0x3FD0];
	(tm) =	ssettm $0x1  }
0x92: {  	s4 =	sld [smem:$0x3FFB];
	_ =	sdelay $0x3  }
0x93: {  	_ =	strace s4  }
0x94: {  	s4 =	sld [smem:$0x3FFC];
	_ =	sdelay $0x3  }
0x95: {  	_ =	strace s4  }
0x96: {  	s4 =	sld [smem:$0x3FFD];
	_ =	sdelay $0x3  }
0x97: {  	_ =	strace s4  }
0x98: {  	_ =	strace $0x8FFFFFFF  }
0x99: {  	s19 =	sld [smem:$0x3FDB];
	_ =	sdelay $0x1  }
0x9a: {  	s5 =	simm.s32 $_scs_section_size  }
0x9b: {  	s6 =	simm.s32 $_size__tile_overlayer_lowered;
	s7 =	simm.s32 $_tile_overlayer_lowered  }
0x9c: {  	s22 =	simm.s32 $0x1BFF;
	s21 =	sshll.u32 s7, $0x1;
	s4 =	sadd.s32 s5, s19  }
0x9d: {  	s8 =	simm.s32 $0x0;
	s20 =	sshll.u32 s6, $0x1;
	s6 =	sadd.s32 s21, s4  }
0x9e: {  	[timem:s8], [sflag:s22] =	dma.local [hbm:s6], s20  }
0x9f: {  	_ =	swait.ge [sflag:s22], s20  }
0xa0: {  	s5 =	ssub.s32 $0x0, s20;
	[sflag:s22] =	ssyncset.done $0x0  }
0xa1: {  	[sflag:s22] =	ssyncadd.s32 s5;
	_ =	sdelay $0x1  }
0xa2: {  	s23 =	simm.s32 $0x1B8B  }
0xa3: {  	_ =	swait.ge [sflag:s23], $0x1  }
0xa4: {  	[sflag:s23] =	ssyncset.done $0x0  }
0xa5: {  	s25 =	simm.s32 $0x1B8E;
	s24 =	sld [smem:$0x3FFE];
	[sflag:s23] =	ssyncadd.s32 $0xFFFFFFFF  }
0xa6: {  	s26 =	simm.s32 $execute0_lowered;
	[smem:$0x3FD2] =	sst s25  }
0xa7: {  	s6 =	sshll.u32 s26, $0x1;
	_ =	strace $0x80000046;
	[dreg:$0x1] =	wrdreg $0xFFFFFFFF  }
0xa8: {  	s28 =	simm.s32 $_size_execute0_lowered;
	s4 =	sadd.s32 s4, s6;
	[dreg:$0x0] =	wrdreg $0x0  }
0xa9: {  	s6 =	sshll.u32 s28, $0x1;
	[dreg:$0x2] =	wrdreg s4  }
0xaa: {  	[dreg:$0x3] =	wrdreg s6  }
0xab: {  	[dreg:$0x4] =	wrdreg $0xC0  }
0xac: {  	_ =	task [dreg:s8], $0x5FFFF  }
0xad: {  	[dreg:$0x1] =	wrdreg $0xFFFFFFFF  }
0xae: {  	[dreg:$0x0] =	wrdreg $0x60  }
0xaf: {  	[dreg:$0x2] =	wrdreg s2  }
0xb0: {  	[dreg:$0x3] =	wrdreg s24  }
0xb1: {  	[dreg:$0x4] =	wrdreg s18  }
0xb2: {  	[dreg:$0x5] =	wrdreg $0x9  }
0xb3: {  	_ =	task.clear_ibuf [dreg:s8], $0x6FFFF;
	_ =	strace $0x90000046  }
0xb4: {  	s29 =	simm.s32 $0x9;
	_ =	strace $0x80000048  }
0xb5: {  	_ =	swait.ge [sflag:s29], $0x1  }
0xb6: {  	[sflag:s29] =	ssyncadd.s32 $0xFFFFFFFF  }
0xb7: {  	_ =	strace $0x90000048  }
0xb8: {  	_ =	sfence  }
0xb9: {  	s30 =	sld [smem:$0x0];
	_ =	sdelay $0x2  }
0xba: {  	s31 =	sshll.u32 s1, $0xD;
	s1 =	sshrl.u32 s1, $0x2  }
0xbb: {  	s3 =	sand.u32 $0x4000, s31;
	s1 =	sadd.s32 s1, s30  }
0xbc: {  	s0 =	sor.u32 s3, s0;
	s1 =	sshll.u32 s1, $0x11  }
0xbd: {  	s0 =	sor.u32 s1, s0  }
0xbe: {  	s0 =	sadd.s32 $0x8F2B, s0  }
0xbf: {  	[sflag:s0] =	ssyncadd.remote.s32 $0x1  }
0xc0: {  	_ =	sfence.sel $0xFFFF  }
0xc1: {  	[dreg:$0x0] =	wrdreg $0xFFFFFFFF;
	(pc) =	sbr.abs _section_cstart, $3  }
0xc2: {  	[dreg:$0x1] =	wrdreg $0xFFFFFFFF  }
0xc3: {  	_ =	task.clear_ibuf [dreg:s8], $0x2FFFF;
	_ =	strace $0x9FFFFFFF  }
0xc4: {  	(tm) =	ssettm $0x7FFFFFFF  }
0xc5: {  	_ =	shalt  }
tec
execute0_lowered:
.L_overlay_start_1:
0x0: {  	(tag) =	ssettag $0x1  }
0x1: {  	s0 =	srdreg.scid  }
0x2: {  	s1 =	stileid.u32;
	s0 =	sand.u32 $0x1, s0  }
0x3: {  	s3 =	sshll.u32 s1, $0x11;
	s4 =	sshll.u32 s0, $0x10  }
0x4: {  	s2 =	rddreg [dreg:$0x0];
	s6 =	ssub.s32 $0x2, s0;
	s0 =	sor.u32 s4, s3  }
0x5: {  	s5 =	rddreg [dreg:$0x2];
	s1 =	simm.s32 $0x0;
	s4 =	sor.u32 $0x800, s0  }
0x6: {  	[smem:$0x7FF] =	sst s1;
	s26 =	sor.u32 $0x1000, s0;
	s25 =	sadd.s32 s2, s4  }
0x7: {  	s24 =	sshrl.u32 s6, $0x1;
	s9 =	sadd.s32 s2, s26;
	[dreg:$0x4] =	wrdreg s25  }
0x8: {  	s8 =	sor.u32 $0x2000, s0;
	s4 =	sadd.s32 s5, s4;
	[dreg:$0x5] =	wrdreg s9  }
0x9: {  	s7 =	ssub.s32 s6, s24;
	s11 =	sadd.s32 s2, s8;
	[dreg:$0x7] =	wrdreg s4  }
0xa: {  	s12 =	sor.u32 $0x2800, s0;
	s3 =	sadd.s32 s5, s26;
	[dreg:$0x8] =	wrdreg s11  }
0xb: {  	s10 =	sor.u32 $0x1800, s0;
	s14 =	sadd.s32 s2, s12;
	[dreg:$0x9] =	wrdreg s3  }
0xc: {  	s13 =	sor.u32 $0x3000, s0;
	s6 =	sadd.s32 s5, s10;
	[dreg:$0xa] =	wrdreg s14  }
0xd: {  	s15 =	sadd.s32 s2, s13;
	[dreg:$0xb] =	wrdreg s6  }
0xe: {  	s17 =	sor.u32 $0x3800, s0;
	s16 =	sadd.s32 s5, s8;
	[dreg:$0xc] =	wrdreg s15  }
0xf: {  	s18 =	sor.u32 $0x4000, s0;
	s19 =	sadd.s32 s2, s17;
	[dreg:$0xd] =	wrdreg s16  }
0x10: {  	s20 =	sadd.s32 s2, s18;
	[dreg:$0xe] =	wrdreg s19  }
0x11: {  	s22 =	sor.u32 $0x4800, s0;
	s21 =	sadd.s32 s5, s13;
	[dreg:$0x10] =	wrdreg s20  }
0x12: {  	s24 =	sadd.s32 s2, s22;
	[dreg:$0x11] =	wrdreg s21  }
0x13: {  	s26 =	sadd.s32 s5, s18;
	[dreg:$0x12] =	wrdreg s24  }
0x14: {  	s9 =	sadd.s32 s2, s10;
	[dreg:$0x15] =	wrdreg s26  }
0x15: {  	s23 =	sor.u32 $0x5000, s0;
	s3 =	sadd.s32 s5, s12;
	[dreg:$0x6] =	wrdreg s9  }
0x16: {  	s29 =	sadd.s32 s2, s0;
	s6 =	sadd.s32 s5, s17;
	[dreg:$0xf] =	wrdreg s3  }
0x17: {  	s30 =	sadd.s32 s5, s0;
	s25 =	sadd.s32 s2, s23;
	[dreg:$0x13] =	wrdreg s6  }
0x18: {  	s13 =	sor.u32 $0x7000, s0;
	s4 =	sadd.s32 s5, s23;
	[dreg:$0x14] =	wrdreg s25  }
0x19: {  	s7 =	smax.u32 s7, $0x1;
	s14 =	sadd.s32 s2, s13;
	[dreg:$0x17] =	wrdreg s4  }
0x1a: {  	s11 =	sor.u32 $0x6800, s0;
	s3 =	sadd.s32 s5, s22;
	[dreg:$0x1e] =	wrdreg s14  }
0x1b: {  	s15 =	sor.u32 $0x7800, s0;
	s12 =	sadd.s32 s2, s11;
	[dreg:$0x16] =	wrdreg s3  }
0x1c: {  	s17 =	sor.u32 $0x8000, s0;
	s16 =	sadd.s32 s2, s15;
	[dreg:$0x1c] =	wrdreg s12  }
0x1d: {  	s19 =	sor.u32 $0x8800, s0;
	s18 =	sadd.s32 s2, s17;
	[smem:$0x7E4] =	sst s16  }
0x1e: {  	s21 =	sor.u32 $0x9000, s0;
	s20 =	sadd.s32 s2, s19;
	[smem:$0x7E6] =	sst s18  }
0x1f: {  	s23 =	sor.u32 $0x9800, s0;
	s22 =	sadd.s32 s2, s21;
	[smem:$0x7E8] =	sst s20  }
0x20: {  	s6 =	sor.u32 $0x5800, s0;
	s24 =	sadd.s32 s2, s23;
	[smem:$0x7EA] =	sst s22  }
0x21: {  	s9 =	sor.u32 $0x6000, s0;
	s8 =	sadd.s32 s2, s6;
	[smem:$0x7EC] =	sst s24  }
0x22: {  	s25 =	sor.u32 $0xA000, s0;
	s3 =	sadd.s32 s5, s6;
	[dreg:$0x18] =	wrdreg s8  }
0x23: {  	s10 =	sadd.s32 s2, s9;
	s4 =	sadd.s32 s5, s9;
	[dreg:$0x19] =	wrdreg s3  }
0x24: {  	s26 =	sadd.s32 s2, s25;
	s6 =	sor.u32 $0xA800, s0;
	[dreg:$0x1a] =	wrdreg s10  }
0x25: {  	s9 =	sor.u32 $0xB000, s0;
	s22 =	sor.u32 $0xE800, s0;
	[dreg:$0x1b] =	wrdreg s4  }
0x26: {  	s24 =	sor.u32 $0xF800, s0;
	s3 =	sadd.s32 s5, s11;
	[smem:$0x7EE] =	sst s26  }
0x27: {  	s4 =	sadd.s32 s5, s13;
	s8 =	sadd.s32 s2, s6;
	[dreg:$0x1d] =	wrdreg s3  }
0x28: {  	s10 =	sadd.s32 s2, s9;
	s11 =	sor.u32 $0xB800, s0;
	[dreg:$0x1f] =	wrdreg s4  }
0x29: {  	s13 =	sor.u32 $0xC000, s0;
	s31 =	sadd.s32 s2, s22;
	[smem:$0x7F0] =	sst s8  }
0x2a: {  	s3 =	sadd.s32 s5, s15;
	s4 =	sadd.s32 s5, s17;
	[smem:$0x7F2] =	sst s10  }
0x2b: {  	s12 =	sadd.s32 s2, s11;
	s14 =	sadd.s32 s2, s13;
	[smem:$0x7E5] =	sst s3  }
0x2c: {  	s15 =	sor.u32 $0xC800, s0;
	s17 =	sor.u32 $0xD000, s0;
	[smem:$0x7E7] =	sst s4  }
0x2d: {  	s8 =	simm.s32 $0x6;
	s10 =	simm.s32 $0x2080;
	[smem:$0x7F4] =	sst s12  }
0x2e: {  	s3 =	sadd.s32 s5, s19;
	s4 =	sadd.s32 s5, s21;
	[smem:$0x7F6] =	sst s14  }
0x2f: {  	s16 =	sadd.s32 s2, s15;
	s18 =	sadd.s32 s2, s17;
	[smem:$0x7E9] =	sst s3  }
0x30: {  	s19 =	sor.u32 $0xD800, s0;
	s21 =	sor.u32 $0xE000, s0;
	[smem:$0x7EB] =	sst s4  }
0x31: {  	s12 =	simm.s32 $0x6100;
	s14 =	simm.s32 $0xA100;
	[smem:$0x7F8] =	sst s16  }
0x32: {  	s3 =	sadd.s32 s5, s23;
	s4 =	sadd.s32 s5, s25;
	[smem:$0x7FA] =	sst s18  }
0x33: {  	v0 =	vimm.s32 $0xFEDCBA98;
	v1 =	vimm.s32 $0x76543210;
	s20 =	sadd.s32 s2, s19;
	s26 =	sadd.s32 s2, s21;
	s28 =	sadd.s32 s5, s21  }
0x34: {  	v2 =	vimm.s32 $0xBA98FEDC;
	v3 =	vimm.s32 $0x32107654;
	s23 =	sor.u32 $0xF000, s0;
	s25 =	rddreg [dreg:$0x1];
	s16 =	simm.s32 $0x2  }
0x35: {  	v4 =	vimm.s32 $0xDCFE98BA;
	v5 =	vimm.s32 $0x54761032;
	s18 =	simm.s32 $0x3;
	s21 =	simm.s32 $0x0;
	[smem:$0x7ED] =	sst s3  }
0x36: {  	v6 =	vimm.s32 $0xEFCDAB89;
	v7 =	vimm.s32 $0x67452301;
	[smem:$0x7EF] =	sst s4;
	s3 =	sadd.s32 s5, s6;
	s4 =	sadd.s32 s5, s9  }
0x37: {  	v0 =	vunpack.c.l.s4.s8 v0;
	v1 =	vunpack.c.l.s4.s8 v1;
	v2 =	vunpack.c.l.s4.s8 v2;
	[smem:$0x7FC] =	sst s20;
	s0 =	sadd.s32 s2, s23;
	s2 =	sadd.s32 s2, s24  }
0x38: {  	v3 =	vunpack.c.l.s4.s8 v3;
	v4 =	vunpack.c.l.s4.s8 v4;
	v5 =	vunpack.c.l.s4.s8 v5;
	s6 =	sadd.s32 $0x600, s25;
	s9 =	simm.s32 $0x2000;
	[smem:$0x7F1] =	sst s3  }
0x39: {  	v6 =	vunpack.c.l.s4.s8 v6;
	v7 =	vunpack.c.l.s4.s8 v7;
	v0 =	vunpack.c.0.s8.s32 v0;
	s20 =	simm.s32 $0x5;
	[smem:$0x7F3] =	sst s4;
	s3 =	sadd.s32 s5, s11  }
0x3a: {  	v2 =	vunpack.c.0.s8.s32 v2;
	v3 =	vunpack.c.0.s8.s32 v3;
	v4 =	vunpack.c.0.s8.s32 v4;
	s4 =	sadd.s32 s5, s13;
	s11 =	simm.s32 $0x2100;
	[smem:$0x7F5] =	sst s3  }
0x3b: {  	v5 =	vunpack.c.0.s8.s32 v5;
	v6 =	vunpack.c.0.s8.s32 v6;
	v7 =	vunpack.c.0.s8.s32 v7;
	s13 =	simm.s32 $0x1;
	[smem:$0x7F7] =	sst s4;
	s3 =	sadd.s32 s5, s15  }
0x3c: {  	v1 =	vunpack.c.0.s8.s32 v1;
	v2 =	vcombine.low v3, v2;
	s4 =	sadd.s32 s5, s17;
	s15 =	simm.s32 $0xE100;
	[smem:$0x7F9] =	sst s3  }
0x3d: {  	v3 =	vcombine.low v5, v4;
	v4 =	vcombine.low v7, v6;
	v0 =	vand.u32 $0xF, v0;
	s17 =	simm.s32 $0x12100;
	[smem:$0x7FB] =	sst s4;
	s3 =	sadd.s32 s5, s19  }
0x3e: {  	v0 =	vcombine.low v0, v1;
	s4 =	sadd.s32 s5, s23;
	s19 =	simm.s32 $0x4;
	[smem:$0x7FD] =	sst s3  }
0x3f: {  	v1 =	vand.u32 $0xF, v2;
	v2 =	vand.u32 $0xF, v3;
	v3 =	vand.u32 $0xF, v4;
	s3 =	sadd.s32 s5, s22;
	s5 =	sadd.s32 s5, s24;
	_ =	strace $0x80000047  }
.LBB2_1:
0x40: {  	[tilespmem:s1], [sflag:$0x6] =	stream.linear.gather [hbm4b:s6+s1], $0x2000, $0x38;
	[tilespmem:$0x16100] =	vst v63  }
0x41: {  	_ =	swait.ge [sflag:s8], $0x2000  }
0x42: {  	[sflag:s8] =	ssyncset.done $0x0  }
0x43: {  	[sflag:s8] =	ssyncadd.s32 $0xFFFFE000  }
0x44: {  	v26 =	vld [tilespmem:$0x0]  }
0x45: {  	s22 =	simm.s32 $0x0;
	v27 =	vld [tilespmem:$0x200]  }
0x46: {  	v4 =	vld [tilespmem:s22+$0x1F0]  }
0x47: {  	v6 =	vld [tilespmem:s22+$0x1E0]  }
0x48: {  	v5 =	vld [tilespmem:s22+$0x1D0]  }
0x49: {  	v7 =	vld [tilespmem:s22+$0x1C0]  }
0x4a: {  	v8 =	vld [tilespmem:s22+$0x1B0]  }
0x4b: {  	v9 =	vld [tilespmem:s22+$0x1A0]  }
0x4c: {  	v10 =	vld [tilespmem:s22+$0x190]  }
0x4d: {  	v11 =	vld [tilespmem:s22+$0x180]  }
0x4e: {  	v12 =	vld [tilespmem:s22+$0x170]  }
0x4f: {  	v13 =	vld [tilespmem:s22+$0x160]  }
0x50: {  	v14 =	vld [tilespmem:s22+$0x150]  }
0x51: {  	v15 =	vld [tilespmem:s22+$0x140]  }
0x52: {  	v16 =	vld [tilespmem:s22+$0x130]  }
0x53: {  	v17 =	vld [tilespmem:s22+$0x120]  }
0x54: {  	v18 =	vld [tilespmem:s22+$0x110]  }
0x55: {  	v19 =	vld [tilespmem:s22+$0x100]  }
0x56: {  	v20 =	vld [tilespmem:s22+$0xF0]  }
0x57: {  	v21 =	vld [tilespmem:s22+$0xE0]  }
0x58: {  	v22 =	vld [tilespmem:s22+$0xD0]  }
0x59: {  	v23 =	vld [tilespmem:s22+$0xC0]  }
0x5a: {  	v24 =	vld [tilespmem:s22+$0xB0]  }
0x5b: {  	v25 =	vld [tilespmem:s22+$0xA0]  }
0x5c: {  	v28 =	vld [tilespmem:s22+$0x90]  }
0x5d: {  	v29 =	vld [tilespmem:s22+$0x80]  }
0x5e: {  	v30 =	vld [tilespmem:s22+$0x70]  }
0x5f: {  	v31 =	vld [tilespmem:s22+$0x60]  }
0x60: {  	v32 =	vld [tilespmem:s22+$0x50]  }
0x61: {  	v33 =	vld [tilespmem:s22+$0x40]  }
0x62: {  	v34 =	vld [tilespmem:s22+$0x30]  }
0x63: {  	v35 =	vld [tilespmem:s22+$0x20]  }
0x64: {  	v36 =	vld [tilespmem:s22+$0x10]  }
0x65: {  	s23 =	simm.s32 $0x1000;
	v37 =	vld [tilespmem:s22+$0x0]  }
.LBB2_2:
0x66: {  	p0 =	sne.s32 s23, $0x7000;
	v38 =	vld [tilespmem:s22+$0x200]  }
0x67: {  	v39 =	vld [tilespmem:s22+$0x210]  }
0x68: {  	v40 =	vld [tilespmem:s22+$0x220]  }
0x69: {  	v41 =	vld [tilespmem:s22+$0x230]  }
0x6a: {  	v42 =	vld [tilespmem:s22+$0x240]  }
0x6b: {  	v26 =	vmin.f32 v26, v37;
	v27 =	vmax.f32 v27, v38;
	v37 =	vld [tilespmem:s22+$0x250]  }
0x6c: {  	v26 =	vmin.f32 v26, v36;
	v27 =	vmax.f32 v27, v39;
	v36 =	vld [tilespmem:s22+$0x260]  }
0x6d: {  	v26 =	vmin.f32 v26, v35;
	v27 =	vmax.f32 v27, v40;
	v35 =	vld [tilespmem:s22+$0x270]  }
0x6e: {  	v26 =	vmin.f32 v26, v34;
	v27 =	vmax.f32 v27, v41;
	v34 =	vld [tilespmem:s22+$0x280]  }
0x6f: {  	v26 =	vmin.f32 v26, v33;
	v27 =	vmax.f32 v27, v42;
	v33 =	vld [tilespmem:s22+$0x290]  }
0x70: {  	v26 =	vmin.f32 v26, v32;
	v27 =	vmax.f32 v27, v37;
	v32 =	vld [tilespmem:s22+$0x2A0]  }
0x71: {  	v26 =	vmin.f32 v26, v31;
	v27 =	vmax.f32 v27, v36;
	v31 =	vld [tilespmem:s22+$0x2B0]  }
0x72: {  	v26 =	vmin.f32 v26, v30;
	v27 =	vmax.f32 v27, v35;
	v30 =	vld [tilespmem:s22+$0x2C0]  }
0x73: {  	v26 =	vmin.f32 v26, v29;
	v27 =	vmax.f32 v27, v34;
	v29 =	vld [tilespmem:s22+$0x2D0]  }
0x74: {  	v26 =	vmin.f32 v26, v28;
	v27 =	vmax.f32 v27, v33;
	v28 =	vld [tilespmem:s22+$0x2E0]  }
0x75: {  	v25 =	vmin.f32 v26, v25;
	v26 =	vmax.f32 v27, v32;
	v27 =	vld [tilespmem:s22+$0x2F0]  }
0x76: {  	v24 =	vmin.f32 v25, v24;
	v25 =	vmax.f32 v26, v31;
	v26 =	vld [tilespmem:s22+$0x300]  }
0x77: {  	v23 =	vmin.f32 v24, v23;
	v24 =	vmax.f32 v25, v30;
	v25 =	vld [tilespmem:s22+$0x310]  }
0x78: {  	v22 =	vmin.f32 v23, v22;
	v23 =	vmax.f32 v24, v29;
	v24 =	vld [tilespmem:s22+$0x320]  }
0x79: {  	v21 =	vmin.f32 v22, v21;
	v22 =	vmax.f32 v23, v28;
	v23 =	vld [tilespmem:s22+$0x330]  }
0x7a: {  	v20 =	vmin.f32 v21, v20;
	v21 =	vmax.f32 v22, v27;
	v22 =	vld [tilespmem:s22+$0x340]  }
0x7b: {  	v19 =	vmin.f32 v20, v19;
	v20 =	vmax.f32 v21, v26;
	v21 =	vld [tilespmem:s22+$0x350]  }
0x7c: {  	v18 =	vmin.f32 v19, v18;
	v19 =	vmax.f32 v20, v25;
	v20 =	vld [tilespmem:s22+$0x360]  }
0x7d: {  	v17 =	vmin.f32 v18, v17;
	v18 =	vmax.f32 v19, v24;
	v19 =	vld [tilespmem:s22+$0x370]  }
0x7e: {  	v16 =	vmin.f32 v17, v16;
	v17 =	vmax.f32 v18, v23;
	v18 =	vld [tilespmem:s22+$0x380]  }
0x7f: {  	v15 =	vmin.f32 v16, v15;
	v16 =	vmax.f32 v17, v22;
	v17 =	vld [tilespmem:s22+$0x390]  }
0x80: {  	v14 =	vmin.f32 v15, v14;
	v15 =	vmax.f32 v16, v21;
	v16 =	vld [tilespmem:s22+$0x3A0]  }
0x81: {  	v13 =	vmin.f32 v14, v13;
	v14 =	vmax.f32 v15, v20;
	v15 =	vld [tilespmem:s22+$0x3B0]  }
0x82: {  	v12 =	vmin.f32 v13, v12;
	v13 =	vmax.f32 v14, v19;
	v14 =	vld [tilespmem:s22+$0x3C0]  }
0x83: {  	v11 =	vmin.f32 v12, v11;
	v12 =	vmax.f32 v13, v18;
	v13 =	vld [tilespmem:s22+$0x3D0]  }
0x84: {  	v10 =	vmin.f32 v11, v10;
	v11 =	vmax.f32 v12, v17;
	v12 =	vld [tilespmem:s22+$0x3E0]  }
0x85: {  	v9 =	vmin.f32 v10, v9;
	v10 =	vmax.f32 v11, v16;
	v11 =	vld [tilespmem:s22+$0x3F0];
	s22 =	sshra.s32 s23, $0x2  }
0x86: {  	v8 =	vmin.f32 v9, v8;
	v16 =	vld [tilespmem:s22+$0x1F0];
	v9 =	vmax.f32 v10, v15  }
0x87: {  	v7 =	vmin.f32 v8, v7;
	v15 =	vld [tilespmem:s22+$0x1E0];
	v8 =	vmax.f32 v9, v14  }
0x88: {  	v9 =	vmin.f32 v7, v5;
	v5 =	vld [tilespmem:s22+$0x1D0];
	v8 =	vmax.f32 v8, v13  }
0x89: {  	v6 =	vmin.f32 v9, v6;
	v7 =	vld [tilespmem:s22+$0x1C0];
	v9 =	vmax.f32 v8, v12  }
0x8a: {  	v26 =	vmin.f32 v6, v4;
	v8 =	vld [tilespmem:s22+$0x1B0];
	v27 =	vmax.f32 v9, v11  }
0x8b: {  	v9 =	vld [tilespmem:s22+$0x1A0];
	v4 =	vmov v16  }
0x8c: {  	v10 =	vld [tilespmem:s22+$0x190];
	v6 =	vmov v15  }
0x8d: {  	v11 =	vld [tilespmem:s22+$0x180]  }
0x8e: {  	v12 =	vld [tilespmem:s22+$0x170]  }
0x8f: {  	v13 =	vld [tilespmem:s22+$0x160]  }
0x90: {  	v14 =	vld [tilespmem:s22+$0x150]  }
0x91: {  	v15 =	vld [tilespmem:s22+$0x140]  }
0x92: {  	v16 =	vld [tilespmem:s22+$0x130]  }
0x93: {  	v17 =	vld [tilespmem:s22+$0x120]  }
0x94: {  	v18 =	vld [tilespmem:s22+$0x110]  }
0x95: {  	v19 =	vld [tilespmem:s22+$0x100]  }
0x96: {  	v20 =	vld [tilespmem:s22+$0xF0]  }
0x97: {  	v21 =	vld [tilespmem:s22+$0xE0]  }
0x98: {  	v22 =	vld [tilespmem:s22+$0xD0]  }
0x99: {  	v23 =	vld [tilespmem:s22+$0xC0]  }
0x9a: {  	v24 =	vld [tilespmem:s22+$0xB0]  }
0x9b: {  	v25 =	vld [tilespmem:s22+$0xA0]  }
0x9c: {  	v28 =	vld [tilespmem:s22+$0x90]  }
0x9d: {  	v29 =	vld [tilespmem:s22+$0x80]  }
0x9e: {  	v30 =	vld [tilespmem:s22+$0x70]  }
0x9f: {  	v31 =	vld [tilespmem:s22+$0x60]  }
0xa0: {  	v32 =	vld [tilespmem:s22+$0x50]  }
.Ltmp0:
0xa1: {  	v33 =	vld [tilespmem:s22+$0x40];
	(pc) =	sbr.rel @p0 .LBB2_2-.Ltmp0, $4  }
0xa2: {  	v34 =	vld [tilespmem:s22+$0x30]  }
0xa3: {  	v35 =	vld [tilespmem:s22+$0x20]  }
0xa4: {  	v36 =	vld [tilespmem:s22+$0x10]  }
0xa5: {  	s23 =	sadd.s32 $0x1000, s23;
	v37 =	vld [tilespmem:s22+$0x0]  }
0xa6: {  	v38 =	vld [tilespmem:s22+$0x200]  }
0xa7: {  	v39 =	vld [tilespmem:s22+$0x210]  }
0xa8: {  	v40 =	vld [tilespmem:s22+$0x220]  }
0xa9: {  	v41 =	vld [tilespmem:s22+$0x230]  }
0xaa: {  	v42 =	vld [tilespmem:s22+$0x240];
	v26 =	vmin.f32 v26, v37  }
0xab: {  	v62 =	vld [tilespmem:s22+$0x250];
	v27 =	vmax.f32 v27, v38;
	v26 =	vmin.f32 v26, v36  }
0xac: {  	v63 =	vld [tilespmem:s22+$0x260];
	v27 =	vmax.f32 v27, v39;
	v26 =	vmin.f32 v26, v35  }
0xad: {  	v38 =	vld [tilespmem:s22+$0x270];
	v27 =	vmax.f32 v27, v40;
	v26 =	vmin.f32 v26, v34  }
0xae: {  	v39 =	vld [tilespmem:s22+$0x280];
	v27 =	vmax.f32 v27, v41;
	v26 =	vmin.f32 v26, v33  }
0xaf: {  	v40 =	vld [tilespmem:s22+$0x290];
	v27 =	vmax.f32 v27, v42;
	v26 =	vmin.f32 v26, v32  }
0xb0: {  	v41 =	vld [tilespmem:s22+$0x2A0];
	v27 =	vmax.f32 v27, v62;
	v26 =	vmin.f32 v26, v31  }
0xb1: {  	v42 =	vld [tilespmem:s22+$0x2B0];
	v27 =	vmax.f32 v27, v63;
	v26 =	vmin.f32 v26, v30  }
0xb2: {  	v43 =	vld [tilespmem:s22+$0x2C0];
	v27 =	vmax.f32 v27, v38;
	v26 =	vmin.f32 v26, v29  }
0xb3: {  	v44 =	vld [tilespmem:s22+$0x2D0];
	v27 =	vmax.f32 v27, v39;
	v26 =	vmin.f32 v26, v28  }
0xb4: {  	v45 =	vld [tilespmem:s22+$0x2E0];
	v27 =	vmax.f32 v27, v40;
	v25 =	vmin.f32 v26, v25  }
0xb5: {  	v47 =	vld [tilespmem:s22+$0x2F0];
	v46 =	vmax.f32 v27, v41;
	v24 =	vmin.f32 v25, v24  }
0xb6: {  	v49 =	vld [tilespmem:s22+$0x300];
	v48 =	vmax.f32 v46, v42;
	v23 =	vmin.f32 v24, v23  }
0xb7: {  	v51 =	vld [tilespmem:s22+$0x310];
	v50 =	vmax.f32 v48, v43;
	v22 =	vmin.f32 v23, v22  }
0xb8: {  	v53 =	vld [tilespmem:s22+$0x320];
	v52 =	vmax.f32 v50, v44;
	v21 =	vmin.f32 v22, v21  }
0xb9: {  	v55 =	vld [tilespmem:s22+$0x330];
	v54 =	vmax.f32 v52, v45;
	v20 =	vmin.f32 v21, v20  }
0xba: {  	v57 =	vld [tilespmem:s22+$0x340];
	v56 =	vmax.f32 v54, v47;
	v19 =	vmin.f32 v20, v19  }
0xbb: {  	v58 =	vld [tilespmem:s22+$0x350];
	v20 =	vmax.f32 v56, v49;
	v18 =	vmin.f32 v19, v18  }
0xbc: {  	v19 =	vmax.f32 v20, v51;
	v20 =	vld [tilespmem:s22+$0x360];
	v17 =	vmin.f32 v18, v17  }
0xbd: {  	v18 =	vmax.f32 v19, v53;
	v19 =	vld [tilespmem:s22+$0x370];
	v16 =	vmin.f32 v17, v16  }
0xbe: {  	v17 =	vmax.f32 v18, v55;
	v18 =	vld [tilespmem:s22+$0x380];
	v15 =	vmin.f32 v16, v15  }
0xbf: {  	v16 =	vmax.f32 v17, v57;
	v17 =	vld [tilespmem:s22+$0x390];
	v14 =	vmin.f32 v15, v14  }
0xc0: {  	v15 =	vmax.f32 v16, v58;
	v16 =	vld [tilespmem:s22+$0x3A0];
	v13 =	vmin.f32 v14, v13  }
0xc1: {  	v14 =	vmax.f32 v15, v20;
	v15 =	vld [tilespmem:s22+$0x3B0];
	v12 =	vmin.f32 v13, v12  }
0xc2: {  	v13 =	vmax.f32 v14, v19;
	v14 =	vld [tilespmem:s22+$0x3C0];
	v11 =	vmin.f32 v12, v11  }
0xc3: {  	v12 =	vmax.f32 v13, v18;
	v13 =	vld [tilespmem:s22+$0x3D0];
	v10 =	vmin.f32 v11, v10  }
0xc4: {  	v11 =	vmax.f32 v12, v17;
	v12 =	vld [tilespmem:s22+$0x3E0];
	v9 =	vmin.f32 v10, v9  }
0xc5: {  	v10 =	vmax.f32 v11, v16;
	v11 =	vld [tilespmem:s22+$0x3F0];
	v8 =	vmin.f32 v9, v8  }
0xc6: {  	v9 =	vmax.f32 v10, v15;
	v7 =	vmin.f32 v8, v7  }
0xc7: {  	v8 =	vmax.f32 v9, v14;
	v5 =	vmin.f32 v7, v5  }
0xc8: {  	v7 =	vmax.f32 v8, v13;
	v5 =	vmin.f32 v5, v6  }
0xc9: {  	v6 =	vmax.f32 v7, v12;
	v4 =	vmin.f32 v5, v4  }
0xca: {  	v5 =	vmax.f32 v6, v11;
	[tilespmem:$0x2000] =	vst v4  }
0xcb: {  	[tilespmem:$0x2080] =	vst v5  }
0xcc: {  	v6 =	vld.idx.msk [tilespmem:v0+s9+$0x0], $0xffff  }
0xcd: {  	v7 =	vld.idx.msk [tilespmem:v0+s10+$0x0], $0xffff;
	_ =	sdelay $0x3  }
0xce: {  	v4 =	vmin.f32 v4, v6  }
0xcf: {  	v5 =	vmax.f32 v5, v7;
	[tilespmem:$0x2000] =	vst v4  }
0xd0: {  	[tilespmem:$0x2080] =	vst v5  }
0xd1: {  	v6 =	vld.idx.msk [tilespmem:v1+s9+$0x0], $0xffff  }
0xd2: {  	v7 =	vld.idx.msk [tilespmem:v1+s10+$0x0], $0xffff;
	_ =	sdelay $0x3  }
0xd3: {  	v4 =	vmin.f32 v4, v6  }
0xd4: {  	v5 =	vmax.f32 v5, v7;
	[tilespmem:$0x2000] =	vst v4  }
0xd5: {  	[tilespmem:$0x2080] =	vst v5  }
0xd6: {  	v6 =	vld.idx.msk [tilespmem:v2+s9+$0x0], $0xffff  }
0xd7: {  	v7 =	vld.idx.msk [tilespmem:v2+s10+$0x0], $0xffff;
	_ =	sdelay $0x3  }
0xd8: {  	v4 =	vmin.f32 v4, v6  }
0xd9: {  	v5 =	vmax.f32 v5, v7;
	[tilespmem:$0x2000] =	vst v4  }
0xda: {  	[tilespmem:$0x2080] =	vst v5  }
0xdb: {  	v6 =	vld.idx.msk [tilespmem:v3+s9+$0x0], $0xffff  }
0xdc: {  	v7 =	vld.idx.msk [tilespmem:v3+s10+$0x0], $0xffff;
	_ =	sdelay $0x4  }
0xdd: {  	v4 =	vmin.f32 v4, v6;
	v5 =	vmax.f32 v5, v7  }
0xde: {  	v6 =	vadd.f32 $9.999999970e-07, v4;
	v4 =	vadd.f32 $-9.999999970e-07, v5;
	_ =	sdelay $0x1  }
0xdf: {  	v4 =	vsub.f32 v4, v6;
	_ =	sdelay $0x1  }
0xe0: {  	(erf) = vrcp.f32 v4;
	_ =	sdelay $0x6  }
0xe1: {  	[tilespmem:s11], [sflag:$0x1] =	stream.linear.gather [hbm4b:s29+s1], $0x4000, $0x38;
	[tilespmem:$0x16100] =	vst v63  }
0xe2: {  	s23 =	rddreg [dreg:$0x4]  }
0xe3: {  	[tilespmem:s12], [sflag:$0x2] =	stream.linear.gather [hbm4b:s23+s1], $0x4000, $0x38;
	v4 =	vpop (erf);
	[tilespmem:$0x16100] =	vst v63  }
0xe4: {  	_ =	swait.ge [sflag:s13], $0x4000  }
0xe5: {  	[sflag:s13] =	ssyncset.done $0x0  }
0xe6: {  	s25 =	simm.s32 $0x2180;
	s24 =	rddreg [dreg:$0x5];
	[sflag:s13] =	ssyncadd.s32 $0xFFFFC000  }
0xe7: {  	[tilespmem:s14], [sflag:$0x3] =	stream.linear.gather [hbm4b:s24+s1], $0x4000, $0x38;
	[tilespmem:$0x16100] =	vst v63  }
0xe8: {  	v7 =	vld [tilespmem:s25+$0x70]  }
0xe9: {  	v4 =	vmul.f32 $8.000000000e+00, v4;
	v8 =	vld [tilespmem:s25+$0xFFFFFF90]  }
0xea: {  	v9 =	vld [tilespmem:s25+$0xFFFFFFA0]  }
0xeb: {  	v5 =	vmul.f32 v4, v6;
	v6 =	vld [tilespmem:s25+$0xFFFFFFB0]  }
0xec: {  	v10 =	vld [tilespmem:s25+$0xFFFFFFC0]  }
0xed: {  	v11 =	vld [tilespmem:s25+$0xFFFFFFD0]  }
0xee: {  	v15 =	vld [tilespmem:s25+$0x10]  }
0xef: {  	v16 =	vld [tilespmem:s25+$0x20]  }
0xf0: {  	v60 =	vld [tilespmem:s25+$0xFFFFFF80]  }
0xf1: {  	v7 =	vmul.f32 v7, v4  }
0xf2: {  	v5 =	vsub.f32 $9.999998800e-01, v5;
	v12 =	vld [tilespmem:s25+$0xFFFFFFE0];
	v8 =	vmul.f32 v8, v4;
	v9 =	vmul.f32 v9, v4  }
0xf3: {  	v13 =	vld [tilespmem:s25+$0xFFFFFFF0];
	v6 =	vmul.f32 v6, v4;
	v10 =	vmul.f32 v10, v4  }
0xf4: {  	v11 =	vmul.f32 v11, v4;
	v15 =	vmul.f32 v15, v4;
	v7 =	vadd.f32 v7, v5  }
0xf5: {  	v14 =	vld [tilespmem:s25+$0x0];
	v16 =	vmul.f32 v16, v4;
	v63 =	vmul.f32 v60, v4;
	v8 =	vadd.f32 v8, v5  }
0xf6: {  	v9 =	vadd.f32 v9, v5;
	v6 =	vadd.f32 v6, v5;
	v7 =	vtrunc.f32 v7  }
0xf7: {  	v15 =	vadd.f32 v15, v5;
	v18 =	vtrunc.f32 v8;
	v8 =	vmul.f32 v12, v4  }
0xf8: {  	v59 =	vld [tilespmem:s25+$0x60];
	v19 =	vtrunc.f32 v9;
	v9 =	vadd.f32 v11, v5;
	v11 =	vmul.f32 v13, v4  }
0xf9: {  	v12 =	vld [tilespmem:s25+$0x40];
	v20 =	vtrunc.f32 v6;
	v17 =	vcvt.f32.s32 v7;
	v7 =	vadd.f32 v10, v5  }
0xfa: {  	v21 =	vadd.f32 v63, v5;
	v13 =	vmul.f32 v14, v4;
	v14 =	vld [tilespmem:s25+$0x50];
	v18 =	vcvt.f32.s32 v18  }
0xfb: {  	s22 =	simm.s32 $0xE180;
	v10 =	vld [tilespmem:s25+$0x30];
	v8 =	vadd.f32 v8, v5;
	v6 =	vtrunc.f32 v7;
	v7 =	vtrunc.f32 v9  }
0xfc: {  	v11 =	vadd.f32 v11, v5;
	[tilespmem:s22+$0x70] =	vst v17;
	v17 =	vcvt.f32.s32 v19;
	v19 =	vtrunc.f32 v21  }
0xfd: {  	[tilespmem:s22+$0xFFFFFF90] =	vst v18;
	v18 =	vcvt.f32.s32 v20;
	v8 =	vtrunc.f32 v8  }
0xfe: {  	v9 =	vtrunc.f32 v11;
	v11 =	vtrunc.f32 v15  }
0xff: {  	v16 =	vadd.f32 v16, v5;
	v15 =	vmul.f32 v59, v4;
	v12 =	vmul.f32 v12, v4  }
0x100: {  	v13 =	vadd.f32 v13, v5;
	v62 =	vmul.f32 v14, v4;
	v61 =	vmul.f32 v10, v4  }
0x101: {  	v14 =	vtrunc.f32 v16;
	v15 =	vadd.f32 v15, v5;
	v12 =	vadd.f32 v12, v5  }
0x102: {  	v10 =	vtrunc.f32 v13;
	v16 =	vadd.f32 v62, v5;
	v13 =	vadd.f32 v61, v5  }
0x103: {  	v15 =	vtrunc.f32 v15;
	v12 =	vtrunc.f32 v12  }
0x104: {  	s23 =	simm.s32 $0xE180;
	s24 =	simm.s32 $0x0;
	s25 =	simm.s32 $0x2280;
	v16 =	vtrunc.f32 v16;
	v13 =	vtrunc.f32 v13  }
.LBB2_4:
0x105: {  	v20 =	vld [tilespmem:s25+$0x70];
	s24 =	sadd.s32 $0x100, s24;
	v19 =	vcvt.f32.s32 v19;
	[tilespmem:s22+$0xFFFFFFA0] =	vst v17;
	v6 =	vcvt.f32.s32 v6  }
0x106: {  	v7 =	vcvt.f32.s32 v7;
	v8 =	vcvt.f32.s32 v8;
	v17 =	vld [tilespmem:s25+$0xFFFFFF90];
	p0 =	slt.u32 s24, $0x3F00;
	[tilespmem:s22+$0xFFFFFFB0] =	vst v18  }
0x107: {  	v9 =	vcvt.f32.s32 v9;
	v10 =	vcvt.f32.s32 v10;
	v18 =	vld [tilespmem:s25+$0xFFFFFFA0];
	[tilespmem:s22+$0xFFFFFF80] =	vst v19  }
0x108: {  	v19 =	vld [tilespmem:s25+$0xFFFFFFB0];
	[tilespmem:s22+$0xFFFFFFC0] =	vst v6;
	v6 =	vcvt.f32.s32 v11;
	v11 =	vcvt.f32.s32 v14  }
0x109: {  	v12 =	vcvt.f32.s32 v12;
	v14 =	vld [tilespmem:s25+$0xFFFFFFC0];
	[tilespmem:s22+$0xFFFFFFD0] =	vst v7;
	v7 =	vcvt.f32.s32 v13  }
0x10a: {  	v13 =	vld [tilespmem:s25+$0xFFFFFFD0];
	v20 =	vmul.f32 v20, v4;
	[tilespmem:s22+$0xFFFFFFE0] =	vst v8;
	v8 =	vcvt.f32.s32 v16  }
0x10b: {  	v16 =	vmul.f32 v17, v4;
	v17 =	vld [tilespmem:s25+$0xFFFFFFE0];
	[tilespmem:s22+$0xFFFFFFF0] =	vst v9;
	v9 =	vcvt.f32.s32 v15  }
0x10c: {  	v15 =	vmul.f32 v18, v4;
	v18 =	vld [tilespmem:s25+$0xFFFFFFF0];
	v20 =	vadd.f32 v20, v5;
	[tilespmem:s22+$0x0] =	vst v10  }
0x10d: {  	v10 =	vadd.f32 v16, v5;
	v16 =	vmul.f32 v19, v4;
	v19 =	vld [tilespmem:s25+$0x0];
	[tilespmem:s22+$0x10] =	vst v6  }
0x10e: {  	v6 =	vadd.f32 v15, v5;
	v14 =	vmul.f32 v14, v4;
	v15 =	vld [tilespmem:s25+$0x10];
	v20 =	vtrunc.f32 v20;
	[tilespmem:s22+$0x20] =	vst v11  }
0x10f: {  	v11 =	vadd.f32 v16, v5;
	v13 =	vmul.f32 v13, v4;
	v16 =	vld [tilespmem:s25+$0x20];
	v20 =	vcvt.f32.s32 v20;
	[tilespmem:s22+$0x30] =	vst v7  }
0x110: {  	v21 =	vtrunc.f32 v10;
	s22 =	sadd.s32 $0x100, s22;
	v7 =	vadd.f32 v14, v5;
	v10 =	vmul.f32 v17, v4;
	v14 =	vld [tilespmem:s25+$0x30];
	[tilespmem:s23+$0x40] =	vst v12  }
0x111: {  	v17 =	vtrunc.f32 v6;
	v12 =	vadd.f32 v13, v5;
	v13 =	vmul.f32 v18, v4;
	v18 =	vld [tilespmem:s25+$0x40];
	[tilespmem:s22+$0x70] =	vst v20  }
0x112: {  	v20 =	vtrunc.f32 v11;
	v10 =	vadd.f32 v10, v5;
	v11 =	vmul.f32 v19, v4;
	v19 =	vld [tilespmem:s25+$0x50];
	[tilespmem:s23+$0x50] =	vst v8  }
0x113: {  	v6 =	vtrunc.f32 v7;
	v13 =	vadd.f32 v13, v5;
	v15 =	vmul.f32 v15, v4;
	v22 =	vld [tilespmem:s25+$0x60];
	[tilespmem:s23+$0x60] =	vst v9;
	s23 =	smov.u32 s22  }
0x114: {  	v7 =	vtrunc.f32 v12;
	v23 =	vld [tilespmem:s25+$0xFFFFFF80];
	v11 =	vadd.f32 v11, v5;
	v12 =	vmul.f32 v16, v4  }
0x115: {  	v8 =	vtrunc.f32 v10;
	v15 =	vadd.f32 v15, v5;
	v14 =	vmul.f32 v14, v4  }
0x116: {  	v9 =	vtrunc.f32 v13;
	v12 =	vadd.f32 v12, v5;
	v13 =	vmul.f32 v18, v4  }
0x117: {  	v10 =	vtrunc.f32 v11;
	v16 =	vadd.f32 v14, v5;
	v18 =	vmul.f32 v19, v4  }
0x118: {  	v11 =	vtrunc.f32 v15;
	v15 =	vadd.f32 v13, v5;
	v19 =	vmul.f32 v22, v4  }
.Ltmp1:
0x119: {  	v14 =	vtrunc.f32 v12;
	v22 =	vmul.f32 v23, v4;
	v18 =	vadd.f32 v18, v5;
	(pc) =	sbr.rel @p0 .LBB2_4-.Ltmp1, $4  }
0x11a: {  	v13 =	vtrunc.f32 v16;
	v12 =	vtrunc.f32 v15;
	v15 =	vadd.f32 v19, v5  }
0x11b: {  	v21 =	vcvt.f32.s32 v21;
	v19 =	vadd.f32 v22, v5;
	v16 =	vtrunc.f32 v18  }
0x11c: {  	v17 =	vcvt.f32.s32 v17;
	v15 =	vtrunc.f32 v15  }
0x11d: {  	s25 =	sadd.s32 $0x100, s25;
	v18 =	vcvt.f32.s32 v20;
	v19 =	vtrunc.f32 v19;
	[tilespmem:s22+$0xFFFFFF90] =	vst v21  }
0x11e: {  	v19 =	vcvt.f32.s32 v19;
	[tilespmem:s22+$0xFFFFFFA0] =	vst v17  }
0x11f: {  	v6 =	vcvt.f32.s32 v6;
	[tilespmem:s22+$0xFFFFFFB0] =	vst v18  }
0x120: {  	v7 =	vcvt.f32.s32 v7;
	[tilespmem:s22+$0xFFFFFF80] =	vst v19  }
0x121: {  	v8 =	vcvt.f32.s32 v8;
	[tilespmem:s22+$0xFFFFFFC0] =	vst v6  }
0x122: {  	v6 =	vcvt.f32.s32 v9;
	[tilespmem:s22+$0xFFFFFFD0] =	vst v7  }
0x123: {  	v7 =	vcvt.f32.s32 v10;
	[tilespmem:s22+$0xFFFFFFE0] =	vst v8  }
0x124: {  	v8 =	vcvt.f32.s32 v11;
	[tilespmem:s22+$0xFFFFFFF0] =	vst v6  }
0x125: {  	v6 =	vcvt.f32.s32 v14;
	[tilespmem:s22+$0x0] =	vst v7  }
0x126: {  	v7 =	vcvt.f32.s32 v13;
	[tilespmem:s22+$0x10] =	vst v8  }
0x127: {  	v8 =	vcvt.f32.s32 v12;
	[tilespmem:s22+$0x20] =	vst v6  }
0x128: {  	v6 =	vcvt.f32.s32 v16;
	[tilespmem:s22+$0x30] =	vst v7  }
0x129: {  	v7 =	vcvt.f32.s32 v15;
	[tilespmem:s23+$0x40] =	vst v8  }
0x12a: {  	[tilespmem:s23+$0x50] =	vst v6  }
0x12b: {  	[tilespmem:s23+$0x60] =	vst v7  }
0x12c: {  	[hbm4b:s30+s1] =	stream.linear.scatter [tilespmem:s15], [sflag:$0x4], $0x4000, $0x38;
	[tilespmem:$0x16100] =	vst v63  }
0x12d: {  	_ =	swait.ge [sflag:s16], $0x4000  }
0x12e: {  	[sflag:s16] =	ssyncset.done $0x0  }
0x12f: {  	s25 =	simm.s32 $0x6180;
	s24 =	rddreg [dreg:$0x6];
	[sflag:s16] =	ssyncadd.s32 $0xFFFFC000  }
0x130: {  	[tilespmem:s11], [sflag:$0x1] =	stream.linear.gather [hbm4b:s24+s1], $0x4000, $0x38;
	[tilespmem:$0x16100] =	vst v63  }
0x131: {  	v6 =	vld [tilespmem:s25+$0x70]  }
0x132: {  	v7 =	vld [tilespmem:s25+$0xFFFFFF90]  }
0x133: {  	v8 =	vld [tilespmem:s25+$0xFFFFFFA0]  }
0x134: {  	v9 =	vld [tilespmem:s25+$0xFFFFFFB0]  }
0x135: {  	v10 =	vld [tilespmem:s25+$0xFFFFFFC0]  }
0x136: {  	v11 =	vld [tilespmem:s25+$0xFFFFFFD0]  }
0x137: {  	v15 =	vld [tilespmem:s25+$0x10]  }
0x138: {  	v16 =	vld [tilespmem:s25+$0x20]  }
0x139: {  	v22 =	vld [tilespmem:s25+$0xFFFFFF80]  }
0x13a: {  	v12 =	vld [tilespmem:s25+$0xFFFFFFE0];
	v6 =	vmul.f32 v6, v4;
	v7 =	vmul.f32 v7, v4  }
0x13b: {  	v13 =	vld [tilespmem:s25+$0xFFFFFFF0];
	v8 =	vmul.f32 v8, v4;
	v9 =	vmul.f32 v9, v4  }
0x13c: {  	v10 =	vmul.f32 v10, v4;
	v11 =	vmul.f32 v11, v4;
	v6 =	vadd.f32 v6, v5  }
0x13d: {  	v14 =	vld [tilespmem:s25+$0x0];
	v15 =	vmul.f32 v15, v4;
	v16 =	vmul.f32 v16, v4;
	v7 =	vadd.f32 v7, v5  }
0x13e: {  	v63 =	vmul.f32 v22, v4;
	v8 =	vadd.f32 v8, v5;
	v6 =	vtrunc.f32 v6  }
0x13f: {  	v9 =	vadd.f32 v9, v5;
	v18 =	vtrunc.f32 v7;
	v7 =	vmul.f32 v12, v4  }
0x140: {  	v21 =	vld [tilespmem:s25+$0x60];
	v19 =	vtrunc.f32 v8;
	v8 =	vadd.f32 v11, v5;
	v11 =	vmul.f32 v13, v4  }
0x141: {  	v12 =	vld [tilespmem:s25+$0x40];
	v20 =	vtrunc.f32 v9;
	v17 =	vcvt.f32.s32 v6;
	v6 =	vadd.f32 v10, v5  }
0x142: {  	s22 =	simm.s32 $0x12180;
	v13 =	vmul.f32 v14, v4;
	v14 =	vld [tilespmem:s25+$0x50];
	v18 =	vcvt.f32.s32 v18;
	v9 =	vadd.f32 v7, v5  }
0x143: {  	v10 =	vld [tilespmem:s25+$0x30];
	v11 =	vadd.f32 v11, v5;
	v7 =	vtrunc.f32 v8;
	v6 =	vtrunc.f32 v6;
	[tilespmem:s22+$0x70] =	vst v17  }
0x144: {  	v15 =	vadd.f32 v15, v5;
	v17 =	vcvt.f32.s32 v19;
	[tilespmem:s22+$0xFFFFFF90] =	vst v18;
	v18 =	vcvt.f32.s32 v20  }
0x145: {  	v8 =	vtrunc.f32 v9;
	v9 =	vtrunc.f32 v11  }
0x146: {  	v16 =	vadd.f32 v16, v5;
	v11 =	vtrunc.f32 v15;
	v15 =	vmul.f32 v21, v4  }
0x147: {  	v13 =	vadd.f32 v13, v5;
	v12 =	vmul.f32 v12, v4;
	v62 =	vmul.f32 v14, v4  }
0x148: {  	v21 =	vadd.f32 v63, v5;
	v14 =	vtrunc.f32 v16;
	v23 =	vmul.f32 v10, v4  }
0x149: {  	v10 =	vtrunc.f32 v13;
	v15 =	vadd.f32 v15, v5;
	v12 =	vadd.f32 v12, v5  }
0x14a: {  	v19 =	vtrunc.f32 v21;
	v16 =	vadd.f32 v62, v5;
	v13 =	vadd.f32 v23, v5  }
0x14b: {  	v15 =	vtrunc.f32 v15;
	v12 =	vtrunc.f32 v12  }
0x14c: {  	s23 =	simm.s32 $0x12180;
	s24 =	simm.s32 $0x0;
	s25 =	simm.s32 $0x6280;
	v16 =	vtrunc.f32 v16;
	v13 =	vtrunc.f32 v13  }
.LBB2_6:
0x14d: {  	v20 =	vld [tilespmem:s25+$0x70];
	s24 =	sadd.s32 $0x100, s24;
	v19 =	vcvt.f32.s32 v19;
	[tilespmem:s22+$0xFFFFFFA0] =	vst v17;
	v6 =	vcvt.f32.s32 v6  }
0x14e: {  	v7 =	vcvt.f32.s32 v7;
	v8 =	vcvt.f32.s32 v8;
	v17 =	vld [tilespmem:s25+$0xFFFFFF90];
	p0 =	slt.u32 s24, $0x3F00;
	[tilespmem:s22+$0xFFFFFFB0] =	vst v18  }
0x14f: {  	v9 =	vcvt.f32.s32 v9;
	v10 =	vcvt.f32.s32 v10;
	v18 =	vld [tilespmem:s25+$0xFFFFFFA0];
	[tilespmem:s22+$0xFFFFFF80] =	vst v19  }
0x150: {  	v19 =	vld [tilespmem:s25+$0xFFFFFFB0];
	[tilespmem:s22+$0xFFFFFFC0] =	vst v6;
	v6 =	vcvt.f32.s32 v11;
	v11 =	vcvt.f32.s32 v14  }
0x151: {  	v12 =	vcvt.f32.s32 v12;
	v14 =	vld [tilespmem:s25+$0xFFFFFFC0];
	[tilespmem:s22+$0xFFFFFFD0] =	vst v7;
	v7 =	vcvt.f32.s32 v13  }
0x152: {  	v13 =	vld [tilespmem:s25+$0xFFFFFFD0];
	v20 =	vmul.f32 v20, v4;
	[tilespmem:s22+$0xFFFFFFE0] =	vst v8;
	v8 =	vcvt.f32.s32 v16  }
0x153: {  	v16 =	vmul.f32 v17, v4;
	v17 =	vld [tilespmem:s25+$0xFFFFFFE0];
	[tilespmem:s22+$0xFFFFFFF0] =	vst v9;
	v9 =	vcvt.f32.s32 v15  }
0x154: {  	v15 =	vmul.f32 v18, v4;
	v18 =	vld [tilespmem:s25+$0xFFFFFFF0];
	v20 =	vadd.f32 v20, v5;
	[tilespmem:s22+$0x0] =	vst v10  }
0x155: {  	v10 =	vadd.f32 v16, v5;
	v16 =	vmul.f32 v19, v4;
	v19 =	vld [tilespmem:s25+$0x0];
	[tilespmem:s22+$0x10] =	vst v6  }
0x156: {  	v6 =	vadd.f32 v15, v5;
	v14 =	vmul.f32 v14, v4;
	v15 =	vld [tilespmem:s25+$0x10];
	v20 =	vtrunc.f32 v20;
	[tilespmem:s22+$0x20] =	vst v11  }
0x157: {  	v11 =	vadd.f32 v16, v5;
	v13 =	vmul.f32 v13, v4;
	v16 =	vld [tilespmem:s25+$0x20];
	v20 =	vcvt.f32.s32 v20;
	[tilespmem:s22+$0x30] =	vst v7  }
0x158: {  	v21 =	vtrunc.f32 v10;
	s22 =	sadd.s32 $0x100, s22;
	v7 =	vadd.f32 v14, v5;
	v10 =	vmul.f32 v17, v4;
	v14 =	vld [tilespmem:s25+$0x30];
	[tilespmem:s23+$0x40] =	vst v12  }
0x159: {  	v17 =	vtrunc.f32 v6;
	v12 =	vadd.f32 v13, v5;
	v13 =	vmul.f32 v18, v4;
	v18 =	vld [tilespmem:s25+$0x40];
	[tilespmem:s22+$0x70] =	vst v20  }
0x15a: {  	v20 =	vtrunc.f32 v11;
	v10 =	vadd.f32 v10, v5;
	v11 =	vmul.f32 v19, v4;
	v19 =	vld [tilespmem:s25+$0x50];
	[tilespmem:s23+$0x50] =	vst v8  }
0x15b: {  	v6 =	vtrunc.f32 v7;
	v13 =	vadd.f32 v13, v5;
	v15 =	vmul.f32 v15, v4;
	v22 =	vld [tilespmem:s25+$0x60];
	[tilespmem:s23+$0x60] =	vst v9;
	s23 =	smov.u32 s22  }
0x15c: {  	v7 =	vtrunc.f32 v12;
	v23 =	vld [tilespmem:s25+$0xFFFFFF80];
	v11 =	vadd.f32 v11, v5;
	v12 =	vmul.f32 v16, v4  }
0x15d: {  	v8 =	vtrunc.f32 v10;
	v15 =	vadd.f32 v15, v5;
	v14 =	vmul.f32 v14, v4  }
0x15e: {  	v9 =	vtrunc.f32 v13;
	v12 =	vadd.f32 v12, v5;
	v13 =	vmul.f32 v18, v4  }
0x15f: {  	v10 =	vtrunc.f32 v11;
	v16 =	vadd.f32 v14, v5;
	v18 =	vmul.f32 v19, v4  }
0x160: {  	v11 =	vtrunc.f32 v15;
	v15 =	vadd.f32 v13, v5;
	v19 =	vmul.f32 v22, v4  }
.Ltmp2:
0x161: {  	v14 =	vtrunc.f32 v12;
	v22 =	vmul.f32 v23, v4;
	v18 =	vadd.f32 v18, v5;
	(pc) =	sbr.rel @p0 .LBB2_6-.Ltmp2, $4  }
0x162: {  	v13 =	vtrunc.f32 v16;
	v12 =	vtrunc.f32 v15;
	v15 =	vadd.f32 v19, v5  }
0x163: {  	v21 =	vcvt.f32.s32 v21;
	v19 =	vadd.f32 v22, v5;
	v16 =	vtrunc.f32 v18  }
0x164: {  	v17 =	vcvt.f32.s32 v17;
	v15 =	vtrunc.f32 v15  }
0x165: {  	s25 =	sadd.s32 $0x100, s25;
	v18 =	vcvt.f32.s32 v20;
	v19 =	vtrunc.f32 v19;
	[tilespmem:s22+$0xFFFFFF90] =	vst v21  }
0x166: {  	v19 =	vcvt.f32.s32 v19;
	[tilespmem:s22+$0xFFFFFFA0] =	vst v17  }
0x167: {  	v6 =	vcvt.f32.s32 v6;
	[tilespmem:s22+$0xFFFFFFB0] =	vst v18  }
0x168: {  	v7 =	vcvt.f32.s32 v7;
	[tilespmem:s22+$0xFFFFFF80] =	vst v19  }
0x169: {  	v8 =	vcvt.f32.s32 v8;
	[tilespmem:s22+$0xFFFFFFC0] =	vst v6  }
0x16a: {  	v6 =	vcvt.f32.s32 v9;
	[tilespmem:s22+$0xFFFFFFD0] =	vst v7  }
0x16b: {  	v7 =	vcvt.f32.s32 v10;
	[tilespmem:s22+$0xFFFFFFE0] =	vst v8  }
0x16c: {  	v8 =	vcvt.f32.s32 v11;
	[tilespmem:s22+$0xFFFFFFF0] =	vst v6  }
0x16d: {  	v6 =	vcvt.f32.s32 v14;
	[tilespmem:s22+$0x0] =	vst v7  }
0x16e: {  	v7 =	vcvt.f32.s32 v13;
	[tilespmem:s22+$0x10] =	vst v8  }
0x16f: {  	v8 =	vcvt.f32.s32 v12;
	[tilespmem:s22+$0x20] =	vst v6  }
0x170: {  	v6 =	vcvt.f32.s32 v16;
	[tilespmem:s22+$0x30] =	vst v7  }
0x171: {  	v7 =	vcvt.f32.s32 v15;
	[tilespmem:s23+$0x40] =	vst v8  }
0x172: {  	[tilespmem:s23+$0x50] =	vst v6  }
0x173: {  	[tilespmem:s23+$0x60] =	vst v7  }
0x174: {  	s22 =	rddreg [dreg:$0x7]  }
0x175: {  	[hbm4b:s22+s1] =	stream.linear.scatter [tilespmem:s17], [sflag:$0x5], $0x4000, $0x38;
	[tilespmem:$0x16100] =	vst v63  }
0x176: {  	_ =	swait.ge [sflag:s18], $0x4000  }
0x177: {  	[sflag:s18] =	ssyncset.done $0x0  }
0x178: {  	s24 =	rddreg [dreg:$0x8];
	[sflag:s18] =	ssyncadd.s32 $0xFFFFC000  }
0x179: {  	[tilespmem:s12], [sflag:$0x2] =	stream.linear.gather [hbm4b:s24+s1], $0x4000, $0x38;
	[tilespmem:$0x16100] =	vst v63  }
0x17a: {  	_ =	swait.ge [sflag:s19], $0x4000  }
0x17b: {  	[sflag:s19] =	ssyncset.done $0x0  }
0x17c: {  	s25 =	simm.s32 $0xA180;
	[sflag:s19] =	ssyncadd.s32 $0xFFFFC000  }
0x17d: {  	v6 =	vld [tilespmem:s25+$0x70]  }
0x17e: {  	v7 =	vld [tilespmem:s25+$0xFFFFFF90]  }
0x17f: {  	v8 =	vld [tilespmem:s25+$0xFFFFFFA0]  }
0x180: {  	v9 =	vld [tilespmem:s25+$0xFFFFFFB0]  }
0x181: {  	v10 =	vld [tilespmem:s25+$0xFFFFFFC0]  }
0x182: {  	v11 =	vld [tilespmem:s25+$0xFFFFFFD0]  }
0x183: {  	v15 =	vld [tilespmem:s25+$0x10]  }
0x184: {  	v16 =	vld [tilespmem:s25+$0x20]  }
0x185: {  	v22 =	vld [tilespmem:s25+$0xFFFFFF80]  }
0x186: {  	v12 =	vld [tilespmem:s25+$0xFFFFFFE0];
	v6 =	vmul.f32 v6, v4;
	v7 =	vmul.f32 v7, v4  }
0x187: {  	v13 =	vld [tilespmem:s25+$0xFFFFFFF0];
	v8 =	vmul.f32 v8, v4;
	v9 =	vmul.f32 v9, v4  }
0x188: {  	v10 =	vmul.f32 v10, v4;
	v11 =	vmul.f32 v11, v4;
	v6 =	vadd.f32 v6, v5  }
0x189: {  	v14 =	vld [tilespmem:s25+$0x0];
	v15 =	vmul.f32 v15, v4;
	v16 =	vmul.f32 v16, v4;
	v7 =	vadd.f32 v7, v5  }
0x18a: {  	v63 =	vmul.f32 v22, v4;
	v8 =	vadd.f32 v8, v5;
	v6 =	vtrunc.f32 v6  }
0x18b: {  	v9 =	vadd.f32 v9, v5;
	v18 =	vtrunc.f32 v7;
	v7 =	vmul.f32 v12, v4  }
0x18c: {  	v21 =	vld [tilespmem:s25+$0x60];
	v19 =	vtrunc.f32 v8;
	v8 =	vadd.f32 v11, v5;
	v11 =	vmul.f32 v13, v4  }
0x18d: {  	v12 =	vld [tilespmem:s25+$0x40];
	v20 =	vtrunc.f32 v9;
	v17 =	vcvt.f32.s32 v6;
	v6 =	vadd.f32 v10, v5  }
0x18e: {  	s22 =	simm.s32 $0xE180;
	v13 =	vmul.f32 v14, v4;
	v14 =	vld [tilespmem:s25+$0x50];
	v18 =	vcvt.f32.s32 v18;
	v9 =	vadd.f32 v7, v5  }
0x18f: {  	v10 =	vld [tilespmem:s25+$0x30];
	v11 =	vadd.f32 v11, v5;
	v7 =	vtrunc.f32 v8;
	v6 =	vtrunc.f32 v6;
	[tilespmem:s22+$0x70] =	vst v17  }
0x190: {  	v15 =	vadd.f32 v15, v5;
	v17 =	vcvt.f32.s32 v19;
	[tilespmem:s22+$0xFFFFFF90] =	vst v18;
	v18 =	vcvt.f32.s32 v20  }
0x191: {  	v8 =	vtrunc.f32 v9;
	v9 =	vtrunc.f32 v11  }
0x192: {  	v16 =	vadd.f32 v16, v5;
	v11 =	vtrunc.f32 v15;
	v15 =	vmul.f32 v21, v4  }
0x193: {  	v13 =	vadd.f32 v13, v5;
	v12 =	vmul.f32 v12, v4;
	v62 =	vmul.f32 v14, v4  }
0x194: {  	v21 =	vadd.f32 v63, v5;
	v14 =	vtrunc.f32 v16;
	v23 =	vmul.f32 v10, v4  }
0x195: {  	v10 =	vtrunc.f32 v13;
	v15 =	vadd.f32 v15, v5;
	v12 =	vadd.f32 v12, v5  }
0x196: {  	v19 =	vtrunc.f32 v21;
	v16 =	vadd.f32 v62, v5;
	v13 =	vadd.f32 v23, v5  }
0x197: {  	v15 =	vtrunc.f32 v15;
	v12 =	vtrunc.f32 v12  }
0x198: {  	s23 =	simm.s32 $0xE180;
	s24 =	simm.s32 $0x0;
	s25 =	simm.s32 $0xA280;
	v16 =	vtrunc.f32 v16;
	v13 =	vtrunc.f32 v13  }
.LBB2_8:
0x199: {  	v20 =	vld [tilespmem:s25+$0x70];
	s24 =	sadd.s32 $0x100, s24;
	v19 =	vcvt.f32.s32 v19;
	[tilespmem:s22+$0xFFFFFFA0] =	vst v17;
	v6 =	vcvt.f32.s32 v6  }
0x19a: {  	v7 =	vcvt.f32.s32 v7;
	v8 =	vcvt.f32.s32 v8;
	v17 =	vld [tilespmem:s25+$0xFFFFFF90];
	p0 =	slt.u32 s24, $0x3F00;
	[tilespmem:s22+$0xFFFFFFB0] =	vst v18  }
0x19b: {  	v9 =	vcvt.f32.s32 v9;
	v10 =	vcvt.f32.s32 v10;
	v18 =	vld [tilespmem:s25+$0xFFFFFFA0];
	[tilespmem:s22+$0xFFFFFF80] =	vst v19  }
0x19c: {  	v19 =	vld [tilespmem:s25+$0xFFFFFFB0];
	[tilespmem:s22+$0xFFFFFFC0] =	vst v6;
	v6 =	vcvt.f32.s32 v11;
	v11 =	vcvt.f32.s32 v14  }
0x19d: {  	v12 =	vcvt.f32.s32 v12;
	v14 =	vld [tilespmem:s25+$0xFFFFFFC0];
	[tilespmem:s22+$0xFFFFFFD0] =	vst v7;
	v7 =	vcvt.f32.s32 v13  }
0x19e: {  	v13 =	vld [tilespmem:s25+$0xFFFFFFD0];
	v20 =	vmul.f32 v20, v4;
	[tilespmem:s22+$0xFFFFFFE0] =	vst v8;
	v8 =	vcvt.f32.s32 v16  }
0x19f: {  	v16 =	vmul.f32 v17, v4;
	v17 =	vld [tilespmem:s25+$0xFFFFFFE0];
	[tilespmem:s22+$0xFFFFFFF0] =	vst v9;
	v9 =	vcvt.f32.s32 v15  }
0x1a0: {  	v15 =	vmul.f32 v18, v4;
	v18 =	vld [tilespmem:s25+$0xFFFFFFF0];
	v20 =	vadd.f32 v20, v5;
	[tilespmem:s22+$0x0] =	vst v10  }
0x1a1: {  	v10 =	vadd.f32 v16, v5;
	v16 =	vmul.f32 v19, v4;
	v19 =	vld [tilespmem:s25+$0x0];
	[tilespmem:s22+$0x10] =	vst v6  }
0x1a2: {  	v6 =	vadd.f32 v15, v5;
	v14 =	vmul.f32 v14, v4;
	v15 =	vld [tilespmem:s25+$0x10];
	v20 =	vtrunc.f32 v20;
	[tilespmem:s22+$0x20] =	vst v11  }
0x1a3: {  	v11 =	vadd.f32 v16, v5;
	v13 =	vmul.f32 v13, v4;
	v16 =	vld [tilespmem:s25+$0x20];
	v20 =	vcvt.f32.s32 v20;
	[tilespmem:s22+$0x30] =	vst v7  }
0x1a4: {  	v21 =	vtrunc.f32 v10;
	s22 =	sadd.s32 $0x100, s22;
	v7 =	vadd.f32 v14, v5;
	v10 =	vmul.f32 v17, v4;
	v14 =	vld [tilespmem:s25+$0x30];
	[tilespmem:s23+$0x40] =	vst v12  }
0x1a5: {  	v17 =	vtrunc.f32 v6;
	v12 =	vadd.f32 v13, v5;
	v13 =	vmul.f32 v18, v4;
	v18 =	vld [tilespmem:s25+$0x40];
	[tilespmem:s22+$0x70] =	vst v20  }
0x1a6: {  	v20 =	vtrunc.f32 v11;
	v10 =	vadd.f32 v10, v5;
	v11 =	vmul.f32 v19, v4;
	v19 =	vld [tilespmem:s25+$0x50];
	[tilespmem:s23+$0x50] =	vst v8  }
0x1a7: {  	v6 =	vtrunc.f32 v7;
	v13 =	vadd.f32 v13, v5;
	v15 =	vmul.f32 v15, v4;
	v22 =	vld [tilespmem:s25+$0x60];
	[tilespmem:s23+$0x60] =	vst v9;
	s23 =	smov.u32 s22  }
0x1a8: {  	v7 =	vtrunc.f32 v12;
	v23 =	vld [tilespmem:s25+$0xFFFFFF80];
	v11 =	vadd.f32 v11, v5;
	v12 =	vmul.f32 v16, v4  }
0x1a9: {  	v8 =	vtrunc.f32 v10;
	v15 =	vadd.f32 v15, v5;
	v14 =	vmul.f32 v14, v4  }
0x1aa: {  	v9 =	vtrunc.f32 v13;
	v12 =	vadd.f32 v12, v5;
	v13 =	vmul.f32 v18, v4  }
0x1ab: {  	v10 =	vtrunc.f32 v11;
	v16 =	vadd.f32 v14, v5;
	v18 =	vmul.f32 v19, v4  }
0x1ac: {  	v11 =	vtrunc.f32 v15;
	v15 =	vadd.f32 v13, v5;
	v19 =	vmul.f32 v22, v4  }
.Ltmp3:
0x1ad: {  	v14 =	vtrunc.f32 v12;
	v22 =	vmul.f32 v23, v4;
	v18 =	vadd.f32 v18, v5;
	(pc) =	sbr.rel @p0 .LBB2_8-.Ltmp3, $4  }
0x1ae: {  	v13 =	vtrunc.f32 v16;
	v12 =	vtrunc.f32 v15;
	v15 =	vadd.f32 v19, v5  }
0x1af: {  	v21 =	vcvt.f32.s32 v21;
	v19 =	vadd.f32 v22, v5;
	v16 =	vtrunc.f32 v18  }
0x1b0: {  	v17 =	vcvt.f32.s32 v17;
	v15 =	vtrunc.f32 v15  }
0x1b1: {  	s25 =	sadd.s32 $0x100, s25;
	v18 =	vcvt.f32.s32 v20;
	v19 =	vtrunc.f32 v19;
	[tilespmem:s22+$0xFFFFFF90] =	vst v21  }
0x1b2: {  	v19 =	vcvt.f32.s32 v19;
	[tilespmem:s22+$0xFFFFFFA0] =	vst v17  }
0x1b3: {  	v6 =	vcvt.f32.s32 v6;
	[tilespmem:s22+$0xFFFFFFB0] =	vst v18  }
0x1b4: {  	v7 =	vcvt.f32.s32 v7;
	[tilespmem:s22+$0xFFFFFF80] =	vst v19  }
0x1b5: {  	v8 =	vcvt.f32.s32 v8;
	[tilespmem:s22+$0xFFFFFFC0] =	vst v6  }
0x1b6: {  	v6 =	vcvt.f32.s32 v9;
	[tilespmem:s22+$0xFFFFFFD0] =	vst v7  }
0x1b7: {  	v7 =	vcvt.f32.s32 v10;
	[tilespmem:s22+$0xFFFFFFE0] =	vst v8  }
0x1b8: {  	v8 =	vcvt.f32.s32 v11;
	[tilespmem:s22+$0xFFFFFFF0] =	vst v6  }
0x1b9: {  	v6 =	vcvt.f32.s32 v14;
	[tilespmem:s22+$0x0] =	vst v7  }
0x1ba: {  	v7 =	vcvt.f32.s32 v13;
	[tilespmem:s22+$0x10] =	vst v8  }
0x1bb: {  	v8 =	vcvt.f32.s32 v12;
	[tilespmem:s22+$0x20] =	vst v6  }
0x1bc: {  	v6 =	vcvt.f32.s32 v16;
	[tilespmem:s22+$0x30] =	vst v7  }
0x1bd: {  	v7 =	vcvt.f32.s32 v15;
	[tilespmem:s23+$0x40] =	vst v8  }
0x1be: {  	[tilespmem:s23+$0x50] =	vst v6  }
0x1bf: {  	[tilespmem:s23+$0x60] =	vst v7  }
0x1c0: {  	s22 =	rddreg [dreg:$0x9]  }
0x1c1: {  	[hbm4b:s22+s1] =	stream.linear.scatter [tilespmem:s15], [sflag:$0x4], $0x4000, $0x38;
	[tilespmem:$0x16100] =	vst v63  }
0x1c2: {  	_ =	swait.ge [sflag:s13], $0x4000  }
0x1c3: {  	[sflag:s13] =	ssyncset.done $0x0  }
0x1c4: {  	s24 =	rddreg [dreg:$0xa];
	[sflag:s13] =	ssyncadd.s32 $0xFFFFC000  }
0x1c5: {  	[tilespmem:s14], [sflag:$0x3] =	stream.linear.gather [hbm4b:s24+s1], $0x4000, $0x38;
	[tilespmem:$0x16100] =	vst v63  }
0x1c6: {  	_ =	swait.ge [sflag:s20], $0x4000  }
0x1c7: {  	[sflag:s20] =	ssyncset.done $0x0  }
0x1c8: {  	s25 =	simm.s32 $0x2180;
	[sflag:s20] =	ssyncadd.s32 $0xFFFFC000  }
0x1c9: {  	v6 =	vld [tilespmem:s25+$0x70]  }
0x1ca: {  	v7 =	vld [tilespmem:s25+$0xFFFFFF90]  }
0x1cb: {  	v8 =	vld [tilespmem:s25+$0xFFFFFFA0]  }
0x1cc: {  	v9 =	vld [tilespmem:s25+$0xFFFFFFB0]  }
0x1cd: {  	v10 =	vld [tilespmem:s25+$0xFFFFFFC0]  }
0x1ce: {  	v11 =	vld [tilespmem:s25+$0xFFFFFFD0]  }
0x1cf: {  	v15 =	vld [tilespmem:s25+$0x10]  }
0x1d0: {  	v16 =	vld [tilespmem:s25+$0x20]  }
0x1d1: {  	v22 =	vld [tilespmem:s25+$0xFFFFFF80]  }
0x1d2: {  	v12 =	vld [tilespmem:s25+$0xFFFFFFE0];
	v6 =	vmul.f32 v6, v4;
	v7 =	vmul.f32 v7, v4  }
0x1d3: {  	v13 =	vld [tilespmem:s25+$0xFFFFFFF0];
	v8 =	vmul.f32 v8, v4;
	v9 =	vmul.f32 v9, v4  }
0x1d4: {  	v10 =	vmul.f32 v10, v4;
	v11 =	vmul.f32 v11, v4;
	v6 =	vadd.f32 v6, v5  }
0x1d5: {  	v14 =	vld [tilespmem:s25+$0x0];
	v15 =	vmul.f32 v15, v4;
	v16 =	vmul.f32 v16, v4;
	v7 =	vadd.f32 v7, v5  }
0x1d6: {  	v63 =	vmul.f32 v22, v4;
	v8 =	vadd.f32 v8, v5;
	v6 =	vtrunc.f32 v6  }
0x1d7: {  	v9 =	vadd.f32 v9, v5;
	v18 =	vtrunc.f32 v7;
	v7 =	vmul.f32 v12, v4  }
0x1d8: {  	v21 =	vld [tilespmem:s25+$0x60];
	v19 =	vtrunc.f32 v8;
	v8 =	vadd.f32 v11, v5;
	v11 =	vmul.f32 v13, v4  }
0x1d9: {  	v12 =	vld [tilespmem:s25+$0x40];
	v20 =	vtrunc.f32 v9;
	v17 =	vcvt.f32.s32 v6;
	v6 =	vadd.f32 v10, v5  }
0x1da: {  	s22 =	simm.s32 $0x12180;
	v13 =	vmul.f32 v14, v4;
	v14 =	vld [tilespmem:s25+$0x50];
	v18 =	vcvt.f32.s32 v18;
	v9 =	vadd.f32 v7, v5  }
0x1db: {  	v10 =	vld [tilespmem:s25+$0x30];
	v11 =	vadd.f32 v11, v5;
	v7 =	vtrunc.f32 v8;
	v6 =	vtrunc.f32 v6;
	[tilespmem:s22+$0x70] =	vst v17  }
0x1dc: {  	v15 =	vadd.f32 v15, v5;
	v17 =	vcvt.f32.s32 v19;
	[tilespmem:s22+$0xFFFFFF90] =	vst v18;
	v18 =	vcvt.f32.s32 v20  }
0x1dd: {  	v8 =	vtrunc.f32 v9;
	v9 =	vtrunc.f32 v11  }
0x1de: {  	v16 =	vadd.f32 v16, v5;
	v11 =	vtrunc.f32 v15;
	v15 =	vmul.f32 v21, v4  }
0x1df: {  	v13 =	vadd.f32 v13, v5;
	v12 =	vmul.f32 v12, v4;
	v62 =	vmul.f32 v14, v4  }
0x1e0: {  	v21 =	vadd.f32 v63, v5;
	v14 =	vtrunc.f32 v16;
	v23 =	vmul.f32 v10, v4  }
0x1e1: {  	v10 =	vtrunc.f32 v13;
	v15 =	vadd.f32 v15, v5;
	v12 =	vadd.f32 v12, v5  }
0x1e2: {  	v19 =	vtrunc.f32 v21;
	v16 =	vadd.f32 v62, v5;
	v13 =	vadd.f32 v23, v5  }
0x1e3: {  	v15 =	vtrunc.f32 v15;
	v12 =	vtrunc.f32 v12  }
0x1e4: {  	s23 =	simm.s32 $0x12180;
	s24 =	simm.s32 $0x0;
	s25 =	simm.s32 $0x2280;
	v16 =	vtrunc.f32 v16;
	v13 =	vtrunc.f32 v13  }
.LBB2_10:
0x1e5: {  	v20 =	vld [tilespmem:s25+$0x70];
	s24 =	sadd.s32 $0x100, s24;
	v19 =	vcvt.f32.s32 v19;
	[tilespmem:s22+$0xFFFFFFA0] =	vst v17;
	v6 =	vcvt.f32.s32 v6  }
0x1e6: {  	v7 =	vcvt.f32.s32 v7;
	v8 =	vcvt.f32.s32 v8;
	v17 =	vld [tilespmem:s25+$0xFFFFFF90];
	p0 =	slt.u32 s24, $0x3F00;
	[tilespmem:s22+$0xFFFFFFB0] =	vst v18  }
0x1e7: {  	v9 =	vcvt.f32.s32 v9;
	v10 =	vcvt.f32.s32 v10;
	v18 =	vld [tilespmem:s25+$0xFFFFFFA0];
	[tilespmem:s22+$0xFFFFFF80] =	vst v19  }
0x1e8: {  	v19 =	vld [tilespmem:s25+$0xFFFFFFB0];
	[tilespmem:s22+$0xFFFFFFC0] =	vst v6;
	v6 =	vcvt.f32.s32 v11;
	v11 =	vcvt.f32.s32 v14  }
0x1e9: {  	v12 =	vcvt.f32.s32 v12;
	v14 =	vld [tilespmem:s25+$0xFFFFFFC0];
	[tilespmem:s22+$0xFFFFFFD0] =	vst v7;
	v7 =	vcvt.f32.s32 v13  }
0x1ea: {  	v13 =	vld [tilespmem:s25+$0xFFFFFFD0];
	v20 =	vmul.f32 v20, v4;
	[tilespmem:s22+$0xFFFFFFE0] =	vst v8;
	v8 =	vcvt.f32.s32 v16  }
0x1eb: {  	v16 =	vmul.f32 v17, v4;
	v17 =	vld [tilespmem:s25+$0xFFFFFFE0];
	[tilespmem:s22+$0xFFFFFFF0] =	vst v9;
	v9 =	vcvt.f32.s32 v15  }
0x1ec: {  	v15 =	vmul.f32 v18, v4;
	v18 =	vld [tilespmem:s25+$0xFFFFFFF0];
	v20 =	vadd.f32 v20, v5;
	[tilespmem:s22+$0x0] =	vst v10  }
0x1ed: {  	v10 =	vadd.f32 v16, v5;
	v16 =	vmul.f32 v19, v4;
	v19 =	vld [tilespmem:s25+$0x0];
	[tilespmem:s22+$0x10] =	vst v6  }
0x1ee: {  	v6 =	vadd.f32 v15, v5;
	v14 =	vmul.f32 v14, v4;
	v15 =	vld [tilespmem:s25+$0x10];
	v20 =	vtrunc.f32 v20;
	[tilespmem:s22+$0x20] =	vst v11  }
0x1ef: {  	v11 =	vadd.f32 v16, v5;
	v13 =	vmul.f32 v13, v4;
	v16 =	vld [tilespmem:s25+$0x20];
	v20 =	vcvt.f32.s32 v20;
	[tilespmem:s22+$0x30] =	vst v7  }
0x1f0: {  	v21 =	vtrunc.f32 v10;
	s22 =	sadd.s32 $0x100, s22;
	v7 =	vadd.f32 v14, v5;
	v10 =	vmul.f32 v17, v4;
	v14 =	vld [tilespmem:s25+$0x30];
	[tilespmem:s23+$0x40] =	vst v12  }
0x1f1: {  	v17 =	vtrunc.f32 v6;
	v12 =	vadd.f32 v13, v5;
	v13 =	vmul.f32 v18, v4;
	v18 =	vld [tilespmem:s25+$0x40];
	[tilespmem:s22+$0x70] =	vst v20  }
0x1f2: {  	v20 =	vtrunc.f32 v11;
	v10 =	vadd.f32 v10, v5;
	v11 =	vmul.f32 v19, v4;
	v19 =	vld [tilespmem:s25+$0x50];
	[tilespmem:s23+$0x50] =	vst v8  }
0x1f3: {  	v6 =	vtrunc.f32 v7;
	v13 =	vadd.f32 v13, v5;
	v15 =	vmul.f32 v15, v4;
	v22 =	vld [tilespmem:s25+$0x60];
	[tilespmem:s23+$0x60] =	vst v9;
	s23 =	smov.u32 s22  }
0x1f4: {  	v7 =	vtrunc.f32 v12;
	v23 =	vld [tilespmem:s25+$0xFFFFFF80];
	v11 =	vadd.f32 v11, v5;
	v12 =	vmul.f32 v16, v4  }
0x1f5: {  	v8 =	vtrunc.f32 v10;
	v15 =	vadd.f32 v15, v5;
	v14 =	vmul.f32 v14, v4  }
0x1f6: {  	v9 =	vtrunc.f32 v13;
	v12 =	vadd.f32 v12, v5;
	v13 =	vmul.f32 v18, v4  }
0x1f7: {  	v10 =	vtrunc.f32 v11;
	v16 =	vadd.f32 v14, v5;
	v18 =	vmul.f32 v19, v4  }
0x1f8: {  	v11 =	vtrunc.f32 v15;
	v15 =	vadd.f32 v13, v5;
	v19 =	vmul.f32 v22, v4  }
.Ltmp4:
0x1f9: {  	v14 =	vtrunc.f32 v12;
	v22 =	vmul.f32 v23, v4;
	v18 =	vadd.f32 v18, v5;
	(pc) =	sbr.rel @p0 .LBB2_10-.Ltmp4, $4  }
0x1fa: {  	v13 =	vtrunc.f32 v16;
	v12 =	vtrunc.f32 v15;
	v15 =	vadd.f32 v19, v5  }
0x1fb: {  	v21 =	vcvt.f32.s32 v21;
	v19 =	vadd.f32 v22, v5;
	v16 =	vtrunc.f32 v18  }
0x1fc: {  	v17 =	vcvt.f32.s32 v17;
	v15 =	vtrunc.f32 v15  }
0x1fd: {  	s25 =	sadd.s32 $0x100, s25;
	v18 =	vcvt.f32.s32 v20;
	v19 =	vtrunc.f32 v19;
	[tilespmem:s22+$0xFFFFFF90] =	vst v21  }
0x1fe: {  	v19 =	vcvt.f32.s32 v19;
	[tilespmem:s22+$0xFFFFFFA0] =	vst v17  }
0x1ff: {  	v6 =	vcvt.f32.s32 v6;
	[tilespmem:s22+$0xFFFFFFB0] =	vst v18  }
0x200: {  	v7 =	vcvt.f32.s32 v7;
	[tilespmem:s22+$0xFFFFFF80] =	vst v19  }
0x201: {  	v8 =	vcvt.f32.s32 v8;
	[tilespmem:s22+$0xFFFFFFC0] =	vst v6  }
0x202: {  	v6 =	vcvt.f32.s32 v9;
	[tilespmem:s22+$0xFFFFFFD0] =	vst v7  }
0x203: {  	v7 =	vcvt.f32.s32 v10;
	[tilespmem:s22+$0xFFFFFFE0] =	vst v8  }
0x204: {  	v8 =	vcvt.f32.s32 v11;
	[tilespmem:s22+$0xFFFFFFF0] =	vst v6  }
0x205: {  	v6 =	vcvt.f32.s32 v14;
	[tilespmem:s22+$0x0] =	vst v7  }
0x206: {  	v7 =	vcvt.f32.s32 v13;
	[tilespmem:s22+$0x10] =	vst v8  }
0x207: {  	v8 =	vcvt.f32.s32 v12;
	[tilespmem:s22+$0x20] =	vst v6  }
0x208: {  	v6 =	vcvt.f32.s32 v16;
	[tilespmem:s22+$0x30] =	vst v7  }
0x209: {  	v7 =	vcvt.f32.s32 v15;
	[tilespmem:s23+$0x40] =	vst v8  }
0x20a: {  	[tilespmem:s23+$0x50] =	vst v6  }
0x20b: {  	[tilespmem:s23+$0x60] =	vst v7  }
0x20c: {  	s22 =	rddreg [dreg:$0xb]  }
0x20d: {  	[hbm4b:s22+s1] =	stream.linear.scatter [tilespmem:s17], [sflag:$0x5], $0x4000, $0x38;
	[tilespmem:$0x16100] =	vst v63  }
0x20e: {  	_ =	swait.ge [sflag:s16], $0x4000  }
0x20f: {  	[sflag:s16] =	ssyncset.done $0x0  }
0x210: {  	s24 =	rddreg [dreg:$0xc];
	[sflag:s16] =	ssyncadd.s32 $0xFFFFC000  }
0x211: {  	[tilespmem:s11], [sflag:$0x1] =	stream.linear.gather [hbm4b:s24+s1], $0x4000, $0x38;
	[tilespmem:$0x16100] =	vst v63  }
0x212: {  	_ =	swait.ge [sflag:s19], $0x4000  }
0x213: {  	[sflag:s19] =	ssyncset.done $0x0  }
0x214: {  	s25 =	simm.s32 $0x6180;
	[sflag:s19] =	ssyncadd.s32 $0xFFFFC000  }
0x215: {  	v6 =	vld [tilespmem:s25+$0x70]  }
0x216: {  	v7 =	vld [tilespmem:s25+$0xFFFFFF90]  }
0x217: {  	v8 =	vld [tilespmem:s25+$0xFFFFFFA0]  }
0x218: {  	v9 =	vld [tilespmem:s25+$0xFFFFFFB0]  }
0x219: {  	v10 =	vld [tilespmem:s25+$0xFFFFFFC0]  }
0x21a: {  	v11 =	vld [tilespmem:s25+$0xFFFFFFD0]  }
0x21b: {  	v15 =	vld [tilespmem:s25+$0x10]  }
0x21c: {  	v16 =	vld [tilespmem:s25+$0x20]  }
0x21d: {  	v22 =	vld [tilespmem:s25+$0xFFFFFF80]  }
0x21e: {  	v12 =	vld [tilespmem:s25+$0xFFFFFFE0];
	v6 =	vmul.f32 v6, v4;
	v7 =	vmul.f32 v7, v4  }
0x21f: {  	v13 =	vld [tilespmem:s25+$0xFFFFFFF0];
	v8 =	vmul.f32 v8, v4;
	v9 =	vmul.f32 v9, v4  }
0x220: {  	v10 =	vmul.f32 v10, v4;
	v11 =	vmul.f32 v11, v4;
	v6 =	vadd.f32 v6, v5  }
0x221: {  	v14 =	vld [tilespmem:s25+$0x0];
	v15 =	vmul.f32 v15, v4;
	v16 =	vmul.f32 v16, v4;
	v7 =	vadd.f32 v7, v5  }
0x222: {  	v63 =	vmul.f32 v22, v4;
	v8 =	vadd.f32 v8, v5;
	v6 =	vtrunc.f32 v6  }
0x223: {  	v9 =	vadd.f32 v9, v5;
	v18 =	vtrunc.f32 v7;
	v7 =	vmul.f32 v12, v4  }
0x224: {  	v21 =	vld [tilespmem:s25+$0x60];
	v19 =	vtrunc.f32 v8;
	v8 =	vadd.f32 v11, v5;
	v11 =	vmul.f32 v13, v4  }
0x225: {  	v12 =	vld [tilespmem:s25+$0x40];
	v20 =	vtrunc.f32 v9;
	v17 =	vcvt.f32.s32 v6;
	v6 =	vadd.f32 v10, v5  }
0x226: {  	s22 =	simm.s32 $0xE180;
	v13 =	vmul.f32 v14, v4;
	v14 =	vld [tilespmem:s25+$0x50];
	v18 =	vcvt.f32.s32 v18;
	v9 =	vadd.f32 v7, v5  }
0x227: {  	v10 =	vld [tilespmem:s25+$0x30];
	v11 =	vadd.f32 v11, v5;
	v7 =	vtrunc.f32 v8;
	v6 =	vtrunc.f32 v6;
	[tilespmem:s22+$0x70] =	vst v17  }
0x228: {  	v15 =	vadd.f32 v15, v5;
	v17 =	vcvt.f32.s32 v19;
	[tilespmem:s22+$0xFFFFFF90] =	vst v18;
	v18 =	vcvt.f32.s32 v20  }
0x229: {  	v8 =	vtrunc.f32 v9;
	v9 =	vtrunc.f32 v11  }
0x22a: {  	v16 =	vadd.f32 v16, v5;
	v11 =	vtrunc.f32 v15;
	v15 =	vmul.f32 v21, v4  }
0x22b: {  	v13 =	vadd.f32 v13, v5;
	v12 =	vmul.f32 v12, v4;
	v62 =	vmul.f32 v14, v4  }
0x22c: {  	v21 =	vadd.f32 v63, v5;
	v14 =	vtrunc.f32 v16;
	v23 =	vmul.f32 v10, v4  }
0x22d: {  	v10 =	vtrunc.f32 v13;
	v15 =	vadd.f32 v15, v5;
	v12 =	vadd.f32 v12, v5  }
0x22e: {  	v19 =	vtrunc.f32 v21;
	v16 =	vadd.f32 v62, v5;
	v13 =	vadd.f32 v23, v5  }
0x22f: {  	v15 =	vtrunc.f32 v15;
	v12 =	vtrunc.f32 v12  }
0x230: {  	s23 =	simm.s32 $0xE180;
	s24 =	simm.s32 $0x0;
	s25 =	simm.s32 $0x6280;
	v16 =	vtrunc.f32 v16;
	v13 =	vtrunc.f32 v13  }
.LBB2_12:
0x231: {  	v20 =	vld [tilespmem:s25+$0x70];
	s24 =	sadd.s32 $0x100, s24;
	v19 =	vcvt.f32.s32 v19;
	[tilespmem:s22+$0xFFFFFFA0] =	vst v17;
	v6 =	vcvt.f32.s32 v6  }
0x232: {  	v7 =	vcvt.f32.s32 v7;
	v8 =	vcvt.f32.s32 v8;
	v17 =	vld [tilespmem:s25+$0xFFFFFF90];
	p0 =	slt.u32 s24, $0x3F00;
	[tilespmem:s22+$0xFFFFFFB0] =	vst v18  }
0x233: {  	v9 =	vcvt.f32.s32 v9;
	v10 =	vcvt.f32.s32 v10;
	v18 =	vld [tilespmem:s25+$0xFFFFFFA0];
	[tilespmem:s22+$0xFFFFFF80] =	vst v19  }
0x234: {  	v19 =	vld [tilespmem:s25+$0xFFFFFFB0];
	[tilespmem:s22+$0xFFFFFFC0] =	vst v6;
	v6 =	vcvt.f32.s32 v11;
	v11 =	vcvt.f32.s32 v14  }
0x235: {  	v12 =	vcvt.f32.s32 v12;
	v14 =	vld [tilespmem:s25+$0xFFFFFFC0];
	[tilespmem:s22+$0xFFFFFFD0] =	vst v7;
	v7 =	vcvt.f32.s32 v13  }
0x236: {  	v13 =	vld [tilespmem:s25+$0xFFFFFFD0];
	v20 =	vmul.f32 v20, v4;
	[tilespmem:s22+$0xFFFFFFE0] =	vst v8;
	v8 =	vcvt.f32.s32 v16  }
0x237: {  	v16 =	vmul.f32 v17, v4;
	v17 =	vld [tilespmem:s25+$0xFFFFFFE0];
	[tilespmem:s22+$0xFFFFFFF0] =	vst v9;
	v9 =	vcvt.f32.s32 v15  }
0x238: {  	v15 =	vmul.f32 v18, v4;
	v18 =	vld [tilespmem:s25+$0xFFFFFFF0];
	v20 =	vadd.f32 v20, v5;
	[tilespmem:s22+$0x0] =	vst v10  }
0x239: {  	v10 =	vadd.f32 v16, v5;
	v16 =	vmul.f32 v19, v4;
	v19 =	vld [tilespmem:s25+$0x0];
	[tilespmem:s22+$0x10] =	vst v6  }
0x23a: {  	v6 =	vadd.f32 v15, v5;
	v14 =	vmul.f32 v14, v4;
	v15 =	vld [tilespmem:s25+$0x10];
	v20 =	vtrunc.f32 v20;
	[tilespmem:s22+$0x20] =	vst v11  }
0x23b: {  	v11 =	vadd.f32 v16, v5;
	v13 =	vmul.f32 v13, v4;
	v16 =	vld [tilespmem:s25+$0x20];
	v20 =	vcvt.f32.s32 v20;
	[tilespmem:s22+$0x30] =	vst v7  }
0x23c: {  	v21 =	vtrunc.f32 v10;
	s22 =	sadd.s32 $0x100, s22;
	v7 =	vadd.f32 v14, v5;
	v10 =	vmul.f32 v17, v4;
	v14 =	vld [tilespmem:s25+$0x30];
	[tilespmem:s23+$0x40] =	vst v12  }
0x23d: {  	v17 =	vtrunc.f32 v6;
	v12 =	vadd.f32 v13, v5;
	v13 =	vmul.f32 v18, v4;
	v18 =	vld [tilespmem:s25+$0x40];
	[tilespmem:s22+$0x70] =	vst v20  }
0x23e: {  	v20 =	vtrunc.f32 v11;
	v10 =	vadd.f32 v10, v5;
	v11 =	vmul.f32 v19, v4;
	v19 =	vld [tilespmem:s25+$0x50];
	[tilespmem:s23+$0x50] =	vst v8  }
0x23f: {  	v6 =	vtrunc.f32 v7;
	v13 =	vadd.f32 v13, v5;
	v15 =	vmul.f32 v15, v4;
	v22 =	vld [tilespmem:s25+$0x60];
	[tilespmem:s23+$0x60] =	vst v9;
	s23 =	smov.u32 s22  }
0x240: {  	v7 =	vtrunc.f32 v12;
	v23 =	vld [tilespmem:s25+$0xFFFFFF80];
	v11 =	vadd.f32 v11, v5;
	v12 =	vmul.f32 v16, v4  }
0x241: {  	v8 =	vtrunc.f32 v10;
	v15 =	vadd.f32 v15, v5;
	v14 =	vmul.f32 v14, v4  }
0x242: {  	v9 =	vtrunc.f32 v13;
	v12 =	vadd.f32 v12, v5;
	v13 =	vmul.f32 v18, v4  }
0x243: {  	v10 =	vtrunc.f32 v11;
	v16 =	vadd.f32 v14, v5;
	v18 =	vmul.f32 v19, v4  }
0x244: {  	v11 =	vtrunc.f32 v15;
	v15 =	vadd.f32 v13, v5;
	v19 =	vmul.f32 v22, v4  }
.Ltmp5:
0x245: {  	v14 =	vtrunc.f32 v12;
	v22 =	vmul.f32 v23, v4;
	v18 =	vadd.f32 v18, v5;
	(pc) =	sbr.rel @p0 .LBB2_12-.Ltmp5, $4  }
0x246: {  	v13 =	vtrunc.f32 v16;
	v12 =	vtrunc.f32 v15;
	v15 =	vadd.f32 v19, v5  }
0x247: {  	v21 =	vcvt.f32.s32 v21;
	v19 =	vadd.f32 v22, v5;
	v16 =	vtrunc.f32 v18  }
0x248: {  	v17 =	vcvt.f32.s32 v17;
	v15 =	vtrunc.f32 v15  }
0x249: {  	s25 =	sadd.s32 $0x100, s25;
	v18 =	vcvt.f32.s32 v20;
	v19 =	vtrunc.f32 v19;
	[tilespmem:s22+$0xFFFFFF90] =	vst v21  }
0x24a: {  	v19 =	vcvt.f32.s32 v19;
	[tilespmem:s22+$0xFFFFFFA0] =	vst v17  }
0x24b: {  	v6 =	vcvt.f32.s32 v6;
	[tilespmem:s22+$0xFFFFFFB0] =	vst v18  }
0x24c: {  	v7 =	vcvt.f32.s32 v7;
	[tilespmem:s22+$0xFFFFFF80] =	vst v19  }
0x24d: {  	v8 =	vcvt.f32.s32 v8;
	[tilespmem:s22+$0xFFFFFFC0] =	vst v6  }
0x24e: {  	v6 =	vcvt.f32.s32 v9;
	[tilespmem:s22+$0xFFFFFFD0] =	vst v7  }
0x24f: {  	v7 =	vcvt.f32.s32 v10;
	[tilespmem:s22+$0xFFFFFFE0] =	vst v8  }
0x250: {  	v8 =	vcvt.f32.s32 v11;
	[tilespmem:s22+$0xFFFFFFF0] =	vst v6  }
0x251: {  	v6 =	vcvt.f32.s32 v14;
	[tilespmem:s22+$0x0] =	vst v7  }
0x252: {  	v7 =	vcvt.f32.s32 v13;
	[tilespmem:s22+$0x10] =	vst v8  }
0x253: {  	v8 =	vcvt.f32.s32 v12;
	[tilespmem:s22+$0x20] =	vst v6  }
0x254: {  	v6 =	vcvt.f32.s32 v16;
	[tilespmem:s22+$0x30] =	vst v7  }
0x255: {  	v7 =	vcvt.f32.s32 v15;
	[tilespmem:s23+$0x40] =	vst v8  }
0x256: {  	[tilespmem:s23+$0x50] =	vst v6  }
0x257: {  	[tilespmem:s23+$0x60] =	vst v7  }
0x258: {  	s22 =	rddreg [dreg:$0xd]  }
0x259: {  	[hbm4b:s22+s1] =	stream.linear.scatter [tilespmem:s15], [sflag:$0x4], $0x4000, $0x38;
	[tilespmem:$0x16100] =	vst v63  }
0x25a: {  	_ =	swait.ge [sflag:s18], $0x4000  }
0x25b: {  	[sflag:s18] =	ssyncset.done $0x0  }
0x25c: {  	s24 =	rddreg [dreg:$0xe];
	[sflag:s18] =	ssyncadd.s32 $0xFFFFC000  }
0x25d: {  	[tilespmem:s12], [sflag:$0x2] =	stream.linear.gather [hbm4b:s24+s1], $0x4000, $0x38;
	[tilespmem:$0x16100] =	vst v63  }
0x25e: {  	_ =	swait.ge [sflag:s20], $0x4000  }
0x25f: {  	[sflag:s20] =	ssyncset.done $0x0  }
0x260: {  	s25 =	simm.s32 $0xA180;
	[sflag:s20] =	ssyncadd.s32 $0xFFFFC000  }
0x261: {  	v6 =	vld [tilespmem:s25+$0x70]  }
0x262: {  	v7 =	vld [tilespmem:s25+$0xFFFFFF90]  }
0x263: {  	v8 =	vld [tilespmem:s25+$0xFFFFFFA0]  }
0x264: {  	v9 =	vld [tilespmem:s25+$0xFFFFFFB0]  }
0x265: {  	v10 =	vld [tilespmem:s25+$0xFFFFFFC0]  }
0x266: {  	v11 =	vld [tilespmem:s25+$0xFFFFFFD0]  }
0x267: {  	v15 =	vld [tilespmem:s25+$0x10]  }
0x268: {  	v16 =	vld [tilespmem:s25+$0x20]  }
0x269: {  	v22 =	vld [tilespmem:s25+$0xFFFFFF80]  }
0x26a: {  	v12 =	vld [tilespmem:s25+$0xFFFFFFE0];
	v6 =	vmul.f32 v6, v4;
	v7 =	vmul.f32 v7, v4  }
0x26b: {  	v13 =	vld [tilespmem:s25+$0xFFFFFFF0];
	v8 =	vmul.f32 v8, v4;
	v9 =	vmul.f32 v9, v4  }
0x26c: {  	v10 =	vmul.f32 v10, v4;
	v11 =	vmul.f32 v11, v4;
	v6 =	vadd.f32 v6, v5  }
0x26d: {  	v14 =	vld [tilespmem:s25+$0x0];
	v15 =	vmul.f32 v15, v4;
	v16 =	vmul.f32 v16, v4;
	v7 =	vadd.f32 v7, v5  }
0x26e: {  	v63 =	vmul.f32 v22, v4;
	v8 =	vadd.f32 v8, v5;
	v6 =	vtrunc.f32 v6  }
0x26f: {  	v9 =	vadd.f32 v9, v5;
	v18 =	vtrunc.f32 v7;
	v7 =	vmul.f32 v12, v4  }
0x270: {  	v21 =	vld [tilespmem:s25+$0x60];
	v19 =	vtrunc.f32 v8;
	v8 =	vadd.f32 v11, v5;
	v11 =	vmul.f32 v13, v4  }
0x271: {  	v12 =	vld [tilespmem:s25+$0x40];
	v20 =	vtrunc.f32 v9;
	v17 =	vcvt.f32.s32 v6;
	v6 =	vadd.f32 v10, v5  }
0x272: {  	s22 =	simm.s32 $0x12180;
	v13 =	vmul.f32 v14, v4;
	v14 =	vld [tilespmem:s25+$0x50];
	v18 =	vcvt.f32.s32 v18;
	v9 =	vadd.f32 v7, v5  }
0x273: {  	v10 =	vld [tilespmem:s25+$0x30];
	v11 =	vadd.f32 v11, v5;
	v7 =	vtrunc.f32 v8;
	v6 =	vtrunc.f32 v6;
	[tilespmem:s22+$0x70] =	vst v17  }
0x274: {  	v15 =	vadd.f32 v15, v5;
	v17 =	vcvt.f32.s32 v19;
	[tilespmem:s22+$0xFFFFFF90] =	vst v18;
	v18 =	vcvt.f32.s32 v20  }
0x275: {  	v8 =	vtrunc.f32 v9;
	v9 =	vtrunc.f32 v11  }
0x276: {  	v16 =	vadd.f32 v16, v5;
	v11 =	vtrunc.f32 v15;
	v15 =	vmul.f32 v21, v4  }
0x277: {  	v13 =	vadd.f32 v13, v5;
	v12 =	vmul.f32 v12, v4;
	v62 =	vmul.f32 v14, v4  }
0x278: {  	v21 =	vadd.f32 v63, v5;
	v14 =	vtrunc.f32 v16;
	v23 =	vmul.f32 v10, v4  }
0x279: {  	v10 =	vtrunc.f32 v13;
	v15 =	vadd.f32 v15, v5;
	v12 =	vadd.f32 v12, v5  }
0x27a: {  	v19 =	vtrunc.f32 v21;
	v16 =	vadd.f32 v62, v5;
	v13 =	vadd.f32 v23, v5  }
0x27b: {  	v15 =	vtrunc.f32 v15;
	v12 =	vtrunc.f32 v12  }
0x27c: {  	s23 =	simm.s32 $0x12180;
	s24 =	simm.s32 $0x0;
	s25 =	simm.s32 $0xA280;
	v16 =	vtrunc.f32 v16;
	v13 =	vtrunc.f32 v13  }
.LBB2_14:
0x27d: {  	v20 =	vld [tilespmem:s25+$0x70];
	s24 =	sadd.s32 $0x100, s24;
	v19 =	vcvt.f32.s32 v19;
	[tilespmem:s22+$0xFFFFFFA0] =	vst v17;
	v6 =	vcvt.f32.s32 v6  }
0x27e: {  	v7 =	vcvt.f32.s32 v7;
	v8 =	vcvt.f32.s32 v8;
	v17 =	vld [tilespmem:s25+$0xFFFFFF90];
	p0 =	slt.u32 s24, $0x3F00;
	[tilespmem:s22+$0xFFFFFFB0] =	vst v18  }
0x27f: {  	v9 =	vcvt.f32.s32 v9;
	v10 =	vcvt.f32.s32 v10;
	v18 =	vld [tilespmem:s25+$0xFFFFFFA0];
	[tilespmem:s22+$0xFFFFFF80] =	vst v19  }
0x280: {  	v19 =	vld [tilespmem:s25+$0xFFFFFFB0];
	[tilespmem:s22+$0xFFFFFFC0] =	vst v6;
	v6 =	vcvt.f32.s32 v11;
	v11 =	vcvt.f32.s32 v14  }
0x281: {  	v12 =	vcvt.f32.s32 v12;
	v14 =	vld [tilespmem:s25+$0xFFFFFFC0];
	[tilespmem:s22+$0xFFFFFFD0] =	vst v7;
	v7 =	vcvt.f32.s32 v13  }
0x282: {  	v13 =	vld [tilespmem:s25+$0xFFFFFFD0];
	v20 =	vmul.f32 v20, v4;
	[tilespmem:s22+$0xFFFFFFE0] =	vst v8;
	v8 =	vcvt.f32.s32 v16  }
0x283: {  	v16 =	vmul.f32 v17, v4;
	v17 =	vld [tilespmem:s25+$0xFFFFFFE0];
	[tilespmem:s22+$0xFFFFFFF0] =	vst v9;
	v9 =	vcvt.f32.s32 v15  }
0x284: {  	v15 =	vmul.f32 v18, v4;
	v18 =	vld [tilespmem:s25+$0xFFFFFFF0];
	v20 =	vadd.f32 v20, v5;
	[tilespmem:s22+$0x0] =	vst v10  }
0x285: {  	v10 =	vadd.f32 v16, v5;
	v16 =	vmul.f32 v19, v4;
	v19 =	vld [tilespmem:s25+$0x0];
	[tilespmem:s22+$0x10] =	vst v6  }
0x286: {  	v6 =	vadd.f32 v15, v5;
	v14 =	vmul.f32 v14, v4;
	v15 =	vld [tilespmem:s25+$0x10];
	v20 =	vtrunc.f32 v20;
	[tilespmem:s22+$0x20] =	vst v11  }
0x287: {  	v11 =	vadd.f32 v16, v5;
	v13 =	vmul.f32 v13, v4;
	v16 =	vld [tilespmem:s25+$0x20];
	v20 =	vcvt.f32.s32 v20;
	[tilespmem:s22+$0x30] =	vst v7  }
0x288: {  	v21 =	vtrunc.f32 v10;
	s22 =	sadd.s32 $0x100, s22;
	v7 =	vadd.f32 v14, v5;
	v10 =	vmul.f32 v17, v4;
	v14 =	vld [tilespmem:s25+$0x30];
	[tilespmem:s23+$0x40] =	vst v12  }
0x289: {  	v17 =	vtrunc.f32 v6;
	v12 =	vadd.f32 v13, v5;
	v13 =	vmul.f32 v18, v4;
	v18 =	vld [tilespmem:s25+$0x40];
	[tilespmem:s22+$0x70] =	vst v20  }
0x28a: {  	v20 =	vtrunc.f32 v11;
	v10 =	vadd.f32 v10, v5;
	v11 =	vmul.f32 v19, v4;
	v19 =	vld [tilespmem:s25+$0x50];
	[tilespmem:s23+$0x50] =	vst v8  }
0x28b: {  	v6 =	vtrunc.f32 v7;
	v13 =	vadd.f32 v13, v5;
	v15 =	vmul.f32 v15, v4;
	v22 =	vld [tilespmem:s25+$0x60];
	[tilespmem:s23+$0x60] =	vst v9;
	s23 =	smov.u32 s22  }
0x28c: {  	v7 =	vtrunc.f32 v12;
	v23 =	vld [tilespmem:s25+$0xFFFFFF80];
	v11 =	vadd.f32 v11, v5;
	v12 =	vmul.f32 v16, v4  }
0x28d: {  	v8 =	vtrunc.f32 v10;
	v15 =	vadd.f32 v15, v5;
	v14 =	vmul.f32 v14, v4  }
0x28e: {  	v9 =	vtrunc.f32 v13;
	v12 =	vadd.f32 v12, v5;
	v13 =	vmul.f32 v18, v4  }
0x28f: {  	v10 =	vtrunc.f32 v11;
	v16 =	vadd.f32 v14, v5;
	v18 =	vmul.f32 v19, v4  }
0x290: {  	v11 =	vtrunc.f32 v15;
	v15 =	vadd.f32 v13, v5;
	v19 =	vmul.f32 v22, v4  }
.Ltmp6:
0x291: {  	v14 =	vtrunc.f32 v12;
	v22 =	vmul.f32 v23, v4;
	v18 =	vadd.f32 v18, v5;
	(pc) =	sbr.rel @p0 .LBB2_14-.Ltmp6, $4  }
0x292: {  	v13 =	vtrunc.f32 v16;
	v12 =	vtrunc.f32 v15;
	v15 =	vadd.f32 v19, v5  }
0x293: {  	v21 =	vcvt.f32.s32 v21;
	v19 =	vadd.f32 v22, v5;
	v16 =	vtrunc.f32 v18  }
0x294: {  	v17 =	vcvt.f32.s32 v17;
	v15 =	vtrunc.f32 v15  }
0x295: {  	s25 =	sadd.s32 $0x100, s25;
	v18 =	vcvt.f32.s32 v20;
	v19 =	vtrunc.f32 v19;
	[tilespmem:s22+$0xFFFFFF90] =	vst v21  }
0x296: {  	v19 =	vcvt.f32.s32 v19;
	[tilespmem:s22+$0xFFFFFFA0] =	vst v17  }
0x297: {  	v6 =	vcvt.f32.s32 v6;
	[tilespmem:s22+$0xFFFFFFB0] =	vst v18  }
0x298: {  	v7 =	vcvt.f32.s32 v7;
	[tilespmem:s22+$0xFFFFFF80] =	vst v19  }
0x299: {  	v8 =	vcvt.f32.s32 v8;
	[tilespmem:s22+$0xFFFFFFC0] =	vst v6  }
0x29a: {  	v6 =	vcvt.f32.s32 v9;
	[tilespmem:s22+$0xFFFFFFD0] =	vst v7  }
0x29b: {  	v7 =	vcvt.f32.s32 v10;
	[tilespmem:s22+$0xFFFFFFE0] =	vst v8  }
0x29c: {  	v8 =	vcvt.f32.s32 v11;
	[tilespmem:s22+$0xFFFFFFF0] =	vst v6  }
0x29d: {  	v6 =	vcvt.f32.s32 v14;
	[tilespmem:s22+$0x0] =	vst v7  }
0x29e: {  	v7 =	vcvt.f32.s32 v13;
	[tilespmem:s22+$0x10] =	vst v8  }
0x29f: {  	v8 =	vcvt.f32.s32 v12;
	[tilespmem:s22+$0x20] =	vst v6  }
0x2a0: {  	v6 =	vcvt.f32.s32 v16;
	[tilespmem:s22+$0x30] =	vst v7  }
0x2a1: {  	v7 =	vcvt.f32.s32 v15;
	[tilespmem:s23+$0x40] =	vst v8  }
0x2a2: {  	[tilespmem:s23+$0x50] =	vst v6  }
0x2a3: {  	[tilespmem:s23+$0x60] =	vst v7  }
0x2a4: {  	s22 =	rddreg [dreg:$0xf]  }
0x2a5: {  	[hbm4b:s22+s1] =	stream.linear.scatter [tilespmem:s17], [sflag:$0x5], $0x4000, $0x38;
	[tilespmem:$0x16100] =	vst v63  }
0x2a6: {  	_ =	swait.ge [sflag:s13], $0x4000  }
0x2a7: {  	[sflag:s13] =	ssyncset.done $0x0  }
0x2a8: {  	s24 =	rddreg [dreg:$0x10];
	[sflag:s13] =	ssyncadd.s32 $0xFFFFC000  }
0x2a9: {  	[tilespmem:s14], [sflag:$0x3] =	stream.linear.gather [hbm4b:s24+s1], $0x4000, $0x38;
	[tilespmem:$0x16100] =	vst v63  }
0x2aa: {  	_ =	swait.ge [sflag:s19], $0x4000  }
0x2ab: {  	[sflag:s19] =	ssyncset.done $0x0  }
0x2ac: {  	s25 =	simm.s32 $0x2180;
	[sflag:s19] =	ssyncadd.s32 $0xFFFFC000  }
0x2ad: {  	v6 =	vld [tilespmem:s25+$0x70]  }
0x2ae: {  	v7 =	vld [tilespmem:s25+$0xFFFFFF90]  }
0x2af: {  	v8 =	vld [tilespmem:s25+$0xFFFFFFA0]  }
0x2b0: {  	v9 =	vld [tilespmem:s25+$0xFFFFFFB0]  }
0x2b1: {  	v10 =	vld [tilespmem:s25+$0xFFFFFFC0]  }
0x2b2: {  	v11 =	vld [tilespmem:s25+$0xFFFFFFD0]  }
0x2b3: {  	v15 =	vld [tilespmem:s25+$0x10]  }
0x2b4: {  	v16 =	vld [tilespmem:s25+$0x20]  }
0x2b5: {  	v22 =	vld [tilespmem:s25+$0xFFFFFF80]  }
0x2b6: {  	v12 =	vld [tilespmem:s25+$0xFFFFFFE0];
	v6 =	vmul.f32 v6, v4;
	v7 =	vmul.f32 v7, v4  }
0x2b7: {  	v13 =	vld [tilespmem:s25+$0xFFFFFFF0];
	v8 =	vmul.f32 v8, v4;
	v9 =	vmul.f32 v9, v4  }
0x2b8: {  	v10 =	vmul.f32 v10, v4;
	v11 =	vmul.f32 v11, v4;
	v6 =	vadd.f32 v6, v5  }
0x2b9: {  	v14 =	vld [tilespmem:s25+$0x0];
	v15 =	vmul.f32 v15, v4;
	v16 =	vmul.f32 v16, v4;
	v7 =	vadd.f32 v7, v5  }
0x2ba: {  	v63 =	vmul.f32 v22, v4;
	v8 =	vadd.f32 v8, v5;
	v6 =	vtrunc.f32 v6  }
0x2bb: {  	v9 =	vadd.f32 v9, v5;
	v18 =	vtrunc.f32 v7;
	v7 =	vmul.f32 v12, v4  }
0x2bc: {  	v21 =	vld [tilespmem:s25+$0x60];
	v19 =	vtrunc.f32 v8;
	v8 =	vadd.f32 v11, v5;
	v11 =	vmul.f32 v13, v4  }
0x2bd: {  	v12 =	vld [tilespmem:s25+$0x40];
	v20 =	vtrunc.f32 v9;
	v17 =	vcvt.f32.s32 v6;
	v6 =	vadd.f32 v10, v5  }
0x2be: {  	s22 =	simm.s32 $0xE180;
	v13 =	vmul.f32 v14, v4;
	v14 =	vld [tilespmem:s25+$0x50];
	v18 =	vcvt.f32.s32 v18;
	v9 =	vadd.f32 v7, v5  }
0x2bf: {  	v10 =	vld [tilespmem:s25+$0x30];
	v11 =	vadd.f32 v11, v5;
	v7 =	vtrunc.f32 v8;
	v6 =	vtrunc.f32 v6;
	[tilespmem:s22+$0x70] =	vst v17  }
0x2c0: {  	v15 =	vadd.f32 v15, v5;
	v17 =	vcvt.f32.s32 v19;
	[tilespmem:s22+$0xFFFFFF90] =	vst v18;
	v18 =	vcvt.f32.s32 v20  }
0x2c1: {  	v8 =	vtrunc.f32 v9;
	v9 =	vtrunc.f32 v11  }
0x2c2: {  	v16 =	vadd.f32 v16, v5;
	v11 =	vtrunc.f32 v15;
	v15 =	vmul.f32 v21, v4  }
0x2c3: {  	v13 =	vadd.f32 v13, v5;
	v12 =	vmul.f32 v12, v4;
	v62 =	vmul.f32 v14, v4  }
0x2c4: {  	v21 =	vadd.f32 v63, v5;
	v14 =	vtrunc.f32 v16;
	v23 =	vmul.f32 v10, v4  }
0x2c5: {  	v10 =	vtrunc.f32 v13;
	v15 =	vadd.f32 v15, v5;
	v12 =	vadd.f32 v12, v5  }
0x2c6: {  	v19 =	vtrunc.f32 v21;
	v16 =	vadd.f32 v62, v5;
	v13 =	vadd.f32 v23, v5  }
0x2c7: {  	v15 =	vtrunc.f32 v15;
	v12 =	vtrunc.f32 v12  }
0x2c8: {  	s23 =	simm.s32 $0xE180;
	s24 =	simm.s32 $0x0;
	s25 =	simm.s32 $0x2280;
	v16 =	vtrunc.f32 v16;
	v13 =	vtrunc.f32 v13  }
.LBB2_16:
0x2c9: {  	v20 =	vld [tilespmem:s25+$0x70];
	s24 =	sadd.s32 $0x100, s24;
	v19 =	vcvt.f32.s32 v19;
	[tilespmem:s22+$0xFFFFFFA0] =	vst v17;
	v6 =	vcvt.f32.s32 v6  }
0x2ca: {  	v7 =	vcvt.f32.s32 v7;
	v8 =	vcvt.f32.s32 v8;
	v17 =	vld [tilespmem:s25+$0xFFFFFF90];
	p0 =	slt.u32 s24, $0x3F00;
	[tilespmem:s22+$0xFFFFFFB0] =	vst v18  }
0x2cb: {  	v9 =	vcvt.f32.s32 v9;
	v10 =	vcvt.f32.s32 v10;
	v18 =	vld [tilespmem:s25+$0xFFFFFFA0];
	[tilespmem:s22+$0xFFFFFF80] =	vst v19  }
0x2cc: {  	v19 =	vld [tilespmem:s25+$0xFFFFFFB0];
	[tilespmem:s22+$0xFFFFFFC0] =	vst v6;
	v6 =	vcvt.f32.s32 v11;
	v11 =	vcvt.f32.s32 v14  }
0x2cd: {  	v12 =	vcvt.f32.s32 v12;
	v14 =	vld [tilespmem:s25+$0xFFFFFFC0];
	[tilespmem:s22+$0xFFFFFFD0] =	vst v7;
	v7 =	vcvt.f32.s32 v13  }
0x2ce: {  	v13 =	vld [tilespmem:s25+$0xFFFFFFD0];
	v20 =	vmul.f32 v20, v4;
	[tilespmem:s22+$0xFFFFFFE0] =	vst v8;
	v8 =	vcvt.f32.s32 v16  }
0x2cf: {  	v16 =	vmul.f32 v17, v4;
	v17 =	vld [tilespmem:s25+$0xFFFFFFE0];
	[tilespmem:s22+$0xFFFFFFF0] =	vst v9;
	v9 =	vcvt.f32.s32 v15  }
0x2d0: {  	v15 =	vmul.f32 v18, v4;
	v18 =	vld [tilespmem:s25+$0xFFFFFFF0];
	v20 =	vadd.f32 v20, v5;
	[tilespmem:s22+$0x0] =	vst v10  }
0x2d1: {  	v10 =	vadd.f32 v16, v5;
	v16 =	vmul.f32 v19, v4;
	v19 =	vld [tilespmem:s25+$0x0];
	[tilespmem:s22+$0x10] =	vst v6  }
0x2d2: {  	v6 =	vadd.f32 v15, v5;
	v14 =	vmul.f32 v14, v4;
	v15 =	vld [tilespmem:s25+$0x10];
	v20 =	vtrunc.f32 v20;
	[tilespmem:s22+$0x20] =	vst v11  }
0x2d3: {  	v11 =	vadd.f32 v16, v5;
	v13 =	vmul.f32 v13, v4;
	v16 =	vld [tilespmem:s25+$0x20];
	v20 =	vcvt.f32.s32 v20;
	[tilespmem:s22+$0x30] =	vst v7  }
0x2d4: {  	v21 =	vtrunc.f32 v10;
	s22 =	sadd.s32 $0x100, s22;
	v7 =	vadd.f32 v14, v5;
	v10 =	vmul.f32 v17, v4;
	v14 =	vld [tilespmem:s25+$0x30];
	[tilespmem:s23+$0x40] =	vst v12  }
0x2d5: {  	v17 =	vtrunc.f32 v6;
	v12 =	vadd.f32 v13, v5;
	v13 =	vmul.f32 v18, v4;
	v18 =	vld [tilespmem:s25+$0x40];
	[tilespmem:s22+$0x70] =	vst v20  }
0x2d6: {  	v20 =	vtrunc.f32 v11;
	v10 =	vadd.f32 v10, v5;
	v11 =	vmul.f32 v19, v4;
	v19 =	vld [tilespmem:s25+$0x50];
	[tilespmem:s23+$0x50] =	vst v8  }
0x2d7: {  	v6 =	vtrunc.f32 v7;
	v13 =	vadd.f32 v13, v5;
	v15 =	vmul.f32 v15, v4;
	v22 =	vld [tilespmem:s25+$0x60];
	[tilespmem:s23+$0x60] =	vst v9;
	s23 =	smov.u32 s22  }
0x2d8: {  	v7 =	vtrunc.f32 v12;
	v23 =	vld [tilespmem:s25+$0xFFFFFF80];
	v11 =	vadd.f32 v11, v5;
	v12 =	vmul.f32 v16, v4  }
0x2d9: {  	v8 =	vtrunc.f32 v10;
	v15 =	vadd.f32 v15, v5;
	v14 =	vmul.f32 v14, v4  }
0x2da: {  	v9 =	vtrunc.f32 v13;
	v12 =	vadd.f32 v12, v5;
	v13 =	vmul.f32 v18, v4  }
0x2db: {  	v10 =	vtrunc.f32 v11;
	v16 =	vadd.f32 v14, v5;
	v18 =	vmul.f32 v19, v4  }
0x2dc: {  	v11 =	vtrunc.f32 v15;
	v15 =	vadd.f32 v13, v5;
	v19 =	vmul.f32 v22, v4  }
.Ltmp7:
0x2dd: {  	v14 =	vtrunc.f32 v12;
	v22 =	vmul.f32 v23, v4;
	v18 =	vadd.f32 v18, v5;
	(pc) =	sbr.rel @p0 .LBB2_16-.Ltmp7, $4  }
0x2de: {  	v13 =	vtrunc.f32 v16;
	v12 =	vtrunc.f32 v15;
	v15 =	vadd.f32 v19, v5  }
0x2df: {  	v21 =	vcvt.f32.s32 v21;
	v19 =	vadd.f32 v22, v5;
	v16 =	vtrunc.f32 v18  }
0x2e0: {  	v17 =	vcvt.f32.s32 v17;
	v15 =	vtrunc.f32 v15  }
0x2e1: {  	s25 =	sadd.s32 $0x100, s25;
	v18 =	vcvt.f32.s32 v20;
	v19 =	vtrunc.f32 v19;
	[tilespmem:s22+$0xFFFFFF90] =	vst v21  }
0x2e2: {  	v19 =	vcvt.f32.s32 v19;
	[tilespmem:s22+$0xFFFFFFA0] =	vst v17  }
0x2e3: {  	v6 =	vcvt.f32.s32 v6;
	[tilespmem:s22+$0xFFFFFFB0] =	vst v18  }
0x2e4: {  	v7 =	vcvt.f32.s32 v7;
	[tilespmem:s22+$0xFFFFFF80] =	vst v19  }
0x2e5: {  	v8 =	vcvt.f32.s32 v8;
	[tilespmem:s22+$0xFFFFFFC0] =	vst v6  }
0x2e6: {  	v6 =	vcvt.f32.s32 v9;
	[tilespmem:s22+$0xFFFFFFD0] =	vst v7  }
0x2e7: {  	v7 =	vcvt.f32.s32 v10;
	[tilespmem:s22+$0xFFFFFFE0] =	vst v8  }
0x2e8: {  	v8 =	vcvt.f32.s32 v11;
	[tilespmem:s22+$0xFFFFFFF0] =	vst v6  }
0x2e9: {  	v6 =	vcvt.f32.s32 v14;
	[tilespmem:s22+$0x0] =	vst v7  }
0x2ea: {  	v7 =	vcvt.f32.s32 v13;
	[tilespmem:s22+$0x10] =	vst v8  }
0x2eb: {  	v8 =	vcvt.f32.s32 v12;
	[tilespmem:s22+$0x20] =	vst v6  }
0x2ec: {  	v6 =	vcvt.f32.s32 v16;
	[tilespmem:s22+$0x30] =	vst v7  }
0x2ed: {  	v7 =	vcvt.f32.s32 v15;
	[tilespmem:s23+$0x40] =	vst v8  }
0x2ee: {  	[tilespmem:s23+$0x50] =	vst v6  }
0x2ef: {  	[tilespmem:s23+$0x60] =	vst v7  }
0x2f0: {  	s22 =	rddreg [dreg:$0x11]  }
0x2f1: {  	[hbm4b:s22+s1] =	stream.linear.scatter [tilespmem:s15], [sflag:$0x4], $0x4000, $0x38;
	[tilespmem:$0x16100] =	vst v63  }
0x2f2: {  	_ =	swait.ge [sflag:s16], $0x4000  }
0x2f3: {  	[sflag:s16] =	ssyncset.done $0x0  }
0x2f4: {  	s24 =	rddreg [dreg:$0x12];
	[sflag:s16] =	ssyncadd.s32 $0xFFFFC000  }
0x2f5: {  	[tilespmem:s11], [sflag:$0x1] =	stream.linear.gather [hbm4b:s24+s1], $0x4000, $0x38;
	[tilespmem:$0x16100] =	vst v63  }
0x2f6: {  	_ =	swait.ge [sflag:s20], $0x4000  }
0x2f7: {  	[sflag:s20] =	ssyncset.done $0x0  }
0x2f8: {  	s25 =	simm.s32 $0x6180;
	[sflag:s20] =	ssyncadd.s32 $0xFFFFC000  }
0x2f9: {  	v6 =	vld [tilespmem:s25+$0x70]  }
0x2fa: {  	v7 =	vld [tilespmem:s25+$0xFFFFFF90]  }
0x2fb: {  	v8 =	vld [tilespmem:s25+$0xFFFFFFA0]  }
0x2fc: {  	v9 =	vld [tilespmem:s25+$0xFFFFFFB0]  }
0x2fd: {  	v10 =	vld [tilespmem:s25+$0xFFFFFFC0]  }
0x2fe: {  	v11 =	vld [tilespmem:s25+$0xFFFFFFD0]  }
0x2ff: {  	v15 =	vld [tilespmem:s25+$0x10]  }
0x300: {  	v16 =	vld [tilespmem:s25+$0x20]  }
0x301: {  	v22 =	vld [tilespmem:s25+$0xFFFFFF80]  }
0x302: {  	v12 =	vld [tilespmem:s25+$0xFFFFFFE0];
	v6 =	vmul.f32 v6, v4;
	v7 =	vmul.f32 v7, v4  }
0x303: {  	v13 =	vld [tilespmem:s25+$0xFFFFFFF0];
	v8 =	vmul.f32 v8, v4;
	v9 =	vmul.f32 v9, v4  }
0x304: {  	v10 =	vmul.f32 v10, v4;
	v11 =	vmul.f32 v11, v4;
	v6 =	vadd.f32 v6, v5  }
0x305: {  	v14 =	vld [tilespmem:s25+$0x0];
	v15 =	vmul.f32 v15, v4;
	v16 =	vmul.f32 v16, v4;
	v7 =	vadd.f32 v7, v5  }
0x306: {  	v63 =	vmul.f32 v22, v4;
	v8 =	vadd.f32 v8, v5;
	v6 =	vtrunc.f32 v6  }
0x307: {  	v9 =	vadd.f32 v9, v5;
	v18 =	vtrunc.f32 v7;
	v7 =	vmul.f32 v12, v4  }
0x308: {  	v21 =	vld [tilespmem:s25+$0x60];
	v19 =	vtrunc.f32 v8;
	v8 =	vadd.f32 v11, v5;
	v11 =	vmul.f32 v13, v4  }
0x309: {  	v12 =	vld [tilespmem:s25+$0x40];
	v20 =	vtrunc.f32 v9;
	v17 =	vcvt.f32.s32 v6;
	v6 =	vadd.f32 v10, v5  }
0x30a: {  	s22 =	simm.s32 $0x12180;
	v13 =	vmul.f32 v14, v4;
	v14 =	vld [tilespmem:s25+$0x50];
	v18 =	vcvt.f32.s32 v18;
	v9 =	vadd.f32 v7, v5  }
0x30b: {  	v10 =	vld [tilespmem:s25+$0x30];
	v11 =	vadd.f32 v11, v5;
	v7 =	vtrunc.f32 v8;
	v6 =	vtrunc.f32 v6;
	[tilespmem:s22+$0x70] =	vst v17  }
0x30c: {  	v15 =	vadd.f32 v15, v5;
	v17 =	vcvt.f32.s32 v19;
	[tilespmem:s22+$0xFFFFFF90] =	vst v18;
	v18 =	vcvt.f32.s32 v20  }
0x30d: {  	v8 =	vtrunc.f32 v9;
	v9 =	vtrunc.f32 v11  }
0x30e: {  	v16 =	vadd.f32 v16, v5;
	v11 =	vtrunc.f32 v15;
	v15 =	vmul.f32 v21, v4  }
0x30f: {  	v13 =	vadd.f32 v13, v5;
	v12 =	vmul.f32 v12, v4;
	v62 =	vmul.f32 v14, v4  }
0x310: {  	v21 =	vadd.f32 v63, v5;
	v14 =	vtrunc.f32 v16;
	v23 =	vmul.f32 v10, v4  }
0x311: {  	v10 =	vtrunc.f32 v13;
	v15 =	vadd.f32 v15, v5;
	v12 =	vadd.f32 v12, v5  }
0x312: {  	v19 =	vtrunc.f32 v21;
	v16 =	vadd.f32 v62, v5;
	v13 =	vadd.f32 v23, v5  }
0x313: {  	v15 =	vtrunc.f32 v15;
	v12 =	vtrunc.f32 v12  }
0x314: {  	s23 =	simm.s32 $0x12180;
	s24 =	simm.s32 $0x0;
	s25 =	simm.s32 $0x6280;
	v16 =	vtrunc.f32 v16;
	v13 =	vtrunc.f32 v13  }
.LBB2_18:
0x315: {  	v20 =	vld [tilespmem:s25+$0x70];
	s24 =	sadd.s32 $0x100, s24;
	v19 =	vcvt.f32.s32 v19;
	[tilespmem:s22+$0xFFFFFFA0] =	vst v17;
	v6 =	vcvt.f32.s32 v6  }
0x316: {  	v7 =	vcvt.f32.s32 v7;
	v8 =	vcvt.f32.s32 v8;
	v17 =	vld [tilespmem:s25+$0xFFFFFF90];
	p0 =	slt.u32 s24, $0x3F00;
	[tilespmem:s22+$0xFFFFFFB0] =	vst v18  }
0x317: {  	v9 =	vcvt.f32.s32 v9;
	v10 =	vcvt.f32.s32 v10;
	v18 =	vld [tilespmem:s25+$0xFFFFFFA0];
	[tilespmem:s22+$0xFFFFFF80] =	vst v19  }
0x318: {  	v19 =	vld [tilespmem:s25+$0xFFFFFFB0];
	[tilespmem:s22+$0xFFFFFFC0] =	vst v6;
	v6 =	vcvt.f32.s32 v11;
	v11 =	vcvt.f32.s32 v14  }
0x319: {  	v12 =	vcvt.f32.s32 v12;
	v14 =	vld [tilespmem:s25+$0xFFFFFFC0];
	[tilespmem:s22+$0xFFFFFFD0] =	vst v7;
	v7 =	vcvt.f32.s32 v13  }
0x31a: {  	v13 =	vld [tilespmem:s25+$0xFFFFFFD0];
	v20 =	vmul.f32 v20, v4;
	[tilespmem:s22+$0xFFFFFFE0] =	vst v8;
	v8 =	vcvt.f32.s32 v16  }
0x31b: {  	v16 =	vmul.f32 v17, v4;
	v17 =	vld [tilespmem:s25+$0xFFFFFFE0];
	[tilespmem:s22+$0xFFFFFFF0] =	vst v9;
	v9 =	vcvt.f32.s32 v15  }
0x31c: {  	v15 =	vmul.f32 v18, v4;
	v18 =	vld [tilespmem:s25+$0xFFFFFFF0];
	v20 =	vadd.f32 v20, v5;
	[tilespmem:s22+$0x0] =	vst v10  }
0x31d: {  	v10 =	vadd.f32 v16, v5;
	v16 =	vmul.f32 v19, v4;
	v19 =	vld [tilespmem:s25+$0x0];
	[tilespmem:s22+$0x10] =	vst v6  }
0x31e: {  	v6 =	vadd.f32 v15, v5;
	v14 =	vmul.f32 v14, v4;
	v15 =	vld [tilespmem:s25+$0x10];
	v20 =	vtrunc.f32 v20;
	[tilespmem:s22+$0x20] =	vst v11  }
0x31f: {  	v11 =	vadd.f32 v16, v5;
	v13 =	vmul.f32 v13, v4;
	v16 =	vld [tilespmem:s25+$0x20];
	v20 =	vcvt.f32.s32 v20;
	[tilespmem:s22+$0x30] =	vst v7  }
0x320: {  	v21 =	vtrunc.f32 v10;
	s22 =	sadd.s32 $0x100, s22;
	v7 =	vadd.f32 v14, v5;
	v10 =	vmul.f32 v17, v4;
	v14 =	vld [tilespmem:s25+$0x30];
	[tilespmem:s23+$0x40] =	vst v12  }
0x321: {  	v17 =	vtrunc.f32 v6;
	v12 =	vadd.f32 v13, v5;
	v13 =	vmul.f32 v18, v4;
	v18 =	vld [tilespmem:s25+$0x40];
	[tilespmem:s22+$0x70] =	vst v20  }
0x322: {  	v20 =	vtrunc.f32 v11;
	v10 =	vadd.f32 v10, v5;
	v11 =	vmul.f32 v19, v4;
	v19 =	vld [tilespmem:s25+$0x50];
	[tilespmem:s23+$0x50] =	vst v8  }
0x323: {  	v6 =	vtrunc.f32 v7;
	v13 =	vadd.f32 v13, v5;
	v15 =	vmul.f32 v15, v4;
	v22 =	vld [tilespmem:s25+$0x60];
	[tilespmem:s23+$0x60] =	vst v9;
	s23 =	smov.u32 s22  }
0x324: {  	v7 =	vtrunc.f32 v12;
	v23 =	vld [tilespmem:s25+$0xFFFFFF80];
	v11 =	vadd.f32 v11, v5;
	v12 =	vmul.f32 v16, v4  }
0x325: {  	v8 =	vtrunc.f32 v10;
	v15 =	vadd.f32 v15, v5;
	v14 =	vmul.f32 v14, v4  }
0x326: {  	v9 =	vtrunc.f32 v13;
	v12 =	vadd.f32 v12, v5;
	v13 =	vmul.f32 v18, v4  }
0x327: {  	v10 =	vtrunc.f32 v11;
	v16 =	vadd.f32 v14, v5;
	v18 =	vmul.f32 v19, v4  }
0x328: {  	v11 =	vtrunc.f32 v15;
	v15 =	vadd.f32 v13, v5;
	v19 =	vmul.f32 v22, v4  }
.Ltmp8:
0x329: {  	v14 =	vtrunc.f32 v12;
	v22 =	vmul.f32 v23, v4;
	v18 =	vadd.f32 v18, v5;
	(pc) =	sbr.rel @p0 .LBB2_18-.Ltmp8, $4  }
0x32a: {  	v13 =	vtrunc.f32 v16;
	v12 =	vtrunc.f32 v15;
	v15 =	vadd.f32 v19, v5  }
0x32b: {  	v21 =	vcvt.f32.s32 v21;
	v19 =	vadd.f32 v22, v5;
	v16 =	vtrunc.f32 v18  }
0x32c: {  	v17 =	vcvt.f32.s32 v17;
	v15 =	vtrunc.f32 v15  }
0x32d: {  	s25 =	sadd.s32 $0x100, s25;
	v18 =	vcvt.f32.s32 v20;
	v19 =	vtrunc.f32 v19;
	[tilespmem:s22+$0xFFFFFF90] =	vst v21  }
0x32e: {  	v19 =	vcvt.f32.s32 v19;
	[tilespmem:s22+$0xFFFFFFA0] =	vst v17  }
0x32f: {  	v6 =	vcvt.f32.s32 v6;
	[tilespmem:s22+$0xFFFFFFB0] =	vst v18  }
0x330: {  	v7 =	vcvt.f32.s32 v7;
	[tilespmem:s22+$0xFFFFFF80] =	vst v19  }
0x331: {  	v8 =	vcvt.f32.s32 v8;
	[tilespmem:s22+$0xFFFFFFC0] =	vst v6  }
0x332: {  	v6 =	vcvt.f32.s32 v9;
	[tilespmem:s22+$0xFFFFFFD0] =	vst v7  }
0x333: {  	v7 =	vcvt.f32.s32 v10;
	[tilespmem:s22+$0xFFFFFFE0] =	vst v8  }
0x334: {  	v8 =	vcvt.f32.s32 v11;
	[tilespmem:s22+$0xFFFFFFF0] =	vst v6  }
0x335: {  	v6 =	vcvt.f32.s32 v14;
	[tilespmem:s22+$0x0] =	vst v7  }
0x336: {  	v7 =	vcvt.f32.s32 v13;
	[tilespmem:s22+$0x10] =	vst v8  }
0x337: {  	v8 =	vcvt.f32.s32 v12;
	[tilespmem:s22+$0x20] =	vst v6  }
0x338: {  	v6 =	vcvt.f32.s32 v16;
	[tilespmem:s22+$0x30] =	vst v7  }
0x339: {  	v7 =	vcvt.f32.s32 v15;
	[tilespmem:s23+$0x40] =	vst v8  }
0x33a: {  	[tilespmem:s23+$0x50] =	vst v6  }
0x33b: {  	[tilespmem:s23+$0x60] =	vst v7  }
0x33c: {  	s22 =	rddreg [dreg:$0x13]  }
0x33d: {  	[hbm4b:s22+s1] =	stream.linear.scatter [tilespmem:s17], [sflag:$0x5], $0x4000, $0x38;
	[tilespmem:$0x16100] =	vst v63  }
0x33e: {  	_ =	swait.ge [sflag:s18], $0x4000  }
0x33f: {  	[sflag:s18] =	ssyncset.done $0x0  }
0x340: {  	s24 =	rddreg [dreg:$0x14];
	[sflag:s18] =	ssyncadd.s32 $0xFFFFC000  }
0x341: {  	[tilespmem:s12], [sflag:$0x2] =	stream.linear.gather [hbm4b:s24+s1], $0x4000, $0x38;
	[tilespmem:$0x16100] =	vst v63  }
0x342: {  	_ =	swait.ge [sflag:s19], $0x4000  }
0x343: {  	[sflag:s19] =	ssyncset.done $0x0  }
0x344: {  	s25 =	simm.s32 $0xA180;
	[sflag:s19] =	ssyncadd.s32 $0xFFFFC000  }
0x345: {  	v6 =	vld [tilespmem:s25+$0x70]  }
0x346: {  	v7 =	vld [tilespmem:s25+$0xFFFFFF90]  }
0x347: {  	v8 =	vld [tilespmem:s25+$0xFFFFFFA0]  }
0x348: {  	v9 =	vld [tilespmem:s25+$0xFFFFFFB0]  }
0x349: {  	v10 =	vld [tilespmem:s25+$0xFFFFFFC0]  }
0x34a: {  	v11 =	vld [tilespmem:s25+$0xFFFFFFD0]  }
0x34b: {  	v15 =	vld [tilespmem:s25+$0x10]  }
0x34c: {  	v16 =	vld [tilespmem:s25+$0x20]  }
0x34d: {  	v22 =	vld [tilespmem:s25+$0xFFFFFF80]  }
0x34e: {  	v12 =	vld [tilespmem:s25+$0xFFFFFFE0];
	v6 =	vmul.f32 v6, v4;
	v7 =	vmul.f32 v7, v4  }
0x34f: {  	v13 =	vld [tilespmem:s25+$0xFFFFFFF0];
	v8 =	vmul.f32 v8, v4;
	v9 =	vmul.f32 v9, v4  }
0x350: {  	v10 =	vmul.f32 v10, v4;
	v11 =	vmul.f32 v11, v4;
	v6 =	vadd.f32 v6, v5  }
0x351: {  	v14 =	vld [tilespmem:s25+$0x0];
	v15 =	vmul.f32 v15, v4;
	v16 =	vmul.f32 v16, v4;
	v7 =	vadd.f32 v7, v5  }
0x352: {  	v63 =	vmul.f32 v22, v4;
	v8 =	vadd.f32 v8, v5;
	v6 =	vtrunc.f32 v6  }
0x353: {  	v9 =	vadd.f32 v9, v5;
	v18 =	vtrunc.f32 v7;
	v7 =	vmul.f32 v12, v4  }
0x354: {  	v21 =	vld [tilespmem:s25+$0x60];
	v19 =	vtrunc.f32 v8;
	v8 =	vadd.f32 v11, v5;
	v11 =	vmul.f32 v13, v4  }
0x355: {  	v12 =	vld [tilespmem:s25+$0x40];
	v20 =	vtrunc.f32 v9;
	v17 =	vcvt.f32.s32 v6;
	v6 =	vadd.f32 v10, v5  }
0x356: {  	s22 =	simm.s32 $0xE180;
	v13 =	vmul.f32 v14, v4;
	v14 =	vld [tilespmem:s25+$0x50];
	v18 =	vcvt.f32.s32 v18;
	v9 =	vadd.f32 v7, v5  }
0x357: {  	v10 =	vld [tilespmem:s25+$0x30];
	v11 =	vadd.f32 v11, v5;
	v7 =	vtrunc.f32 v8;
	v6 =	vtrunc.f32 v6;
	[tilespmem:s22+$0x70] =	vst v17  }
0x358: {  	v15 =	vadd.f32 v15, v5;
	v17 =	vcvt.f32.s32 v19;
	[tilespmem:s22+$0xFFFFFF90] =	vst v18;
	v18 =	vcvt.f32.s32 v20  }
0x359: {  	v8 =	vtrunc.f32 v9;
	v9 =	vtrunc.f32 v11  }
0x35a: {  	v16 =	vadd.f32 v16, v5;
	v11 =	vtrunc.f32 v15;
	v15 =	vmul.f32 v21, v4  }
0x35b: {  	v13 =	vadd.f32 v13, v5;
	v12 =	vmul.f32 v12, v4;
	v62 =	vmul.f32 v14, v4  }
0x35c: {  	v21 =	vadd.f32 v63, v5;
	v14 =	vtrunc.f32 v16;
	v23 =	vmul.f32 v10, v4  }
0x35d: {  	v10 =	vtrunc.f32 v13;
	v15 =	vadd.f32 v15, v5;
	v12 =	vadd.f32 v12, v5  }
0x35e: {  	v19 =	vtrunc.f32 v21;
	v16 =	vadd.f32 v62, v5;
	v13 =	vadd.f32 v23, v5  }
0x35f: {  	v15 =	vtrunc.f32 v15;
	v12 =	vtrunc.f32 v12  }
0x360: {  	s23 =	simm.s32 $0xE180;
	s24 =	simm.s32 $0x0;
	s25 =	simm.s32 $0xA280;
	v16 =	vtrunc.f32 v16;
	v13 =	vtrunc.f32 v13  }
.LBB2_20:
0x361: {  	v20 =	vld [tilespmem:s25+$0x70];
	s24 =	sadd.s32 $0x100, s24;
	v19 =	vcvt.f32.s32 v19;
	[tilespmem:s22+$0xFFFFFFA0] =	vst v17;
	v6 =	vcvt.f32.s32 v6  }
0x362: {  	v7 =	vcvt.f32.s32 v7;
	v8 =	vcvt.f32.s32 v8;
	v17 =	vld [tilespmem:s25+$0xFFFFFF90];
	p0 =	slt.u32 s24, $0x3F00;
	[tilespmem:s22+$0xFFFFFFB0] =	vst v18  }
0x363: {  	v9 =	vcvt.f32.s32 v9;
	v10 =	vcvt.f32.s32 v10;
	v18 =	vld [tilespmem:s25+$0xFFFFFFA0];
	[tilespmem:s22+$0xFFFFFF80] =	vst v19  }
0x364: {  	v19 =	vld [tilespmem:s25+$0xFFFFFFB0];
	[tilespmem:s22+$0xFFFFFFC0] =	vst v6;
	v6 =	vcvt.f32.s32 v11;
	v11 =	vcvt.f32.s32 v14  }
0x365: {  	v12 =	vcvt.f32.s32 v12;
	v14 =	vld [tilespmem:s25+$0xFFFFFFC0];
	[tilespmem:s22+$0xFFFFFFD0] =	vst v7;
	v7 =	vcvt.f32.s32 v13  }
0x366: {  	v13 =	vld [tilespmem:s25+$0xFFFFFFD0];
	v20 =	vmul.f32 v20, v4;
	[tilespmem:s22+$0xFFFFFFE0] =	vst v8;
	v8 =	vcvt.f32.s32 v16  }
0x367: {  	v16 =	vmul.f32 v17, v4;
	v17 =	vld [tilespmem:s25+$0xFFFFFFE0];
	[tilespmem:s22+$0xFFFFFFF0] =	vst v9;
	v9 =	vcvt.f32.s32 v15  }
0x368: {  	v15 =	vmul.f32 v18, v4;
	v18 =	vld [tilespmem:s25+$0xFFFFFFF0];
	v20 =	vadd.f32 v20, v5;
	[tilespmem:s22+$0x0] =	vst v10  }
0x369: {  	v10 =	vadd.f32 v16, v5;
	v16 =	vmul.f32 v19, v4;
	v19 =	vld [tilespmem:s25+$0x0];
	[tilespmem:s22+$0x10] =	vst v6  }
0x36a: {  	v6 =	vadd.f32 v15, v5;
	v14 =	vmul.f32 v14, v4;
	v15 =	vld [tilespmem:s25+$0x10];
	v20 =	vtrunc.f32 v20;
	[tilespmem:s22+$0x20] =	vst v11  }
0x36b: {  	v11 =	vadd.f32 v16, v5;
	v13 =	vmul.f32 v13, v4;
	v16 =	vld [tilespmem:s25+$0x20];
	v20 =	vcvt.f32.s32 v20;
	[tilespmem:s22+$0x30] =	vst v7  }
0x36c: {  	v21 =	vtrunc.f32 v10;
	s22 =	sadd.s32 $0x100, s22;
	v7 =	vadd.f32 v14, v5;
	v10 =	vmul.f32 v17, v4;
	v14 =	vld [tilespmem:s25+$0x30];
	[tilespmem:s23+$0x40] =	vst v12  }
0x36d: {  	v17 =	vtrunc.f32 v6;
	v12 =	vadd.f32 v13, v5;
	v13 =	vmul.f32 v18, v4;
	v18 =	vld [tilespmem:s25+$0x40];
	[tilespmem:s22+$0x70] =	vst v20  }
0x36e: {  	v20 =	vtrunc.f32 v11;
	v10 =	vadd.f32 v10, v5;
	v11 =	vmul.f32 v19, v4;
	v19 =	vld [tilespmem:s25+$0x50];
	[tilespmem:s23+$0x50] =	vst v8  }
0x36f: {  	v6 =	vtrunc.f32 v7;
	v13 =	vadd.f32 v13, v5;
	v15 =	vmul.f32 v15, v4;
	v22 =	vld [tilespmem:s25+$0x60];
	[tilespmem:s23+$0x60] =	vst v9;
	s23 =	smov.u32 s22  }
0x370: {  	v7 =	vtrunc.f32 v12;
	v23 =	vld [tilespmem:s25+$0xFFFFFF80];
	v11 =	vadd.f32 v11, v5;
	v12 =	vmul.f32 v16, v4  }
0x371: {  	v8 =	vtrunc.f32 v10;
	v15 =	vadd.f32 v15, v5;
	v14 =	vmul.f32 v14, v4  }
0x372: {  	v9 =	vtrunc.f32 v13;
	v12 =	vadd.f32 v12, v5;
	v13 =	vmul.f32 v18, v4  }
0x373: {  	v10 =	vtrunc.f32 v11;
	v16 =	vadd.f32 v14, v5;
	v18 =	vmul.f32 v19, v4  }
0x374: {  	v11 =	vtrunc.f32 v15;
	v15 =	vadd.f32 v13, v5;
	v19 =	vmul.f32 v22, v4  }
.Ltmp9:
0x375: {  	v14 =	vtrunc.f32 v12;
	v22 =	vmul.f32 v23, v4;
	v18 =	vadd.f32 v18, v5;
	(pc) =	sbr.rel @p0 .LBB2_20-.Ltmp9, $4  }
0x376: {  	v13 =	vtrunc.f32 v16;
	v12 =	vtrunc.f32 v15;
	v15 =	vadd.f32 v19, v5  }
0x377: {  	v21 =	vcvt.f32.s32 v21;
	v19 =	vadd.f32 v22, v5;
	v16 =	vtrunc.f32 v18  }
0x378: {  	v17 =	vcvt.f32.s32 v17;
	v15 =	vtrunc.f32 v15  }
0x379: {  	s25 =	sadd.s32 $0x100, s25;
	v18 =	vcvt.f32.s32 v20;
	v19 =	vtrunc.f32 v19;
	[tilespmem:s22+$0xFFFFFF90] =	vst v21  }
0x37a: {  	v19 =	vcvt.f32.s32 v19;
	[tilespmem:s22+$0xFFFFFFA0] =	vst v17  }
0x37b: {  	v6 =	vcvt.f32.s32 v6;
	[tilespmem:s22+$0xFFFFFFB0] =	vst v18  }
0x37c: {  	v7 =	vcvt.f32.s32 v7;
	[tilespmem:s22+$0xFFFFFF80] =	vst v19  }
0x37d: {  	v8 =	vcvt.f32.s32 v8;
	[tilespmem:s22+$0xFFFFFFC0] =	vst v6  }
0x37e: {  	v6 =	vcvt.f32.s32 v9;
	[tilespmem:s22+$0xFFFFFFD0] =	vst v7  }
0x37f: {  	v7 =	vcvt.f32.s32 v10;
	[tilespmem:s22+$0xFFFFFFE0] =	vst v8  }
0x380: {  	v8 =	vcvt.f32.s32 v11;
	[tilespmem:s22+$0xFFFFFFF0] =	vst v6  }
0x381: {  	v6 =	vcvt.f32.s32 v14;
	[tilespmem:s22+$0x0] =	vst v7  }
0x382: {  	v7 =	vcvt.f32.s32 v13;
	[tilespmem:s22+$0x10] =	vst v8  }
0x383: {  	v8 =	vcvt.f32.s32 v12;
	[tilespmem:s22+$0x20] =	vst v6  }
0x384: {  	v6 =	vcvt.f32.s32 v16;
	[tilespmem:s22+$0x30] =	vst v7  }
0x385: {  	v7 =	vcvt.f32.s32 v15;
	[tilespmem:s23+$0x40] =	vst v8  }
0x386: {  	[tilespmem:s23+$0x50] =	vst v6  }
0x387: {  	[tilespmem:s23+$0x60] =	vst v7  }
0x388: {  	s22 =	rddreg [dreg:$0x15]  }
0x389: {  	[hbm4b:s22+s1] =	stream.linear.scatter [tilespmem:s15], [sflag:$0x4], $0x4000, $0x38;
	[tilespmem:$0x16100] =	vst v63  }
0x38a: {  	_ =	swait.ge [sflag:s13], $0x4000  }
0x38b: {  	[sflag:s13] =	ssyncset.done $0x0  }
0x38c: {  	s24 =	rddreg [dreg:$0x18];
	[sflag:s13] =	ssyncadd.s32 $0xFFFFC000  }
0x38d: {  	[tilespmem:s14], [sflag:$0x3] =	stream.linear.gather [hbm4b:s24+s1], $0x4000, $0x38;
	[tilespmem:$0x16100] =	vst v63  }
0x38e: {  	_ =	swait.ge [sflag:s20], $0x4000  }
0x38f: {  	[sflag:s20] =	ssyncset.done $0x0  }
0x390: {  	s25 =	simm.s32 $0x2180;
	[sflag:s20] =	ssyncadd.s32 $0xFFFFC000  }
0x391: {  	v6 =	vld [tilespmem:s25+$0x70]  }
0x392: {  	v7 =	vld [tilespmem:s25+$0xFFFFFF90]  }
0x393: {  	v8 =	vld [tilespmem:s25+$0xFFFFFFA0]  }
0x394: {  	v9 =	vld [tilespmem:s25+$0xFFFFFFB0]  }
0x395: {  	v10 =	vld [tilespmem:s25+$0xFFFFFFC0]  }
0x396: {  	v11 =	vld [tilespmem:s25+$0xFFFFFFD0]  }
0x397: {  	v15 =	vld [tilespmem:s25+$0x10]  }
0x398: {  	v16 =	vld [tilespmem:s25+$0x20]  }
0x399: {  	v22 =	vld [tilespmem:s25+$0xFFFFFF80]  }
0x39a: {  	v12 =	vld [tilespmem:s25+$0xFFFFFFE0];
	v6 =	vmul.f32 v6, v4;
	v7 =	vmul.f32 v7, v4  }
0x39b: {  	v13 =	vld [tilespmem:s25+$0xFFFFFFF0];
	v8 =	vmul.f32 v8, v4;
	v9 =	vmul.f32 v9, v4  }
0x39c: {  	v10 =	vmul.f32 v10, v4;
	v11 =	vmul.f32 v11, v4;
	v6 =	vadd.f32 v6, v5  }
0x39d: {  	v14 =	vld [tilespmem:s25+$0x0];
	v15 =	vmul.f32 v15, v4;
	v16 =	vmul.f32 v16, v4;
	v7 =	vadd.f32 v7, v5  }
0x39e: {  	v63 =	vmul.f32 v22, v4;
	v8 =	vadd.f32 v8, v5;
	v6 =	vtrunc.f32 v6  }
0x39f: {  	v9 =	vadd.f32 v9, v5;
	v18 =	vtrunc.f32 v7;
	v7 =	vmul.f32 v12, v4  }
0x3a0: {  	v21 =	vld [tilespmem:s25+$0x60];
	v19 =	vtrunc.f32 v8;
	v8 =	vadd.f32 v11, v5;
	v11 =	vmul.f32 v13, v4  }
0x3a1: {  	v12 =	vld [tilespmem:s25+$0x40];
	v20 =	vtrunc.f32 v9;
	v17 =	vcvt.f32.s32 v6;
	v6 =	vadd.f32 v10, v5  }
0x3a2: {  	s22 =	simm.s32 $0x12180;
	v13 =	vmul.f32 v14, v4;
	v14 =	vld [tilespmem:s25+$0x50];
	v18 =	vcvt.f32.s32 v18;
	v9 =	vadd.f32 v7, v5  }
0x3a3: {  	v10 =	vld [tilespmem:s25+$0x30];
	v11 =	vadd.f32 v11, v5;
	v7 =	vtrunc.f32 v8;
	v6 =	vtrunc.f32 v6;
	[tilespmem:s22+$0x70] =	vst v17  }
0x3a4: {  	v15 =	vadd.f32 v15, v5;
	v17 =	vcvt.f32.s32 v19;
	[tilespmem:s22+$0xFFFFFF90] =	vst v18;
	v18 =	vcvt.f32.s32 v20  }
0x3a5: {  	v8 =	vtrunc.f32 v9;
	v9 =	vtrunc.f32 v11  }
0x3a6: {  	v16 =	vadd.f32 v16, v5;
	v11 =	vtrunc.f32 v15;
	v15 =	vmul.f32 v21, v4  }
0x3a7: {  	v13 =	vadd.f32 v13, v5;
	v12 =	vmul.f32 v12, v4;
	v62 =	vmul.f32 v14, v4  }
0x3a8: {  	v21 =	vadd.f32 v63, v5;
	v14 =	vtrunc.f32 v16;
	v23 =	vmul.f32 v10, v4  }
0x3a9: {  	v10 =	vtrunc.f32 v13;
	v15 =	vadd.f32 v15, v5;
	v12 =	vadd.f32 v12, v5  }
0x3aa: {  	v19 =	vtrunc.f32 v21;
	v16 =	vadd.f32 v62, v5;
	v13 =	vadd.f32 v23, v5  }
0x3ab: {  	v15 =	vtrunc.f32 v15;
	v12 =	vtrunc.f32 v12  }
0x3ac: {  	s23 =	simm.s32 $0x12180;
	s24 =	simm.s32 $0x0;
	s25 =	simm.s32 $0x2280;
	v16 =	vtrunc.f32 v16;
	v13 =	vtrunc.f32 v13  }
.LBB2_22:
0x3ad: {  	v20 =	vld [tilespmem:s25+$0x70];
	s24 =	sadd.s32 $0x100, s24;
	v19 =	vcvt.f32.s32 v19;
	[tilespmem:s22+$0xFFFFFFA0] =	vst v17;
	v6 =	vcvt.f32.s32 v6  }
0x3ae: {  	v7 =	vcvt.f32.s32 v7;
	v8 =	vcvt.f32.s32 v8;
	v17 =	vld [tilespmem:s25+$0xFFFFFF90];
	p0 =	slt.u32 s24, $0x3F00;
	[tilespmem:s22+$0xFFFFFFB0] =	vst v18  }
0x3af: {  	v9 =	vcvt.f32.s32 v9;
	v10 =	vcvt.f32.s32 v10;
	v18 =	vld [tilespmem:s25+$0xFFFFFFA0];
	[tilespmem:s22+$0xFFFFFF80] =	vst v19  }
0x3b0: {  	v19 =	vld [tilespmem:s25+$0xFFFFFFB0];
	[tilespmem:s22+$0xFFFFFFC0] =	vst v6;
	v6 =	vcvt.f32.s32 v11;
	v11 =	vcvt.f32.s32 v14  }
0x3b1: {  	v12 =	vcvt.f32.s32 v12;
	v14 =	vld [tilespmem:s25+$0xFFFFFFC0];
	[tilespmem:s22+$0xFFFFFFD0] =	vst v7;
	v7 =	vcvt.f32.s32 v13  }
0x3b2: {  	v13 =	vld [tilespmem:s25+$0xFFFFFFD0];
	v20 =	vmul.f32 v20, v4;
	[tilespmem:s22+$0xFFFFFFE0] =	vst v8;
	v8 =	vcvt.f32.s32 v16  }
0x3b3: {  	v16 =	vmul.f32 v17, v4;
	v17 =	vld [tilespmem:s25+$0xFFFFFFE0];
	[tilespmem:s22+$0xFFFFFFF0] =	vst v9;
	v9 =	vcvt.f32.s32 v15  }
0x3b4: {  	v15 =	vmul.f32 v18, v4;
	v18 =	vld [tilespmem:s25+$0xFFFFFFF0];
	v20 =	vadd.f32 v20, v5;
	[tilespmem:s22+$0x0] =	vst v10  }
0x3b5: {  	v10 =	vadd.f32 v16, v5;
	v16 =	vmul.f32 v19, v4;
	v19 =	vld [tilespmem:s25+$0x0];
	[tilespmem:s22+$0x10] =	vst v6  }
0x3b6: {  	v6 =	vadd.f32 v15, v5;
	v14 =	vmul.f32 v14, v4;
	v15 =	vld [tilespmem:s25+$0x10];
	v20 =	vtrunc.f32 v20;
	[tilespmem:s22+$0x20] =	vst v11  }
0x3b7: {  	v11 =	vadd.f32 v16, v5;
	v13 =	vmul.f32 v13, v4;
	v16 =	vld [tilespmem:s25+$0x20];
	v20 =	vcvt.f32.s32 v20;
	[tilespmem:s22+$0x30] =	vst v7  }
0x3b8: {  	v21 =	vtrunc.f32 v10;
	s22 =	sadd.s32 $0x100, s22;
	v7 =	vadd.f32 v14, v5;
	v10 =	vmul.f32 v17, v4;
	v14 =	vld [tilespmem:s25+$0x30];
	[tilespmem:s23+$0x40] =	vst v12  }
0x3b9: {  	v17 =	vtrunc.f32 v6;
	v12 =	vadd.f32 v13, v5;
	v13 =	vmul.f32 v18, v4;
	v18 =	vld [tilespmem:s25+$0x40];
	[tilespmem:s22+$0x70] =	vst v20  }
0x3ba: {  	v20 =	vtrunc.f32 v11;
	v10 =	vadd.f32 v10, v5;
	v11 =	vmul.f32 v19, v4;
	v19 =	vld [tilespmem:s25+$0x50];
	[tilespmem:s23+$0x50] =	vst v8  }
0x3bb: {  	v6 =	vtrunc.f32 v7;
	v13 =	vadd.f32 v13, v5;
	v15 =	vmul.f32 v15, v4;
	v22 =	vld [tilespmem:s25+$0x60];
	[tilespmem:s23+$0x60] =	vst v9;
	s23 =	smov.u32 s22  }
0x3bc: {  	v7 =	vtrunc.f32 v12;
	v23 =	vld [tilespmem:s25+$0xFFFFFF80];
	v11 =	vadd.f32 v11, v5;
	v12 =	vmul.f32 v16, v4  }
0x3bd: {  	v8 =	vtrunc.f32 v10;
	v15 =	vadd.f32 v15, v5;
	v14 =	vmul.f32 v14, v4  }
0x3be: {  	v9 =	vtrunc.f32 v13;
	v12 =	vadd.f32 v12, v5;
	v13 =	vmul.f32 v18, v4  }
0x3bf: {  	v10 =	vtrunc.f32 v11;
	v16 =	vadd.f32 v14, v5;
	v18 =	vmul.f32 v19, v4  }
0x3c0: {  	v11 =	vtrunc.f32 v15;
	v15 =	vadd.f32 v13, v5;
	v19 =	vmul.f32 v22, v4  }
.Ltmp10:
0x3c1: {  	v14 =	vtrunc.f32 v12;
	v22 =	vmul.f32 v23, v4;
	v18 =	vadd.f32 v18, v5;
	(pc) =	sbr.rel @p0 .LBB2_22-.Ltmp10, $4  }
0x3c2: {  	v13 =	vtrunc.f32 v16;
	v12 =	vtrunc.f32 v15;
	v15 =	vadd.f32 v19, v5  }
0x3c3: {  	v21 =	vcvt.f32.s32 v21;
	v19 =	vadd.f32 v22, v5;
	v16 =	vtrunc.f32 v18  }
0x3c4: {  	v17 =	vcvt.f32.s32 v17;
	v15 =	vtrunc.f32 v15  }
0x3c5: {  	s25 =	sadd.s32 $0x100, s25;
	v18 =	vcvt.f32.s32 v20;
	v19 =	vtrunc.f32 v19;
	[tilespmem:s22+$0xFFFFFF90] =	vst v21  }
0x3c6: {  	v19 =	vcvt.f32.s32 v19;
	[tilespmem:s22+$0xFFFFFFA0] =	vst v17  }
0x3c7: {  	v6 =	vcvt.f32.s32 v6;
	[tilespmem:s22+$0xFFFFFFB0] =	vst v18  }
0x3c8: {  	v7 =	vcvt.f32.s32 v7;
	[tilespmem:s22+$0xFFFFFF80] =	vst v19  }
0x3c9: {  	v8 =	vcvt.f32.s32 v8;
	[tilespmem:s22+$0xFFFFFFC0] =	vst v6  }
0x3ca: {  	v6 =	vcvt.f32.s32 v9;
	[tilespmem:s22+$0xFFFFFFD0] =	vst v7  }
0x3cb: {  	v7 =	vcvt.f32.s32 v10;
	[tilespmem:s22+$0xFFFFFFE0] =	vst v8  }
0x3cc: {  	v8 =	vcvt.f32.s32 v11;
	[tilespmem:s22+$0xFFFFFFF0] =	vst v6  }
0x3cd: {  	v6 =	vcvt.f32.s32 v14;
	[tilespmem:s22+$0x0] =	vst v7  }
0x3ce: {  	v7 =	vcvt.f32.s32 v13;
	[tilespmem:s22+$0x10] =	vst v8  }
0x3cf: {  	v8 =	vcvt.f32.s32 v12;
	[tilespmem:s22+$0x20] =	vst v6  }
0x3d0: {  	v6 =	vcvt.f32.s32 v16;
	[tilespmem:s22+$0x30] =	vst v7  }
0x3d1: {  	v7 =	vcvt.f32.s32 v15;
	[tilespmem:s23+$0x40] =	vst v8  }
0x3d2: {  	[tilespmem:s23+$0x50] =	vst v6  }
0x3d3: {  	[tilespmem:s23+$0x60] =	vst v7  }
0x3d4: {  	s22 =	rddreg [dreg:$0x16]  }
0x3d5: {  	[hbm4b:s22+s1] =	stream.linear.scatter [tilespmem:s17], [sflag:$0x5], $0x4000, $0x38;
	[tilespmem:$0x16100] =	vst v63  }
0x3d6: {  	_ =	swait.ge [sflag:s16], $0x4000  }
0x3d7: {  	[sflag:s16] =	ssyncset.done $0x0  }
0x3d8: {  	s24 =	rddreg [dreg:$0x1a];
	[sflag:s16] =	ssyncadd.s32 $0xFFFFC000  }
0x3d9: {  	[tilespmem:s11], [sflag:$0x1] =	stream.linear.gather [hbm4b:s24+s1], $0x4000, $0x38;
	[tilespmem:$0x16100] =	vst v63  }
0x3da: {  	_ =	swait.ge [sflag:s19], $0x4000  }
0x3db: {  	[sflag:s19] =	ssyncset.done $0x0  }
0x3dc: {  	s25 =	simm.s32 $0x6180;
	[sflag:s19] =	ssyncadd.s32 $0xFFFFC000  }
0x3dd: {  	v6 =	vld [tilespmem:s25+$0x70]  }
0x3de: {  	v7 =	vld [tilespmem:s25+$0xFFFFFF90]  }
0x3df: {  	v8 =	vld [tilespmem:s25+$0xFFFFFFA0]  }
0x3e0: {  	v9 =	vld [tilespmem:s25+$0xFFFFFFB0]  }
0x3e1: {  	v10 =	vld [tilespmem:s25+$0xFFFFFFC0]  }
0x3e2: {  	v11 =	vld [tilespmem:s25+$0xFFFFFFD0]  }
0x3e3: {  	v15 =	vld [tilespmem:s25+$0x10]  }
0x3e4: {  	v16 =	vld [tilespmem:s25+$0x20]  }
0x3e5: {  	v22 =	vld [tilespmem:s25+$0xFFFFFF80]  }
0x3e6: {  	v12 =	vld [tilespmem:s25+$0xFFFFFFE0];
	v6 =	vmul.f32 v6, v4;
	v7 =	vmul.f32 v7, v4  }
0x3e7: {  	v13 =	vld [tilespmem:s25+$0xFFFFFFF0];
	v8 =	vmul.f32 v8, v4;
	v9 =	vmul.f32 v9, v4  }
0x3e8: {  	v10 =	vmul.f32 v10, v4;
	v11 =	vmul.f32 v11, v4;
	v6 =	vadd.f32 v6, v5  }
0x3e9: {  	v14 =	vld [tilespmem:s25+$0x0];
	v15 =	vmul.f32 v15, v4;
	v16 =	vmul.f32 v16, v4;
	v7 =	vadd.f32 v7, v5  }
0x3ea: {  	v63 =	vmul.f32 v22, v4;
	v8 =	vadd.f32 v8, v5;
	v6 =	vtrunc.f32 v6  }
0x3eb: {  	v9 =	vadd.f32 v9, v5;
	v18 =	vtrunc.f32 v7;
	v7 =	vmul.f32 v12, v4  }
0x3ec: {  	v21 =	vld [tilespmem:s25+$0x60];
	v19 =	vtrunc.f32 v8;
	v8 =	vadd.f32 v11, v5;
	v11 =	vmul.f32 v13, v4  }
0x3ed: {  	v12 =	vld [tilespmem:s25+$0x40];
	v20 =	vtrunc.f32 v9;
	v17 =	vcvt.f32.s32 v6;
	v6 =	vadd.f32 v10, v5  }
0x3ee: {  	s22 =	simm.s32 $0xE180;
	v13 =	vmul.f32 v14, v4;
	v14 =	vld [tilespmem:s25+$0x50];
	v18 =	vcvt.f32.s32 v18;
	v9 =	vadd.f32 v7, v5  }
0x3ef: {  	v10 =	vld [tilespmem:s25+$0x30];
	v11 =	vadd.f32 v11, v5;
	v7 =	vtrunc.f32 v8;
	v6 =	vtrunc.f32 v6;
	[tilespmem:s22+$0x70] =	vst v17  }
0x3f0: {  	v15 =	vadd.f32 v15, v5;
	v17 =	vcvt.f32.s32 v19;
	[tilespmem:s22+$0xFFFFFF90] =	vst v18;
	v18 =	vcvt.f32.s32 v20  }
0x3f1: {  	v8 =	vtrunc.f32 v9;
	v9 =	vtrunc.f32 v11  }
0x3f2: {  	v16 =	vadd.f32 v16, v5;
	v11 =	vtrunc.f32 v15;
	v15 =	vmul.f32 v21, v4  }
0x3f3: {  	v13 =	vadd.f32 v13, v5;
	v12 =	vmul.f32 v12, v4;
	v62 =	vmul.f32 v14, v4  }
0x3f4: {  	v21 =	vadd.f32 v63, v5;
	v14 =	vtrunc.f32 v16;
	v23 =	vmul.f32 v10, v4  }
0x3f5: {  	v10 =	vtrunc.f32 v13;
	v15 =	vadd.f32 v15, v5;
	v12 =	vadd.f32 v12, v5  }
0x3f6: {  	v19 =	vtrunc.f32 v21;
	v16 =	vadd.f32 v62, v5;
	v13 =	vadd.f32 v23, v5  }
0x3f7: {  	v15 =	vtrunc.f32 v15;
	v12 =	vtrunc.f32 v12  }
0x3f8: {  	s23 =	simm.s32 $0xE180;
	s24 =	simm.s32 $0x0;
	s25 =	simm.s32 $0x6280;
	v16 =	vtrunc.f32 v16;
	v13 =	vtrunc.f32 v13  }
.LBB2_24:
0x3f9: {  	v20 =	vld [tilespmem:s25+$0x70];
	s24 =	sadd.s32 $0x100, s24;
	v19 =	vcvt.f32.s32 v19;
	[tilespmem:s22+$0xFFFFFFA0] =	vst v17;
	v6 =	vcvt.f32.s32 v6  }
0x3fa: {  	v7 =	vcvt.f32.s32 v7;
	v8 =	vcvt.f32.s32 v8;
	v17 =	vld [tilespmem:s25+$0xFFFFFF90];
	p0 =	slt.u32 s24, $0x3F00;
	[tilespmem:s22+$0xFFFFFFB0] =	vst v18  }
0x3fb: {  	v9 =	vcvt.f32.s32 v9;
	v10 =	vcvt.f32.s32 v10;
	v18 =	vld [tilespmem:s25+$0xFFFFFFA0];
	[tilespmem:s22+$0xFFFFFF80] =	vst v19  }
0x3fc: {  	v19 =	vld [tilespmem:s25+$0xFFFFFFB0];
	[tilespmem:s22+$0xFFFFFFC0] =	vst v6;
	v6 =	vcvt.f32.s32 v11;
	v11 =	vcvt.f32.s32 v14  }
0x3fd: {  	v12 =	vcvt.f32.s32 v12;
	v14 =	vld [tilespmem:s25+$0xFFFFFFC0];
	[tilespmem:s22+$0xFFFFFFD0] =	vst v7;
	v7 =	vcvt.f32.s32 v13  }
0x3fe: {  	v13 =	vld [tilespmem:s25+$0xFFFFFFD0];
	v20 =	vmul.f32 v20, v4;
	[tilespmem:s22+$0xFFFFFFE0] =	vst v8;
	v8 =	vcvt.f32.s32 v16  }
0x3ff: {  	v16 =	vmul.f32 v17, v4;
	v17 =	vld [tilespmem:s25+$0xFFFFFFE0];
	[tilespmem:s22+$0xFFFFFFF0] =	vst v9;
	v9 =	vcvt.f32.s32 v15  }
0x400: {  	v15 =	vmul.f32 v18, v4;
	v18 =	vld [tilespmem:s25+$0xFFFFFFF0];
	v20 =	vadd.f32 v20, v5;
	[tilespmem:s22+$0x0] =	vst v10  }
0x401: {  	v10 =	vadd.f32 v16, v5;
	v16 =	vmul.f32 v19, v4;
	v19 =	vld [tilespmem:s25+$0x0];
	[tilespmem:s22+$0x10] =	vst v6  }
0x402: {  	v6 =	vadd.f32 v15, v5;
	v14 =	vmul.f32 v14, v4;
	v15 =	vld [tilespmem:s25+$0x10];
	v20 =	vtrunc.f32 v20;
	[tilespmem:s22+$0x20] =	vst v11  }
0x403: {  	v11 =	vadd.f32 v16, v5;
	v13 =	vmul.f32 v13, v4;
	v16 =	vld [tilespmem:s25+$0x20];
	v20 =	vcvt.f32.s32 v20;
	[tilespmem:s22+$0x30] =	vst v7  }
0x404: {  	v21 =	vtrunc.f32 v10;
	s22 =	sadd.s32 $0x100, s22;
	v7 =	vadd.f32 v14, v5;
	v10 =	vmul.f32 v17, v4;
	v14 =	vld [tilespmem:s25+$0x30];
	[tilespmem:s23+$0x40] =	vst v12  }
0x405: {  	v17 =	vtrunc.f32 v6;
	v12 =	vadd.f32 v13, v5;
	v13 =	vmul.f32 v18, v4;
	v18 =	vld [tilespmem:s25+$0x40];
	[tilespmem:s22+$0x70] =	vst v20  }
0x406: {  	v20 =	vtrunc.f32 v11;
	v10 =	vadd.f32 v10, v5;
	v11 =	vmul.f32 v19, v4;
	v19 =	vld [tilespmem:s25+$0x50];
	[tilespmem:s23+$0x50] =	vst v8  }
0x407: {  	v6 =	vtrunc.f32 v7;
	v13 =	vadd.f32 v13, v5;
	v15 =	vmul.f32 v15, v4;
	v22 =	vld [tilespmem:s25+$0x60];
	[tilespmem:s23+$0x60] =	vst v9;
	s23 =	smov.u32 s22  }
0x408: {  	v7 =	vtrunc.f32 v12;
	v23 =	vld [tilespmem:s25+$0xFFFFFF80];
	v11 =	vadd.f32 v11, v5;
	v12 =	vmul.f32 v16, v4  }
0x409: {  	v8 =	vtrunc.f32 v10;
	v15 =	vadd.f32 v15, v5;
	v14 =	vmul.f32 v14, v4  }
0x40a: {  	v9 =	vtrunc.f32 v13;
	v12 =	vadd.f32 v12, v5;
	v13 =	vmul.f32 v18, v4  }
0x40b: {  	v10 =	vtrunc.f32 v11;
	v16 =	vadd.f32 v14, v5;
	v18 =	vmul.f32 v19, v4  }
0x40c: {  	v11 =	vtrunc.f32 v15;
	v15 =	vadd.f32 v13, v5;
	v19 =	vmul.f32 v22, v4  }
.Ltmp11:
0x40d: {  	v14 =	vtrunc.f32 v12;
	v22 =	vmul.f32 v23, v4;
	v18 =	vadd.f32 v18, v5;
	(pc) =	sbr.rel @p0 .LBB2_24-.Ltmp11, $4  }
0x40e: {  	v13 =	vtrunc.f32 v16;
	v12 =	vtrunc.f32 v15;
	v15 =	vadd.f32 v19, v5  }
0x40f: {  	v21 =	vcvt.f32.s32 v21;
	v19 =	vadd.f32 v22, v5;
	v16 =	vtrunc.f32 v18  }
0x410: {  	v17 =	vcvt.f32.s32 v17;
	v15 =	vtrunc.f32 v15  }
0x411: {  	s25 =	sadd.s32 $0x100, s25;
	v18 =	vcvt.f32.s32 v20;
	v19 =	vtrunc.f32 v19;
	[tilespmem:s22+$0xFFFFFF90] =	vst v21  }
0x412: {  	v19 =	vcvt.f32.s32 v19;
	[tilespmem:s22+$0xFFFFFFA0] =	vst v17  }
0x413: {  	v6 =	vcvt.f32.s32 v6;
	[tilespmem:s22+$0xFFFFFFB0] =	vst v18  }
0x414: {  	v7 =	vcvt.f32.s32 v7;
	[tilespmem:s22+$0xFFFFFF80] =	vst v19  }
0x415: {  	v8 =	vcvt.f32.s32 v8;
	[tilespmem:s22+$0xFFFFFFC0] =	vst v6  }
0x416: {  	v6 =	vcvt.f32.s32 v9;
	[tilespmem:s22+$0xFFFFFFD0] =	vst v7  }
0x417: {  	v7 =	vcvt.f32.s32 v10;
	[tilespmem:s22+$0xFFFFFFE0] =	vst v8  }
0x418: {  	v8 =	vcvt.f32.s32 v11;
	[tilespmem:s22+$0xFFFFFFF0] =	vst v6  }
0x419: {  	v6 =	vcvt.f32.s32 v14;
	[tilespmem:s22+$0x0] =	vst v7  }
0x41a: {  	v7 =	vcvt.f32.s32 v13;
	[tilespmem:s22+$0x10] =	vst v8  }
0x41b: {  	v8 =	vcvt.f32.s32 v12;
	[tilespmem:s22+$0x20] =	vst v6  }
0x41c: {  	v6 =	vcvt.f32.s32 v16;
	[tilespmem:s22+$0x30] =	vst v7  }
0x41d: {  	v7 =	vcvt.f32.s32 v15;
	[tilespmem:s23+$0x40] =	vst v8  }
0x41e: {  	[tilespmem:s23+$0x50] =	vst v6  }
0x41f: {  	[tilespmem:s23+$0x60] =	vst v7  }
0x420: {  	s22 =	rddreg [dreg:$0x17]  }
0x421: {  	[hbm4b:s22+s1] =	stream.linear.scatter [tilespmem:s15], [sflag:$0x4], $0x4000, $0x38;
	[tilespmem:$0x16100] =	vst v63  }
0x422: {  	_ =	swait.ge [sflag:s18], $0x4000  }
0x423: {  	[sflag:s18] =	ssyncset.done $0x0  }
0x424: {  	s24 =	rddreg [dreg:$0x1c];
	[sflag:s18] =	ssyncadd.s32 $0xFFFFC000  }
0x425: {  	[tilespmem:s12], [sflag:$0x2] =	stream.linear.gather [hbm4b:s24+s1], $0x4000, $0x38;
	[tilespmem:$0x16100] =	vst v63  }
0x426: {  	_ =	swait.ge [sflag:s20], $0x4000  }
0x427: {  	[sflag:s20] =	ssyncset.done $0x0  }
0x428: {  	s25 =	simm.s32 $0xA180;
	[sflag:s20] =	ssyncadd.s32 $0xFFFFC000  }
0x429: {  	v6 =	vld [tilespmem:s25+$0x70]  }
0x42a: {  	v7 =	vld [tilespmem:s25+$0xFFFFFF90]  }
0x42b: {  	v8 =	vld [tilespmem:s25+$0xFFFFFFA0]  }
0x42c: {  	v9 =	vld [tilespmem:s25+$0xFFFFFFB0]  }
0x42d: {  	v10 =	vld [tilespmem:s25+$0xFFFFFFC0]  }
0x42e: {  	v11 =	vld [tilespmem:s25+$0xFFFFFFD0]  }
0x42f: {  	v15 =	vld [tilespmem:s25+$0x10]  }
0x430: {  	v16 =	vld [tilespmem:s25+$0x20]  }
0x431: {  	v22 =	vld [tilespmem:s25+$0xFFFFFF80]  }
0x432: {  	v12 =	vld [tilespmem:s25+$0xFFFFFFE0];
	v6 =	vmul.f32 v6, v4;
	v7 =	vmul.f32 v7, v4  }
0x433: {  	v13 =	vld [tilespmem:s25+$0xFFFFFFF0];
	v8 =	vmul.f32 v8, v4;
	v9 =	vmul.f32 v9, v4  }
0x434: {  	v10 =	vmul.f32 v10, v4;
	v11 =	vmul.f32 v11, v4;
	v6 =	vadd.f32 v6, v5  }
0x435: {  	v14 =	vld [tilespmem:s25+$0x0];
	v15 =	vmul.f32 v15, v4;
	v16 =	vmul.f32 v16, v4;
	v7 =	vadd.f32 v7, v5  }
0x436: {  	v63 =	vmul.f32 v22, v4;
	v8 =	vadd.f32 v8, v5;
	v6 =	vtrunc.f32 v6  }
0x437: {  	v9 =	vadd.f32 v9, v5;
	v18 =	vtrunc.f32 v7;
	v7 =	vmul.f32 v12, v4  }
0x438: {  	v21 =	vld [tilespmem:s25+$0x60];
	v19 =	vtrunc.f32 v8;
	v8 =	vadd.f32 v11, v5;
	v11 =	vmul.f32 v13, v4  }
0x439: {  	v12 =	vld [tilespmem:s25+$0x40];
	v20 =	vtrunc.f32 v9;
	v17 =	vcvt.f32.s32 v6;
	v6 =	vadd.f32 v10, v5  }
0x43a: {  	s22 =	simm.s32 $0x12180;
	v13 =	vmul.f32 v14, v4;
	v14 =	vld [tilespmem:s25+$0x50];
	v18 =	vcvt.f32.s32 v18;
	v9 =	vadd.f32 v7, v5  }
0x43b: {  	v10 =	vld [tilespmem:s25+$0x30];
	v11 =	vadd.f32 v11, v5;
	v7 =	vtrunc.f32 v8;
	v6 =	vtrunc.f32 v6;
	[tilespmem:s22+$0x70] =	vst v17  }
0x43c: {  	v15 =	vadd.f32 v15, v5;
	v17 =	vcvt.f32.s32 v19;
	[tilespmem:s22+$0xFFFFFF90] =	vst v18;
	v18 =	vcvt.f32.s32 v20  }
0x43d: {  	v8 =	vtrunc.f32 v9;
	v9 =	vtrunc.f32 v11  }
0x43e: {  	v16 =	vadd.f32 v16, v5;
	v11 =	vtrunc.f32 v15;
	v15 =	vmul.f32 v21, v4  }
0x43f: {  	v13 =	vadd.f32 v13, v5;
	v12 =	vmul.f32 v12, v4;
	v62 =	vmul.f32 v14, v4  }
0x440: {  	v21 =	vadd.f32 v63, v5;
	v14 =	vtrunc.f32 v16;
	v23 =	vmul.f32 v10, v4  }
0x441: {  	v10 =	vtrunc.f32 v13;
	v15 =	vadd.f32 v15, v5;
	v12 =	vadd.f32 v12, v5  }
0x442: {  	v19 =	vtrunc.f32 v21;
	v16 =	vadd.f32 v62, v5;
	v13 =	vadd.f32 v23, v5  }
0x443: {  	v15 =	vtrunc.f32 v15;
	v12 =	vtrunc.f32 v12  }
0x444: {  	s23 =	simm.s32 $0x12180;
	s24 =	simm.s32 $0x0;
	s25 =	simm.s32 $0xA280;
	v16 =	vtrunc.f32 v16;
	v13 =	vtrunc.f32 v13  }
.LBB2_26:
0x445: {  	v20 =	vld [tilespmem:s25+$0x70];
	s24 =	sadd.s32 $0x100, s24;
	v19 =	vcvt.f32.s32 v19;
	[tilespmem:s22+$0xFFFFFFA0] =	vst v17;
	v6 =	vcvt.f32.s32 v6  }
0x446: {  	v7 =	vcvt.f32.s32 v7;
	v8 =	vcvt.f32.s32 v8;
	v17 =	vld [tilespmem:s25+$0xFFFFFF90];
	p0 =	slt.u32 s24, $0x3F00;
	[tilespmem:s22+$0xFFFFFFB0] =	vst v18  }
0x447: {  	v9 =	vcvt.f32.s32 v9;
	v10 =	vcvt.f32.s32 v10;
	v18 =	vld [tilespmem:s25+$0xFFFFFFA0];
	[tilespmem:s22+$0xFFFFFF80] =	vst v19  }
0x448: {  	v19 =	vld [tilespmem:s25+$0xFFFFFFB0];
	[tilespmem:s22+$0xFFFFFFC0] =	vst v6;
	v6 =	vcvt.f32.s32 v11;
	v11 =	vcvt.f32.s32 v14  }
0x449: {  	v12 =	vcvt.f32.s32 v12;
	v14 =	vld [tilespmem:s25+$0xFFFFFFC0];
	[tilespmem:s22+$0xFFFFFFD0] =	vst v7;
	v7 =	vcvt.f32.s32 v13  }
0x44a: {  	v13 =	vld [tilespmem:s25+$0xFFFFFFD0];
	v20 =	vmul.f32 v20, v4;
	[tilespmem:s22+$0xFFFFFFE0] =	vst v8;
	v8 =	vcvt.f32.s32 v16  }
0x44b: {  	v16 =	vmul.f32 v17, v4;
	v17 =	vld [tilespmem:s25+$0xFFFFFFE0];
	[tilespmem:s22+$0xFFFFFFF0] =	vst v9;
	v9 =	vcvt.f32.s32 v15  }
0x44c: {  	v15 =	vmul.f32 v18, v4;
	v18 =	vld [tilespmem:s25+$0xFFFFFFF0];
	v20 =	vadd.f32 v20, v5;
	[tilespmem:s22+$0x0] =	vst v10  }
0x44d: {  	v10 =	vadd.f32 v16, v5;
	v16 =	vmul.f32 v19, v4;
	v19 =	vld [tilespmem:s25+$0x0];
	[tilespmem:s22+$0x10] =	vst v6  }
0x44e: {  	v6 =	vadd.f32 v15, v5;
	v14 =	vmul.f32 v14, v4;
	v15 =	vld [tilespmem:s25+$0x10];
	v20 =	vtrunc.f32 v20;
	[tilespmem:s22+$0x20] =	vst v11  }
0x44f: {  	v11 =	vadd.f32 v16, v5;
	v13 =	vmul.f32 v13, v4;
	v16 =	vld [tilespmem:s25+$0x20];
	v20 =	vcvt.f32.s32 v20;
	[tilespmem:s22+$0x30] =	vst v7  }
0x450: {  	v21 =	vtrunc.f32 v10;
	s22 =	sadd.s32 $0x100, s22;
	v7 =	vadd.f32 v14, v5;
	v10 =	vmul.f32 v17, v4;
	v14 =	vld [tilespmem:s25+$0x30];
	[tilespmem:s23+$0x40] =	vst v12  }
0x451: {  	v17 =	vtrunc.f32 v6;
	v12 =	vadd.f32 v13, v5;
	v13 =	vmul.f32 v18, v4;
	v18 =	vld [tilespmem:s25+$0x40];
	[tilespmem:s22+$0x70] =	vst v20  }
0x452: {  	v20 =	vtrunc.f32 v11;
	v10 =	vadd.f32 v10, v5;
	v11 =	vmul.f32 v19, v4;
	v19 =	vld [tilespmem:s25+$0x50];
	[tilespmem:s23+$0x50] =	vst v8  }
0x453: {  	v6 =	vtrunc.f32 v7;
	v13 =	vadd.f32 v13, v5;
	v15 =	vmul.f32 v15, v4;
	v22 =	vld [tilespmem:s25+$0x60];
	[tilespmem:s23+$0x60] =	vst v9;
	s23 =	smov.u32 s22  }
0x454: {  	v7 =	vtrunc.f32 v12;
	v23 =	vld [tilespmem:s25+$0xFFFFFF80];
	v11 =	vadd.f32 v11, v5;
	v12 =	vmul.f32 v16, v4  }
0x455: {  	v8 =	vtrunc.f32 v10;
	v15 =	vadd.f32 v15, v5;
	v14 =	vmul.f32 v14, v4  }
0x456: {  	v9 =	vtrunc.f32 v13;
	v12 =	vadd.f32 v12, v5;
	v13 =	vmul.f32 v18, v4  }
0x457: {  	v10 =	vtrunc.f32 v11;
	v16 =	vadd.f32 v14, v5;
	v18 =	vmul.f32 v19, v4  }
0x458: {  	v11 =	vtrunc.f32 v15;
	v15 =	vadd.f32 v13, v5;
	v19 =	vmul.f32 v22, v4  }
.Ltmp12:
0x459: {  	v14 =	vtrunc.f32 v12;
	v22 =	vmul.f32 v23, v4;
	v18 =	vadd.f32 v18, v5;
	(pc) =	sbr.rel @p0 .LBB2_26-.Ltmp12, $4  }
0x45a: {  	v13 =	vtrunc.f32 v16;
	v12 =	vtrunc.f32 v15;
	v15 =	vadd.f32 v19, v5  }
0x45b: {  	v21 =	vcvt.f32.s32 v21;
	v19 =	vadd.f32 v22, v5;
	v16 =	vtrunc.f32 v18  }
0x45c: {  	v17 =	vcvt.f32.s32 v17;
	v15 =	vtrunc.f32 v15  }
0x45d: {  	s25 =	sadd.s32 $0x100, s25;
	v18 =	vcvt.f32.s32 v20;
	v19 =	vtrunc.f32 v19;
	[tilespmem:s22+$0xFFFFFF90] =	vst v21  }
0x45e: {  	v19 =	vcvt.f32.s32 v19;
	[tilespmem:s22+$0xFFFFFFA0] =	vst v17  }
0x45f: {  	v6 =	vcvt.f32.s32 v6;
	[tilespmem:s22+$0xFFFFFFB0] =	vst v18  }
0x460: {  	v7 =	vcvt.f32.s32 v7;
	[tilespmem:s22+$0xFFFFFF80] =	vst v19  }
0x461: {  	v8 =	vcvt.f32.s32 v8;
	[tilespmem:s22+$0xFFFFFFC0] =	vst v6  }
0x462: {  	v6 =	vcvt.f32.s32 v9;
	[tilespmem:s22+$0xFFFFFFD0] =	vst v7  }
0x463: {  	v7 =	vcvt.f32.s32 v10;
	[tilespmem:s22+$0xFFFFFFE0] =	vst v8  }
0x464: {  	v8 =	vcvt.f32.s32 v11;
	[tilespmem:s22+$0xFFFFFFF0] =	vst v6  }
0x465: {  	v6 =	vcvt.f32.s32 v14;
	[tilespmem:s22+$0x0] =	vst v7  }
0x466: {  	v7 =	vcvt.f32.s32 v13;
	[tilespmem:s22+$0x10] =	vst v8  }
0x467: {  	v8 =	vcvt.f32.s32 v12;
	[tilespmem:s22+$0x20] =	vst v6  }
0x468: {  	v6 =	vcvt.f32.s32 v16;
	[tilespmem:s22+$0x30] =	vst v7  }
0x469: {  	v7 =	vcvt.f32.s32 v15;
	[tilespmem:s23+$0x40] =	vst v8  }
0x46a: {  	[tilespmem:s23+$0x50] =	vst v6  }
0x46b: {  	[tilespmem:s23+$0x60] =	vst v7  }
0x46c: {  	s22 =	rddreg [dreg:$0x19]  }
0x46d: {  	[hbm4b:s22+s1] =	stream.linear.scatter [tilespmem:s17], [sflag:$0x5], $0x4000, $0x38;
	[tilespmem:$0x16100] =	vst v63  }
0x46e: {  	_ =	swait.ge [sflag:s13], $0x4000  }
0x46f: {  	[sflag:s13] =	ssyncset.done $0x0  }
0x470: {  	s24 =	rddreg [dreg:$0x1e];
	[sflag:s13] =	ssyncadd.s32 $0xFFFFC000  }
0x471: {  	[tilespmem:s14], [sflag:$0x3] =	stream.linear.gather [hbm4b:s24+s1], $0x4000, $0x38;
	[tilespmem:$0x16100] =	vst v63  }
0x472: {  	_ =	swait.ge [sflag:s19], $0x4000  }
0x473: {  	[sflag:s19] =	ssyncset.done $0x0  }
0x474: {  	s25 =	simm.s32 $0x2180;
	[sflag:s19] =	ssyncadd.s32 $0xFFFFC000  }
0x475: {  	v6 =	vld [tilespmem:s25+$0x70]  }
0x476: {  	v7 =	vld [tilespmem:s25+$0xFFFFFF90]  }
0x477: {  	v8 =	vld [tilespmem:s25+$0xFFFFFFA0]  }
0x478: {  	v9 =	vld [tilespmem:s25+$0xFFFFFFB0]  }
0x479: {  	v10 =	vld [tilespmem:s25+$0xFFFFFFC0]  }
0x47a: {  	v11 =	vld [tilespmem:s25+$0xFFFFFFD0]  }
0x47b: {  	v15 =	vld [tilespmem:s25+$0x10]  }
0x47c: {  	v16 =	vld [tilespmem:s25+$0x20]  }
0x47d: {  	v22 =	vld [tilespmem:s25+$0xFFFFFF80]  }
0x47e: {  	v12 =	vld [tilespmem:s25+$0xFFFFFFE0];
	v6 =	vmul.f32 v6, v4;
	v7 =	vmul.f32 v7, v4  }
0x47f: {  	v13 =	vld [tilespmem:s25+$0xFFFFFFF0];
	v8 =	vmul.f32 v8, v4;
	v9 =	vmul.f32 v9, v4  }
0x480: {  	v10 =	vmul.f32 v10, v4;
	v11 =	vmul.f32 v11, v4;
	v6 =	vadd.f32 v6, v5  }
0x481: {  	v14 =	vld [tilespmem:s25+$0x0];
	v15 =	vmul.f32 v15, v4;
	v16 =	vmul.f32 v16, v4;
	v7 =	vadd.f32 v7, v5  }
0x482: {  	v63 =	vmul.f32 v22, v4;
	v8 =	vadd.f32 v8, v5;
	v6 =	vtrunc.f32 v6  }
0x483: {  	v9 =	vadd.f32 v9, v5;
	v18 =	vtrunc.f32 v7;
	v7 =	vmul.f32 v12, v4  }
0x484: {  	v21 =	vld [tilespmem:s25+$0x60];
	v19 =	vtrunc.f32 v8;
	v8 =	vadd.f32 v11, v5;
	v11 =	vmul.f32 v13, v4  }
0x485: {  	v12 =	vld [tilespmem:s25+$0x40];
	v20 =	vtrunc.f32 v9;
	v17 =	vcvt.f32.s32 v6;
	v6 =	vadd.f32 v10, v5  }
0x486: {  	s22 =	simm.s32 $0xE180;
	v13 =	vmul.f32 v14, v4;
	v14 =	vld [tilespmem:s25+$0x50];
	v18 =	vcvt.f32.s32 v18;
	v9 =	vadd.f32 v7, v5  }
0x487: {  	v10 =	vld [tilespmem:s25+$0x30];
	v11 =	vadd.f32 v11, v5;
	v7 =	vtrunc.f32 v8;
	v6 =	vtrunc.f32 v6;
	[tilespmem:s22+$0x70] =	vst v17  }
0x488: {  	v15 =	vadd.f32 v15, v5;
	v17 =	vcvt.f32.s32 v19;
	[tilespmem:s22+$0xFFFFFF90] =	vst v18;
	v18 =	vcvt.f32.s32 v20  }
0x489: {  	v8 =	vtrunc.f32 v9;
	v9 =	vtrunc.f32 v11  }
0x48a: {  	v16 =	vadd.f32 v16, v5;
	v11 =	vtrunc.f32 v15;
	v15 =	vmul.f32 v21, v4  }
0x48b: {  	v13 =	vadd.f32 v13, v5;
	v12 =	vmul.f32 v12, v4;
	v62 =	vmul.f32 v14, v4  }
0x48c: {  	v21 =	vadd.f32 v63, v5;
	v14 =	vtrunc.f32 v16;
	v23 =	vmul.f32 v10, v4  }
0x48d: {  	v10 =	vtrunc.f32 v13;
	v15 =	vadd.f32 v15, v5;
	v12 =	vadd.f32 v12, v5  }
0x48e: {  	v19 =	vtrunc.f32 v21;
	v16 =	vadd.f32 v62, v5;
	v13 =	vadd.f32 v23, v5  }
0x48f: {  	v15 =	vtrunc.f32 v15;
	v12 =	vtrunc.f32 v12  }
0x490: {  	s23 =	simm.s32 $0xE180;
	s24 =	simm.s32 $0x0;
	s25 =	simm.s32 $0x2280;
	v16 =	vtrunc.f32 v16;
	v13 =	vtrunc.f32 v13  }
.LBB2_28:
0x491: {  	v20 =	vld [tilespmem:s25+$0x70];
	s24 =	sadd.s32 $0x100, s24;
	v19 =	vcvt.f32.s32 v19;
	[tilespmem:s22+$0xFFFFFFA0] =	vst v17;
	v6 =	vcvt.f32.s32 v6  }
0x492: {  	v7 =	vcvt.f32.s32 v7;
	v8 =	vcvt.f32.s32 v8;
	v17 =	vld [tilespmem:s25+$0xFFFFFF90];
	p0 =	slt.u32 s24, $0x3F00;
	[tilespmem:s22+$0xFFFFFFB0] =	vst v18  }
0x493: {  	v9 =	vcvt.f32.s32 v9;
	v10 =	vcvt.f32.s32 v10;
	v18 =	vld [tilespmem:s25+$0xFFFFFFA0];
	[tilespmem:s22+$0xFFFFFF80] =	vst v19  }
0x494: {  	v19 =	vld [tilespmem:s25+$0xFFFFFFB0];
	[tilespmem:s22+$0xFFFFFFC0] =	vst v6;
	v6 =	vcvt.f32.s32 v11;
	v11 =	vcvt.f32.s32 v14  }
0x495: {  	v12 =	vcvt.f32.s32 v12;
	v14 =	vld [tilespmem:s25+$0xFFFFFFC0];
	[tilespmem:s22+$0xFFFFFFD0] =	vst v7;
	v7 =	vcvt.f32.s32 v13  }
0x496: {  	v13 =	vld [tilespmem:s25+$0xFFFFFFD0];
	v20 =	vmul.f32 v20, v4;
	[tilespmem:s22+$0xFFFFFFE0] =	vst v8;
	v8 =	vcvt.f32.s32 v16  }
0x497: {  	v16 =	vmul.f32 v17, v4;
	v17 =	vld [tilespmem:s25+$0xFFFFFFE0];
	[tilespmem:s22+$0xFFFFFFF0] =	vst v9;
	v9 =	vcvt.f32.s32 v15  }
0x498: {  	v15 =	vmul.f32 v18, v4;
	v18 =	vld [tilespmem:s25+$0xFFFFFFF0];
	v20 =	vadd.f32 v20, v5;
	[tilespmem:s22+$0x0] =	vst v10  }
0x499: {  	v10 =	vadd.f32 v16, v5;
	v16 =	vmul.f32 v19, v4;
	v19 =	vld [tilespmem:s25+$0x0];
	[tilespmem:s22+$0x10] =	vst v6  }
0x49a: {  	v6 =	vadd.f32 v15, v5;
	v14 =	vmul.f32 v14, v4;
	v15 =	vld [tilespmem:s25+$0x10];
	v20 =	vtrunc.f32 v20;
	[tilespmem:s22+$0x20] =	vst v11  }
0x49b: {  	v11 =	vadd.f32 v16, v5;
	v13 =	vmul.f32 v13, v4;
	v16 =	vld [tilespmem:s25+$0x20];
	v20 =	vcvt.f32.s32 v20;
	[tilespmem:s22+$0x30] =	vst v7  }
0x49c: {  	v21 =	vtrunc.f32 v10;
	s22 =	sadd.s32 $0x100, s22;
	v7 =	vadd.f32 v14, v5;
	v10 =	vmul.f32 v17, v4;
	v14 =	vld [tilespmem:s25+$0x30];
	[tilespmem:s23+$0x40] =	vst v12  }
0x49d: {  	v17 =	vtrunc.f32 v6;
	v12 =	vadd.f32 v13, v5;
	v13 =	vmul.f32 v18, v4;
	v18 =	vld [tilespmem:s25+$0x40];
	[tilespmem:s22+$0x70] =	vst v20  }
0x49e: {  	v20 =	vtrunc.f32 v11;
	v10 =	vadd.f32 v10, v5;
	v11 =	vmul.f32 v19, v4;
	v19 =	vld [tilespmem:s25+$0x50];
	[tilespmem:s23+$0x50] =	vst v8  }
0x49f: {  	v6 =	vtrunc.f32 v7;
	v13 =	vadd.f32 v13, v5;
	v15 =	vmul.f32 v15, v4;
	v22 =	vld [tilespmem:s25+$0x60];
	[tilespmem:s23+$0x60] =	vst v9;
	s23 =	smov.u32 s22  }
0x4a0: {  	v7 =	vtrunc.f32 v12;
	v23 =	vld [tilespmem:s25+$0xFFFFFF80];
	v11 =	vadd.f32 v11, v5;
	v12 =	vmul.f32 v16, v4  }
0x4a1: {  	v8 =	vtrunc.f32 v10;
	v15 =	vadd.f32 v15, v5;
	v14 =	vmul.f32 v14, v4  }
0x4a2: {  	v9 =	vtrunc.f32 v13;
	v12 =	vadd.f32 v12, v5;
	v13 =	vmul.f32 v18, v4  }
0x4a3: {  	v10 =	vtrunc.f32 v11;
	v16 =	vadd.f32 v14, v5;
	v18 =	vmul.f32 v19, v4  }
0x4a4: {  	v11 =	vtrunc.f32 v15;
	v15 =	vadd.f32 v13, v5;
	v19 =	vmul.f32 v22, v4  }
.Ltmp13:
0x4a5: {  	v14 =	vtrunc.f32 v12;
	v22 =	vmul.f32 v23, v4;
	v18 =	vadd.f32 v18, v5;
	(pc) =	sbr.rel @p0 .LBB2_28-.Ltmp13, $4  }
0x4a6: {  	v13 =	vtrunc.f32 v16;
	v12 =	vtrunc.f32 v15;
	v15 =	vadd.f32 v19, v5  }
0x4a7: {  	v21 =	vcvt.f32.s32 v21;
	v19 =	vadd.f32 v22, v5;
	v16 =	vtrunc.f32 v18  }
0x4a8: {  	v17 =	vcvt.f32.s32 v17;
	v15 =	vtrunc.f32 v15  }
0x4a9: {  	s25 =	sadd.s32 $0x100, s25;
	v18 =	vcvt.f32.s32 v20;
	v19 =	vtrunc.f32 v19;
	[tilespmem:s22+$0xFFFFFF90] =	vst v21  }
0x4aa: {  	v19 =	vcvt.f32.s32 v19;
	[tilespmem:s22+$0xFFFFFFA0] =	vst v17  }
0x4ab: {  	v6 =	vcvt.f32.s32 v6;
	[tilespmem:s22+$0xFFFFFFB0] =	vst v18  }
0x4ac: {  	v7 =	vcvt.f32.s32 v7;
	[tilespmem:s22+$0xFFFFFF80] =	vst v19  }
0x4ad: {  	v8 =	vcvt.f32.s32 v8;
	[tilespmem:s22+$0xFFFFFFC0] =	vst v6  }
0x4ae: {  	v6 =	vcvt.f32.s32 v9;
	[tilespmem:s22+$0xFFFFFFD0] =	vst v7  }
0x4af: {  	v7 =	vcvt.f32.s32 v10;
	[tilespmem:s22+$0xFFFFFFE0] =	vst v8  }
0x4b0: {  	v8 =	vcvt.f32.s32 v11;
	[tilespmem:s22+$0xFFFFFFF0] =	vst v6  }
0x4b1: {  	v6 =	vcvt.f32.s32 v14;
	[tilespmem:s22+$0x0] =	vst v7  }
0x4b2: {  	v7 =	vcvt.f32.s32 v13;
	[tilespmem:s22+$0x10] =	vst v8  }
0x4b3: {  	v8 =	vcvt.f32.s32 v12;
	[tilespmem:s22+$0x20] =	vst v6  }
0x4b4: {  	v6 =	vcvt.f32.s32 v16;
	[tilespmem:s22+$0x30] =	vst v7  }
0x4b5: {  	v7 =	vcvt.f32.s32 v15;
	[tilespmem:s23+$0x40] =	vst v8  }
0x4b6: {  	[tilespmem:s23+$0x50] =	vst v6  }
0x4b7: {  	[tilespmem:s23+$0x60] =	vst v7  }
0x4b8: {  	s22 =	rddreg [dreg:$0x1b]  }
0x4b9: {  	[hbm4b:s22+s1] =	stream.linear.scatter [tilespmem:s15], [sflag:$0x4], $0x4000, $0x38;
	[tilespmem:$0x16100] =	vst v63  }
0x4ba: {  	_ =	swait.ge [sflag:s16], $0x4000  }
0x4bb: {  	s24 =	sld [smem:$0x7E4]  }
0x4bc: {  	[sflag:s16] =	ssyncset.done $0x0  }
0x4bd: {  	[sflag:s16] =	ssyncadd.s32 $0xFFFFC000  }
0x4be: {  	[tilespmem:s11], [sflag:$0x1] =	stream.linear.gather [hbm4b:s24+s1], $0x4000, $0x38;
	[tilespmem:$0x16100] =	vst v63  }
0x4bf: {  	_ =	swait.ge [sflag:s20], $0x4000  }
0x4c0: {  	[sflag:s20] =	ssyncset.done $0x0  }
0x4c1: {  	s25 =	simm.s32 $0x6180;
	[sflag:s20] =	ssyncadd.s32 $0xFFFFC000  }
0x4c2: {  	v6 =	vld [tilespmem:s25+$0x70]  }
0x4c3: {  	v7 =	vld [tilespmem:s25+$0xFFFFFF90]  }
0x4c4: {  	v8 =	vld [tilespmem:s25+$0xFFFFFFA0]  }
0x4c5: {  	v9 =	vld [tilespmem:s25+$0xFFFFFFB0]  }
0x4c6: {  	v10 =	vld [tilespmem:s25+$0xFFFFFFC0]  }
0x4c7: {  	v11 =	vld [tilespmem:s25+$0xFFFFFFD0]  }
0x4c8: {  	v15 =	vld [tilespmem:s25+$0x10]  }
0x4c9: {  	v16 =	vld [tilespmem:s25+$0x20]  }
0x4ca: {  	v22 =	vld [tilespmem:s25+$0xFFFFFF80]  }
0x4cb: {  	v12 =	vld [tilespmem:s25+$0xFFFFFFE0];
	v6 =	vmul.f32 v6, v4;
	v7 =	vmul.f32 v7, v4  }
0x4cc: {  	v13 =	vld [tilespmem:s25+$0xFFFFFFF0];
	v8 =	vmul.f32 v8, v4;
	v9 =	vmul.f32 v9, v4  }
0x4cd: {  	v10 =	vmul.f32 v10, v4;
	v11 =	vmul.f32 v11, v4;
	v6 =	vadd.f32 v6, v5  }
0x4ce: {  	v14 =	vld [tilespmem:s25+$0x0];
	v15 =	vmul.f32 v15, v4;
	v16 =	vmul.f32 v16, v4;
	v7 =	vadd.f32 v7, v5  }
0x4cf: {  	v63 =	vmul.f32 v22, v4;
	v8 =	vadd.f32 v8, v5;
	v6 =	vtrunc.f32 v6  }
0x4d0: {  	v9 =	vadd.f32 v9, v5;
	v18 =	vtrunc.f32 v7;
	v7 =	vmul.f32 v12, v4  }
0x4d1: {  	v21 =	vld [tilespmem:s25+$0x60];
	v19 =	vtrunc.f32 v8;
	v8 =	vadd.f32 v11, v5;
	v11 =	vmul.f32 v13, v4  }
0x4d2: {  	v12 =	vld [tilespmem:s25+$0x40];
	v20 =	vtrunc.f32 v9;
	v17 =	vcvt.f32.s32 v6;
	v6 =	vadd.f32 v10, v5  }
0x4d3: {  	s22 =	simm.s32 $0x12180;
	v13 =	vmul.f32 v14, v4;
	v14 =	vld [tilespmem:s25+$0x50];
	v18 =	vcvt.f32.s32 v18;
	v9 =	vadd.f32 v7, v5  }
0x4d4: {  	v10 =	vld [tilespmem:s25+$0x30];
	v11 =	vadd.f32 v11, v5;
	v7 =	vtrunc.f32 v8;
	v6 =	vtrunc.f32 v6;
	[tilespmem:s22+$0x70] =	vst v17  }
0x4d5: {  	v15 =	vadd.f32 v15, v5;
	v17 =	vcvt.f32.s32 v19;
	[tilespmem:s22+$0xFFFFFF90] =	vst v18;
	v18 =	vcvt.f32.s32 v20  }
0x4d6: {  	v8 =	vtrunc.f32 v9;
	v9 =	vtrunc.f32 v11  }
0x4d7: {  	v16 =	vadd.f32 v16, v5;
	v11 =	vtrunc.f32 v15;
	v15 =	vmul.f32 v21, v4  }
0x4d8: {  	v13 =	vadd.f32 v13, v5;
	v12 =	vmul.f32 v12, v4;
	v62 =	vmul.f32 v14, v4  }
0x4d9: {  	v21 =	vadd.f32 v63, v5;
	v14 =	vtrunc.f32 v16;
	v23 =	vmul.f32 v10, v4  }
0x4da: {  	v10 =	vtrunc.f32 v13;
	v15 =	vadd.f32 v15, v5;
	v12 =	vadd.f32 v12, v5  }
0x4db: {  	v19 =	vtrunc.f32 v21;
	v16 =	vadd.f32 v62, v5;
	v13 =	vadd.f32 v23, v5  }
0x4dc: {  	v15 =	vtrunc.f32 v15;
	v12 =	vtrunc.f32 v12  }
0x4dd: {  	s23 =	simm.s32 $0x12180;
	s24 =	simm.s32 $0x0;
	s25 =	simm.s32 $0x6280;
	v16 =	vtrunc.f32 v16;
	v13 =	vtrunc.f32 v13  }
.LBB2_30:
0x4de: {  	v20 =	vld [tilespmem:s25+$0x70];
	s24 =	sadd.s32 $0x100, s24;
	v19 =	vcvt.f32.s32 v19;
	[tilespmem:s22+$0xFFFFFFA0] =	vst v17;
	v6 =	vcvt.f32.s32 v6  }
0x4df: {  	v7 =	vcvt.f32.s32 v7;
	v8 =	vcvt.f32.s32 v8;
	v17 =	vld [tilespmem:s25+$0xFFFFFF90];
	p0 =	slt.u32 s24, $0x3F00;
	[tilespmem:s22+$0xFFFFFFB0] =	vst v18  }
0x4e0: {  	v9 =	vcvt.f32.s32 v9;
	v10 =	vcvt.f32.s32 v10;
	v18 =	vld [tilespmem:s25+$0xFFFFFFA0];
	[tilespmem:s22+$0xFFFFFF80] =	vst v19  }
0x4e1: {  	v19 =	vld [tilespmem:s25+$0xFFFFFFB0];
	[tilespmem:s22+$0xFFFFFFC0] =	vst v6;
	v6 =	vcvt.f32.s32 v11;
	v11 =	vcvt.f32.s32 v14  }
0x4e2: {  	v12 =	vcvt.f32.s32 v12;
	v14 =	vld [tilespmem:s25+$0xFFFFFFC0];
	[tilespmem:s22+$0xFFFFFFD0] =	vst v7;
	v7 =	vcvt.f32.s32 v13  }
0x4e3: {  	v13 =	vld [tilespmem:s25+$0xFFFFFFD0];
	v20 =	vmul.f32 v20, v4;
	[tilespmem:s22+$0xFFFFFFE0] =	vst v8;
	v8 =	vcvt.f32.s32 v16  }
0x4e4: {  	v16 =	vmul.f32 v17, v4;
	v17 =	vld [tilespmem:s25+$0xFFFFFFE0];
	[tilespmem:s22+$0xFFFFFFF0] =	vst v9;
	v9 =	vcvt.f32.s32 v15  }
0x4e5: {  	v15 =	vmul.f32 v18, v4;
	v18 =	vld [tilespmem:s25+$0xFFFFFFF0];
	v20 =	vadd.f32 v20, v5;
	[tilespmem:s22+$0x0] =	vst v10  }
0x4e6: {  	v10 =	vadd.f32 v16, v5;
	v16 =	vmul.f32 v19, v4;
	v19 =	vld [tilespmem:s25+$0x0];
	[tilespmem:s22+$0x10] =	vst v6  }
0x4e7: {  	v6 =	vadd.f32 v15, v5;
	v14 =	vmul.f32 v14, v4;
	v15 =	vld [tilespmem:s25+$0x10];
	v20 =	vtrunc.f32 v20;
	[tilespmem:s22+$0x20] =	vst v11  }
0x4e8: {  	v11 =	vadd.f32 v16, v5;
	v13 =	vmul.f32 v13, v4;
	v16 =	vld [tilespmem:s25+$0x20];
	v20 =	vcvt.f32.s32 v20;
	[tilespmem:s22+$0x30] =	vst v7  }
0x4e9: {  	v21 =	vtrunc.f32 v10;
	s22 =	sadd.s32 $0x100, s22;
	v7 =	vadd.f32 v14, v5;
	v10 =	vmul.f32 v17, v4;
	v14 =	vld [tilespmem:s25+$0x30];
	[tilespmem:s23+$0x40] =	vst v12  }
0x4ea: {  	v17 =	vtrunc.f32 v6;
	v12 =	vadd.f32 v13, v5;
	v13 =	vmul.f32 v18, v4;
	v18 =	vld [tilespmem:s25+$0x40];
	[tilespmem:s22+$0x70] =	vst v20  }
0x4eb: {  	v20 =	vtrunc.f32 v11;
	v10 =	vadd.f32 v10, v5;
	v11 =	vmul.f32 v19, v4;
	v19 =	vld [tilespmem:s25+$0x50];
	[tilespmem:s23+$0x50] =	vst v8  }
0x4ec: {  	v6 =	vtrunc.f32 v7;
	v13 =	vadd.f32 v13, v5;
	v15 =	vmul.f32 v15, v4;
	v22 =	vld [tilespmem:s25+$0x60];
	[tilespmem:s23+$0x60] =	vst v9;
	s23 =	smov.u32 s22  }
0x4ed: {  	v7 =	vtrunc.f32 v12;
	v23 =	vld [tilespmem:s25+$0xFFFFFF80];
	v11 =	vadd.f32 v11, v5;
	v12 =	vmul.f32 v16, v4  }
0x4ee: {  	v8 =	vtrunc.f32 v10;
	v15 =	vadd.f32 v15, v5;
	v14 =	vmul.f32 v14, v4  }
0x4ef: {  	v9 =	vtrunc.f32 v13;
	v12 =	vadd.f32 v12, v5;
	v13 =	vmul.f32 v18, v4  }
0x4f0: {  	v10 =	vtrunc.f32 v11;
	v16 =	vadd.f32 v14, v5;
	v18 =	vmul.f32 v19, v4  }
0x4f1: {  	v11 =	vtrunc.f32 v15;
	v15 =	vadd.f32 v13, v5;
	v19 =	vmul.f32 v22, v4  }
.Ltmp14:
0x4f2: {  	v14 =	vtrunc.f32 v12;
	v22 =	vmul.f32 v23, v4;
	v18 =	vadd.f32 v18, v5;
	(pc) =	sbr.rel @p0 .LBB2_30-.Ltmp14, $4  }
0x4f3: {  	v13 =	vtrunc.f32 v16;
	v12 =	vtrunc.f32 v15;
	v15 =	vadd.f32 v19, v5  }
0x4f4: {  	v21 =	vcvt.f32.s32 v21;
	v19 =	vadd.f32 v22, v5;
	v16 =	vtrunc.f32 v18  }
0x4f5: {  	v17 =	vcvt.f32.s32 v17;
	v15 =	vtrunc.f32 v15  }
0x4f6: {  	s25 =	sadd.s32 $0x100, s25;
	v18 =	vcvt.f32.s32 v20;
	v19 =	vtrunc.f32 v19;
	[tilespmem:s22+$0xFFFFFF90] =	vst v21  }
0x4f7: {  	v19 =	vcvt.f32.s32 v19;
	[tilespmem:s22+$0xFFFFFFA0] =	vst v17  }
0x4f8: {  	v6 =	vcvt.f32.s32 v6;
	[tilespmem:s22+$0xFFFFFFB0] =	vst v18  }
0x4f9: {  	v7 =	vcvt.f32.s32 v7;
	[tilespmem:s22+$0xFFFFFF80] =	vst v19  }
0x4fa: {  	v8 =	vcvt.f32.s32 v8;
	[tilespmem:s22+$0xFFFFFFC0] =	vst v6  }
0x4fb: {  	v6 =	vcvt.f32.s32 v9;
	[tilespmem:s22+$0xFFFFFFD0] =	vst v7  }
0x4fc: {  	v7 =	vcvt.f32.s32 v10;
	[tilespmem:s22+$0xFFFFFFE0] =	vst v8  }
0x4fd: {  	v8 =	vcvt.f32.s32 v11;
	[tilespmem:s22+$0xFFFFFFF0] =	vst v6  }
0x4fe: {  	v6 =	vcvt.f32.s32 v14;
	[tilespmem:s22+$0x0] =	vst v7  }
0x4ff: {  	v7 =	vcvt.f32.s32 v13;
	[tilespmem:s22+$0x10] =	vst v8  }
0x500: {  	v8 =	vcvt.f32.s32 v12;
	[tilespmem:s22+$0x20] =	vst v6  }
0x501: {  	v6 =	vcvt.f32.s32 v16;
	[tilespmem:s22+$0x30] =	vst v7  }
0x502: {  	v7 =	vcvt.f32.s32 v15;
	[tilespmem:s23+$0x40] =	vst v8  }
0x503: {  	[tilespmem:s23+$0x50] =	vst v6  }
0x504: {  	[tilespmem:s23+$0x60] =	vst v7  }
0x505: {  	s22 =	rddreg [dreg:$0x1d]  }
0x506: {  	[hbm4b:s22+s1] =	stream.linear.scatter [tilespmem:s17], [sflag:$0x5], $0x4000, $0x38;
	[tilespmem:$0x16100] =	vst v63  }
0x507: {  	_ =	swait.ge [sflag:s18], $0x4000  }
0x508: {  	s24 =	sld [smem:$0x7E6]  }
0x509: {  	[sflag:s18] =	ssyncset.done $0x0  }
0x50a: {  	[sflag:s18] =	ssyncadd.s32 $0xFFFFC000  }
0x50b: {  	[tilespmem:s12], [sflag:$0x2] =	stream.linear.gather [hbm4b:s24+s1], $0x4000, $0x38;
	[tilespmem:$0x16100] =	vst v63  }
0x50c: {  	_ =	swait.ge [sflag:s19], $0x4000  }
0x50d: {  	[sflag:s19] =	ssyncset.done $0x0  }
0x50e: {  	s25 =	simm.s32 $0xA180;
	[sflag:s19] =	ssyncadd.s32 $0xFFFFC000  }
0x50f: {  	v6 =	vld [tilespmem:s25+$0x70]  }
0x510: {  	v7 =	vld [tilespmem:s25+$0xFFFFFF90]  }
0x511: {  	v8 =	vld [tilespmem:s25+$0xFFFFFFA0]  }
0x512: {  	v9 =	vld [tilespmem:s25+$0xFFFFFFB0]  }
0x513: {  	v10 =	vld [tilespmem:s25+$0xFFFFFFC0]  }
0x514: {  	v11 =	vld [tilespmem:s25+$0xFFFFFFD0]  }
0x515: {  	v15 =	vld [tilespmem:s25+$0x10]  }
0x516: {  	v16 =	vld [tilespmem:s25+$0x20]  }
0x517: {  	v22 =	vld [tilespmem:s25+$0xFFFFFF80]  }
0x518: {  	v12 =	vld [tilespmem:s25+$0xFFFFFFE0];
	v6 =	vmul.f32 v6, v4;
	v7 =	vmul.f32 v7, v4  }
0x519: {  	v13 =	vld [tilespmem:s25+$0xFFFFFFF0];
	v8 =	vmul.f32 v8, v4;
	v9 =	vmul.f32 v9, v4  }
0x51a: {  	v10 =	vmul.f32 v10, v4;
	v11 =	vmul.f32 v11, v4;
	v6 =	vadd.f32 v6, v5  }
0x51b: {  	v14 =	vld [tilespmem:s25+$0x0];
	v15 =	vmul.f32 v15, v4;
	v16 =	vmul.f32 v16, v4;
	v7 =	vadd.f32 v7, v5  }
0x51c: {  	v63 =	vmul.f32 v22, v4;
	v8 =	vadd.f32 v8, v5;
	v6 =	vtrunc.f32 v6  }
0x51d: {  	v9 =	vadd.f32 v9, v5;
	v18 =	vtrunc.f32 v7;
	v7 =	vmul.f32 v12, v4  }
0x51e: {  	v21 =	vld [tilespmem:s25+$0x60];
	v19 =	vtrunc.f32 v8;
	v8 =	vadd.f32 v11, v5;
	v11 =	vmul.f32 v13, v4  }
0x51f: {  	v12 =	vld [tilespmem:s25+$0x40];
	v20 =	vtrunc.f32 v9;
	v17 =	vcvt.f32.s32 v6;
	v6 =	vadd.f32 v10, v5  }
0x520: {  	s22 =	simm.s32 $0xE180;
	v13 =	vmul.f32 v14, v4;
	v14 =	vld [tilespmem:s25+$0x50];
	v18 =	vcvt.f32.s32 v18;
	v9 =	vadd.f32 v7, v5  }
0x521: {  	v10 =	vld [tilespmem:s25+$0x30];
	v11 =	vadd.f32 v11, v5;
	v7 =	vtrunc.f32 v8;
	v6 =	vtrunc.f32 v6;
	[tilespmem:s22+$0x70] =	vst v17  }
0x522: {  	v15 =	vadd.f32 v15, v5;
	v17 =	vcvt.f32.s32 v19;
	[tilespmem:s22+$0xFFFFFF90] =	vst v18;
	v18 =	vcvt.f32.s32 v20  }
0x523: {  	v8 =	vtrunc.f32 v9;
	v9 =	vtrunc.f32 v11  }
0x524: {  	v16 =	vadd.f32 v16, v5;
	v11 =	vtrunc.f32 v15;
	v15 =	vmul.f32 v21, v4  }
0x525: {  	v13 =	vadd.f32 v13, v5;
	v12 =	vmul.f32 v12, v4;
	v62 =	vmul.f32 v14, v4  }
0x526: {  	v21 =	vadd.f32 v63, v5;
	v14 =	vtrunc.f32 v16;
	v23 =	vmul.f32 v10, v4  }
0x527: {  	v10 =	vtrunc.f32 v13;
	v15 =	vadd.f32 v15, v5;
	v12 =	vadd.f32 v12, v5  }
0x528: {  	v19 =	vtrunc.f32 v21;
	v16 =	vadd.f32 v62, v5;
	v13 =	vadd.f32 v23, v5  }
0x529: {  	v15 =	vtrunc.f32 v15;
	v12 =	vtrunc.f32 v12  }
0x52a: {  	s23 =	simm.s32 $0xE180;
	s24 =	simm.s32 $0x0;
	s25 =	simm.s32 $0xA280;
	v16 =	vtrunc.f32 v16;
	v13 =	vtrunc.f32 v13  }
.LBB2_32:
0x52b: {  	v20 =	vld [tilespmem:s25+$0x70];
	s24 =	sadd.s32 $0x100, s24;
	v19 =	vcvt.f32.s32 v19;
	[tilespmem:s22+$0xFFFFFFA0] =	vst v17;
	v6 =	vcvt.f32.s32 v6  }
0x52c: {  	v7 =	vcvt.f32.s32 v7;
	v8 =	vcvt.f32.s32 v8;
	v17 =	vld [tilespmem:s25+$0xFFFFFF90];
	p0 =	slt.u32 s24, $0x3F00;
	[tilespmem:s22+$0xFFFFFFB0] =	vst v18  }
0x52d: {  	v9 =	vcvt.f32.s32 v9;
	v10 =	vcvt.f32.s32 v10;
	v18 =	vld [tilespmem:s25+$0xFFFFFFA0];
	[tilespmem:s22+$0xFFFFFF80] =	vst v19  }
0x52e: {  	v19 =	vld [tilespmem:s25+$0xFFFFFFB0];
	[tilespmem:s22+$0xFFFFFFC0] =	vst v6;
	v6 =	vcvt.f32.s32 v11;
	v11 =	vcvt.f32.s32 v14  }
0x52f: {  	v12 =	vcvt.f32.s32 v12;
	v14 =	vld [tilespmem:s25+$0xFFFFFFC0];
	[tilespmem:s22+$0xFFFFFFD0] =	vst v7;
	v7 =	vcvt.f32.s32 v13  }
0x530: {  	v13 =	vld [tilespmem:s25+$0xFFFFFFD0];
	v20 =	vmul.f32 v20, v4;
	[tilespmem:s22+$0xFFFFFFE0] =	vst v8;
	v8 =	vcvt.f32.s32 v16  }
0x531: {  	v16 =	vmul.f32 v17, v4;
	v17 =	vld [tilespmem:s25+$0xFFFFFFE0];
	[tilespmem:s22+$0xFFFFFFF0] =	vst v9;
	v9 =	vcvt.f32.s32 v15  }
0x532: {  	v15 =	vmul.f32 v18, v4;
	v18 =	vld [tilespmem:s25+$0xFFFFFFF0];
	v20 =	vadd.f32 v20, v5;
	[tilespmem:s22+$0x0] =	vst v10  }
0x533: {  	v10 =	vadd.f32 v16, v5;
	v16 =	vmul.f32 v19, v4;
	v19 =	vld [tilespmem:s25+$0x0];
	[tilespmem:s22+$0x10] =	vst v6  }
0x534: {  	v6 =	vadd.f32 v15, v5;
	v14 =	vmul.f32 v14, v4;
	v15 =	vld [tilespmem:s25+$0x10];
	v20 =	vtrunc.f32 v20;
	[tilespmem:s22+$0x20] =	vst v11  }
0x535: {  	v11 =	vadd.f32 v16, v5;
	v13 =	vmul.f32 v13, v4;
	v16 =	vld [tilespmem:s25+$0x20];
	v20 =	vcvt.f32.s32 v20;
	[tilespmem:s22+$0x30] =	vst v7  }
0x536: {  	v21 =	vtrunc.f32 v10;
	s22 =	sadd.s32 $0x100, s22;
	v7 =	vadd.f32 v14, v5;
	v10 =	vmul.f32 v17, v4;
	v14 =	vld [tilespmem:s25+$0x30];
	[tilespmem:s23+$0x40] =	vst v12  }
0x537: {  	v17 =	vtrunc.f32 v6;
	v12 =	vadd.f32 v13, v5;
	v13 =	vmul.f32 v18, v4;
	v18 =	vld [tilespmem:s25+$0x40];
	[tilespmem:s22+$0x70] =	vst v20  }
0x538: {  	v20 =	vtrunc.f32 v11;
	v10 =	vadd.f32 v10, v5;
	v11 =	vmul.f32 v19, v4;
	v19 =	vld [tilespmem:s25+$0x50];
	[tilespmem:s23+$0x50] =	vst v8  }
0x539: {  	v6 =	vtrunc.f32 v7;
	v13 =	vadd.f32 v13, v5;
	v15 =	vmul.f32 v15, v4;
	v22 =	vld [tilespmem:s25+$0x60];
	[tilespmem:s23+$0x60] =	vst v9;
	s23 =	smov.u32 s22  }
0x53a: {  	v7 =	vtrunc.f32 v12;
	v23 =	vld [tilespmem:s25+$0xFFFFFF80];
	v11 =	vadd.f32 v11, v5;
	v12 =	vmul.f32 v16, v4  }
0x53b: {  	v8 =	vtrunc.f32 v10;
	v15 =	vadd.f32 v15, v5;
	v14 =	vmul.f32 v14, v4  }
0x53c: {  	v9 =	vtrunc.f32 v13;
	v12 =	vadd.f32 v12, v5;
	v13 =	vmul.f32 v18, v4  }
0x53d: {  	v10 =	vtrunc.f32 v11;
	v16 =	vadd.f32 v14, v5;
	v18 =	vmul.f32 v19, v4  }
0x53e: {  	v11 =	vtrunc.f32 v15;
	v15 =	vadd.f32 v13, v5;
	v19 =	vmul.f32 v22, v4  }
.Ltmp15:
0x53f: {  	v14 =	vtrunc.f32 v12;
	v22 =	vmul.f32 v23, v4;
	v18 =	vadd.f32 v18, v5;
	(pc) =	sbr.rel @p0 .LBB2_32-.Ltmp15, $4  }
0x540: {  	v13 =	vtrunc.f32 v16;
	v12 =	vtrunc.f32 v15;
	v15 =	vadd.f32 v19, v5  }
0x541: {  	v21 =	vcvt.f32.s32 v21;
	v19 =	vadd.f32 v22, v5;
	v16 =	vtrunc.f32 v18  }
0x542: {  	v17 =	vcvt.f32.s32 v17;
	v15 =	vtrunc.f32 v15  }
0x543: {  	s25 =	sadd.s32 $0x100, s25;
	v18 =	vcvt.f32.s32 v20;
	v19 =	vtrunc.f32 v19;
	[tilespmem:s22+$0xFFFFFF90] =	vst v21  }
0x544: {  	v19 =	vcvt.f32.s32 v19;
	[tilespmem:s22+$0xFFFFFFA0] =	vst v17  }
0x545: {  	v6 =	vcvt.f32.s32 v6;
	[tilespmem:s22+$0xFFFFFFB0] =	vst v18  }
0x546: {  	v7 =	vcvt.f32.s32 v7;
	[tilespmem:s22+$0xFFFFFF80] =	vst v19  }
0x547: {  	v8 =	vcvt.f32.s32 v8;
	[tilespmem:s22+$0xFFFFFFC0] =	vst v6  }
0x548: {  	v6 =	vcvt.f32.s32 v9;
	[tilespmem:s22+$0xFFFFFFD0] =	vst v7  }
0x549: {  	v7 =	vcvt.f32.s32 v10;
	[tilespmem:s22+$0xFFFFFFE0] =	vst v8  }
0x54a: {  	v8 =	vcvt.f32.s32 v11;
	[tilespmem:s22+$0xFFFFFFF0] =	vst v6  }
0x54b: {  	v6 =	vcvt.f32.s32 v14;
	[tilespmem:s22+$0x0] =	vst v7  }
0x54c: {  	v7 =	vcvt.f32.s32 v13;
	[tilespmem:s22+$0x10] =	vst v8  }
0x54d: {  	v8 =	vcvt.f32.s32 v12;
	[tilespmem:s22+$0x20] =	vst v6  }
0x54e: {  	v6 =	vcvt.f32.s32 v16;
	[tilespmem:s22+$0x30] =	vst v7  }
0x54f: {  	v7 =	vcvt.f32.s32 v15;
	[tilespmem:s23+$0x40] =	vst v8  }
0x550: {  	[tilespmem:s23+$0x50] =	vst v6  }
0x551: {  	[tilespmem:s23+$0x60] =	vst v7  }
0x552: {  	s22 =	rddreg [dreg:$0x1f]  }
0x553: {  	[hbm4b:s22+s1] =	stream.linear.scatter [tilespmem:s15], [sflag:$0x4], $0x4000, $0x38;
	[tilespmem:$0x16100] =	vst v63  }
0x554: {  	_ =	swait.ge [sflag:s13], $0x4000  }
0x555: {  	s24 =	sld [smem:$0x7E8]  }
0x556: {  	[sflag:s13] =	ssyncset.done $0x0  }
0x557: {  	[sflag:s13] =	ssyncadd.s32 $0xFFFFC000  }
0x558: {  	[tilespmem:s14], [sflag:$0x3] =	stream.linear.gather [hbm4b:s24+s1], $0x4000, $0x38;
	[tilespmem:$0x16100] =	vst v63  }
0x559: {  	_ =	swait.ge [sflag:s20], $0x4000  }
0x55a: {  	[sflag:s20] =	ssyncset.done $0x0  }
0x55b: {  	s25 =	simm.s32 $0x2180;
	[sflag:s20] =	ssyncadd.s32 $0xFFFFC000  }
0x55c: {  	v6 =	vld [tilespmem:s25+$0x70]  }
0x55d: {  	v7 =	vld [tilespmem:s25+$0xFFFFFF90]  }
0x55e: {  	v8 =	vld [tilespmem:s25+$0xFFFFFFA0]  }
0x55f: {  	v9 =	vld [tilespmem:s25+$0xFFFFFFB0]  }
0x560: {  	v10 =	vld [tilespmem:s25+$0xFFFFFFC0]  }
0x561: {  	v11 =	vld [tilespmem:s25+$0xFFFFFFD0]  }
0x562: {  	v15 =	vld [tilespmem:s25+$0x10]  }
0x563: {  	v16 =	vld [tilespmem:s25+$0x20]  }
0x564: {  	v22 =	vld [tilespmem:s25+$0xFFFFFF80]  }
0x565: {  	v12 =	vld [tilespmem:s25+$0xFFFFFFE0];
	v6 =	vmul.f32 v6, v4;
	v7 =	vmul.f32 v7, v4  }
0x566: {  	v13 =	vld [tilespmem:s25+$0xFFFFFFF0];
	v8 =	vmul.f32 v8, v4;
	v9 =	vmul.f32 v9, v4  }
0x567: {  	v10 =	vmul.f32 v10, v4;
	v11 =	vmul.f32 v11, v4;
	v6 =	vadd.f32 v6, v5  }
0x568: {  	v14 =	vld [tilespmem:s25+$0x0];
	v15 =	vmul.f32 v15, v4;
	v16 =	vmul.f32 v16, v4;
	v7 =	vadd.f32 v7, v5  }
0x569: {  	v63 =	vmul.f32 v22, v4;
	v8 =	vadd.f32 v8, v5;
	v6 =	vtrunc.f32 v6  }
0x56a: {  	v9 =	vadd.f32 v9, v5;
	v18 =	vtrunc.f32 v7;
	v7 =	vmul.f32 v12, v4  }
0x56b: {  	v21 =	vld [tilespmem:s25+$0x60];
	v19 =	vtrunc.f32 v8;
	v8 =	vadd.f32 v11, v5;
	v11 =	vmul.f32 v13, v4  }
0x56c: {  	v12 =	vld [tilespmem:s25+$0x40];
	v20 =	vtrunc.f32 v9;
	v17 =	vcvt.f32.s32 v6;
	v6 =	vadd.f32 v10, v5  }
0x56d: {  	s22 =	simm.s32 $0x12180;
	v13 =	vmul.f32 v14, v4;
	v14 =	vld [tilespmem:s25+$0x50];
	v18 =	vcvt.f32.s32 v18;
	v9 =	vadd.f32 v7, v5  }
0x56e: {  	v10 =	vld [tilespmem:s25+$0x30];
	v11 =	vadd.f32 v11, v5;
	v7 =	vtrunc.f32 v8;
	v6 =	vtrunc.f32 v6;
	[tilespmem:s22+$0x70] =	vst v17  }
0x56f: {  	v15 =	vadd.f32 v15, v5;
	v17 =	vcvt.f32.s32 v19;
	[tilespmem:s22+$0xFFFFFF90] =	vst v18;
	v18 =	vcvt.f32.s32 v20  }
0x570: {  	v8 =	vtrunc.f32 v9;
	v9 =	vtrunc.f32 v11  }
0x571: {  	v16 =	vadd.f32 v16, v5;
	v11 =	vtrunc.f32 v15;
	v15 =	vmul.f32 v21, v4  }
0x572: {  	v13 =	vadd.f32 v13, v5;
	v12 =	vmul.f32 v12, v4;
	v62 =	vmul.f32 v14, v4  }
0x573: {  	v21 =	vadd.f32 v63, v5;
	v14 =	vtrunc.f32 v16;
	v23 =	vmul.f32 v10, v4  }
0x574: {  	v10 =	vtrunc.f32 v13;
	v15 =	vadd.f32 v15, v5;
	v12 =	vadd.f32 v12, v5  }
0x575: {  	v19 =	vtrunc.f32 v21;
	v16 =	vadd.f32 v62, v5;
	v13 =	vadd.f32 v23, v5  }
0x576: {  	v15 =	vtrunc.f32 v15;
	v12 =	vtrunc.f32 v12  }
0x577: {  	s23 =	simm.s32 $0x12180;
	s24 =	simm.s32 $0x0;
	s25 =	simm.s32 $0x2280;
	v16 =	vtrunc.f32 v16;
	v13 =	vtrunc.f32 v13  }
.LBB2_34:
0x578: {  	v20 =	vld [tilespmem:s25+$0x70];
	s24 =	sadd.s32 $0x100, s24;
	v19 =	vcvt.f32.s32 v19;
	[tilespmem:s22+$0xFFFFFFA0] =	vst v17;
	v6 =	vcvt.f32.s32 v6  }
0x579: {  	v7 =	vcvt.f32.s32 v7;
	v8 =	vcvt.f32.s32 v8;
	v17 =	vld [tilespmem:s25+$0xFFFFFF90];
	p0 =	slt.u32 s24, $0x3F00;
	[tilespmem:s22+$0xFFFFFFB0] =	vst v18  }
0x57a: {  	v9 =	vcvt.f32.s32 v9;
	v10 =	vcvt.f32.s32 v10;
	v18 =	vld [tilespmem:s25+$0xFFFFFFA0];
	[tilespmem:s22+$0xFFFFFF80] =	vst v19  }
0x57b: {  	v19 =	vld [tilespmem:s25+$0xFFFFFFB0];
	[tilespmem:s22+$0xFFFFFFC0] =	vst v6;
	v6 =	vcvt.f32.s32 v11;
	v11 =	vcvt.f32.s32 v14  }
0x57c: {  	v12 =	vcvt.f32.s32 v12;
	v14 =	vld [tilespmem:s25+$0xFFFFFFC0];
	[tilespmem:s22+$0xFFFFFFD0] =	vst v7;
	v7 =	vcvt.f32.s32 v13  }
0x57d: {  	v13 =	vld [tilespmem:s25+$0xFFFFFFD0];
	v20 =	vmul.f32 v20, v4;
	[tilespmem:s22+$0xFFFFFFE0] =	vst v8;
	v8 =	vcvt.f32.s32 v16  }
0x57e: {  	v16 =	vmul.f32 v17, v4;
	v17 =	vld [tilespmem:s25+$0xFFFFFFE0];
	[tilespmem:s22+$0xFFFFFFF0] =	vst v9;
	v9 =	vcvt.f32.s32 v15  }
0x57f: {  	v15 =	vmul.f32 v18, v4;
	v18 =	vld [tilespmem:s25+$0xFFFFFFF0];
	v20 =	vadd.f32 v20, v5;
	[tilespmem:s22+$0x0] =	vst v10  }
0x580: {  	v10 =	vadd.f32 v16, v5;
	v16 =	vmul.f32 v19, v4;
	v19 =	vld [tilespmem:s25+$0x0];
	[tilespmem:s22+$0x10] =	vst v6  }
0x581: {  	v6 =	vadd.f32 v15, v5;
	v14 =	vmul.f32 v14, v4;
	v15 =	vld [tilespmem:s25+$0x10];
	v20 =	vtrunc.f32 v20;
	[tilespmem:s22+$0x20] =	vst v11  }
0x582: {  	v11 =	vadd.f32 v16, v5;
	v13 =	vmul.f32 v13, v4;
	v16 =	vld [tilespmem:s25+$0x20];
	v20 =	vcvt.f32.s32 v20;
	[tilespmem:s22+$0x30] =	vst v7  }
0x583: {  	v21 =	vtrunc.f32 v10;
	s22 =	sadd.s32 $0x100, s22;
	v7 =	vadd.f32 v14, v5;
	v10 =	vmul.f32 v17, v4;
	v14 =	vld [tilespmem:s25+$0x30];
	[tilespmem:s23+$0x40] =	vst v12  }
0x584: {  	v17 =	vtrunc.f32 v6;
	v12 =	vadd.f32 v13, v5;
	v13 =	vmul.f32 v18, v4;
	v18 =	vld [tilespmem:s25+$0x40];
	[tilespmem:s22+$0x70] =	vst v20  }
0x585: {  	v20 =	vtrunc.f32 v11;
	v10 =	vadd.f32 v10, v5;
	v11 =	vmul.f32 v19, v4;
	v19 =	vld [tilespmem:s25+$0x50];
	[tilespmem:s23+$0x50] =	vst v8  }
0x586: {  	v6 =	vtrunc.f32 v7;
	v13 =	vadd.f32 v13, v5;
	v15 =	vmul.f32 v15, v4;
	v22 =	vld [tilespmem:s25+$0x60];
	[tilespmem:s23+$0x60] =	vst v9;
	s23 =	smov.u32 s22  }
0x587: {  	v7 =	vtrunc.f32 v12;
	v23 =	vld [tilespmem:s25+$0xFFFFFF80];
	v11 =	vadd.f32 v11, v5;
	v12 =	vmul.f32 v16, v4  }
0x588: {  	v8 =	vtrunc.f32 v10;
	v15 =	vadd.f32 v15, v5;
	v14 =	vmul.f32 v14, v4  }
0x589: {  	v9 =	vtrunc.f32 v13;
	v12 =	vadd.f32 v12, v5;
	v13 =	vmul.f32 v18, v4  }
0x58a: {  	v10 =	vtrunc.f32 v11;
	v16 =	vadd.f32 v14, v5;
	v18 =	vmul.f32 v19, v4  }
0x58b: {  	v11 =	vtrunc.f32 v15;
	v15 =	vadd.f32 v13, v5;
	v19 =	vmul.f32 v22, v4  }
.Ltmp16:
0x58c: {  	v14 =	vtrunc.f32 v12;
	v22 =	vmul.f32 v23, v4;
	v18 =	vadd.f32 v18, v5;
	(pc) =	sbr.rel @p0 .LBB2_34-.Ltmp16, $4  }
0x58d: {  	v13 =	vtrunc.f32 v16;
	v12 =	vtrunc.f32 v15;
	v15 =	vadd.f32 v19, v5  }
0x58e: {  	v21 =	vcvt.f32.s32 v21;
	v19 =	vadd.f32 v22, v5;
	v16 =	vtrunc.f32 v18  }
0x58f: {  	v17 =	vcvt.f32.s32 v17;
	v15 =	vtrunc.f32 v15  }
0x590: {  	s25 =	sadd.s32 $0x100, s25;
	v18 =	vcvt.f32.s32 v20;
	v19 =	vtrunc.f32 v19;
	[tilespmem:s22+$0xFFFFFF90] =	vst v21  }
0x591: {  	v19 =	vcvt.f32.s32 v19;
	[tilespmem:s22+$0xFFFFFFA0] =	vst v17  }
0x592: {  	v6 =	vcvt.f32.s32 v6;
	[tilespmem:s22+$0xFFFFFFB0] =	vst v18  }
0x593: {  	v7 =	vcvt.f32.s32 v7;
	[tilespmem:s22+$0xFFFFFF80] =	vst v19  }
0x594: {  	v8 =	vcvt.f32.s32 v8;
	[tilespmem:s22+$0xFFFFFFC0] =	vst v6  }
0x595: {  	v6 =	vcvt.f32.s32 v9;
	[tilespmem:s22+$0xFFFFFFD0] =	vst v7  }
0x596: {  	v7 =	vcvt.f32.s32 v10;
	[tilespmem:s22+$0xFFFFFFE0] =	vst v8  }
0x597: {  	v8 =	vcvt.f32.s32 v11;
	[tilespmem:s22+$0xFFFFFFF0] =	vst v6  }
0x598: {  	v6 =	vcvt.f32.s32 v14;
	[tilespmem:s22+$0x0] =	vst v7  }
0x599: {  	v7 =	vcvt.f32.s32 v13;
	[tilespmem:s22+$0x10] =	vst v8  }
0x59a: {  	v8 =	vcvt.f32.s32 v12;
	[tilespmem:s22+$0x20] =	vst v6  }
0x59b: {  	v6 =	vcvt.f32.s32 v16;
	[tilespmem:s22+$0x30] =	vst v7  }
0x59c: {  	v7 =	vcvt.f32.s32 v15;
	[tilespmem:s23+$0x40] =	vst v8  }
0x59d: {  	[tilespmem:s23+$0x50] =	vst v6  }
0x59e: {  	[tilespmem:s23+$0x60] =	vst v7  }
0x59f: {  	s22 =	sld [smem:$0x7E5];
	_ =	sdelay $0x2  }
0x5a0: {  	[hbm4b:s22+s1] =	stream.linear.scatter [tilespmem:s17], [sflag:$0x5], $0x4000, $0x38;
	[tilespmem:$0x16100] =	vst v63  }
0x5a1: {  	_ =	swait.ge [sflag:s16], $0x4000  }
0x5a2: {  	s24 =	sld [smem:$0x7EA]  }
0x5a3: {  	[sflag:s16] =	ssyncset.done $0x0  }
0x5a4: {  	[sflag:s16] =	ssyncadd.s32 $0xFFFFC000  }
0x5a5: {  	[tilespmem:s11], [sflag:$0x1] =	stream.linear.gather [hbm4b:s24+s1], $0x4000, $0x38;
	[tilespmem:$0x16100] =	vst v63  }
0x5a6: {  	_ =	swait.ge [sflag:s19], $0x4000  }
0x5a7: {  	[sflag:s19] =	ssyncset.done $0x0  }
0x5a8: {  	s25 =	simm.s32 $0x6180;
	[sflag:s19] =	ssyncadd.s32 $0xFFFFC000  }
0x5a9: {  	v6 =	vld [tilespmem:s25+$0x70]  }
0x5aa: {  	v7 =	vld [tilespmem:s25+$0xFFFFFF90]  }
0x5ab: {  	v8 =	vld [tilespmem:s25+$0xFFFFFFA0]  }
0x5ac: {  	v9 =	vld [tilespmem:s25+$0xFFFFFFB0]  }
0x5ad: {  	v10 =	vld [tilespmem:s25+$0xFFFFFFC0]  }
0x5ae: {  	v11 =	vld [tilespmem:s25+$0xFFFFFFD0]  }
0x5af: {  	v15 =	vld [tilespmem:s25+$0x10]  }
0x5b0: {  	v16 =	vld [tilespmem:s25+$0x20]  }
0x5b1: {  	v22 =	vld [tilespmem:s25+$0xFFFFFF80]  }
0x5b2: {  	v12 =	vld [tilespmem:s25+$0xFFFFFFE0];
	v6 =	vmul.f32 v6, v4;
	v7 =	vmul.f32 v7, v4  }
0x5b3: {  	v13 =	vld [tilespmem:s25+$0xFFFFFFF0];
	v8 =	vmul.f32 v8, v4;
	v9 =	vmul.f32 v9, v4  }
0x5b4: {  	v10 =	vmul.f32 v10, v4;
	v11 =	vmul.f32 v11, v4;
	v6 =	vadd.f32 v6, v5  }
0x5b5: {  	v14 =	vld [tilespmem:s25+$0x0];
	v15 =	vmul.f32 v15, v4;
	v16 =	vmul.f32 v16, v4;
	v7 =	vadd.f32 v7, v5  }
0x5b6: {  	v63 =	vmul.f32 v22, v4;
	v8 =	vadd.f32 v8, v5;
	v6 =	vtrunc.f32 v6  }
0x5b7: {  	v9 =	vadd.f32 v9, v5;
	v18 =	vtrunc.f32 v7;
	v7 =	vmul.f32 v12, v4  }
0x5b8: {  	v21 =	vld [tilespmem:s25+$0x60];
	v19 =	vtrunc.f32 v8;
	v8 =	vadd.f32 v11, v5;
	v11 =	vmul.f32 v13, v4  }
0x5b9: {  	v12 =	vld [tilespmem:s25+$0x40];
	v20 =	vtrunc.f32 v9;
	v17 =	vcvt.f32.s32 v6;
	v6 =	vadd.f32 v10, v5  }
0x5ba: {  	s22 =	simm.s32 $0xE180;
	v13 =	vmul.f32 v14, v4;
	v14 =	vld [tilespmem:s25+$0x50];
	v18 =	vcvt.f32.s32 v18;
	v9 =	vadd.f32 v7, v5  }
0x5bb: {  	v10 =	vld [tilespmem:s25+$0x30];
	v11 =	vadd.f32 v11, v5;
	v7 =	vtrunc.f32 v8;
	v6 =	vtrunc.f32 v6;
	[tilespmem:s22+$0x70] =	vst v17  }
0x5bc: {  	v15 =	vadd.f32 v15, v5;
	v17 =	vcvt.f32.s32 v19;
	[tilespmem:s22+$0xFFFFFF90] =	vst v18;
	v18 =	vcvt.f32.s32 v20  }
0x5bd: {  	v8 =	vtrunc.f32 v9;
	v9 =	vtrunc.f32 v11  }
0x5be: {  	v16 =	vadd.f32 v16, v5;
	v11 =	vtrunc.f32 v15;
	v15 =	vmul.f32 v21, v4  }
0x5bf: {  	v13 =	vadd.f32 v13, v5;
	v12 =	vmul.f32 v12, v4;
	v62 =	vmul.f32 v14, v4  }
0x5c0: {  	v21 =	vadd.f32 v63, v5;
	v14 =	vtrunc.f32 v16;
	v23 =	vmul.f32 v10, v4  }
0x5c1: {  	v10 =	vtrunc.f32 v13;
	v15 =	vadd.f32 v15, v5;
	v12 =	vadd.f32 v12, v5  }
0x5c2: {  	v19 =	vtrunc.f32 v21;
	v16 =	vadd.f32 v62, v5;
	v13 =	vadd.f32 v23, v5  }
0x5c3: {  	v15 =	vtrunc.f32 v15;
	v12 =	vtrunc.f32 v12  }
0x5c4: {  	s23 =	simm.s32 $0xE180;
	s24 =	simm.s32 $0x0;
	s25 =	simm.s32 $0x6280;
	v16 =	vtrunc.f32 v16;
	v13 =	vtrunc.f32 v13  }
.LBB2_36:
0x5c5: {  	v20 =	vld [tilespmem:s25+$0x70];
	s24 =	sadd.s32 $0x100, s24;
	v19 =	vcvt.f32.s32 v19;
	[tilespmem:s22+$0xFFFFFFA0] =	vst v17;
	v6 =	vcvt.f32.s32 v6  }
0x5c6: {  	v7 =	vcvt.f32.s32 v7;
	v8 =	vcvt.f32.s32 v8;
	v17 =	vld [tilespmem:s25+$0xFFFFFF90];
	p0 =	slt.u32 s24, $0x3F00;
	[tilespmem:s22+$0xFFFFFFB0] =	vst v18  }
0x5c7: {  	v9 =	vcvt.f32.s32 v9;
	v10 =	vcvt.f32.s32 v10;
	v18 =	vld [tilespmem:s25+$0xFFFFFFA0];
	[tilespmem:s22+$0xFFFFFF80] =	vst v19  }
0x5c8: {  	v19 =	vld [tilespmem:s25+$0xFFFFFFB0];
	[tilespmem:s22+$0xFFFFFFC0] =	vst v6;
	v6 =	vcvt.f32.s32 v11;
	v11 =	vcvt.f32.s32 v14  }
0x5c9: {  	v12 =	vcvt.f32.s32 v12;
	v14 =	vld [tilespmem:s25+$0xFFFFFFC0];
	[tilespmem:s22+$0xFFFFFFD0] =	vst v7;
	v7 =	vcvt.f32.s32 v13  }
0x5ca: {  	v13 =	vld [tilespmem:s25+$0xFFFFFFD0];
	v20 =	vmul.f32 v20, v4;
	[tilespmem:s22+$0xFFFFFFE0] =	vst v8;
	v8 =	vcvt.f32.s32 v16  }
0x5cb: {  	v16 =	vmul.f32 v17, v4;
	v17 =	vld [tilespmem:s25+$0xFFFFFFE0];
	[tilespmem:s22+$0xFFFFFFF0] =	vst v9;
	v9 =	vcvt.f32.s32 v15  }
0x5cc: {  	v15 =	vmul.f32 v18, v4;
	v18 =	vld [tilespmem:s25+$0xFFFFFFF0];
	v20 =	vadd.f32 v20, v5;
	[tilespmem:s22+$0x0] =	vst v10  }
0x5cd: {  	v10 =	vadd.f32 v16, v5;
	v16 =	vmul.f32 v19, v4;
	v19 =	vld [tilespmem:s25+$0x0];
	[tilespmem:s22+$0x10] =	vst v6  }
0x5ce: {  	v6 =	vadd.f32 v15, v5;
	v14 =	vmul.f32 v14, v4;
	v15 =	vld [tilespmem:s25+$0x10];
	v20 =	vtrunc.f32 v20;
	[tilespmem:s22+$0x20] =	vst v11  }
0x5cf: {  	v11 =	vadd.f32 v16, v5;
	v13 =	vmul.f32 v13, v4;
	v16 =	vld [tilespmem:s25+$0x20];
	v20 =	vcvt.f32.s32 v20;
	[tilespmem:s22+$0x30] =	vst v7  }
0x5d0: {  	v21 =	vtrunc.f32 v10;
	s22 =	sadd.s32 $0x100, s22;
	v7 =	vadd.f32 v14, v5;
	v10 =	vmul.f32 v17, v4;
	v14 =	vld [tilespmem:s25+$0x30];
	[tilespmem:s23+$0x40] =	vst v12  }
0x5d1: {  	v17 =	vtrunc.f32 v6;
	v12 =	vadd.f32 v13, v5;
	v13 =	vmul.f32 v18, v4;
	v18 =	vld [tilespmem:s25+$0x40];
	[tilespmem:s22+$0x70] =	vst v20  }
0x5d2: {  	v20 =	vtrunc.f32 v11;
	v10 =	vadd.f32 v10, v5;
	v11 =	vmul.f32 v19, v4;
	v19 =	vld [tilespmem:s25+$0x50];
	[tilespmem:s23+$0x50] =	vst v8  }
0x5d3: {  	v6 =	vtrunc.f32 v7;
	v13 =	vadd.f32 v13, v5;
	v15 =	vmul.f32 v15, v4;
	v22 =	vld [tilespmem:s25+$0x60];
	[tilespmem:s23+$0x60] =	vst v9;
	s23 =	smov.u32 s22  }
0x5d4: {  	v7 =	vtrunc.f32 v12;
	v23 =	vld [tilespmem:s25+$0xFFFFFF80];
	v11 =	vadd.f32 v11, v5;
	v12 =	vmul.f32 v16, v4  }
0x5d5: {  	v8 =	vtrunc.f32 v10;
	v15 =	vadd.f32 v15, v5;
	v14 =	vmul.f32 v14, v4  }
0x5d6: {  	v9 =	vtrunc.f32 v13;
	v12 =	vadd.f32 v12, v5;
	v13 =	vmul.f32 v18, v4  }
0x5d7: {  	v10 =	vtrunc.f32 v11;
	v16 =	vadd.f32 v14, v5;
	v18 =	vmul.f32 v19, v4  }
0x5d8: {  	v11 =	vtrunc.f32 v15;
	v15 =	vadd.f32 v13, v5;
	v19 =	vmul.f32 v22, v4  }
.Ltmp17:
0x5d9: {  	v14 =	vtrunc.f32 v12;
	v22 =	vmul.f32 v23, v4;
	v18 =	vadd.f32 v18, v5;
	(pc) =	sbr.rel @p0 .LBB2_36-.Ltmp17, $4  }
0x5da: {  	v13 =	vtrunc.f32 v16;
	v12 =	vtrunc.f32 v15;
	v15 =	vadd.f32 v19, v5  }
0x5db: {  	v21 =	vcvt.f32.s32 v21;
	v19 =	vadd.f32 v22, v5;
	v16 =	vtrunc.f32 v18  }
0x5dc: {  	v17 =	vcvt.f32.s32 v17;
	v15 =	vtrunc.f32 v15  }
0x5dd: {  	s25 =	sadd.s32 $0x100, s25;
	v18 =	vcvt.f32.s32 v20;
	v19 =	vtrunc.f32 v19;
	[tilespmem:s22+$0xFFFFFF90] =	vst v21  }
0x5de: {  	v19 =	vcvt.f32.s32 v19;
	[tilespmem:s22+$0xFFFFFFA0] =	vst v17  }
0x5df: {  	v6 =	vcvt.f32.s32 v6;
	[tilespmem:s22+$0xFFFFFFB0] =	vst v18  }
0x5e0: {  	v7 =	vcvt.f32.s32 v7;
	[tilespmem:s22+$0xFFFFFF80] =	vst v19  }
0x5e1: {  	v8 =	vcvt.f32.s32 v8;
	[tilespmem:s22+$0xFFFFFFC0] =	vst v6  }
0x5e2: {  	v6 =	vcvt.f32.s32 v9;
	[tilespmem:s22+$0xFFFFFFD0] =	vst v7  }
0x5e3: {  	v7 =	vcvt.f32.s32 v10;
	[tilespmem:s22+$0xFFFFFFE0] =	vst v8  }
0x5e4: {  	v8 =	vcvt.f32.s32 v11;
	[tilespmem:s22+$0xFFFFFFF0] =	vst v6  }
0x5e5: {  	v6 =	vcvt.f32.s32 v14;
	[tilespmem:s22+$0x0] =	vst v7  }
0x5e6: {  	v7 =	vcvt.f32.s32 v13;
	[tilespmem:s22+$0x10] =	vst v8  }
0x5e7: {  	v8 =	vcvt.f32.s32 v12;
	[tilespmem:s22+$0x20] =	vst v6  }
0x5e8: {  	v6 =	vcvt.f32.s32 v16;
	[tilespmem:s22+$0x30] =	vst v7  }
0x5e9: {  	v7 =	vcvt.f32.s32 v15;
	[tilespmem:s23+$0x40] =	vst v8  }
0x5ea: {  	[tilespmem:s23+$0x50] =	vst v6  }
0x5eb: {  	[tilespmem:s23+$0x60] =	vst v7  }
0x5ec: {  	s22 =	sld [smem:$0x7E7];
	_ =	sdelay $0x2  }
0x5ed: {  	[hbm4b:s22+s1] =	stream.linear.scatter [tilespmem:s15], [sflag:$0x4], $0x4000, $0x38;
	[tilespmem:$0x16100] =	vst v63  }
0x5ee: {  	_ =	swait.ge [sflag:s18], $0x4000  }
0x5ef: {  	s24 =	sld [smem:$0x7EC]  }
0x5f0: {  	[sflag:s18] =	ssyncset.done $0x0  }
0x5f1: {  	[sflag:s18] =	ssyncadd.s32 $0xFFFFC000  }
0x5f2: {  	[tilespmem:s12], [sflag:$0x2] =	stream.linear.gather [hbm4b:s24+s1], $0x4000, $0x38;
	[tilespmem:$0x16100] =	vst v63  }
0x5f3: {  	_ =	swait.ge [sflag:s20], $0x4000  }
0x5f4: {  	[sflag:s20] =	ssyncset.done $0x0  }
0x5f5: {  	s25 =	simm.s32 $0xA180;
	[sflag:s20] =	ssyncadd.s32 $0xFFFFC000  }
0x5f6: {  	v6 =	vld [tilespmem:s25+$0x70]  }
0x5f7: {  	v7 =	vld [tilespmem:s25+$0xFFFFFF90]  }
0x5f8: {  	v8 =	vld [tilespmem:s25+$0xFFFFFFA0]  }
0x5f9: {  	v9 =	vld [tilespmem:s25+$0xFFFFFFB0]  }
0x5fa: {  	v10 =	vld [tilespmem:s25+$0xFFFFFFC0]  }
0x5fb: {  	v11 =	vld [tilespmem:s25+$0xFFFFFFD0]  }
0x5fc: {  	v15 =	vld [tilespmem:s25+$0x10]  }
0x5fd: {  	v16 =	vld [tilespmem:s25+$0x20]  }
0x5fe: {  	v22 =	vld [tilespmem:s25+$0xFFFFFF80]  }
0x5ff: {  	v12 =	vld [tilespmem:s25+$0xFFFFFFE0];
	v6 =	vmul.f32 v6, v4;
	v7 =	vmul.f32 v7, v4  }
0x600: {  	v13 =	vld [tilespmem:s25+$0xFFFFFFF0];
	v8 =	vmul.f32 v8, v4;
	v9 =	vmul.f32 v9, v4  }
0x601: {  	v10 =	vmul.f32 v10, v4;
	v11 =	vmul.f32 v11, v4;
	v6 =	vadd.f32 v6, v5  }
0x602: {  	v14 =	vld [tilespmem:s25+$0x0];
	v15 =	vmul.f32 v15, v4;
	v16 =	vmul.f32 v16, v4;
	v7 =	vadd.f32 v7, v5  }
0x603: {  	v63 =	vmul.f32 v22, v4;
	v8 =	vadd.f32 v8, v5;
	v6 =	vtrunc.f32 v6  }
0x604: {  	v9 =	vadd.f32 v9, v5;
	v18 =	vtrunc.f32 v7;
	v7 =	vmul.f32 v12, v4  }
0x605: {  	v21 =	vld [tilespmem:s25+$0x60];
	v19 =	vtrunc.f32 v8;
	v8 =	vadd.f32 v11, v5;
	v11 =	vmul.f32 v13, v4  }
0x606: {  	v12 =	vld [tilespmem:s25+$0x40];
	v20 =	vtrunc.f32 v9;
	v17 =	vcvt.f32.s32 v6;
	v6 =	vadd.f32 v10, v5  }
0x607: {  	s22 =	simm.s32 $0x12180;
	v13 =	vmul.f32 v14, v4;
	v14 =	vld [tilespmem:s25+$0x50];
	v18 =	vcvt.f32.s32 v18;
	v9 =	vadd.f32 v7, v5  }
0x608: {  	v10 =	vld [tilespmem:s25+$0x30];
	v11 =	vadd.f32 v11, v5;
	v7 =	vtrunc.f32 v8;
	v6 =	vtrunc.f32 v6;
	[tilespmem:s22+$0x70] =	vst v17  }
0x609: {  	v15 =	vadd.f32 v15, v5;
	v17 =	vcvt.f32.s32 v19;
	[tilespmem:s22+$0xFFFFFF90] =	vst v18;
	v18 =	vcvt.f32.s32 v20  }
0x60a: {  	v8 =	vtrunc.f32 v9;
	v9 =	vtrunc.f32 v11  }
0x60b: {  	v16 =	vadd.f32 v16, v5;
	v11 =	vtrunc.f32 v15;
	v15 =	vmul.f32 v21, v4  }
0x60c: {  	v13 =	vadd.f32 v13, v5;
	v12 =	vmul.f32 v12, v4;
	v62 =	vmul.f32 v14, v4  }
0x60d: {  	v21 =	vadd.f32 v63, v5;
	v14 =	vtrunc.f32 v16;
	v23 =	vmul.f32 v10, v4  }
0x60e: {  	v10 =	vtrunc.f32 v13;
	v15 =	vadd.f32 v15, v5;
	v12 =	vadd.f32 v12, v5  }
0x60f: {  	v19 =	vtrunc.f32 v21;
	v16 =	vadd.f32 v62, v5;
	v13 =	vadd.f32 v23, v5  }
0x610: {  	v15 =	vtrunc.f32 v15;
	v12 =	vtrunc.f32 v12  }
0x611: {  	s23 =	simm.s32 $0x12180;
	s24 =	simm.s32 $0x0;
	s25 =	simm.s32 $0xA280;
	v16 =	vtrunc.f32 v16;
	v13 =	vtrunc.f32 v13  }
.LBB2_38:
0x612: {  	v20 =	vld [tilespmem:s25+$0x70];
	s24 =	sadd.s32 $0x100, s24;
	v19 =	vcvt.f32.s32 v19;
	[tilespmem:s22+$0xFFFFFFA0] =	vst v17;
	v6 =	vcvt.f32.s32 v6  }
0x613: {  	v7 =	vcvt.f32.s32 v7;
	v8 =	vcvt.f32.s32 v8;
	v17 =	vld [tilespmem:s25+$0xFFFFFF90];
	p0 =	slt.u32 s24, $0x3F00;
	[tilespmem:s22+$0xFFFFFFB0] =	vst v18  }
0x614: {  	v9 =	vcvt.f32.s32 v9;
	v10 =	vcvt.f32.s32 v10;
	v18 =	vld [tilespmem:s25+$0xFFFFFFA0];
	[tilespmem:s22+$0xFFFFFF80] =	vst v19  }
0x615: {  	v19 =	vld [tilespmem:s25+$0xFFFFFFB0];
	[tilespmem:s22+$0xFFFFFFC0] =	vst v6;
	v6 =	vcvt.f32.s32 v11;
	v11 =	vcvt.f32.s32 v14  }
0x616: {  	v12 =	vcvt.f32.s32 v12;
	v14 =	vld [tilespmem:s25+$0xFFFFFFC0];
	[tilespmem:s22+$0xFFFFFFD0] =	vst v7;
	v7 =	vcvt.f32.s32 v13  }
0x617: {  	v13 =	vld [tilespmem:s25+$0xFFFFFFD0];
	v20 =	vmul.f32 v20, v4;
	[tilespmem:s22+$0xFFFFFFE0] =	vst v8;
	v8 =	vcvt.f32.s32 v16  }
0x618: {  	v16 =	vmul.f32 v17, v4;
	v17 =	vld [tilespmem:s25+$0xFFFFFFE0];
	[tilespmem:s22+$0xFFFFFFF0] =	vst v9;
	v9 =	vcvt.f32.s32 v15  }
0x619: {  	v15 =	vmul.f32 v18, v4;
	v18 =	vld [tilespmem:s25+$0xFFFFFFF0];
	v20 =	vadd.f32 v20, v5;
	[tilespmem:s22+$0x0] =	vst v10  }
0x61a: {  	v10 =	vadd.f32 v16, v5;
	v16 =	vmul.f32 v19, v4;
	v19 =	vld [tilespmem:s25+$0x0];
	[tilespmem:s22+$0x10] =	vst v6  }
0x61b: {  	v6 =	vadd.f32 v15, v5;
	v14 =	vmul.f32 v14, v4;
	v15 =	vld [tilespmem:s25+$0x10];
	v20 =	vtrunc.f32 v20;
	[tilespmem:s22+$0x20] =	vst v11  }
0x61c: {  	v11 =	vadd.f32 v16, v5;
	v13 =	vmul.f32 v13, v4;
	v16 =	vld [tilespmem:s25+$0x20];
	v20 =	vcvt.f32.s32 v20;
	[tilespmem:s22+$0x30] =	vst v7  }
0x61d: {  	v21 =	vtrunc.f32 v10;
	s22 =	sadd.s32 $0x100, s22;
	v7 =	vadd.f32 v14, v5;
	v10 =	vmul.f32 v17, v4;
	v14 =	vld [tilespmem:s25+$0x30];
	[tilespmem:s23+$0x40] =	vst v12  }
0x61e: {  	v17 =	vtrunc.f32 v6;
	v12 =	vadd.f32 v13, v5;
	v13 =	vmul.f32 v18, v4;
	v18 =	vld [tilespmem:s25+$0x40];
	[tilespmem:s22+$0x70] =	vst v20  }
0x61f: {  	v20 =	vtrunc.f32 v11;
	v10 =	vadd.f32 v10, v5;
	v11 =	vmul.f32 v19, v4;
	v19 =	vld [tilespmem:s25+$0x50];
	[tilespmem:s23+$0x50] =	vst v8  }
0x620: {  	v6 =	vtrunc.f32 v7;
	v13 =	vadd.f32 v13, v5;
	v15 =	vmul.f32 v15, v4;
	v22 =	vld [tilespmem:s25+$0x60];
	[tilespmem:s23+$0x60] =	vst v9;
	s23 =	smov.u32 s22  }
0x621: {  	v7 =	vtrunc.f32 v12;
	v23 =	vld [tilespmem:s25+$0xFFFFFF80];
	v11 =	vadd.f32 v11, v5;
	v12 =	vmul.f32 v16, v4  }
0x622: {  	v8 =	vtrunc.f32 v10;
	v15 =	vadd.f32 v15, v5;
	v14 =	vmul.f32 v14, v4  }
0x623: {  	v9 =	vtrunc.f32 v13;
	v12 =	vadd.f32 v12, v5;
	v13 =	vmul.f32 v18, v4  }
0x624: {  	v10 =	vtrunc.f32 v11;
	v16 =	vadd.f32 v14, v5;
	v18 =	vmul.f32 v19, v4  }
0x625: {  	v11 =	vtrunc.f32 v15;
	v15 =	vadd.f32 v13, v5;
	v19 =	vmul.f32 v22, v4  }
.Ltmp18:
0x626: {  	v14 =	vtrunc.f32 v12;
	v22 =	vmul.f32 v23, v4;
	v18 =	vadd.f32 v18, v5;
	(pc) =	sbr.rel @p0 .LBB2_38-.Ltmp18, $4  }
0x627: {  	v13 =	vtrunc.f32 v16;
	v12 =	vtrunc.f32 v15;
	v15 =	vadd.f32 v19, v5  }
0x628: {  	v21 =	vcvt.f32.s32 v21;
	v19 =	vadd.f32 v22, v5;
	v16 =	vtrunc.f32 v18  }
0x629: {  	v17 =	vcvt.f32.s32 v17;
	v15 =	vtrunc.f32 v15  }
0x62a: {  	s25 =	sadd.s32 $0x100, s25;
	v18 =	vcvt.f32.s32 v20;
	v19 =	vtrunc.f32 v19;
	[tilespmem:s22+$0xFFFFFF90] =	vst v21  }
0x62b: {  	v19 =	vcvt.f32.s32 v19;
	[tilespmem:s22+$0xFFFFFFA0] =	vst v17  }
0x62c: {  	v6 =	vcvt.f32.s32 v6;
	[tilespmem:s22+$0xFFFFFFB0] =	vst v18  }
0x62d: {  	v7 =	vcvt.f32.s32 v7;
	[tilespmem:s22+$0xFFFFFF80] =	vst v19  }
0x62e: {  	v8 =	vcvt.f32.s32 v8;
	[tilespmem:s22+$0xFFFFFFC0] =	vst v6  }
0x62f: {  	v6 =	vcvt.f32.s32 v9;
	[tilespmem:s22+$0xFFFFFFD0] =	vst v7  }
0x630: {  	v7 =	vcvt.f32.s32 v10;
	[tilespmem:s22+$0xFFFFFFE0] =	vst v8  }
0x631: {  	v8 =	vcvt.f32.s32 v11;
	[tilespmem:s22+$0xFFFFFFF0] =	vst v6  }
0x632: {  	v6 =	vcvt.f32.s32 v14;
	[tilespmem:s22+$0x0] =	vst v7  }
0x633: {  	v7 =	vcvt.f32.s32 v13;
	[tilespmem:s22+$0x10] =	vst v8  }
0x634: {  	v8 =	vcvt.f32.s32 v12;
	[tilespmem:s22+$0x20] =	vst v6  }
0x635: {  	v6 =	vcvt.f32.s32 v16;
	[tilespmem:s22+$0x30] =	vst v7  }
0x636: {  	v7 =	vcvt.f32.s32 v15;
	[tilespmem:s23+$0x40] =	vst v8  }
0x637: {  	[tilespmem:s23+$0x50] =	vst v6  }
0x638: {  	[tilespmem:s23+$0x60] =	vst v7  }
0x639: {  	s22 =	sld [smem:$0x7E9];
	_ =	sdelay $0x2  }
0x63a: {  	[hbm4b:s22+s1] =	stream.linear.scatter [tilespmem:s17], [sflag:$0x5], $0x4000, $0x38;
	[tilespmem:$0x16100] =	vst v63  }
0x63b: {  	_ =	swait.ge [sflag:s13], $0x4000  }
0x63c: {  	s24 =	sld [smem:$0x7EE]  }
0x63d: {  	[sflag:s13] =	ssyncset.done $0x0  }
0x63e: {  	[sflag:s13] =	ssyncadd.s32 $0xFFFFC000  }
0x63f: {  	[tilespmem:s14], [sflag:$0x3] =	stream.linear.gather [hbm4b:s24+s1], $0x4000, $0x38;
	[tilespmem:$0x16100] =	vst v63  }
0x640: {  	_ =	swait.ge [sflag:s19], $0x4000  }
0x641: {  	[sflag:s19] =	ssyncset.done $0x0  }
0x642: {  	s25 =	simm.s32 $0x2180;
	[sflag:s19] =	ssyncadd.s32 $0xFFFFC000  }
0x643: {  	v6 =	vld [tilespmem:s25+$0x70]  }
0x644: {  	v7 =	vld [tilespmem:s25+$0xFFFFFF90]  }
0x645: {  	v8 =	vld [tilespmem:s25+$0xFFFFFFA0]  }
0x646: {  	v9 =	vld [tilespmem:s25+$0xFFFFFFB0]  }
0x647: {  	v10 =	vld [tilespmem:s25+$0xFFFFFFC0]  }
0x648: {  	v11 =	vld [tilespmem:s25+$0xFFFFFFD0]  }
0x649: {  	v15 =	vld [tilespmem:s25+$0x10]  }
0x64a: {  	v16 =	vld [tilespmem:s25+$0x20]  }
0x64b: {  	v22 =	vld [tilespmem:s25+$0xFFFFFF80]  }
0x64c: {  	v12 =	vld [tilespmem:s25+$0xFFFFFFE0];
	v6 =	vmul.f32 v6, v4;
	v7 =	vmul.f32 v7, v4  }
0x64d: {  	v13 =	vld [tilespmem:s25+$0xFFFFFFF0];
	v8 =	vmul.f32 v8, v4;
	v9 =	vmul.f32 v9, v4  }
0x64e: {  	v10 =	vmul.f32 v10, v4;
	v11 =	vmul.f32 v11, v4;
	v6 =	vadd.f32 v6, v5  }
0x64f: {  	v14 =	vld [tilespmem:s25+$0x0];
	v15 =	vmul.f32 v15, v4;
	v16 =	vmul.f32 v16, v4;
	v7 =	vadd.f32 v7, v5  }
0x650: {  	v63 =	vmul.f32 v22, v4;
	v8 =	vadd.f32 v8, v5;
	v6 =	vtrunc.f32 v6  }
0x651: {  	v9 =	vadd.f32 v9, v5;
	v18 =	vtrunc.f32 v7;
	v7 =	vmul.f32 v12, v4  }
0x652: {  	v21 =	vld [tilespmem:s25+$0x60];
	v19 =	vtrunc.f32 v8;
	v8 =	vadd.f32 v11, v5;
	v11 =	vmul.f32 v13, v4  }
0x653: {  	v12 =	vld [tilespmem:s25+$0x40];
	v20 =	vtrunc.f32 v9;
	v17 =	vcvt.f32.s32 v6;
	v6 =	vadd.f32 v10, v5  }
0x654: {  	s22 =	simm.s32 $0xE180;
	v13 =	vmul.f32 v14, v4;
	v14 =	vld [tilespmem:s25+$0x50];
	v18 =	vcvt.f32.s32 v18;
	v9 =	vadd.f32 v7, v5  }
0x655: {  	v10 =	vld [tilespmem:s25+$0x30];
	v11 =	vadd.f32 v11, v5;
	v7 =	vtrunc.f32 v8;
	v6 =	vtrunc.f32 v6;
	[tilespmem:s22+$0x70] =	vst v17  }
0x656: {  	v15 =	vadd.f32 v15, v5;
	v17 =	vcvt.f32.s32 v19;
	[tilespmem:s22+$0xFFFFFF90] =	vst v18;
	v18 =	vcvt.f32.s32 v20  }
0x657: {  	v8 =	vtrunc.f32 v9;
	v9 =	vtrunc.f32 v11  }
0x658: {  	v16 =	vadd.f32 v16, v5;
	v11 =	vtrunc.f32 v15;
	v15 =	vmul.f32 v21, v4  }
0x659: {  	v13 =	vadd.f32 v13, v5;
	v12 =	vmul.f32 v12, v4;
	v62 =	vmul.f32 v14, v4  }
0x65a: {  	v21 =	vadd.f32 v63, v5;
	v14 =	vtrunc.f32 v16;
	v23 =	vmul.f32 v10, v4  }
0x65b: {  	v10 =	vtrunc.f32 v13;
	v15 =	vadd.f32 v15, v5;
	v12 =	vadd.f32 v12, v5  }
0x65c: {  	v19 =	vtrunc.f32 v21;
	v16 =	vadd.f32 v62, v5;
	v13 =	vadd.f32 v23, v5  }
0x65d: {  	v15 =	vtrunc.f32 v15;
	v12 =	vtrunc.f32 v12  }
0x65e: {  	s23 =	simm.s32 $0xE180;
	s24 =	simm.s32 $0x0;
	s25 =	simm.s32 $0x2280;
	v16 =	vtrunc.f32 v16;
	v13 =	vtrunc.f32 v13  }
.LBB2_40:
0x65f: {  	v20 =	vld [tilespmem:s25+$0x70];
	s24 =	sadd.s32 $0x100, s24;
	v19 =	vcvt.f32.s32 v19;
	[tilespmem:s22+$0xFFFFFFA0] =	vst v17;
	v6 =	vcvt.f32.s32 v6  }
0x660: {  	v7 =	vcvt.f32.s32 v7;
	v8 =	vcvt.f32.s32 v8;
	v17 =	vld [tilespmem:s25+$0xFFFFFF90];
	p0 =	slt.u32 s24, $0x3F00;
	[tilespmem:s22+$0xFFFFFFB0] =	vst v18  }
0x661: {  	v9 =	vcvt.f32.s32 v9;
	v10 =	vcvt.f32.s32 v10;
	v18 =	vld [tilespmem:s25+$0xFFFFFFA0];
	[tilespmem:s22+$0xFFFFFF80] =	vst v19  }
0x662: {  	v19 =	vld [tilespmem:s25+$0xFFFFFFB0];
	[tilespmem:s22+$0xFFFFFFC0] =	vst v6;
	v6 =	vcvt.f32.s32 v11;
	v11 =	vcvt.f32.s32 v14  }
0x663: {  	v12 =	vcvt.f32.s32 v12;
	v14 =	vld [tilespmem:s25+$0xFFFFFFC0];
	[tilespmem:s22+$0xFFFFFFD0] =	vst v7;
	v7 =	vcvt.f32.s32 v13  }
0x664: {  	v13 =	vld [tilespmem:s25+$0xFFFFFFD0];
	v20 =	vmul.f32 v20, v4;
	[tilespmem:s22+$0xFFFFFFE0] =	vst v8;
	v8 =	vcvt.f32.s32 v16  }
0x665: {  	v16 =	vmul.f32 v17, v4;
	v17 =	vld [tilespmem:s25+$0xFFFFFFE0];
	[tilespmem:s22+$0xFFFFFFF0] =	vst v9;
	v9 =	vcvt.f32.s32 v15  }
0x666: {  	v15 =	vmul.f32 v18, v4;
	v18 =	vld [tilespmem:s25+$0xFFFFFFF0];
	v20 =	vadd.f32 v20, v5;
	[tilespmem:s22+$0x0] =	vst v10  }
0x667: {  	v10 =	vadd.f32 v16, v5;
	v16 =	vmul.f32 v19, v4;
	v19 =	vld [tilespmem:s25+$0x0];
	[tilespmem:s22+$0x10] =	vst v6  }
0x668: {  	v6 =	vadd.f32 v15, v5;
	v14 =	vmul.f32 v14, v4;
	v15 =	vld [tilespmem:s25+$0x10];
	v20 =	vtrunc.f32 v20;
	[tilespmem:s22+$0x20] =	vst v11  }
0x669: {  	v11 =	vadd.f32 v16, v5;
	v13 =	vmul.f32 v13, v4;
	v16 =	vld [tilespmem:s25+$0x20];
	v20 =	vcvt.f32.s32 v20;
	[tilespmem:s22+$0x30] =	vst v7  }
0x66a: {  	v21 =	vtrunc.f32 v10;
	s22 =	sadd.s32 $0x100, s22;
	v7 =	vadd.f32 v14, v5;
	v10 =	vmul.f32 v17, v4;
	v14 =	vld [tilespmem:s25+$0x30];
	[tilespmem:s23+$0x40] =	vst v12  }
0x66b: {  	v17 =	vtrunc.f32 v6;
	v12 =	vadd.f32 v13, v5;
	v13 =	vmul.f32 v18, v4;
	v18 =	vld [tilespmem:s25+$0x40];
	[tilespmem:s22+$0x70] =	vst v20  }
0x66c: {  	v20 =	vtrunc.f32 v11;
	v10 =	vadd.f32 v10, v5;
	v11 =	vmul.f32 v19, v4;
	v19 =	vld [tilespmem:s25+$0x50];
	[tilespmem:s23+$0x50] =	vst v8  }
0x66d: {  	v6 =	vtrunc.f32 v7;
	v13 =	vadd.f32 v13, v5;
	v15 =	vmul.f32 v15, v4;
	v22 =	vld [tilespmem:s25+$0x60];
	[tilespmem:s23+$0x60] =	vst v9;
	s23 =	smov.u32 s22  }
0x66e: {  	v7 =	vtrunc.f32 v12;
	v23 =	vld [tilespmem:s25+$0xFFFFFF80];
	v11 =	vadd.f32 v11, v5;
	v12 =	vmul.f32 v16, v4  }
0x66f: {  	v8 =	vtrunc.f32 v10;
	v15 =	vadd.f32 v15, v5;
	v14 =	vmul.f32 v14, v4  }
0x670: {  	v9 =	vtrunc.f32 v13;
	v12 =	vadd.f32 v12, v5;
	v13 =	vmul.f32 v18, v4  }
0x671: {  	v10 =	vtrunc.f32 v11;
	v16 =	vadd.f32 v14, v5;
	v18 =	vmul.f32 v19, v4  }
0x672: {  	v11 =	vtrunc.f32 v15;
	v15 =	vadd.f32 v13, v5;
	v19 =	vmul.f32 v22, v4  }
.Ltmp19:
0x673: {  	v14 =	vtrunc.f32 v12;
	v22 =	vmul.f32 v23, v4;
	v18 =	vadd.f32 v18, v5;
	(pc) =	sbr.rel @p0 .LBB2_40-.Ltmp19, $4  }
0x674: {  	v13 =	vtrunc.f32 v16;
	v12 =	vtrunc.f32 v15;
	v15 =	vadd.f32 v19, v5  }
0x675: {  	v21 =	vcvt.f32.s32 v21;
	v19 =	vadd.f32 v22, v5;
	v16 =	vtrunc.f32 v18  }
0x676: {  	v17 =	vcvt.f32.s32 v17;
	v15 =	vtrunc.f32 v15  }
0x677: {  	s25 =	sadd.s32 $0x100, s25;
	v18 =	vcvt.f32.s32 v20;
	v19 =	vtrunc.f32 v19;
	[tilespmem:s22+$0xFFFFFF90] =	vst v21  }
0x678: {  	v19 =	vcvt.f32.s32 v19;
	[tilespmem:s22+$0xFFFFFFA0] =	vst v17  }
0x679: {  	v6 =	vcvt.f32.s32 v6;
	[tilespmem:s22+$0xFFFFFFB0] =	vst v18  }
0x67a: {  	v7 =	vcvt.f32.s32 v7;
	[tilespmem:s22+$0xFFFFFF80] =	vst v19  }
0x67b: {  	v8 =	vcvt.f32.s32 v8;
	[tilespmem:s22+$0xFFFFFFC0] =	vst v6  }
0x67c: {  	v6 =	vcvt.f32.s32 v9;
	[tilespmem:s22+$0xFFFFFFD0] =	vst v7  }
0x67d: {  	v7 =	vcvt.f32.s32 v10;
	[tilespmem:s22+$0xFFFFFFE0] =	vst v8  }
0x67e: {  	v8 =	vcvt.f32.s32 v11;
	[tilespmem:s22+$0xFFFFFFF0] =	vst v6  }
0x67f: {  	v6 =	vcvt.f32.s32 v14;
	[tilespmem:s22+$0x0] =	vst v7  }
0x680: {  	v7 =	vcvt.f32.s32 v13;
	[tilespmem:s22+$0x10] =	vst v8  }
0x681: {  	v8 =	vcvt.f32.s32 v12;
	[tilespmem:s22+$0x20] =	vst v6  }
0x682: {  	v6 =	vcvt.f32.s32 v16;
	[tilespmem:s22+$0x30] =	vst v7  }
0x683: {  	v7 =	vcvt.f32.s32 v15;
	[tilespmem:s23+$0x40] =	vst v8  }
0x684: {  	[tilespmem:s23+$0x50] =	vst v6  }
0x685: {  	[tilespmem:s23+$0x60] =	vst v7  }
0x686: {  	s22 =	sld [smem:$0x7EB];
	_ =	sdelay $0x2  }
0x687: {  	[hbm4b:s22+s1] =	stream.linear.scatter [tilespmem:s15], [sflag:$0x4], $0x4000, $0x38;
	[tilespmem:$0x16100] =	vst v63  }
0x688: {  	_ =	swait.ge [sflag:s16], $0x4000  }
0x689: {  	s24 =	sld [smem:$0x7F0]  }
0x68a: {  	[sflag:s16] =	ssyncset.done $0x0  }
0x68b: {  	[sflag:s16] =	ssyncadd.s32 $0xFFFFC000  }
0x68c: {  	[tilespmem:s11], [sflag:$0x1] =	stream.linear.gather [hbm4b:s24+s1], $0x4000, $0x38;
	[tilespmem:$0x16100] =	vst v63  }
0x68d: {  	_ =	swait.ge [sflag:s20], $0x4000  }
0x68e: {  	[sflag:s20] =	ssyncset.done $0x0  }
0x68f: {  	s25 =	simm.s32 $0x6180;
	[sflag:s20] =	ssyncadd.s32 $0xFFFFC000  }
0x690: {  	v6 =	vld [tilespmem:s25+$0x70]  }
0x691: {  	v7 =	vld [tilespmem:s25+$0xFFFFFF90]  }
0x692: {  	v8 =	vld [tilespmem:s25+$0xFFFFFFA0]  }
0x693: {  	v9 =	vld [tilespmem:s25+$0xFFFFFFB0]  }
0x694: {  	v10 =	vld [tilespmem:s25+$0xFFFFFFC0]  }
0x695: {  	v11 =	vld [tilespmem:s25+$0xFFFFFFD0]  }
0x696: {  	v15 =	vld [tilespmem:s25+$0x10]  }
0x697: {  	v16 =	vld [tilespmem:s25+$0x20]  }
0x698: {  	v22 =	vld [tilespmem:s25+$0xFFFFFF80]  }
0x699: {  	v12 =	vld [tilespmem:s25+$0xFFFFFFE0];
	v6 =	vmul.f32 v6, v4;
	v7 =	vmul.f32 v7, v4  }
0x69a: {  	v13 =	vld [tilespmem:s25+$0xFFFFFFF0];
	v8 =	vmul.f32 v8, v4;
	v9 =	vmul.f32 v9, v4  }
0x69b: {  	v10 =	vmul.f32 v10, v4;
	v11 =	vmul.f32 v11, v4;
	v6 =	vadd.f32 v6, v5  }
0x69c: {  	v14 =	vld [tilespmem:s25+$0x0];
	v15 =	vmul.f32 v15, v4;
	v16 =	vmul.f32 v16, v4;
	v7 =	vadd.f32 v7, v5  }
0x69d: {  	v63 =	vmul.f32 v22, v4;
	v8 =	vadd.f32 v8, v5;
	v6 =	vtrunc.f32 v6  }
0x69e: {  	v9 =	vadd.f32 v9, v5;
	v18 =	vtrunc.f32 v7;
	v7 =	vmul.f32 v12, v4  }
0x69f: {  	v21 =	vld [tilespmem:s25+$0x60];
	v19 =	vtrunc.f32 v8;
	v8 =	vadd.f32 v11, v5;
	v11 =	vmul.f32 v13, v4  }
0x6a0: {  	v12 =	vld [tilespmem:s25+$0x40];
	v20 =	vtrunc.f32 v9;
	v17 =	vcvt.f32.s32 v6;
	v6 =	vadd.f32 v10, v5  }
0x6a1: {  	s22 =	simm.s32 $0x12180;
	v13 =	vmul.f32 v14, v4;
	v14 =	vld [tilespmem:s25+$0x50];
	v18 =	vcvt.f32.s32 v18;
	v9 =	vadd.f32 v7, v5  }
0x6a2: {  	v10 =	vld [tilespmem:s25+$0x30];
	v11 =	vadd.f32 v11, v5;
	v7 =	vtrunc.f32 v8;
	v6 =	vtrunc.f32 v6;
	[tilespmem:s22+$0x70] =	vst v17  }
0x6a3: {  	v15 =	vadd.f32 v15, v5;
	v17 =	vcvt.f32.s32 v19;
	[tilespmem:s22+$0xFFFFFF90] =	vst v18;
	v18 =	vcvt.f32.s32 v20  }
0x6a4: {  	v8 =	vtrunc.f32 v9;
	v9 =	vtrunc.f32 v11  }
0x6a5: {  	v16 =	vadd.f32 v16, v5;
	v11 =	vtrunc.f32 v15;
	v15 =	vmul.f32 v21, v4  }
0x6a6: {  	v13 =	vadd.f32 v13, v5;
	v12 =	vmul.f32 v12, v4;
	v62 =	vmul.f32 v14, v4  }
0x6a7: {  	v21 =	vadd.f32 v63, v5;
	v14 =	vtrunc.f32 v16;
	v23 =	vmul.f32 v10, v4  }
0x6a8: {  	v10 =	vtrunc.f32 v13;
	v15 =	vadd.f32 v15, v5;
	v12 =	vadd.f32 v12, v5  }
0x6a9: {  	v19 =	vtrunc.f32 v21;
	v16 =	vadd.f32 v62, v5;
	v13 =	vadd.f32 v23, v5  }
0x6aa: {  	v15 =	vtrunc.f32 v15;
	v12 =	vtrunc.f32 v12  }
0x6ab: {  	s23 =	simm.s32 $0x12180;
	s24 =	simm.s32 $0x0;
	s25 =	simm.s32 $0x6280;
	v16 =	vtrunc.f32 v16;
	v13 =	vtrunc.f32 v13  }
.LBB2_42:
0x6ac: {  	v20 =	vld [tilespmem:s25+$0x70];
	s24 =	sadd.s32 $0x100, s24;
	v19 =	vcvt.f32.s32 v19;
	[tilespmem:s22+$0xFFFFFFA0] =	vst v17;
	v6 =	vcvt.f32.s32 v6  }
0x6ad: {  	v7 =	vcvt.f32.s32 v7;
	v8 =	vcvt.f32.s32 v8;
	v17 =	vld [tilespmem:s25+$0xFFFFFF90];
	p0 =	slt.u32 s24, $0x3F00;
	[tilespmem:s22+$0xFFFFFFB0] =	vst v18  }
0x6ae: {  	v9 =	vcvt.f32.s32 v9;
	v10 =	vcvt.f32.s32 v10;
	v18 =	vld [tilespmem:s25+$0xFFFFFFA0];
	[tilespmem:s22+$0xFFFFFF80] =	vst v19  }
0x6af: {  	v19 =	vld [tilespmem:s25+$0xFFFFFFB0];
	[tilespmem:s22+$0xFFFFFFC0] =	vst v6;
	v6 =	vcvt.f32.s32 v11;
	v11 =	vcvt.f32.s32 v14  }
0x6b0: {  	v12 =	vcvt.f32.s32 v12;
	v14 =	vld [tilespmem:s25+$0xFFFFFFC0];
	[tilespmem:s22+$0xFFFFFFD0] =	vst v7;
	v7 =	vcvt.f32.s32 v13  }
0x6b1: {  	v13 =	vld [tilespmem:s25+$0xFFFFFFD0];
	v20 =	vmul.f32 v20, v4;
	[tilespmem:s22+$0xFFFFFFE0] =	vst v8;
	v8 =	vcvt.f32.s32 v16  }
0x6b2: {  	v16 =	vmul.f32 v17, v4;
	v17 =	vld [tilespmem:s25+$0xFFFFFFE0];
	[tilespmem:s22+$0xFFFFFFF0] =	vst v9;
	v9 =	vcvt.f32.s32 v15  }
0x6b3: {  	v15 =	vmul.f32 v18, v4;
	v18 =	vld [tilespmem:s25+$0xFFFFFFF0];
	v20 =	vadd.f32 v20, v5;
	[tilespmem:s22+$0x0] =	vst v10  }
0x6b4: {  	v10 =	vadd.f32 v16, v5;
	v16 =	vmul.f32 v19, v4;
	v19 =	vld [tilespmem:s25+$0x0];
	[tilespmem:s22+$0x10] =	vst v6  }
0x6b5: {  	v6 =	vadd.f32 v15, v5;
	v14 =	vmul.f32 v14, v4;
	v15 =	vld [tilespmem:s25+$0x10];
	v20 =	vtrunc.f32 v20;
	[tilespmem:s22+$0x20] =	vst v11  }
0x6b6: {  	v11 =	vadd.f32 v16, v5;
	v13 =	vmul.f32 v13, v4;
	v16 =	vld [tilespmem:s25+$0x20];
	v20 =	vcvt.f32.s32 v20;
	[tilespmem:s22+$0x30] =	vst v7  }
0x6b7: {  	v21 =	vtrunc.f32 v10;
	s22 =	sadd.s32 $0x100, s22;
	v7 =	vadd.f32 v14, v5;
	v10 =	vmul.f32 v17, v4;
	v14 =	vld [tilespmem:s25+$0x30];
	[tilespmem:s23+$0x40] =	vst v12  }
0x6b8: {  	v17 =	vtrunc.f32 v6;
	v12 =	vadd.f32 v13, v5;
	v13 =	vmul.f32 v18, v4;
	v18 =	vld [tilespmem:s25+$0x40];
	[tilespmem:s22+$0x70] =	vst v20  }
0x6b9: {  	v20 =	vtrunc.f32 v11;
	v10 =	vadd.f32 v10, v5;
	v11 =	vmul.f32 v19, v4;
	v19 =	vld [tilespmem:s25+$0x50];
	[tilespmem:s23+$0x50] =	vst v8  }
0x6ba: {  	v6 =	vtrunc.f32 v7;
	v13 =	vadd.f32 v13, v5;
	v15 =	vmul.f32 v15, v4;
	v22 =	vld [tilespmem:s25+$0x60];
	[tilespmem:s23+$0x60] =	vst v9;
	s23 =	smov.u32 s22  }
0x6bb: {  	v7 =	vtrunc.f32 v12;
	v23 =	vld [tilespmem:s25+$0xFFFFFF80];
	v11 =	vadd.f32 v11, v5;
	v12 =	vmul.f32 v16, v4  }
0x6bc: {  	v8 =	vtrunc.f32 v10;
	v15 =	vadd.f32 v15, v5;
	v14 =	vmul.f32 v14, v4  }
0x6bd: {  	v9 =	vtrunc.f32 v13;
	v12 =	vadd.f32 v12, v5;
	v13 =	vmul.f32 v18, v4  }
0x6be: {  	v10 =	vtrunc.f32 v11;
	v16 =	vadd.f32 v14, v5;
	v18 =	vmul.f32 v19, v4  }
0x6bf: {  	v11 =	vtrunc.f32 v15;
	v15 =	vadd.f32 v13, v5;
	v19 =	vmul.f32 v22, v4  }
.Ltmp20:
0x6c0: {  	v14 =	vtrunc.f32 v12;
	v22 =	vmul.f32 v23, v4;
	v18 =	vadd.f32 v18, v5;
	(pc) =	sbr.rel @p0 .LBB2_42-.Ltmp20, $4  }
0x6c1: {  	v13 =	vtrunc.f32 v16;
	v12 =	vtrunc.f32 v15;
	v15 =	vadd.f32 v19, v5  }
0x6c2: {  	v21 =	vcvt.f32.s32 v21;
	v19 =	vadd.f32 v22, v5;
	v16 =	vtrunc.f32 v18  }
0x6c3: {  	v17 =	vcvt.f32.s32 v17;
	v15 =	vtrunc.f32 v15  }
0x6c4: {  	s25 =	sadd.s32 $0x100, s25;
	v18 =	vcvt.f32.s32 v20;
	v19 =	vtrunc.f32 v19;
	[tilespmem:s22+$0xFFFFFF90] =	vst v21  }
0x6c5: {  	v19 =	vcvt.f32.s32 v19;
	[tilespmem:s22+$0xFFFFFFA0] =	vst v17  }
0x6c6: {  	v6 =	vcvt.f32.s32 v6;
	[tilespmem:s22+$0xFFFFFFB0] =	vst v18  }
0x6c7: {  	v7 =	vcvt.f32.s32 v7;
	[tilespmem:s22+$0xFFFFFF80] =	vst v19  }
0x6c8: {  	v8 =	vcvt.f32.s32 v8;
	[tilespmem:s22+$0xFFFFFFC0] =	vst v6  }
0x6c9: {  	v6 =	vcvt.f32.s32 v9;
	[tilespmem:s22+$0xFFFFFFD0] =	vst v7  }
0x6ca: {  	v7 =	vcvt.f32.s32 v10;
	[tilespmem:s22+$0xFFFFFFE0] =	vst v8  }
0x6cb: {  	v8 =	vcvt.f32.s32 v11;
	[tilespmem:s22+$0xFFFFFFF0] =	vst v6  }
0x6cc: {  	v6 =	vcvt.f32.s32 v14;
	[tilespmem:s22+$0x0] =	vst v7  }
0x6cd: {  	v7 =	vcvt.f32.s32 v13;
	[tilespmem:s22+$0x10] =	vst v8  }
0x6ce: {  	v8 =	vcvt.f32.s32 v12;
	[tilespmem:s22+$0x20] =	vst v6  }
0x6cf: {  	v6 =	vcvt.f32.s32 v16;
	[tilespmem:s22+$0x30] =	vst v7  }
0x6d0: {  	v7 =	vcvt.f32.s32 v15;
	[tilespmem:s23+$0x40] =	vst v8  }
0x6d1: {  	[tilespmem:s23+$0x50] =	vst v6  }
0x6d2: {  	[tilespmem:s23+$0x60] =	vst v7  }
0x6d3: {  	s22 =	sld [smem:$0x7ED];
	_ =	sdelay $0x2  }
0x6d4: {  	[hbm4b:s22+s1] =	stream.linear.scatter [tilespmem:s17], [sflag:$0x5], $0x4000, $0x38;
	[tilespmem:$0x16100] =	vst v63  }
0x6d5: {  	_ =	swait.ge [sflag:s18], $0x4000  }
0x6d6: {  	s24 =	sld [smem:$0x7F2]  }
0x6d7: {  	[sflag:s18] =	ssyncset.done $0x0  }
0x6d8: {  	[sflag:s18] =	ssyncadd.s32 $0xFFFFC000  }
0x6d9: {  	[tilespmem:s12], [sflag:$0x2] =	stream.linear.gather [hbm4b:s24+s1], $0x4000, $0x38;
	[tilespmem:$0x16100] =	vst v63  }
0x6da: {  	_ =	swait.ge [sflag:s19], $0x4000  }
0x6db: {  	[sflag:s19] =	ssyncset.done $0x0  }
0x6dc: {  	s25 =	simm.s32 $0xA180;
	[sflag:s19] =	ssyncadd.s32 $0xFFFFC000  }
0x6dd: {  	v6 =	vld [tilespmem:s25+$0x70]  }
0x6de: {  	v7 =	vld [tilespmem:s25+$0xFFFFFF90]  }
0x6df: {  	v8 =	vld [tilespmem:s25+$0xFFFFFFA0]  }
0x6e0: {  	v9 =	vld [tilespmem:s25+$0xFFFFFFB0]  }
0x6e1: {  	v10 =	vld [tilespmem:s25+$0xFFFFFFC0]  }
0x6e2: {  	v11 =	vld [tilespmem:s25+$0xFFFFFFD0]  }
0x6e3: {  	v15 =	vld [tilespmem:s25+$0x10]  }
0x6e4: {  	v16 =	vld [tilespmem:s25+$0x20]  }
0x6e5: {  	v22 =	vld [tilespmem:s25+$0xFFFFFF80]  }
0x6e6: {  	v12 =	vld [tilespmem:s25+$0xFFFFFFE0];
	v6 =	vmul.f32 v6, v4;
	v7 =	vmul.f32 v7, v4  }
0x6e7: {  	v13 =	vld [tilespmem:s25+$0xFFFFFFF0];
	v8 =	vmul.f32 v8, v4;
	v9 =	vmul.f32 v9, v4  }
0x6e8: {  	v10 =	vmul.f32 v10, v4;
	v11 =	vmul.f32 v11, v4;
	v6 =	vadd.f32 v6, v5  }
0x6e9: {  	v14 =	vld [tilespmem:s25+$0x0];
	v15 =	vmul.f32 v15, v4;
	v16 =	vmul.f32 v16, v4;
	v7 =	vadd.f32 v7, v5  }
0x6ea: {  	v63 =	vmul.f32 v22, v4;
	v8 =	vadd.f32 v8, v5;
	v6 =	vtrunc.f32 v6  }
0x6eb: {  	v9 =	vadd.f32 v9, v5;
	v18 =	vtrunc.f32 v7;
	v7 =	vmul.f32 v12, v4  }
0x6ec: {  	v21 =	vld [tilespmem:s25+$0x60];
	v19 =	vtrunc.f32 v8;
	v8 =	vadd.f32 v11, v5;
	v11 =	vmul.f32 v13, v4  }
0x6ed: {  	v12 =	vld [tilespmem:s25+$0x40];
	v20 =	vtrunc.f32 v9;
	v17 =	vcvt.f32.s32 v6;
	v6 =	vadd.f32 v10, v5  }
0x6ee: {  	s22 =	simm.s32 $0xE180;
	v13 =	vmul.f32 v14, v4;
	v14 =	vld [tilespmem:s25+$0x50];
	v18 =	vcvt.f32.s32 v18;
	v9 =	vadd.f32 v7, v5  }
0x6ef: {  	v10 =	vld [tilespmem:s25+$0x30];
	v11 =	vadd.f32 v11, v5;
	v7 =	vtrunc.f32 v8;
	v6 =	vtrunc.f32 v6;
	[tilespmem:s22+$0x70] =	vst v17  }
0x6f0: {  	v15 =	vadd.f32 v15, v5;
	v17 =	vcvt.f32.s32 v19;
	[tilespmem:s22+$0xFFFFFF90] =	vst v18;
	v18 =	vcvt.f32.s32 v20  }
0x6f1: {  	v8 =	vtrunc.f32 v9;
	v9 =	vtrunc.f32 v11  }
0x6f2: {  	v16 =	vadd.f32 v16, v5;
	v11 =	vtrunc.f32 v15;
	v15 =	vmul.f32 v21, v4  }
0x6f3: {  	v13 =	vadd.f32 v13, v5;
	v12 =	vmul.f32 v12, v4;
	v62 =	vmul.f32 v14, v4  }
0x6f4: {  	v21 =	vadd.f32 v63, v5;
	v14 =	vtrunc.f32 v16;
	v23 =	vmul.f32 v10, v4  }
0x6f5: {  	v10 =	vtrunc.f32 v13;
	v15 =	vadd.f32 v15, v5;
	v12 =	vadd.f32 v12, v5  }
0x6f6: {  	v19 =	vtrunc.f32 v21;
	v16 =	vadd.f32 v62, v5;
	v13 =	vadd.f32 v23, v5  }
0x6f7: {  	v15 =	vtrunc.f32 v15;
	v12 =	vtrunc.f32 v12  }
0x6f8: {  	s23 =	simm.s32 $0xE180;
	s24 =	simm.s32 $0x0;
	s25 =	simm.s32 $0xA280;
	v16 =	vtrunc.f32 v16;
	v13 =	vtrunc.f32 v13  }
.LBB2_44:
0x6f9: {  	v20 =	vld [tilespmem:s25+$0x70];
	s24 =	sadd.s32 $0x100, s24;
	v19 =	vcvt.f32.s32 v19;
	[tilespmem:s22+$0xFFFFFFA0] =	vst v17;
	v6 =	vcvt.f32.s32 v6  }
0x6fa: {  	v7 =	vcvt.f32.s32 v7;
	v8 =	vcvt.f32.s32 v8;
	v17 =	vld [tilespmem:s25+$0xFFFFFF90];
	p0 =	slt.u32 s24, $0x3F00;
	[tilespmem:s22+$0xFFFFFFB0] =	vst v18  }
0x6fb: {  	v9 =	vcvt.f32.s32 v9;
	v10 =	vcvt.f32.s32 v10;
	v18 =	vld [tilespmem:s25+$0xFFFFFFA0];
	[tilespmem:s22+$0xFFFFFF80] =	vst v19  }
0x6fc: {  	v19 =	vld [tilespmem:s25+$0xFFFFFFB0];
	[tilespmem:s22+$0xFFFFFFC0] =	vst v6;
	v6 =	vcvt.f32.s32 v11;
	v11 =	vcvt.f32.s32 v14  }
0x6fd: {  	v12 =	vcvt.f32.s32 v12;
	v14 =	vld [tilespmem:s25+$0xFFFFFFC0];
	[tilespmem:s22+$0xFFFFFFD0] =	vst v7;
	v7 =	vcvt.f32.s32 v13  }
0x6fe: {  	v13 =	vld [tilespmem:s25+$0xFFFFFFD0];
	v20 =	vmul.f32 v20, v4;
	[tilespmem:s22+$0xFFFFFFE0] =	vst v8;
	v8 =	vcvt.f32.s32 v16  }
0x6ff: {  	v16 =	vmul.f32 v17, v4;
	v17 =	vld [tilespmem:s25+$0xFFFFFFE0];
	[tilespmem:s22+$0xFFFFFFF0] =	vst v9;
	v9 =	vcvt.f32.s32 v15  }
0x700: {  	v15 =	vmul.f32 v18, v4;
	v18 =	vld [tilespmem:s25+$0xFFFFFFF0];
	v20 =	vadd.f32 v20, v5;
	[tilespmem:s22+$0x0] =	vst v10  }
0x701: {  	v10 =	vadd.f32 v16, v5;
	v16 =	vmul.f32 v19, v4;
	v19 =	vld [tilespmem:s25+$0x0];
	[tilespmem:s22+$0x10] =	vst v6  }
0x702: {  	v6 =	vadd.f32 v15, v5;
	v14 =	vmul.f32 v14, v4;
	v15 =	vld [tilespmem:s25+$0x10];
	v20 =	vtrunc.f32 v20;
	[tilespmem:s22+$0x20] =	vst v11  }
0x703: {  	v11 =	vadd.f32 v16, v5;
	v13 =	vmul.f32 v13, v4;
	v16 =	vld [tilespmem:s25+$0x20];
	v20 =	vcvt.f32.s32 v20;
	[tilespmem:s22+$0x30] =	vst v7  }
0x704: {  	v21 =	vtrunc.f32 v10;
	s22 =	sadd.s32 $0x100, s22;
	v7 =	vadd.f32 v14, v5;
	v10 =	vmul.f32 v17, v4;
	v14 =	vld [tilespmem:s25+$0x30];
	[tilespmem:s23+$0x40] =	vst v12  }
0x705: {  	v17 =	vtrunc.f32 v6;
	v12 =	vadd.f32 v13, v5;
	v13 =	vmul.f32 v18, v4;
	v18 =	vld [tilespmem:s25+$0x40];
	[tilespmem:s22+$0x70] =	vst v20  }
0x706: {  	v20 =	vtrunc.f32 v11;
	v10 =	vadd.f32 v10, v5;
	v11 =	vmul.f32 v19, v4;
	v19 =	vld [tilespmem:s25+$0x50];
	[tilespmem:s23+$0x50] =	vst v8  }
0x707: {  	v6 =	vtrunc.f32 v7;
	v13 =	vadd.f32 v13, v5;
	v15 =	vmul.f32 v15, v4;
	v22 =	vld [tilespmem:s25+$0x60];
	[tilespmem:s23+$0x60] =	vst v9;
	s23 =	smov.u32 s22  }
0x708: {  	v7 =	vtrunc.f32 v12;
	v23 =	vld [tilespmem:s25+$0xFFFFFF80];
	v11 =	vadd.f32 v11, v5;
	v12 =	vmul.f32 v16, v4  }
0x709: {  	v8 =	vtrunc.f32 v10;
	v15 =	vadd.f32 v15, v5;
	v14 =	vmul.f32 v14, v4  }
0x70a: {  	v9 =	vtrunc.f32 v13;
	v12 =	vadd.f32 v12, v5;
	v13 =	vmul.f32 v18, v4  }
0x70b: {  	v10 =	vtrunc.f32 v11;
	v16 =	vadd.f32 v14, v5;
	v18 =	vmul.f32 v19, v4  }
0x70c: {  	v11 =	vtrunc.f32 v15;
	v15 =	vadd.f32 v13, v5;
	v19 =	vmul.f32 v22, v4  }
.Ltmp21:
0x70d: {  	v14 =	vtrunc.f32 v12;
	v22 =	vmul.f32 v23, v4;
	v18 =	vadd.f32 v18, v5;
	(pc) =	sbr.rel @p0 .LBB2_44-.Ltmp21, $4  }
0x70e: {  	v13 =	vtrunc.f32 v16;
	v12 =	vtrunc.f32 v15;
	v15 =	vadd.f32 v19, v5  }
0x70f: {  	v21 =	vcvt.f32.s32 v21;
	v19 =	vadd.f32 v22, v5;
	v16 =	vtrunc.f32 v18  }
0x710: {  	v17 =	vcvt.f32.s32 v17;
	v15 =	vtrunc.f32 v15  }
0x711: {  	s25 =	sadd.s32 $0x100, s25;
	v18 =	vcvt.f32.s32 v20;
	v19 =	vtrunc.f32 v19;
	[tilespmem:s22+$0xFFFFFF90] =	vst v21  }
0x712: {  	v19 =	vcvt.f32.s32 v19;
	[tilespmem:s22+$0xFFFFFFA0] =	vst v17  }
0x713: {  	v6 =	vcvt.f32.s32 v6;
	[tilespmem:s22+$0xFFFFFFB0] =	vst v18  }
0x714: {  	v7 =	vcvt.f32.s32 v7;
	[tilespmem:s22+$0xFFFFFF80] =	vst v19  }
0x715: {  	v8 =	vcvt.f32.s32 v8;
	[tilespmem:s22+$0xFFFFFFC0] =	vst v6  }
0x716: {  	v6 =	vcvt.f32.s32 v9;
	[tilespmem:s22+$0xFFFFFFD0] =	vst v7  }
0x717: {  	v7 =	vcvt.f32.s32 v10;
	[tilespmem:s22+$0xFFFFFFE0] =	vst v8  }
0x718: {  	v8 =	vcvt.f32.s32 v11;
	[tilespmem:s22+$0xFFFFFFF0] =	vst v6  }
0x719: {  	v6 =	vcvt.f32.s32 v14;
	[tilespmem:s22+$0x0] =	vst v7  }
0x71a: {  	v7 =	vcvt.f32.s32 v13;
	[tilespmem:s22+$0x10] =	vst v8  }
0x71b: {  	v8 =	vcvt.f32.s32 v12;
	[tilespmem:s22+$0x20] =	vst v6  }
0x71c: {  	v6 =	vcvt.f32.s32 v16;
	[tilespmem:s22+$0x30] =	vst v7  }
0x71d: {  	v7 =	vcvt.f32.s32 v15;
	[tilespmem:s23+$0x40] =	vst v8  }
0x71e: {  	[tilespmem:s23+$0x50] =	vst v6  }
0x71f: {  	[tilespmem:s23+$0x60] =	vst v7  }
0x720: {  	s22 =	sld [smem:$0x7EF];
	_ =	sdelay $0x2  }
0x721: {  	[hbm4b:s22+s1] =	stream.linear.scatter [tilespmem:s15], [sflag:$0x4], $0x4000, $0x38;
	[tilespmem:$0x16100] =	vst v63  }
0x722: {  	_ =	swait.ge [sflag:s13], $0x4000  }
0x723: {  	s24 =	sld [smem:$0x7F4]  }
0x724: {  	[sflag:s13] =	ssyncset.done $0x0  }
0x725: {  	[sflag:s13] =	ssyncadd.s32 $0xFFFFC000  }
0x726: {  	[tilespmem:s14], [sflag:$0x3] =	stream.linear.gather [hbm4b:s24+s1], $0x4000, $0x38;
	[tilespmem:$0x16100] =	vst v63  }
0x727: {  	_ =	swait.ge [sflag:s20], $0x4000  }
0x728: {  	[sflag:s20] =	ssyncset.done $0x0  }
0x729: {  	s25 =	simm.s32 $0x2180;
	[sflag:s20] =	ssyncadd.s32 $0xFFFFC000  }
0x72a: {  	v6 =	vld [tilespmem:s25+$0x70]  }
0x72b: {  	v7 =	vld [tilespmem:s25+$0xFFFFFF90]  }
0x72c: {  	v8 =	vld [tilespmem:s25+$0xFFFFFFA0]  }
0x72d: {  	v9 =	vld [tilespmem:s25+$0xFFFFFFB0]  }
0x72e: {  	v10 =	vld [tilespmem:s25+$0xFFFFFFC0]  }
0x72f: {  	v11 =	vld [tilespmem:s25+$0xFFFFFFD0]  }
0x730: {  	v15 =	vld [tilespmem:s25+$0x10]  }
0x731: {  	v16 =	vld [tilespmem:s25+$0x20]  }
0x732: {  	v22 =	vld [tilespmem:s25+$0xFFFFFF80]  }
0x733: {  	v12 =	vld [tilespmem:s25+$0xFFFFFFE0];
	v6 =	vmul.f32 v6, v4;
	v7 =	vmul.f32 v7, v4  }
0x734: {  	v13 =	vld [tilespmem:s25+$0xFFFFFFF0];
	v8 =	vmul.f32 v8, v4;
	v9 =	vmul.f32 v9, v4  }
0x735: {  	v10 =	vmul.f32 v10, v4;
	v11 =	vmul.f32 v11, v4;
	v6 =	vadd.f32 v6, v5  }
0x736: {  	v14 =	vld [tilespmem:s25+$0x0];
	v15 =	vmul.f32 v15, v4;
	v16 =	vmul.f32 v16, v4;
	v7 =	vadd.f32 v7, v5  }
0x737: {  	v63 =	vmul.f32 v22, v4;
	v8 =	vadd.f32 v8, v5;
	v6 =	vtrunc.f32 v6  }
0x738: {  	v9 =	vadd.f32 v9, v5;
	v18 =	vtrunc.f32 v7;
	v7 =	vmul.f32 v12, v4  }
0x739: {  	v21 =	vld [tilespmem:s25+$0x60];
	v19 =	vtrunc.f32 v8;
	v8 =	vadd.f32 v11, v5;
	v11 =	vmul.f32 v13, v4  }
0x73a: {  	v12 =	vld [tilespmem:s25+$0x40];
	v20 =	vtrunc.f32 v9;
	v17 =	vcvt.f32.s32 v6;
	v6 =	vadd.f32 v10, v5  }
0x73b: {  	s22 =	simm.s32 $0x12180;
	v13 =	vmul.f32 v14, v4;
	v14 =	vld [tilespmem:s25+$0x50];
	v18 =	vcvt.f32.s32 v18;
	v9 =	vadd.f32 v7, v5  }
0x73c: {  	v10 =	vld [tilespmem:s25+$0x30];
	v11 =	vadd.f32 v11, v5;
	v7 =	vtrunc.f32 v8;
	v6 =	vtrunc.f32 v6;
	[tilespmem:s22+$0x70] =	vst v17  }
0x73d: {  	v15 =	vadd.f32 v15, v5;
	v17 =	vcvt.f32.s32 v19;
	[tilespmem:s22+$0xFFFFFF90] =	vst v18;
	v18 =	vcvt.f32.s32 v20  }
0x73e: {  	v8 =	vtrunc.f32 v9;
	v9 =	vtrunc.f32 v11  }
0x73f: {  	v16 =	vadd.f32 v16, v5;
	v11 =	vtrunc.f32 v15;
	v15 =	vmul.f32 v21, v4  }
0x740: {  	v13 =	vadd.f32 v13, v5;
	v12 =	vmul.f32 v12, v4;
	v62 =	vmul.f32 v14, v4  }
0x741: {  	v21 =	vadd.f32 v63, v5;
	v14 =	vtrunc.f32 v16;
	v23 =	vmul.f32 v10, v4  }
0x742: {  	v10 =	vtrunc.f32 v13;
	v15 =	vadd.f32 v15, v5;
	v12 =	vadd.f32 v12, v5  }
0x743: {  	v19 =	vtrunc.f32 v21;
	v16 =	vadd.f32 v62, v5;
	v13 =	vadd.f32 v23, v5  }
0x744: {  	v15 =	vtrunc.f32 v15;
	v12 =	vtrunc.f32 v12  }
0x745: {  	s23 =	simm.s32 $0x12180;
	s24 =	simm.s32 $0x0;
	s25 =	simm.s32 $0x2280;
	v16 =	vtrunc.f32 v16;
	v13 =	vtrunc.f32 v13  }
.LBB2_46:
0x746: {  	v20 =	vld [tilespmem:s25+$0x70];
	s24 =	sadd.s32 $0x100, s24;
	v19 =	vcvt.f32.s32 v19;
	[tilespmem:s22+$0xFFFFFFA0] =	vst v17;
	v6 =	vcvt.f32.s32 v6  }
0x747: {  	v7 =	vcvt.f32.s32 v7;
	v8 =	vcvt.f32.s32 v8;
	v17 =	vld [tilespmem:s25+$0xFFFFFF90];
	p0 =	slt.u32 s24, $0x3F00;
	[tilespmem:s22+$0xFFFFFFB0] =	vst v18  }
0x748: {  	v9 =	vcvt.f32.s32 v9;
	v10 =	vcvt.f32.s32 v10;
	v18 =	vld [tilespmem:s25+$0xFFFFFFA0];
	[tilespmem:s22+$0xFFFFFF80] =	vst v19  }
0x749: {  	v19 =	vld [tilespmem:s25+$0xFFFFFFB0];
	[tilespmem:s22+$0xFFFFFFC0] =	vst v6;
	v6 =	vcvt.f32.s32 v11;
	v11 =	vcvt.f32.s32 v14  }
0x74a: {  	v12 =	vcvt.f32.s32 v12;
	v14 =	vld [tilespmem:s25+$0xFFFFFFC0];
	[tilespmem:s22+$0xFFFFFFD0] =	vst v7;
	v7 =	vcvt.f32.s32 v13  }
0x74b: {  	v13 =	vld [tilespmem:s25+$0xFFFFFFD0];
	v20 =	vmul.f32 v20, v4;
	[tilespmem:s22+$0xFFFFFFE0] =	vst v8;
	v8 =	vcvt.f32.s32 v16  }
0x74c: {  	v16 =	vmul.f32 v17, v4;
	v17 =	vld [tilespmem:s25+$0xFFFFFFE0];
	[tilespmem:s22+$0xFFFFFFF0] =	vst v9;
	v9 =	vcvt.f32.s32 v15  }
0x74d: {  	v15 =	vmul.f32 v18, v4;
	v18 =	vld [tilespmem:s25+$0xFFFFFFF0];
	v20 =	vadd.f32 v20, v5;
	[tilespmem:s22+$0x0] =	vst v10  }
0x74e: {  	v10 =	vadd.f32 v16, v5;
	v16 =	vmul.f32 v19, v4;
	v19 =	vld [tilespmem:s25+$0x0];
	[tilespmem:s22+$0x10] =	vst v6  }
0x74f: {  	v6 =	vadd.f32 v15, v5;
	v14 =	vmul.f32 v14, v4;
	v15 =	vld [tilespmem:s25+$0x10];
	v20 =	vtrunc.f32 v20;
	[tilespmem:s22+$0x20] =	vst v11  }
0x750: {  	v11 =	vadd.f32 v16, v5;
	v13 =	vmul.f32 v13, v4;
	v16 =	vld [tilespmem:s25+$0x20];
	v20 =	vcvt.f32.s32 v20;
	[tilespmem:s22+$0x30] =	vst v7  }
0x751: {  	v21 =	vtrunc.f32 v10;
	s22 =	sadd.s32 $0x100, s22;
	v7 =	vadd.f32 v14, v5;
	v10 =	vmul.f32 v17, v4;
	v14 =	vld [tilespmem:s25+$0x30];
	[tilespmem:s23+$0x40] =	vst v12  }
0x752: {  	v17 =	vtrunc.f32 v6;
	v12 =	vadd.f32 v13, v5;
	v13 =	vmul.f32 v18, v4;
	v18 =	vld [tilespmem:s25+$0x40];
	[tilespmem:s22+$0x70] =	vst v20  }
0x753: {  	v20 =	vtrunc.f32 v11;
	v10 =	vadd.f32 v10, v5;
	v11 =	vmul.f32 v19, v4;
	v19 =	vld [tilespmem:s25+$0x50];
	[tilespmem:s23+$0x50] =	vst v8  }
0x754: {  	v6 =	vtrunc.f32 v7;
	v13 =	vadd.f32 v13, v5;
	v15 =	vmul.f32 v15, v4;
	v22 =	vld [tilespmem:s25+$0x60];
	[tilespmem:s23+$0x60] =	vst v9;
	s23 =	smov.u32 s22  }
0x755: {  	v7 =	vtrunc.f32 v12;
	v23 =	vld [tilespmem:s25+$0xFFFFFF80];
	v11 =	vadd.f32 v11, v5;
	v12 =	vmul.f32 v16, v4  }
0x756: {  	v8 =	vtrunc.f32 v10;
	v15 =	vadd.f32 v15, v5;
	v14 =	vmul.f32 v14, v4  }
0x757: {  	v9 =	vtrunc.f32 v13;
	v12 =	vadd.f32 v12, v5;
	v13 =	vmul.f32 v18, v4  }
0x758: {  	v10 =	vtrunc.f32 v11;
	v16 =	vadd.f32 v14, v5;
	v18 =	vmul.f32 v19, v4  }
0x759: {  	v11 =	vtrunc.f32 v15;
	v15 =	vadd.f32 v13, v5;
	v19 =	vmul.f32 v22, v4  }
.Ltmp22:
0x75a: {  	v14 =	vtrunc.f32 v12;
	v22 =	vmul.f32 v23, v4;
	v18 =	vadd.f32 v18, v5;
	(pc) =	sbr.rel @p0 .LBB2_46-.Ltmp22, $4  }
0x75b: {  	v13 =	vtrunc.f32 v16;
	v12 =	vtrunc.f32 v15;
	v15 =	vadd.f32 v19, v5  }
0x75c: {  	v21 =	vcvt.f32.s32 v21;
	v19 =	vadd.f32 v22, v5;
	v16 =	vtrunc.f32 v18  }
0x75d: {  	v17 =	vcvt.f32.s32 v17;
	v15 =	vtrunc.f32 v15  }
0x75e: {  	s25 =	sadd.s32 $0x100, s25;
	v18 =	vcvt.f32.s32 v20;
	v19 =	vtrunc.f32 v19;
	[tilespmem:s22+$0xFFFFFF90] =	vst v21  }
0x75f: {  	v19 =	vcvt.f32.s32 v19;
	[tilespmem:s22+$0xFFFFFFA0] =	vst v17  }
0x760: {  	v6 =	vcvt.f32.s32 v6;
	[tilespmem:s22+$0xFFFFFFB0] =	vst v18  }
0x761: {  	v7 =	vcvt.f32.s32 v7;
	[tilespmem:s22+$0xFFFFFF80] =	vst v19  }
0x762: {  	v8 =	vcvt.f32.s32 v8;
	[tilespmem:s22+$0xFFFFFFC0] =	vst v6  }
0x763: {  	v6 =	vcvt.f32.s32 v9;
	[tilespmem:s22+$0xFFFFFFD0] =	vst v7  }
0x764: {  	v7 =	vcvt.f32.s32 v10;
	[tilespmem:s22+$0xFFFFFFE0] =	vst v8  }
0x765: {  	v8 =	vcvt.f32.s32 v11;
	[tilespmem:s22+$0xFFFFFFF0] =	vst v6  }
0x766: {  	v6 =	vcvt.f32.s32 v14;
	[tilespmem:s22+$0x0] =	vst v7  }
0x767: {  	v7 =	vcvt.f32.s32 v13;
	[tilespmem:s22+$0x10] =	vst v8  }
0x768: {  	v8 =	vcvt.f32.s32 v12;
	[tilespmem:s22+$0x20] =	vst v6  }
0x769: {  	v6 =	vcvt.f32.s32 v16;
	[tilespmem:s22+$0x30] =	vst v7  }
0x76a: {  	v7 =	vcvt.f32.s32 v15;
	[tilespmem:s23+$0x40] =	vst v8  }
0x76b: {  	[tilespmem:s23+$0x50] =	vst v6  }
0x76c: {  	[tilespmem:s23+$0x60] =	vst v7  }
0x76d: {  	s22 =	sld [smem:$0x7F1];
	_ =	sdelay $0x2  }
0x76e: {  	[hbm4b:s22+s1] =	stream.linear.scatter [tilespmem:s17], [sflag:$0x5], $0x4000, $0x38;
	[tilespmem:$0x16100] =	vst v63  }
0x76f: {  	_ =	swait.ge [sflag:s16], $0x4000  }
0x770: {  	s24 =	sld [smem:$0x7F6]  }
0x771: {  	[sflag:s16] =	ssyncset.done $0x0  }
0x772: {  	[sflag:s16] =	ssyncadd.s32 $0xFFFFC000  }
0x773: {  	[tilespmem:s11], [sflag:$0x1] =	stream.linear.gather [hbm4b:s24+s1], $0x4000, $0x38;
	[tilespmem:$0x16100] =	vst v63  }
0x774: {  	_ =	swait.ge [sflag:s19], $0x4000  }
0x775: {  	[sflag:s19] =	ssyncset.done $0x0  }
0x776: {  	s25 =	simm.s32 $0x6180;
	[sflag:s19] =	ssyncadd.s32 $0xFFFFC000  }
0x777: {  	v6 =	vld [tilespmem:s25+$0x70]  }
0x778: {  	v7 =	vld [tilespmem:s25+$0xFFFFFF90]  }
0x779: {  	v8 =	vld [tilespmem:s25+$0xFFFFFFA0]  }
0x77a: {  	v9 =	vld [tilespmem:s25+$0xFFFFFFB0]  }
0x77b: {  	v10 =	vld [tilespmem:s25+$0xFFFFFFC0]  }
0x77c: {  	v11 =	vld [tilespmem:s25+$0xFFFFFFD0]  }
0x77d: {  	v15 =	vld [tilespmem:s25+$0x10]  }
0x77e: {  	v16 =	vld [tilespmem:s25+$0x20]  }
0x77f: {  	v22 =	vld [tilespmem:s25+$0xFFFFFF80]  }
0x780: {  	v12 =	vld [tilespmem:s25+$0xFFFFFFE0];
	v6 =	vmul.f32 v6, v4;
	v7 =	vmul.f32 v7, v4  }
0x781: {  	v13 =	vld [tilespmem:s25+$0xFFFFFFF0];
	v8 =	vmul.f32 v8, v4;
	v9 =	vmul.f32 v9, v4  }
0x782: {  	v10 =	vmul.f32 v10, v4;
	v11 =	vmul.f32 v11, v4;
	v6 =	vadd.f32 v6, v5  }
0x783: {  	v14 =	vld [tilespmem:s25+$0x0];
	v15 =	vmul.f32 v15, v4;
	v16 =	vmul.f32 v16, v4;
	v7 =	vadd.f32 v7, v5  }
0x784: {  	v63 =	vmul.f32 v22, v4;
	v8 =	vadd.f32 v8, v5;
	v6 =	vtrunc.f32 v6  }
0x785: {  	v9 =	vadd.f32 v9, v5;
	v18 =	vtrunc.f32 v7;
	v7 =	vmul.f32 v12, v4  }
0x786: {  	v21 =	vld [tilespmem:s25+$0x60];
	v19 =	vtrunc.f32 v8;
	v8 =	vadd.f32 v11, v5;
	v11 =	vmul.f32 v13, v4  }
0x787: {  	v12 =	vld [tilespmem:s25+$0x40];
	v20 =	vtrunc.f32 v9;
	v17 =	vcvt.f32.s32 v6;
	v6 =	vadd.f32 v10, v5  }
0x788: {  	s22 =	simm.s32 $0xE180;
	v13 =	vmul.f32 v14, v4;
	v14 =	vld [tilespmem:s25+$0x50];
	v18 =	vcvt.f32.s32 v18;
	v9 =	vadd.f32 v7, v5  }
0x789: {  	v10 =	vld [tilespmem:s25+$0x30];
	v11 =	vadd.f32 v11, v5;
	v7 =	vtrunc.f32 v8;
	v6 =	vtrunc.f32 v6;
	[tilespmem:s22+$0x70] =	vst v17  }
0x78a: {  	v15 =	vadd.f32 v15, v5;
	v17 =	vcvt.f32.s32 v19;
	[tilespmem:s22+$0xFFFFFF90] =	vst v18;
	v18 =	vcvt.f32.s32 v20  }
0x78b: {  	v8 =	vtrunc.f32 v9;
	v9 =	vtrunc.f32 v11  }
0x78c: {  	v16 =	vadd.f32 v16, v5;
	v11 =	vtrunc.f32 v15;
	v15 =	vmul.f32 v21, v4  }
0x78d: {  	v13 =	vadd.f32 v13, v5;
	v12 =	vmul.f32 v12, v4;
	v62 =	vmul.f32 v14, v4  }
0x78e: {  	v21 =	vadd.f32 v63, v5;
	v14 =	vtrunc.f32 v16;
	v23 =	vmul.f32 v10, v4  }
0x78f: {  	v10 =	vtrunc.f32 v13;
	v15 =	vadd.f32 v15, v5;
	v12 =	vadd.f32 v12, v5  }
0x790: {  	v19 =	vtrunc.f32 v21;
	v16 =	vadd.f32 v62, v5;
	v13 =	vadd.f32 v23, v5  }
0x791: {  	v15 =	vtrunc.f32 v15;
	v12 =	vtrunc.f32 v12  }
0x792: {  	s23 =	simm.s32 $0xE180;
	s24 =	simm.s32 $0x0;
	s25 =	simm.s32 $0x6280;
	v16 =	vtrunc.f32 v16;
	v13 =	vtrunc.f32 v13  }
.LBB2_48:
0x793: {  	v20 =	vld [tilespmem:s25+$0x70];
	s24 =	sadd.s32 $0x100, s24;
	v19 =	vcvt.f32.s32 v19;
	[tilespmem:s22+$0xFFFFFFA0] =	vst v17;
	v6 =	vcvt.f32.s32 v6  }
0x794: {  	v7 =	vcvt.f32.s32 v7;
	v8 =	vcvt.f32.s32 v8;
	v17 =	vld [tilespmem:s25+$0xFFFFFF90];
	p0 =	slt.u32 s24, $0x3F00;
	[tilespmem:s22+$0xFFFFFFB0] =	vst v18  }
0x795: {  	v9 =	vcvt.f32.s32 v9;
	v10 =	vcvt.f32.s32 v10;
	v18 =	vld [tilespmem:s25+$0xFFFFFFA0];
	[tilespmem:s22+$0xFFFFFF80] =	vst v19  }
0x796: {  	v19 =	vld [tilespmem:s25+$0xFFFFFFB0];
	[tilespmem:s22+$0xFFFFFFC0] =	vst v6;
	v6 =	vcvt.f32.s32 v11;
	v11 =	vcvt.f32.s32 v14  }
0x797: {  	v12 =	vcvt.f32.s32 v12;
	v14 =	vld [tilespmem:s25+$0xFFFFFFC0];
	[tilespmem:s22+$0xFFFFFFD0] =	vst v7;
	v7 =	vcvt.f32.s32 v13  }
0x798: {  	v13 =	vld [tilespmem:s25+$0xFFFFFFD0];
	v20 =	vmul.f32 v20, v4;
	[tilespmem:s22+$0xFFFFFFE0] =	vst v8;
	v8 =	vcvt.f32.s32 v16  }
0x799: {  	v16 =	vmul.f32 v17, v4;
	v17 =	vld [tilespmem:s25+$0xFFFFFFE0];
	[tilespmem:s22+$0xFFFFFFF0] =	vst v9;
	v9 =	vcvt.f32.s32 v15  }
0x79a: {  	v15 =	vmul.f32 v18, v4;
	v18 =	vld [tilespmem:s25+$0xFFFFFFF0];
	v20 =	vadd.f32 v20, v5;
	[tilespmem:s22+$0x0] =	vst v10  }
0x79b: {  	v10 =	vadd.f32 v16, v5;
	v16 =	vmul.f32 v19, v4;
	v19 =	vld [tilespmem:s25+$0x0];
	[tilespmem:s22+$0x10] =	vst v6  }
0x79c: {  	v6 =	vadd.f32 v15, v5;
	v14 =	vmul.f32 v14, v4;
	v15 =	vld [tilespmem:s25+$0x10];
	v20 =	vtrunc.f32 v20;
	[tilespmem:s22+$0x20] =	vst v11  }
0x79d: {  	v11 =	vadd.f32 v16, v5;
	v13 =	vmul.f32 v13, v4;
	v16 =	vld [tilespmem:s25+$0x20];
	v20 =	vcvt.f32.s32 v20;
	[tilespmem:s22+$0x30] =	vst v7  }
0x79e: {  	v21 =	vtrunc.f32 v10;
	s22 =	sadd.s32 $0x100, s22;
	v7 =	vadd.f32 v14, v5;
	v10 =	vmul.f32 v17, v4;
	v14 =	vld [tilespmem:s25+$0x30];
	[tilespmem:s23+$0x40] =	vst v12  }
0x79f: {  	v17 =	vtrunc.f32 v6;
	v12 =	vadd.f32 v13, v5;
	v13 =	vmul.f32 v18, v4;
	v18 =	vld [tilespmem:s25+$0x40];
	[tilespmem:s22+$0x70] =	vst v20  }
0x7a0: {  	v20 =	vtrunc.f32 v11;
	v10 =	vadd.f32 v10, v5;
	v11 =	vmul.f32 v19, v4;
	v19 =	vld [tilespmem:s25+$0x50];
	[tilespmem:s23+$0x50] =	vst v8  }
0x7a1: {  	v6 =	vtrunc.f32 v7;
	v13 =	vadd.f32 v13, v5;
	v15 =	vmul.f32 v15, v4;
	v22 =	vld [tilespmem:s25+$0x60];
	[tilespmem:s23+$0x60] =	vst v9;
	s23 =	smov.u32 s22  }
0x7a2: {  	v7 =	vtrunc.f32 v12;
	v23 =	vld [tilespmem:s25+$0xFFFFFF80];
	v11 =	vadd.f32 v11, v5;
	v12 =	vmul.f32 v16, v4  }
0x7a3: {  	v8 =	vtrunc.f32 v10;
	v15 =	vadd.f32 v15, v5;
	v14 =	vmul.f32 v14, v4  }
0x7a4: {  	v9 =	vtrunc.f32 v13;
	v12 =	vadd.f32 v12, v5;
	v13 =	vmul.f32 v18, v4  }
0x7a5: {  	v10 =	vtrunc.f32 v11;
	v16 =	vadd.f32 v14, v5;
	v18 =	vmul.f32 v19, v4  }
0x7a6: {  	v11 =	vtrunc.f32 v15;
	v15 =	vadd.f32 v13, v5;
	v19 =	vmul.f32 v22, v4  }
.Ltmp23:
0x7a7: {  	v14 =	vtrunc.f32 v12;
	v22 =	vmul.f32 v23, v4;
	v18 =	vadd.f32 v18, v5;
	(pc) =	sbr.rel @p0 .LBB2_48-.Ltmp23, $4  }
0x7a8: {  	v13 =	vtrunc.f32 v16;
	v12 =	vtrunc.f32 v15;
	v15 =	vadd.f32 v19, v5  }
0x7a9: {  	v21 =	vcvt.f32.s32 v21;
	v19 =	vadd.f32 v22, v5;
	v16 =	vtrunc.f32 v18  }
0x7aa: {  	v17 =	vcvt.f32.s32 v17;
	v15 =	vtrunc.f32 v15  }
0x7ab: {  	s25 =	sadd.s32 $0x100, s25;
	v18 =	vcvt.f32.s32 v20;
	v19 =	vtrunc.f32 v19;
	[tilespmem:s22+$0xFFFFFF90] =	vst v21  }
0x7ac: {  	v19 =	vcvt.f32.s32 v19;
	[tilespmem:s22+$0xFFFFFFA0] =	vst v17  }
0x7ad: {  	v6 =	vcvt.f32.s32 v6;
	[tilespmem:s22+$0xFFFFFFB0] =	vst v18  }
0x7ae: {  	v7 =	vcvt.f32.s32 v7;
	[tilespmem:s22+$0xFFFFFF80] =	vst v19  }
0x7af: {  	v8 =	vcvt.f32.s32 v8;
	[tilespmem:s22+$0xFFFFFFC0] =	vst v6  }
0x7b0: {  	v6 =	vcvt.f32.s32 v9;
	[tilespmem:s22+$0xFFFFFFD0] =	vst v7  }
0x7b1: {  	v7 =	vcvt.f32.s32 v10;
	[tilespmem:s22+$0xFFFFFFE0] =	vst v8  }
0x7b2: {  	v8 =	vcvt.f32.s32 v11;
	[tilespmem:s22+$0xFFFFFFF0] =	vst v6  }
0x7b3: {  	v6 =	vcvt.f32.s32 v14;
	[tilespmem:s22+$0x0] =	vst v7  }
0x7b4: {  	v7 =	vcvt.f32.s32 v13;
	[tilespmem:s22+$0x10] =	vst v8  }
0x7b5: {  	v8 =	vcvt.f32.s32 v12;
	[tilespmem:s22+$0x20] =	vst v6  }
0x7b6: {  	v6 =	vcvt.f32.s32 v16;
	[tilespmem:s22+$0x30] =	vst v7  }
0x7b7: {  	v7 =	vcvt.f32.s32 v15;
	[tilespmem:s23+$0x40] =	vst v8  }
0x7b8: {  	[tilespmem:s23+$0x50] =	vst v6  }
0x7b9: {  	[tilespmem:s23+$0x60] =	vst v7  }
0x7ba: {  	s22 =	sld [smem:$0x7F3];
	_ =	sdelay $0x2  }
0x7bb: {  	[hbm4b:s22+s1] =	stream.linear.scatter [tilespmem:s15], [sflag:$0x4], $0x4000, $0x38;
	[tilespmem:$0x16100] =	vst v63  }
0x7bc: {  	_ =	swait.ge [sflag:s18], $0x4000  }
0x7bd: {  	s24 =	sld [smem:$0x7F8]  }
0x7be: {  	[sflag:s18] =	ssyncset.done $0x0  }
0x7bf: {  	[sflag:s18] =	ssyncadd.s32 $0xFFFFC000  }
0x7c0: {  	[tilespmem:s12], [sflag:$0x2] =	stream.linear.gather [hbm4b:s24+s1], $0x4000, $0x38;
	[tilespmem:$0x16100] =	vst v63  }
0x7c1: {  	_ =	swait.ge [sflag:s20], $0x4000  }
0x7c2: {  	[sflag:s20] =	ssyncset.done $0x0  }
0x7c3: {  	s25 =	simm.s32 $0xA180;
	[sflag:s20] =	ssyncadd.s32 $0xFFFFC000  }
0x7c4: {  	v6 =	vld [tilespmem:s25+$0x70]  }
0x7c5: {  	v7 =	vld [tilespmem:s25+$0xFFFFFF90]  }
0x7c6: {  	v8 =	vld [tilespmem:s25+$0xFFFFFFA0]  }
0x7c7: {  	v9 =	vld [tilespmem:s25+$0xFFFFFFB0]  }
0x7c8: {  	v10 =	vld [tilespmem:s25+$0xFFFFFFC0]  }
0x7c9: {  	v11 =	vld [tilespmem:s25+$0xFFFFFFD0]  }
0x7ca: {  	v15 =	vld [tilespmem:s25+$0x10]  }
0x7cb: {  	v16 =	vld [tilespmem:s25+$0x20]  }
0x7cc: {  	v22 =	vld [tilespmem:s25+$0xFFFFFF80]  }
0x7cd: {  	v12 =	vld [tilespmem:s25+$0xFFFFFFE0];
	v6 =	vmul.f32 v6, v4;
	v7 =	vmul.f32 v7, v4  }
0x7ce: {  	v13 =	vld [tilespmem:s25+$0xFFFFFFF0];
	v8 =	vmul.f32 v8, v4;
	v9 =	vmul.f32 v9, v4  }
0x7cf: {  	v10 =	vmul.f32 v10, v4;
	v11 =	vmul.f32 v11, v4;
	v6 =	vadd.f32 v6, v5  }
0x7d0: {  	v14 =	vld [tilespmem:s25+$0x0];
	v15 =	vmul.f32 v15, v4;
	v16 =	vmul.f32 v16, v4;
	v7 =	vadd.f32 v7, v5  }
0x7d1: {  	v63 =	vmul.f32 v22, v4;
	v8 =	vadd.f32 v8, v5;
	v6 =	vtrunc.f32 v6  }
0x7d2: {  	v9 =	vadd.f32 v9, v5;
	v18 =	vtrunc.f32 v7;
	v7 =	vmul.f32 v12, v4  }
0x7d3: {  	v21 =	vld [tilespmem:s25+$0x60];
	v19 =	vtrunc.f32 v8;
	v8 =	vadd.f32 v11, v5;
	v11 =	vmul.f32 v13, v4  }
0x7d4: {  	v12 =	vld [tilespmem:s25+$0x40];
	v20 =	vtrunc.f32 v9;
	v17 =	vcvt.f32.s32 v6;
	v6 =	vadd.f32 v10, v5  }
0x7d5: {  	s22 =	simm.s32 $0x12180;
	v13 =	vmul.f32 v14, v4;
	v14 =	vld [tilespmem:s25+$0x50];
	v18 =	vcvt.f32.s32 v18;
	v9 =	vadd.f32 v7, v5  }
0x7d6: {  	v10 =	vld [tilespmem:s25+$0x30];
	v11 =	vadd.f32 v11, v5;
	v7 =	vtrunc.f32 v8;
	v6 =	vtrunc.f32 v6;
	[tilespmem:s22+$0x70] =	vst v17  }
0x7d7: {  	v15 =	vadd.f32 v15, v5;
	v17 =	vcvt.f32.s32 v19;
	[tilespmem:s22+$0xFFFFFF90] =	vst v18;
	v18 =	vcvt.f32.s32 v20  }
0x7d8: {  	v8 =	vtrunc.f32 v9;
	v9 =	vtrunc.f32 v11  }
0x7d9: {  	v16 =	vadd.f32 v16, v5;
	v11 =	vtrunc.f32 v15;
	v15 =	vmul.f32 v21, v4  }
0x7da: {  	v13 =	vadd.f32 v13, v5;
	v12 =	vmul.f32 v12, v4;
	v62 =	vmul.f32 v14, v4  }
0x7db: {  	v21 =	vadd.f32 v63, v5;
	v14 =	vtrunc.f32 v16;
	v23 =	vmul.f32 v10, v4  }
0x7dc: {  	v10 =	vtrunc.f32 v13;
	v15 =	vadd.f32 v15, v5;
	v12 =	vadd.f32 v12, v5  }
0x7dd: {  	v19 =	vtrunc.f32 v21;
	v16 =	vadd.f32 v62, v5;
	v13 =	vadd.f32 v23, v5  }
0x7de: {  	v15 =	vtrunc.f32 v15;
	v12 =	vtrunc.f32 v12  }
0x7df: {  	s23 =	simm.s32 $0x12180;
	s24 =	simm.s32 $0x0;
	s25 =	simm.s32 $0xA280;
	v16 =	vtrunc.f32 v16;
	v13 =	vtrunc.f32 v13  }
.LBB2_50:
0x7e0: {  	v20 =	vld [tilespmem:s25+$0x70];
	s24 =	sadd.s32 $0x100, s24;
	v19 =	vcvt.f32.s32 v19;
	[tilespmem:s22+$0xFFFFFFA0] =	vst v17;
	v6 =	vcvt.f32.s32 v6  }
0x7e1: {  	v7 =	vcvt.f32.s32 v7;
	v8 =	vcvt.f32.s32 v8;
	v17 =	vld [tilespmem:s25+$0xFFFFFF90];
	p0 =	slt.u32 s24, $0x3F00;
	[tilespmem:s22+$0xFFFFFFB0] =	vst v18  }
0x7e2: {  	v9 =	vcvt.f32.s32 v9;
	v10 =	vcvt.f32.s32 v10;
	v18 =	vld [tilespmem:s25+$0xFFFFFFA0];
	[tilespmem:s22+$0xFFFFFF80] =	vst v19  }
0x7e3: {  	v19 =	vld [tilespmem:s25+$0xFFFFFFB0];
	[tilespmem:s22+$0xFFFFFFC0] =	vst v6;
	v6 =	vcvt.f32.s32 v11;
	v11 =	vcvt.f32.s32 v14  }
0x7e4: {  	v12 =	vcvt.f32.s32 v12;
	v14 =	vld [tilespmem:s25+$0xFFFFFFC0];
	[tilespmem:s22+$0xFFFFFFD0] =	vst v7;
	v7 =	vcvt.f32.s32 v13  }
0x7e5: {  	v13 =	vld [tilespmem:s25+$0xFFFFFFD0];
	v20 =	vmul.f32 v20, v4;
	[tilespmem:s22+$0xFFFFFFE0] =	vst v8;
	v8 =	vcvt.f32.s32 v16  }
0x7e6: {  	v16 =	vmul.f32 v17, v4;
	v17 =	vld [tilespmem:s25+$0xFFFFFFE0];
	[tilespmem:s22+$0xFFFFFFF0] =	vst v9;
	v9 =	vcvt.f32.s32 v15  }
0x7e7: {  	v15 =	vmul.f32 v18, v4;
	v18 =	vld [tilespmem:s25+$0xFFFFFFF0];
	v20 =	vadd.f32 v20, v5;
	[tilespmem:s22+$0x0] =	vst v10  }
0x7e8: {  	v10 =	vadd.f32 v16, v5;
	v16 =	vmul.f32 v19, v4;
	v19 =	vld [tilespmem:s25+$0x0];
	[tilespmem:s22+$0x10] =	vst v6  }
0x7e9: {  	v6 =	vadd.f32 v15, v5;
	v14 =	vmul.f32 v14, v4;
	v15 =	vld [tilespmem:s25+$0x10];
	v20 =	vtrunc.f32 v20;
	[tilespmem:s22+$0x20] =	vst v11  }
0x7ea: {  	v11 =	vadd.f32 v16, v5;
	v13 =	vmul.f32 v13, v4;
	v16 =	vld [tilespmem:s25+$0x20];
	v20 =	vcvt.f32.s32 v20;
	[tilespmem:s22+$0x30] =	vst v7  }
0x7eb: {  	v21 =	vtrunc.f32 v10;
	s22 =	sadd.s32 $0x100, s22;
	v7 =	vadd.f32 v14, v5;
	v10 =	vmul.f32 v17, v4;
	v14 =	vld [tilespmem:s25+$0x30];
	[tilespmem:s23+$0x40] =	vst v12  }
0x7ec: {  	v17 =	vtrunc.f32 v6;
	v12 =	vadd.f32 v13, v5;
	v13 =	vmul.f32 v18, v4;
	v18 =	vld [tilespmem:s25+$0x40];
	[tilespmem:s22+$0x70] =	vst v20  }
0x7ed: {  	v20 =	vtrunc.f32 v11;
	v10 =	vadd.f32 v10, v5;
	v11 =	vmul.f32 v19, v4;
	v19 =	vld [tilespmem:s25+$0x50];
	[tilespmem:s23+$0x50] =	vst v8  }
0x7ee: {  	v6 =	vtrunc.f32 v7;
	v13 =	vadd.f32 v13, v5;
	v15 =	vmul.f32 v15, v4;
	v22 =	vld [tilespmem:s25+$0x60];
	[tilespmem:s23+$0x60] =	vst v9;
	s23 =	smov.u32 s22  }
0x7ef: {  	v7 =	vtrunc.f32 v12;
	v23 =	vld [tilespmem:s25+$0xFFFFFF80];
	v11 =	vadd.f32 v11, v5;
	v12 =	vmul.f32 v16, v4  }
0x7f0: {  	v8 =	vtrunc.f32 v10;
	v15 =	vadd.f32 v15, v5;
	v14 =	vmul.f32 v14, v4  }
0x7f1: {  	v9 =	vtrunc.f32 v13;
	v12 =	vadd.f32 v12, v5;
	v13 =	vmul.f32 v18, v4  }
0x7f2: {  	v10 =	vtrunc.f32 v11;
	v16 =	vadd.f32 v14, v5;
	v18 =	vmul.f32 v19, v4  }
0x7f3: {  	v11 =	vtrunc.f32 v15;
	v15 =	vadd.f32 v13, v5;
	v19 =	vmul.f32 v22, v4  }
.Ltmp24:
0x7f4: {  	v14 =	vtrunc.f32 v12;
	v22 =	vmul.f32 v23, v4;
	v18 =	vadd.f32 v18, v5;
	(pc) =	sbr.rel @p0 .LBB2_50-.Ltmp24, $4  }
0x7f5: {  	v13 =	vtrunc.f32 v16;
	v12 =	vtrunc.f32 v15;
	v15 =	vadd.f32 v19, v5  }
0x7f6: {  	v21 =	vcvt.f32.s32 v21;
	v19 =	vadd.f32 v22, v5;
	v16 =	vtrunc.f32 v18  }
0x7f7: {  	v17 =	vcvt.f32.s32 v17;
	v15 =	vtrunc.f32 v15  }
0x7f8: {  	s25 =	sadd.s32 $0x100, s25;
	v18 =	vcvt.f32.s32 v20;
	v19 =	vtrunc.f32 v19;
	[tilespmem:s22+$0xFFFFFF90] =	vst v21  }
0x7f9: {  	v19 =	vcvt.f32.s32 v19;
	[tilespmem:s22+$0xFFFFFFA0] =	vst v17  }
0x7fa: {  	v6 =	vcvt.f32.s32 v6;
	[tilespmem:s22+$0xFFFFFFB0] =	vst v18  }
0x7fb: {  	v7 =	vcvt.f32.s32 v7;
	[tilespmem:s22+$0xFFFFFF80] =	vst v19  }
0x7fc: {  	v8 =	vcvt.f32.s32 v8;
	[tilespmem:s22+$0xFFFFFFC0] =	vst v6  }
0x7fd: {  	v6 =	vcvt.f32.s32 v9;
	[tilespmem:s22+$0xFFFFFFD0] =	vst v7  }
0x7fe: {  	v7 =	vcvt.f32.s32 v10;
	[tilespmem:s22+$0xFFFFFFE0] =	vst v8  }
0x7ff: {  	v8 =	vcvt.f32.s32 v11;
	[tilespmem:s22+$0xFFFFFFF0] =	vst v6  }
0x800: {  	v6 =	vcvt.f32.s32 v14;
	[tilespmem:s22+$0x0] =	vst v7  }
0x801: {  	v7 =	vcvt.f32.s32 v13;
	[tilespmem:s22+$0x10] =	vst v8  }
0x802: {  	v8 =	vcvt.f32.s32 v12;
	[tilespmem:s22+$0x20] =	vst v6  }
0x803: {  	v6 =	vcvt.f32.s32 v16;
	[tilespmem:s22+$0x30] =	vst v7  }
0x804: {  	v7 =	vcvt.f32.s32 v15;
	[tilespmem:s23+$0x40] =	vst v8  }
0x805: {  	[tilespmem:s23+$0x50] =	vst v6  }
0x806: {  	[tilespmem:s23+$0x60] =	vst v7  }
0x807: {  	s22 =	sld [smem:$0x7F5];
	_ =	sdelay $0x2  }
0x808: {  	[hbm4b:s22+s1] =	stream.linear.scatter [tilespmem:s17], [sflag:$0x5], $0x4000, $0x38;
	[tilespmem:$0x16100] =	vst v63  }
0x809: {  	_ =	swait.ge [sflag:s13], $0x4000  }
0x80a: {  	s24 =	sld [smem:$0x7FA]  }
0x80b: {  	[sflag:s13] =	ssyncset.done $0x0  }
0x80c: {  	[sflag:s13] =	ssyncadd.s32 $0xFFFFC000  }
0x80d: {  	[tilespmem:s14], [sflag:$0x3] =	stream.linear.gather [hbm4b:s24+s1], $0x4000, $0x38;
	[tilespmem:$0x16100] =	vst v63  }
0x80e: {  	_ =	swait.ge [sflag:s19], $0x4000  }
0x80f: {  	[sflag:s19] =	ssyncset.done $0x0  }
0x810: {  	s25 =	simm.s32 $0x2180;
	[sflag:s19] =	ssyncadd.s32 $0xFFFFC000  }
0x811: {  	v6 =	vld [tilespmem:s25+$0x70]  }
0x812: {  	v7 =	vld [tilespmem:s25+$0xFFFFFF90]  }
0x813: {  	v8 =	vld [tilespmem:s25+$0xFFFFFFA0]  }
0x814: {  	v9 =	vld [tilespmem:s25+$0xFFFFFFB0]  }
0x815: {  	v10 =	vld [tilespmem:s25+$0xFFFFFFC0]  }
0x816: {  	v11 =	vld [tilespmem:s25+$0xFFFFFFD0]  }
0x817: {  	v15 =	vld [tilespmem:s25+$0x10]  }
0x818: {  	v16 =	vld [tilespmem:s25+$0x20]  }
0x819: {  	v22 =	vld [tilespmem:s25+$0xFFFFFF80]  }
0x81a: {  	v12 =	vld [tilespmem:s25+$0xFFFFFFE0];
	v6 =	vmul.f32 v6, v4;
	v7 =	vmul.f32 v7, v4  }
0x81b: {  	v13 =	vld [tilespmem:s25+$0xFFFFFFF0];
	v8 =	vmul.f32 v8, v4;
	v9 =	vmul.f32 v9, v4  }
0x81c: {  	v10 =	vmul.f32 v10, v4;
	v11 =	vmul.f32 v11, v4;
	v6 =	vadd.f32 v6, v5  }
0x81d: {  	v14 =	vld [tilespmem:s25+$0x0];
	v15 =	vmul.f32 v15, v4;
	v16 =	vmul.f32 v16, v4;
	v7 =	vadd.f32 v7, v5  }
0x81e: {  	v63 =	vmul.f32 v22, v4;
	v8 =	vadd.f32 v8, v5;
	v6 =	vtrunc.f32 v6  }
0x81f: {  	v9 =	vadd.f32 v9, v5;
	v18 =	vtrunc.f32 v7;
	v7 =	vmul.f32 v12, v4  }
0x820: {  	v21 =	vld [tilespmem:s25+$0x60];
	v19 =	vtrunc.f32 v8;
	v8 =	vadd.f32 v11, v5;
	v11 =	vmul.f32 v13, v4  }
0x821: {  	v12 =	vld [tilespmem:s25+$0x40];
	v20 =	vtrunc.f32 v9;
	v17 =	vcvt.f32.s32 v6;
	v6 =	vadd.f32 v10, v5  }
0x822: {  	s22 =	simm.s32 $0xE180;
	v13 =	vmul.f32 v14, v4;
	v14 =	vld [tilespmem:s25+$0x50];
	v18 =	vcvt.f32.s32 v18;
	v9 =	vadd.f32 v7, v5  }
0x823: {  	v10 =	vld [tilespmem:s25+$0x30];
	v11 =	vadd.f32 v11, v5;
	v7 =	vtrunc.f32 v8;
	v6 =	vtrunc.f32 v6;
	[tilespmem:s22+$0x70] =	vst v17  }
0x824: {  	v15 =	vadd.f32 v15, v5;
	v17 =	vcvt.f32.s32 v19;
	[tilespmem:s22+$0xFFFFFF90] =	vst v18;
	v18 =	vcvt.f32.s32 v20  }
0x825: {  	v8 =	vtrunc.f32 v9;
	v9 =	vtrunc.f32 v11  }
0x826: {  	v16 =	vadd.f32 v16, v5;
	v11 =	vtrunc.f32 v15;
	v15 =	vmul.f32 v21, v4  }
0x827: {  	v13 =	vadd.f32 v13, v5;
	v12 =	vmul.f32 v12, v4;
	v62 =	vmul.f32 v14, v4  }
0x828: {  	v21 =	vadd.f32 v63, v5;
	v14 =	vtrunc.f32 v16;
	v23 =	vmul.f32 v10, v4  }
0x829: {  	v10 =	vtrunc.f32 v13;
	v15 =	vadd.f32 v15, v5;
	v12 =	vadd.f32 v12, v5  }
0x82a: {  	v19 =	vtrunc.f32 v21;
	v16 =	vadd.f32 v62, v5;
	v13 =	vadd.f32 v23, v5  }
0x82b: {  	v15 =	vtrunc.f32 v15;
	v12 =	vtrunc.f32 v12  }
0x82c: {  	s23 =	simm.s32 $0xE180;
	s24 =	simm.s32 $0x0;
	s25 =	simm.s32 $0x2280;
	v16 =	vtrunc.f32 v16;
	v13 =	vtrunc.f32 v13  }
.LBB2_52:
0x82d: {  	v20 =	vld [tilespmem:s25+$0x70];
	s24 =	sadd.s32 $0x100, s24;
	v19 =	vcvt.f32.s32 v19;
	[tilespmem:s22+$0xFFFFFFA0] =	vst v17;
	v6 =	vcvt.f32.s32 v6  }
0x82e: {  	v7 =	vcvt.f32.s32 v7;
	v8 =	vcvt.f32.s32 v8;
	v17 =	vld [tilespmem:s25+$0xFFFFFF90];
	p0 =	slt.u32 s24, $0x3F00;
	[tilespmem:s22+$0xFFFFFFB0] =	vst v18  }
0x82f: {  	v9 =	vcvt.f32.s32 v9;
	v10 =	vcvt.f32.s32 v10;
	v18 =	vld [tilespmem:s25+$0xFFFFFFA0];
	[tilespmem:s22+$0xFFFFFF80] =	vst v19  }
0x830: {  	v19 =	vld [tilespmem:s25+$0xFFFFFFB0];
	[tilespmem:s22+$0xFFFFFFC0] =	vst v6;
	v6 =	vcvt.f32.s32 v11;
	v11 =	vcvt.f32.s32 v14  }
0x831: {  	v12 =	vcvt.f32.s32 v12;
	v14 =	vld [tilespmem:s25+$0xFFFFFFC0];
	[tilespmem:s22+$0xFFFFFFD0] =	vst v7;
	v7 =	vcvt.f32.s32 v13  }
0x832: {  	v13 =	vld [tilespmem:s25+$0xFFFFFFD0];
	v20 =	vmul.f32 v20, v4;
	[tilespmem:s22+$0xFFFFFFE0] =	vst v8;
	v8 =	vcvt.f32.s32 v16  }
0x833: {  	v16 =	vmul.f32 v17, v4;
	v17 =	vld [tilespmem:s25+$0xFFFFFFE0];
	[tilespmem:s22+$0xFFFFFFF0] =	vst v9;
	v9 =	vcvt.f32.s32 v15  }
0x834: {  	v15 =	vmul.f32 v18, v4;
	v18 =	vld [tilespmem:s25+$0xFFFFFFF0];
	v20 =	vadd.f32 v20, v5;
	[tilespmem:s22+$0x0] =	vst v10  }
0x835: {  	v10 =	vadd.f32 v16, v5;
	v16 =	vmul.f32 v19, v4;
	v19 =	vld [tilespmem:s25+$0x0];
	[tilespmem:s22+$0x10] =	vst v6  }
0x836: {  	v6 =	vadd.f32 v15, v5;
	v14 =	vmul.f32 v14, v4;
	v15 =	vld [tilespmem:s25+$0x10];
	v20 =	vtrunc.f32 v20;
	[tilespmem:s22+$0x20] =	vst v11  }
0x837: {  	v11 =	vadd.f32 v16, v5;
	v13 =	vmul.f32 v13, v4;
	v16 =	vld [tilespmem:s25+$0x20];
	v20 =	vcvt.f32.s32 v20;
	[tilespmem:s22+$0x30] =	vst v7  }
0x838: {  	v21 =	vtrunc.f32 v10;
	s22 =	sadd.s32 $0x100, s22;
	v7 =	vadd.f32 v14, v5;
	v10 =	vmul.f32 v17, v4;
	v14 =	vld [tilespmem:s25+$0x30];
	[tilespmem:s23+$0x40] =	vst v12  }
0x839: {  	v17 =	vtrunc.f32 v6;
	v12 =	vadd.f32 v13, v5;
	v13 =	vmul.f32 v18, v4;
	v18 =	vld [tilespmem:s25+$0x40];
	[tilespmem:s22+$0x70] =	vst v20  }
0x83a: {  	v20 =	vtrunc.f32 v11;
	v10 =	vadd.f32 v10, v5;
	v11 =	vmul.f32 v19, v4;
	v19 =	vld [tilespmem:s25+$0x50];
	[tilespmem:s23+$0x50] =	vst v8  }
0x83b: {  	v6 =	vtrunc.f32 v7;
	v13 =	vadd.f32 v13, v5;
	v15 =	vmul.f32 v15, v4;
	v22 =	vld [tilespmem:s25+$0x60];
	[tilespmem:s23+$0x60] =	vst v9;
	s23 =	smov.u32 s22  }
0x83c: {  	v7 =	vtrunc.f32 v12;
	v23 =	vld [tilespmem:s25+$0xFFFFFF80];
	v11 =	vadd.f32 v11, v5;
	v12 =	vmul.f32 v16, v4  }
0x83d: {  	v8 =	vtrunc.f32 v10;
	v15 =	vadd.f32 v15, v5;
	v14 =	vmul.f32 v14, v4  }
0x83e: {  	v9 =	vtrunc.f32 v13;
	v12 =	vadd.f32 v12, v5;
	v13 =	vmul.f32 v18, v4  }
0x83f: {  	v10 =	vtrunc.f32 v11;
	v16 =	vadd.f32 v14, v5;
	v18 =	vmul.f32 v19, v4  }
0x840: {  	v11 =	vtrunc.f32 v15;
	v15 =	vadd.f32 v13, v5;
	v19 =	vmul.f32 v22, v4  }
.Ltmp25:
0x841: {  	v14 =	vtrunc.f32 v12;
	v22 =	vmul.f32 v23, v4;
	v18 =	vadd.f32 v18, v5;
	(pc) =	sbr.rel @p0 .LBB2_52-.Ltmp25, $4  }
0x842: {  	v13 =	vtrunc.f32 v16;
	v12 =	vtrunc.f32 v15;
	v15 =	vadd.f32 v19, v5  }
0x843: {  	v21 =	vcvt.f32.s32 v21;
	v19 =	vadd.f32 v22, v5;
	v16 =	vtrunc.f32 v18  }
0x844: {  	v17 =	vcvt.f32.s32 v17;
	v15 =	vtrunc.f32 v15  }
0x845: {  	s25 =	sadd.s32 $0x100, s25;
	v18 =	vcvt.f32.s32 v20;
	v19 =	vtrunc.f32 v19;
	[tilespmem:s22+$0xFFFFFF90] =	vst v21  }
0x846: {  	v19 =	vcvt.f32.s32 v19;
	[tilespmem:s22+$0xFFFFFFA0] =	vst v17  }
0x847: {  	v6 =	vcvt.f32.s32 v6;
	[tilespmem:s22+$0xFFFFFFB0] =	vst v18  }
0x848: {  	v7 =	vcvt.f32.s32 v7;
	[tilespmem:s22+$0xFFFFFF80] =	vst v19  }
0x849: {  	v8 =	vcvt.f32.s32 v8;
	[tilespmem:s22+$0xFFFFFFC0] =	vst v6  }
0x84a: {  	v6 =	vcvt.f32.s32 v9;
	[tilespmem:s22+$0xFFFFFFD0] =	vst v7  }
0x84b: {  	v7 =	vcvt.f32.s32 v10;
	[tilespmem:s22+$0xFFFFFFE0] =	vst v8  }
0x84c: {  	v8 =	vcvt.f32.s32 v11;
	[tilespmem:s22+$0xFFFFFFF0] =	vst v6  }
0x84d: {  	v6 =	vcvt.f32.s32 v14;
	[tilespmem:s22+$0x0] =	vst v7  }
0x84e: {  	v7 =	vcvt.f32.s32 v13;
	[tilespmem:s22+$0x10] =	vst v8  }
0x84f: {  	v8 =	vcvt.f32.s32 v12;
	[tilespmem:s22+$0x20] =	vst v6  }
0x850: {  	v6 =	vcvt.f32.s32 v16;
	[tilespmem:s22+$0x30] =	vst v7  }
0x851: {  	v7 =	vcvt.f32.s32 v15;
	[tilespmem:s23+$0x40] =	vst v8  }
0x852: {  	[tilespmem:s23+$0x50] =	vst v6  }
0x853: {  	[tilespmem:s23+$0x60] =	vst v7  }
0x854: {  	s22 =	sld [smem:$0x7F7];
	_ =	sdelay $0x2  }
0x855: {  	[hbm4b:s22+s1] =	stream.linear.scatter [tilespmem:s15], [sflag:$0x4], $0x4000, $0x38;
	[tilespmem:$0x16100] =	vst v63  }
0x856: {  	_ =	swait.ge [sflag:s16], $0x4000  }
0x857: {  	s24 =	sld [smem:$0x7FC]  }
0x858: {  	[sflag:s16] =	ssyncset.done $0x0  }
0x859: {  	[sflag:s16] =	ssyncadd.s32 $0xFFFFC000  }
0x85a: {  	[tilespmem:s11], [sflag:$0x1] =	stream.linear.gather [hbm4b:s24+s1], $0x4000, $0x38;
	[tilespmem:$0x16100] =	vst v63  }
0x85b: {  	_ =	swait.ge [sflag:s20], $0x4000  }
0x85c: {  	[sflag:s20] =	ssyncset.done $0x0  }
0x85d: {  	s25 =	simm.s32 $0x6180;
	[sflag:s20] =	ssyncadd.s32 $0xFFFFC000  }
0x85e: {  	v6 =	vld [tilespmem:s25+$0x70]  }
0x85f: {  	v7 =	vld [tilespmem:s25+$0xFFFFFF90]  }
0x860: {  	v8 =	vld [tilespmem:s25+$0xFFFFFFA0]  }
0x861: {  	v9 =	vld [tilespmem:s25+$0xFFFFFFB0]  }
0x862: {  	v10 =	vld [tilespmem:s25+$0xFFFFFFC0]  }
0x863: {  	v11 =	vld [tilespmem:s25+$0xFFFFFFD0]  }
0x864: {  	v15 =	vld [tilespmem:s25+$0x10]  }
0x865: {  	v16 =	vld [tilespmem:s25+$0x20]  }
0x866: {  	v22 =	vld [tilespmem:s25+$0xFFFFFF80]  }
0x867: {  	v12 =	vld [tilespmem:s25+$0xFFFFFFE0];
	v6 =	vmul.f32 v6, v4;
	v7 =	vmul.f32 v7, v4  }
0x868: {  	v13 =	vld [tilespmem:s25+$0xFFFFFFF0];
	v8 =	vmul.f32 v8, v4;
	v9 =	vmul.f32 v9, v4  }
0x869: {  	v10 =	vmul.f32 v10, v4;
	v11 =	vmul.f32 v11, v4;
	v6 =	vadd.f32 v6, v5  }
0x86a: {  	v14 =	vld [tilespmem:s25+$0x0];
	v15 =	vmul.f32 v15, v4;
	v16 =	vmul.f32 v16, v4;
	v7 =	vadd.f32 v7, v5  }
0x86b: {  	v63 =	vmul.f32 v22, v4;
	v8 =	vadd.f32 v8, v5;
	v6 =	vtrunc.f32 v6  }
0x86c: {  	v9 =	vadd.f32 v9, v5;
	v18 =	vtrunc.f32 v7;
	v7 =	vmul.f32 v12, v4  }
0x86d: {  	v21 =	vld [tilespmem:s25+$0x60];
	v19 =	vtrunc.f32 v8;
	v8 =	vadd.f32 v11, v5;
	v11 =	vmul.f32 v13, v4  }
0x86e: {  	v12 =	vld [tilespmem:s25+$0x40];
	v20 =	vtrunc.f32 v9;
	v17 =	vcvt.f32.s32 v6;
	v6 =	vadd.f32 v10, v5  }
0x86f: {  	s22 =	simm.s32 $0x12180;
	v13 =	vmul.f32 v14, v4;
	v14 =	vld [tilespmem:s25+$0x50];
	v18 =	vcvt.f32.s32 v18;
	v9 =	vadd.f32 v7, v5  }
0x870: {  	v10 =	vld [tilespmem:s25+$0x30];
	v11 =	vadd.f32 v11, v5;
	v7 =	vtrunc.f32 v8;
	v6 =	vtrunc.f32 v6;
	[tilespmem:s22+$0x70] =	vst v17  }
0x871: {  	v15 =	vadd.f32 v15, v5;
	v17 =	vcvt.f32.s32 v19;
	[tilespmem:s22+$0xFFFFFF90] =	vst v18;
	v18 =	vcvt.f32.s32 v20  }
0x872: {  	v8 =	vtrunc.f32 v9;
	v9 =	vtrunc.f32 v11  }
0x873: {  	v16 =	vadd.f32 v16, v5;
	v11 =	vtrunc.f32 v15;
	v15 =	vmul.f32 v21, v4  }
0x874: {  	v13 =	vadd.f32 v13, v5;
	v12 =	vmul.f32 v12, v4;
	v62 =	vmul.f32 v14, v4  }
0x875: {  	v21 =	vadd.f32 v63, v5;
	v14 =	vtrunc.f32 v16;
	v23 =	vmul.f32 v10, v4  }
0x876: {  	v10 =	vtrunc.f32 v13;
	v15 =	vadd.f32 v15, v5;
	v12 =	vadd.f32 v12, v5  }
0x877: {  	v19 =	vtrunc.f32 v21;
	v16 =	vadd.f32 v62, v5;
	v13 =	vadd.f32 v23, v5  }
0x878: {  	v15 =	vtrunc.f32 v15;
	v12 =	vtrunc.f32 v12  }
0x879: {  	s23 =	simm.s32 $0x12180;
	s24 =	simm.s32 $0x0;
	s25 =	simm.s32 $0x6280;
	v16 =	vtrunc.f32 v16;
	v13 =	vtrunc.f32 v13  }
.LBB2_54:
0x87a: {  	v20 =	vld [tilespmem:s25+$0x70];
	s24 =	sadd.s32 $0x100, s24;
	v19 =	vcvt.f32.s32 v19;
	[tilespmem:s22+$0xFFFFFFA0] =	vst v17;
	v6 =	vcvt.f32.s32 v6  }
0x87b: {  	v7 =	vcvt.f32.s32 v7;
	v8 =	vcvt.f32.s32 v8;
	v17 =	vld [tilespmem:s25+$0xFFFFFF90];
	p0 =	slt.u32 s24, $0x3F00;
	[tilespmem:s22+$0xFFFFFFB0] =	vst v18  }
0x87c: {  	v9 =	vcvt.f32.s32 v9;
	v10 =	vcvt.f32.s32 v10;
	v18 =	vld [tilespmem:s25+$0xFFFFFFA0];
	[tilespmem:s22+$0xFFFFFF80] =	vst v19  }
0x87d: {  	v19 =	vld [tilespmem:s25+$0xFFFFFFB0];
	[tilespmem:s22+$0xFFFFFFC0] =	vst v6;
	v6 =	vcvt.f32.s32 v11;
	v11 =	vcvt.f32.s32 v14  }
0x87e: {  	v12 =	vcvt.f32.s32 v12;
	v14 =	vld [tilespmem:s25+$0xFFFFFFC0];
	[tilespmem:s22+$0xFFFFFFD0] =	vst v7;
	v7 =	vcvt.f32.s32 v13  }
0x87f: {  	v13 =	vld [tilespmem:s25+$0xFFFFFFD0];
	v20 =	vmul.f32 v20, v4;
	[tilespmem:s22+$0xFFFFFFE0] =	vst v8;
	v8 =	vcvt.f32.s32 v16  }
0x880: {  	v16 =	vmul.f32 v17, v4;
	v17 =	vld [tilespmem:s25+$0xFFFFFFE0];
	[tilespmem:s22+$0xFFFFFFF0] =	vst v9;
	v9 =	vcvt.f32.s32 v15  }
0x881: {  	v15 =	vmul.f32 v18, v4;
	v18 =	vld [tilespmem:s25+$0xFFFFFFF0];
	v20 =	vadd.f32 v20, v5;
	[tilespmem:s22+$0x0] =	vst v10  }
0x882: {  	v10 =	vadd.f32 v16, v5;
	v16 =	vmul.f32 v19, v4;
	v19 =	vld [tilespmem:s25+$0x0];
	[tilespmem:s22+$0x10] =	vst v6  }
0x883: {  	v6 =	vadd.f32 v15, v5;
	v14 =	vmul.f32 v14, v4;
	v15 =	vld [tilespmem:s25+$0x10];
	v20 =	vtrunc.f32 v20;
	[tilespmem:s22+$0x20] =	vst v11  }
0x884: {  	v11 =	vadd.f32 v16, v5;
	v13 =	vmul.f32 v13, v4;
	v16 =	vld [tilespmem:s25+$0x20];
	v20 =	vcvt.f32.s32 v20;
	[tilespmem:s22+$0x30] =	vst v7  }
0x885: {  	v21 =	vtrunc.f32 v10;
	s22 =	sadd.s32 $0x100, s22;
	v7 =	vadd.f32 v14, v5;
	v10 =	vmul.f32 v17, v4;
	v14 =	vld [tilespmem:s25+$0x30];
	[tilespmem:s23+$0x40] =	vst v12  }
0x886: {  	v17 =	vtrunc.f32 v6;
	v12 =	vadd.f32 v13, v5;
	v13 =	vmul.f32 v18, v4;
	v18 =	vld [tilespmem:s25+$0x40];
	[tilespmem:s22+$0x70] =	vst v20  }
0x887: {  	v20 =	vtrunc.f32 v11;
	v10 =	vadd.f32 v10, v5;
	v11 =	vmul.f32 v19, v4;
	v19 =	vld [tilespmem:s25+$0x50];
	[tilespmem:s23+$0x50] =	vst v8  }
0x888: {  	v6 =	vtrunc.f32 v7;
	v13 =	vadd.f32 v13, v5;
	v15 =	vmul.f32 v15, v4;
	v22 =	vld [tilespmem:s25+$0x60];
	[tilespmem:s23+$0x60] =	vst v9;
	s23 =	smov.u32 s22  }
0x889: {  	v7 =	vtrunc.f32 v12;
	v23 =	vld [tilespmem:s25+$0xFFFFFF80];
	v11 =	vadd.f32 v11, v5;
	v12 =	vmul.f32 v16, v4  }
0x88a: {  	v8 =	vtrunc.f32 v10;
	v15 =	vadd.f32 v15, v5;
	v14 =	vmul.f32 v14, v4  }
0x88b: {  	v9 =	vtrunc.f32 v13;
	v12 =	vadd.f32 v12, v5;
	v13 =	vmul.f32 v18, v4  }
0x88c: {  	v10 =	vtrunc.f32 v11;
	v16 =	vadd.f32 v14, v5;
	v18 =	vmul.f32 v19, v4  }
0x88d: {  	v11 =	vtrunc.f32 v15;
	v15 =	vadd.f32 v13, v5;
	v19 =	vmul.f32 v22, v4  }
.Ltmp26:
0x88e: {  	v14 =	vtrunc.f32 v12;
	v22 =	vmul.f32 v23, v4;
	v18 =	vadd.f32 v18, v5;
	(pc) =	sbr.rel @p0 .LBB2_54-.Ltmp26, $4  }
0x88f: {  	v13 =	vtrunc.f32 v16;
	v12 =	vtrunc.f32 v15;
	v15 =	vadd.f32 v19, v5  }
0x890: {  	v21 =	vcvt.f32.s32 v21;
	v19 =	vadd.f32 v22, v5;
	v16 =	vtrunc.f32 v18  }
0x891: {  	v17 =	vcvt.f32.s32 v17;
	v15 =	vtrunc.f32 v15  }
0x892: {  	s25 =	sadd.s32 $0x100, s25;
	v18 =	vcvt.f32.s32 v20;
	v19 =	vtrunc.f32 v19;
	[tilespmem:s22+$0xFFFFFF90] =	vst v21  }
0x893: {  	v19 =	vcvt.f32.s32 v19;
	[tilespmem:s22+$0xFFFFFFA0] =	vst v17  }
0x894: {  	v6 =	vcvt.f32.s32 v6;
	[tilespmem:s22+$0xFFFFFFB0] =	vst v18  }
0x895: {  	v7 =	vcvt.f32.s32 v7;
	[tilespmem:s22+$0xFFFFFF80] =	vst v19  }
0x896: {  	v8 =	vcvt.f32.s32 v8;
	[tilespmem:s22+$0xFFFFFFC0] =	vst v6  }
0x897: {  	v6 =	vcvt.f32.s32 v9;
	[tilespmem:s22+$0xFFFFFFD0] =	vst v7  }
0x898: {  	v7 =	vcvt.f32.s32 v10;
	[tilespmem:s22+$0xFFFFFFE0] =	vst v8  }
0x899: {  	v8 =	vcvt.f32.s32 v11;
	[tilespmem:s22+$0xFFFFFFF0] =	vst v6  }
0x89a: {  	v6 =	vcvt.f32.s32 v14;
	[tilespmem:s22+$0x0] =	vst v7  }
0x89b: {  	v7 =	vcvt.f32.s32 v13;
	[tilespmem:s22+$0x10] =	vst v8  }
0x89c: {  	v8 =	vcvt.f32.s32 v12;
	[tilespmem:s22+$0x20] =	vst v6  }
0x89d: {  	v6 =	vcvt.f32.s32 v16;
	[tilespmem:s22+$0x30] =	vst v7  }
0x89e: {  	v7 =	vcvt.f32.s32 v15;
	[tilespmem:s23+$0x40] =	vst v8  }
0x89f: {  	[tilespmem:s23+$0x50] =	vst v6  }
0x8a0: {  	[tilespmem:s23+$0x60] =	vst v7  }
0x8a1: {  	s22 =	sld [smem:$0x7F9];
	_ =	sdelay $0x2  }
0x8a2: {  	[hbm4b:s22+s1] =	stream.linear.scatter [tilespmem:s17], [sflag:$0x5], $0x4000, $0x38;
	[tilespmem:$0x16100] =	vst v63  }
0x8a3: {  	_ =	swait.ge [sflag:s18], $0x4000  }
0x8a4: {  	[sflag:s18] =	ssyncset.done $0x0  }
0x8a5: {  	[sflag:s18] =	ssyncadd.s32 $0xFFFFC000  }
0x8a6: {  	[tilespmem:s12], [sflag:$0x2] =	stream.linear.gather [hbm4b:s26+s1], $0x4000, $0x38;
	[tilespmem:$0x16100] =	vst v63  }
0x8a7: {  	_ =	swait.ge [sflag:s19], $0x4000  }
0x8a8: {  	[sflag:s19] =	ssyncset.done $0x0  }
0x8a9: {  	s25 =	simm.s32 $0xA180;
	[sflag:s19] =	ssyncadd.s32 $0xFFFFC000  }
0x8aa: {  	v6 =	vld [tilespmem:s25+$0x70]  }
0x8ab: {  	v7 =	vld [tilespmem:s25+$0xFFFFFF90]  }
0x8ac: {  	v8 =	vld [tilespmem:s25+$0xFFFFFFA0]  }
0x8ad: {  	v9 =	vld [tilespmem:s25+$0xFFFFFFB0]  }
0x8ae: {  	v10 =	vld [tilespmem:s25+$0xFFFFFFC0]  }
0x8af: {  	v11 =	vld [tilespmem:s25+$0xFFFFFFD0]  }
0x8b0: {  	v15 =	vld [tilespmem:s25+$0x10]  }
0x8b1: {  	v16 =	vld [tilespmem:s25+$0x20]  }
0x8b2: {  	v22 =	vld [tilespmem:s25+$0xFFFFFF80]  }
0x8b3: {  	v12 =	vld [tilespmem:s25+$0xFFFFFFE0];
	v6 =	vmul.f32 v6, v4;
	v7 =	vmul.f32 v7, v4  }
0x8b4: {  	v13 =	vld [tilespmem:s25+$0xFFFFFFF0];
	v8 =	vmul.f32 v8, v4;
	v9 =	vmul.f32 v9, v4  }
0x8b5: {  	v10 =	vmul.f32 v10, v4;
	v11 =	vmul.f32 v11, v4;
	v6 =	vadd.f32 v6, v5  }
0x8b6: {  	v14 =	vld [tilespmem:s25+$0x0];
	v15 =	vmul.f32 v15, v4;
	v16 =	vmul.f32 v16, v4;
	v7 =	vadd.f32 v7, v5  }
0x8b7: {  	v63 =	vmul.f32 v22, v4;
	v8 =	vadd.f32 v8, v5;
	v6 =	vtrunc.f32 v6  }
0x8b8: {  	v9 =	vadd.f32 v9, v5;
	v18 =	vtrunc.f32 v7;
	v7 =	vmul.f32 v12, v4  }
0x8b9: {  	v21 =	vld [tilespmem:s25+$0x60];
	v19 =	vtrunc.f32 v8;
	v8 =	vadd.f32 v11, v5;
	v11 =	vmul.f32 v13, v4  }
0x8ba: {  	v12 =	vld [tilespmem:s25+$0x40];
	v20 =	vtrunc.f32 v9;
	v17 =	vcvt.f32.s32 v6;
	v6 =	vadd.f32 v10, v5  }
0x8bb: {  	s22 =	simm.s32 $0xE180;
	v13 =	vmul.f32 v14, v4;
	v14 =	vld [tilespmem:s25+$0x50];
	v18 =	vcvt.f32.s32 v18;
	v9 =	vadd.f32 v7, v5  }
0x8bc: {  	v10 =	vld [tilespmem:s25+$0x30];
	v11 =	vadd.f32 v11, v5;
	v7 =	vtrunc.f32 v8;
	v6 =	vtrunc.f32 v6;
	[tilespmem:s22+$0x70] =	vst v17  }
0x8bd: {  	v15 =	vadd.f32 v15, v5;
	v17 =	vcvt.f32.s32 v19;
	[tilespmem:s22+$0xFFFFFF90] =	vst v18;
	v18 =	vcvt.f32.s32 v20  }
0x8be: {  	v8 =	vtrunc.f32 v9;
	v9 =	vtrunc.f32 v11  }
0x8bf: {  	v16 =	vadd.f32 v16, v5;
	v11 =	vtrunc.f32 v15;
	v15 =	vmul.f32 v21, v4  }
0x8c0: {  	v13 =	vadd.f32 v13, v5;
	v12 =	vmul.f32 v12, v4;
	v62 =	vmul.f32 v14, v4  }
0x8c1: {  	v21 =	vadd.f32 v63, v5;
	v14 =	vtrunc.f32 v16;
	v23 =	vmul.f32 v10, v4  }
0x8c2: {  	v10 =	vtrunc.f32 v13;
	v15 =	vadd.f32 v15, v5;
	v12 =	vadd.f32 v12, v5  }
0x8c3: {  	v19 =	vtrunc.f32 v21;
	v16 =	vadd.f32 v62, v5;
	v13 =	vadd.f32 v23, v5  }
0x8c4: {  	v15 =	vtrunc.f32 v15;
	v12 =	vtrunc.f32 v12  }
0x8c5: {  	s24 =	simm.s32 $0x0;
	s23 =	simm.s32 $0xE180;
	s25 =	simm.s32 $0xA280;
	v16 =	vtrunc.f32 v16;
	v13 =	vtrunc.f32 v13  }
.LBB2_56:
0x8c6: {  	v20 =	vld [tilespmem:s25+$0x70];
	s24 =	sadd.s32 $0x100, s24;
	v19 =	vcvt.f32.s32 v19;
	[tilespmem:s22+$0xFFFFFFA0] =	vst v17;
	v6 =	vcvt.f32.s32 v6  }
0x8c7: {  	v7 =	vcvt.f32.s32 v7;
	v8 =	vcvt.f32.s32 v8;
	v17 =	vld [tilespmem:s25+$0xFFFFFF90];
	p0 =	slt.u32 s24, $0x3F00;
	[tilespmem:s22+$0xFFFFFFB0] =	vst v18  }
0x8c8: {  	v9 =	vcvt.f32.s32 v9;
	v10 =	vcvt.f32.s32 v10;
	v18 =	vld [tilespmem:s25+$0xFFFFFFA0];
	[tilespmem:s22+$0xFFFFFF80] =	vst v19  }
0x8c9: {  	v19 =	vld [tilespmem:s25+$0xFFFFFFB0];
	[tilespmem:s22+$0xFFFFFFC0] =	vst v6;
	v6 =	vcvt.f32.s32 v11;
	v11 =	vcvt.f32.s32 v14  }
0x8ca: {  	v12 =	vcvt.f32.s32 v12;
	v14 =	vld [tilespmem:s25+$0xFFFFFFC0];
	[tilespmem:s22+$0xFFFFFFD0] =	vst v7;
	v7 =	vcvt.f32.s32 v13  }
0x8cb: {  	v13 =	vld [tilespmem:s25+$0xFFFFFFD0];
	v20 =	vmul.f32 v20, v4;
	[tilespmem:s22+$0xFFFFFFE0] =	vst v8;
	v8 =	vcvt.f32.s32 v16  }
0x8cc: {  	v16 =	vmul.f32 v17, v4;
	v17 =	vld [tilespmem:s25+$0xFFFFFFE0];
	[tilespmem:s22+$0xFFFFFFF0] =	vst v9;
	v9 =	vcvt.f32.s32 v15  }
0x8cd: {  	v15 =	vmul.f32 v18, v4;
	v18 =	vld [tilespmem:s25+$0xFFFFFFF0];
	v20 =	vadd.f32 v20, v5;
	[tilespmem:s22+$0x0] =	vst v10  }
0x8ce: {  	v10 =	vadd.f32 v16, v5;
	v16 =	vmul.f32 v19, v4;
	v19 =	vld [tilespmem:s25+$0x0];
	[tilespmem:s22+$0x10] =	vst v6  }
0x8cf: {  	v6 =	vadd.f32 v15, v5;
	v14 =	vmul.f32 v14, v4;
	v15 =	vld [tilespmem:s25+$0x10];
	v20 =	vtrunc.f32 v20;
	[tilespmem:s22+$0x20] =	vst v11  }
0x8d0: {  	v11 =	vadd.f32 v16, v5;
	v13 =	vmul.f32 v13, v4;
	v16 =	vld [tilespmem:s25+$0x20];
	v20 =	vcvt.f32.s32 v20;
	[tilespmem:s22+$0x30] =	vst v7  }
0x8d1: {  	v21 =	vtrunc.f32 v10;
	s22 =	sadd.s32 $0x100, s22;
	v7 =	vadd.f32 v14, v5;
	v10 =	vmul.f32 v17, v4;
	v14 =	vld [tilespmem:s25+$0x30];
	[tilespmem:s23+$0x40] =	vst v12  }
0x8d2: {  	v17 =	vtrunc.f32 v6;
	v12 =	vadd.f32 v13, v5;
	v13 =	vmul.f32 v18, v4;
	v18 =	vld [tilespmem:s25+$0x40];
	[tilespmem:s22+$0x70] =	vst v20  }
0x8d3: {  	v20 =	vtrunc.f32 v11;
	v10 =	vadd.f32 v10, v5;
	v11 =	vmul.f32 v19, v4;
	v19 =	vld [tilespmem:s25+$0x50];
	[tilespmem:s23+$0x50] =	vst v8  }
0x8d4: {  	v6 =	vtrunc.f32 v7;
	v13 =	vadd.f32 v13, v5;
	v15 =	vmul.f32 v15, v4;
	v22 =	vld [tilespmem:s25+$0x60];
	[tilespmem:s23+$0x60] =	vst v9;
	s23 =	smov.u32 s22  }
0x8d5: {  	v7 =	vtrunc.f32 v12;
	v23 =	vld [tilespmem:s25+$0xFFFFFF80];
	v11 =	vadd.f32 v11, v5;
	v12 =	vmul.f32 v16, v4  }
0x8d6: {  	v8 =	vtrunc.f32 v10;
	v15 =	vadd.f32 v15, v5;
	v14 =	vmul.f32 v14, v4  }
0x8d7: {  	v9 =	vtrunc.f32 v13;
	v12 =	vadd.f32 v12, v5;
	v13 =	vmul.f32 v18, v4  }
0x8d8: {  	v10 =	vtrunc.f32 v11;
	v16 =	vadd.f32 v14, v5;
	v18 =	vmul.f32 v19, v4  }
0x8d9: {  	v11 =	vtrunc.f32 v15;
	v15 =	vadd.f32 v13, v5;
	v19 =	vmul.f32 v22, v4  }
.Ltmp27:
0x8da: {  	v14 =	vtrunc.f32 v12;
	v22 =	vmul.f32 v23, v4;
	v18 =	vadd.f32 v18, v5;
	(pc) =	sbr.rel @p0 .LBB2_56-.Ltmp27, $4  }
0x8db: {  	v13 =	vtrunc.f32 v16;
	v12 =	vtrunc.f32 v15;
	v15 =	vadd.f32 v19, v5  }
0x8dc: {  	v21 =	vcvt.f32.s32 v21;
	v19 =	vadd.f32 v22, v5;
	v16 =	vtrunc.f32 v18  }
0x8dd: {  	v17 =	vcvt.f32.s32 v17;
	v15 =	vtrunc.f32 v15  }
0x8de: {  	s25 =	sadd.s32 $0x100, s25;
	v18 =	vcvt.f32.s32 v20;
	v19 =	vtrunc.f32 v19;
	[tilespmem:s22+$0xFFFFFF90] =	vst v21  }
0x8df: {  	v19 =	vcvt.f32.s32 v19;
	[tilespmem:s22+$0xFFFFFFA0] =	vst v17  }
0x8e0: {  	v6 =	vcvt.f32.s32 v6;
	[tilespmem:s22+$0xFFFFFFB0] =	vst v18  }
0x8e1: {  	v7 =	vcvt.f32.s32 v7;
	[tilespmem:s22+$0xFFFFFF80] =	vst v19  }
0x8e2: {  	v8 =	vcvt.f32.s32 v8;
	[tilespmem:s22+$0xFFFFFFC0] =	vst v6  }
0x8e3: {  	v6 =	vcvt.f32.s32 v9;
	[tilespmem:s22+$0xFFFFFFD0] =	vst v7  }
0x8e4: {  	v7 =	vcvt.f32.s32 v10;
	[tilespmem:s22+$0xFFFFFFE0] =	vst v8  }
0x8e5: {  	v8 =	vcvt.f32.s32 v11;
	[tilespmem:s22+$0xFFFFFFF0] =	vst v6  }
0x8e6: {  	v6 =	vcvt.f32.s32 v14;
	[tilespmem:s22+$0x0] =	vst v7  }
0x8e7: {  	v7 =	vcvt.f32.s32 v13;
	[tilespmem:s22+$0x10] =	vst v8  }
0x8e8: {  	v8 =	vcvt.f32.s32 v12;
	[tilespmem:s22+$0x20] =	vst v6  }
0x8e9: {  	v6 =	vcvt.f32.s32 v16;
	[tilespmem:s22+$0x30] =	vst v7  }
0x8ea: {  	v7 =	vcvt.f32.s32 v15;
	[tilespmem:s23+$0x40] =	vst v8  }
0x8eb: {  	[tilespmem:s23+$0x50] =	vst v6  }
0x8ec: {  	[tilespmem:s23+$0x60] =	vst v7  }
0x8ed: {  	s22 =	sld [smem:$0x7FB];
	_ =	sdelay $0x2  }
0x8ee: {  	[hbm4b:s22+s1] =	stream.linear.scatter [tilespmem:s15], [sflag:$0x4], $0x4000, $0x38;
	[tilespmem:$0x16100] =	vst v63  }
0x8ef: {  	_ =	swait.ge [sflag:s13], $0x4000  }
0x8f0: {  	[sflag:s13] =	ssyncset.done $0x0  }
0x8f1: {  	[sflag:s13] =	ssyncadd.s32 $0xFFFFC000  }
0x8f2: {  	[tilespmem:s14], [sflag:$0x3] =	stream.linear.gather [hbm4b:s31+s1], $0x4000, $0x38;
	[tilespmem:$0x16100] =	vst v63  }
0x8f3: {  	_ =	swait.ge [sflag:s20], $0x4000  }
0x8f4: {  	[sflag:s20] =	ssyncset.done $0x0  }
0x8f5: {  	s25 =	simm.s32 $0x2180;
	[sflag:s20] =	ssyncadd.s32 $0xFFFFC000  }
0x8f6: {  	v6 =	vld [tilespmem:s25+$0x70]  }
0x8f7: {  	v7 =	vld [tilespmem:s25+$0xFFFFFF90]  }
0x8f8: {  	v8 =	vld [tilespmem:s25+$0xFFFFFFA0]  }
0x8f9: {  	v9 =	vld [tilespmem:s25+$0xFFFFFFB0]  }
0x8fa: {  	v10 =	vld [tilespmem:s25+$0xFFFFFFC0]  }
0x8fb: {  	v11 =	vld [tilespmem:s25+$0xFFFFFFD0]  }
0x8fc: {  	v15 =	vld [tilespmem:s25+$0x10]  }
0x8fd: {  	v16 =	vld [tilespmem:s25+$0x20]  }
0x8fe: {  	v22 =	vld [tilespmem:s25+$0xFFFFFF80]  }
0x8ff: {  	v12 =	vld [tilespmem:s25+$0xFFFFFFE0];
	v6 =	vmul.f32 v6, v4;
	v7 =	vmul.f32 v7, v4  }
0x900: {  	v13 =	vld [tilespmem:s25+$0xFFFFFFF0];
	v8 =	vmul.f32 v8, v4;
	v9 =	vmul.f32 v9, v4  }
0x901: {  	v10 =	vmul.f32 v10, v4;
	v11 =	vmul.f32 v11, v4;
	v6 =	vadd.f32 v6, v5  }
0x902: {  	v14 =	vld [tilespmem:s25+$0x0];
	v15 =	vmul.f32 v15, v4;
	v16 =	vmul.f32 v16, v4;
	v7 =	vadd.f32 v7, v5  }
0x903: {  	v63 =	vmul.f32 v22, v4;
	v8 =	vadd.f32 v8, v5;
	v6 =	vtrunc.f32 v6  }
0x904: {  	v9 =	vadd.f32 v9, v5;
	v18 =	vtrunc.f32 v7;
	v7 =	vmul.f32 v12, v4  }
0x905: {  	v21 =	vld [tilespmem:s25+$0x60];
	v19 =	vtrunc.f32 v8;
	v8 =	vadd.f32 v11, v5;
	v11 =	vmul.f32 v13, v4  }
0x906: {  	v12 =	vld [tilespmem:s25+$0x40];
	v20 =	vtrunc.f32 v9;
	v17 =	vcvt.f32.s32 v6;
	v6 =	vadd.f32 v10, v5  }
0x907: {  	s22 =	simm.s32 $0x12180;
	v13 =	vmul.f32 v14, v4;
	v14 =	vld [tilespmem:s25+$0x50];
	v18 =	vcvt.f32.s32 v18;
	v9 =	vadd.f32 v7, v5  }
0x908: {  	v10 =	vld [tilespmem:s25+$0x30];
	v11 =	vadd.f32 v11, v5;
	v7 =	vtrunc.f32 v8;
	v6 =	vtrunc.f32 v6;
	[tilespmem:s22+$0x70] =	vst v17  }
0x909: {  	v15 =	vadd.f32 v15, v5;
	v17 =	vcvt.f32.s32 v19;
	[tilespmem:s22+$0xFFFFFF90] =	vst v18;
	v18 =	vcvt.f32.s32 v20  }
0x90a: {  	v8 =	vtrunc.f32 v9;
	v9 =	vtrunc.f32 v11  }
0x90b: {  	v16 =	vadd.f32 v16, v5;
	v11 =	vtrunc.f32 v15;
	v15 =	vmul.f32 v21, v4  }
0x90c: {  	v13 =	vadd.f32 v13, v5;
	v12 =	vmul.f32 v12, v4;
	v62 =	vmul.f32 v14, v4  }
0x90d: {  	v21 =	vadd.f32 v63, v5;
	v14 =	vtrunc.f32 v16;
	v23 =	vmul.f32 v10, v4  }
0x90e: {  	v10 =	vtrunc.f32 v13;
	v15 =	vadd.f32 v15, v5;
	v12 =	vadd.f32 v12, v5  }
0x90f: {  	v19 =	vtrunc.f32 v21;
	v16 =	vadd.f32 v62, v5;
	v13 =	vadd.f32 v23, v5  }
0x910: {  	v15 =	vtrunc.f32 v15;
	v12 =	vtrunc.f32 v12  }
0x911: {  	s24 =	simm.s32 $0x0;
	s23 =	simm.s32 $0x12180;
	s25 =	simm.s32 $0x2280;
	v16 =	vtrunc.f32 v16;
	v13 =	vtrunc.f32 v13  }
.LBB2_58:
0x912: {  	v20 =	vld [tilespmem:s25+$0x70];
	s24 =	sadd.s32 $0x100, s24;
	v19 =	vcvt.f32.s32 v19;
	[tilespmem:s22+$0xFFFFFFA0] =	vst v17;
	v6 =	vcvt.f32.s32 v6  }
0x913: {  	v7 =	vcvt.f32.s32 v7;
	v8 =	vcvt.f32.s32 v8;
	v17 =	vld [tilespmem:s25+$0xFFFFFF90];
	p0 =	slt.u32 s24, $0x3F00;
	[tilespmem:s22+$0xFFFFFFB0] =	vst v18  }
0x914: {  	v9 =	vcvt.f32.s32 v9;
	v10 =	vcvt.f32.s32 v10;
	v18 =	vld [tilespmem:s25+$0xFFFFFFA0];
	[tilespmem:s22+$0xFFFFFF80] =	vst v19  }
0x915: {  	v19 =	vld [tilespmem:s25+$0xFFFFFFB0];
	[tilespmem:s22+$0xFFFFFFC0] =	vst v6;
	v6 =	vcvt.f32.s32 v11;
	v11 =	vcvt.f32.s32 v14  }
0x916: {  	v12 =	vcvt.f32.s32 v12;
	v14 =	vld [tilespmem:s25+$0xFFFFFFC0];
	[tilespmem:s22+$0xFFFFFFD0] =	vst v7;
	v7 =	vcvt.f32.s32 v13  }
0x917: {  	v13 =	vld [tilespmem:s25+$0xFFFFFFD0];
	v20 =	vmul.f32 v20, v4;
	[tilespmem:s22+$0xFFFFFFE0] =	vst v8;
	v8 =	vcvt.f32.s32 v16  }
0x918: {  	v16 =	vmul.f32 v17, v4;
	v17 =	vld [tilespmem:s25+$0xFFFFFFE0];
	[tilespmem:s22+$0xFFFFFFF0] =	vst v9;
	v9 =	vcvt.f32.s32 v15  }
0x919: {  	v15 =	vmul.f32 v18, v4;
	v18 =	vld [tilespmem:s25+$0xFFFFFFF0];
	v20 =	vadd.f32 v20, v5;
	[tilespmem:s22+$0x0] =	vst v10  }
0x91a: {  	v10 =	vadd.f32 v16, v5;
	v16 =	vmul.f32 v19, v4;
	v19 =	vld [tilespmem:s25+$0x0];
	[tilespmem:s22+$0x10] =	vst v6  }
0x91b: {  	v6 =	vadd.f32 v15, v5;
	v14 =	vmul.f32 v14, v4;
	v15 =	vld [tilespmem:s25+$0x10];
	v20 =	vtrunc.f32 v20;
	[tilespmem:s22+$0x20] =	vst v11  }
0x91c: {  	v11 =	vadd.f32 v16, v5;
	v13 =	vmul.f32 v13, v4;
	v16 =	vld [tilespmem:s25+$0x20];
	v20 =	vcvt.f32.s32 v20;
	[tilespmem:s22+$0x30] =	vst v7  }
0x91d: {  	v21 =	vtrunc.f32 v10;
	s22 =	sadd.s32 $0x100, s22;
	v7 =	vadd.f32 v14, v5;
	v10 =	vmul.f32 v17, v4;
	v14 =	vld [tilespmem:s25+$0x30];
	[tilespmem:s23+$0x40] =	vst v12  }
0x91e: {  	v17 =	vtrunc.f32 v6;
	v12 =	vadd.f32 v13, v5;
	v13 =	vmul.f32 v18, v4;
	v18 =	vld [tilespmem:s25+$0x40];
	[tilespmem:s22+$0x70] =	vst v20  }
0x91f: {  	v20 =	vtrunc.f32 v11;
	v10 =	vadd.f32 v10, v5;
	v11 =	vmul.f32 v19, v4;
	v19 =	vld [tilespmem:s25+$0x50];
	[tilespmem:s23+$0x50] =	vst v8  }
0x920: {  	v6 =	vtrunc.f32 v7;
	v13 =	vadd.f32 v13, v5;
	v15 =	vmul.f32 v15, v4;
	v22 =	vld [tilespmem:s25+$0x60];
	[tilespmem:s23+$0x60] =	vst v9;
	s23 =	smov.u32 s22  }
0x921: {  	v7 =	vtrunc.f32 v12;
	v23 =	vld [tilespmem:s25+$0xFFFFFF80];
	v11 =	vadd.f32 v11, v5;
	v12 =	vmul.f32 v16, v4  }
0x922: {  	v8 =	vtrunc.f32 v10;
	v15 =	vadd.f32 v15, v5;
	v14 =	vmul.f32 v14, v4  }
0x923: {  	v9 =	vtrunc.f32 v13;
	v12 =	vadd.f32 v12, v5;
	v13 =	vmul.f32 v18, v4  }
0x924: {  	v10 =	vtrunc.f32 v11;
	v16 =	vadd.f32 v14, v5;
	v18 =	vmul.f32 v19, v4  }
0x925: {  	v11 =	vtrunc.f32 v15;
	v15 =	vadd.f32 v13, v5;
	v19 =	vmul.f32 v22, v4  }
.Ltmp28:
0x926: {  	v14 =	vtrunc.f32 v12;
	v22 =	vmul.f32 v23, v4;
	v18 =	vadd.f32 v18, v5;
	(pc) =	sbr.rel @p0 .LBB2_58-.Ltmp28, $4  }
0x927: {  	v13 =	vtrunc.f32 v16;
	v12 =	vtrunc.f32 v15;
	v15 =	vadd.f32 v19, v5  }
0x928: {  	v21 =	vcvt.f32.s32 v21;
	v19 =	vadd.f32 v22, v5;
	v16 =	vtrunc.f32 v18  }
0x929: {  	v17 =	vcvt.f32.s32 v17;
	v15 =	vtrunc.f32 v15  }
0x92a: {  	s25 =	sadd.s32 $0x100, s25;
	v18 =	vcvt.f32.s32 v20;
	v19 =	vtrunc.f32 v19;
	[tilespmem:s22+$0xFFFFFF90] =	vst v21  }
0x92b: {  	v19 =	vcvt.f32.s32 v19;
	[tilespmem:s22+$0xFFFFFFA0] =	vst v17  }
0x92c: {  	v6 =	vcvt.f32.s32 v6;
	[tilespmem:s22+$0xFFFFFFB0] =	vst v18  }
0x92d: {  	v7 =	vcvt.f32.s32 v7;
	[tilespmem:s22+$0xFFFFFF80] =	vst v19  }
0x92e: {  	v8 =	vcvt.f32.s32 v8;
	[tilespmem:s22+$0xFFFFFFC0] =	vst v6  }
0x92f: {  	v6 =	vcvt.f32.s32 v9;
	[tilespmem:s22+$0xFFFFFFD0] =	vst v7  }
0x930: {  	v7 =	vcvt.f32.s32 v10;
	[tilespmem:s22+$0xFFFFFFE0] =	vst v8  }
0x931: {  	v8 =	vcvt.f32.s32 v11;
	[tilespmem:s22+$0xFFFFFFF0] =	vst v6  }
0x932: {  	v6 =	vcvt.f32.s32 v14;
	[tilespmem:s22+$0x0] =	vst v7  }
0x933: {  	v7 =	vcvt.f32.s32 v13;
	[tilespmem:s22+$0x10] =	vst v8  }
0x934: {  	v8 =	vcvt.f32.s32 v12;
	[tilespmem:s22+$0x20] =	vst v6  }
0x935: {  	v6 =	vcvt.f32.s32 v16;
	[tilespmem:s22+$0x30] =	vst v7  }
0x936: {  	v7 =	vcvt.f32.s32 v15;
	[tilespmem:s23+$0x40] =	vst v8  }
0x937: {  	[tilespmem:s23+$0x50] =	vst v6  }
0x938: {  	[tilespmem:s23+$0x60] =	vst v7  }
0x939: {  	s22 =	sld [smem:$0x7FD];
	_ =	sdelay $0x2  }
0x93a: {  	[hbm4b:s22+s1] =	stream.linear.scatter [tilespmem:s17], [sflag:$0x5], $0x4000, $0x38;
	[tilespmem:$0x16100] =	vst v63  }
0x93b: {  	_ =	swait.ge [sflag:s16], $0x4000  }
0x93c: {  	[sflag:s16] =	ssyncset.done $0x0  }
0x93d: {  	[sflag:s16] =	ssyncadd.s32 $0xFFFFC000  }
0x93e: {  	[tilespmem:s11], [sflag:$0x1] =	stream.linear.gather [hbm4b:s0+s1], $0x4000, $0x38;
	[tilespmem:$0x16100] =	vst v63  }
0x93f: {  	_ =	swait.ge [sflag:s19], $0x4000  }
0x940: {  	[sflag:s19] =	ssyncset.done $0x0  }
0x941: {  	s25 =	simm.s32 $0x6180;
	[sflag:s19] =	ssyncadd.s32 $0xFFFFC000  }
0x942: {  	v6 =	vld [tilespmem:s25+$0x70]  }
0x943: {  	v7 =	vld [tilespmem:s25+$0xFFFFFF90]  }
0x944: {  	v8 =	vld [tilespmem:s25+$0xFFFFFFA0]  }
0x945: {  	v9 =	vld [tilespmem:s25+$0xFFFFFFB0]  }
0x946: {  	v10 =	vld [tilespmem:s25+$0xFFFFFFC0]  }
0x947: {  	v11 =	vld [tilespmem:s25+$0xFFFFFFD0]  }
0x948: {  	v15 =	vld [tilespmem:s25+$0x10]  }
0x949: {  	v16 =	vld [tilespmem:s25+$0x20]  }
0x94a: {  	v22 =	vld [tilespmem:s25+$0xFFFFFF80]  }
0x94b: {  	v12 =	vld [tilespmem:s25+$0xFFFFFFE0];
	v6 =	vmul.f32 v6, v4;
	v7 =	vmul.f32 v7, v4  }
0x94c: {  	v13 =	vld [tilespmem:s25+$0xFFFFFFF0];
	v8 =	vmul.f32 v8, v4;
	v9 =	vmul.f32 v9, v4  }
0x94d: {  	v10 =	vmul.f32 v10, v4;
	v11 =	vmul.f32 v11, v4;
	v6 =	vadd.f32 v6, v5  }
0x94e: {  	v14 =	vld [tilespmem:s25+$0x0];
	v15 =	vmul.f32 v15, v4;
	v16 =	vmul.f32 v16, v4;
	v7 =	vadd.f32 v7, v5  }
0x94f: {  	v63 =	vmul.f32 v22, v4;
	v8 =	vadd.f32 v8, v5;
	v6 =	vtrunc.f32 v6  }
0x950: {  	v9 =	vadd.f32 v9, v5;
	v18 =	vtrunc.f32 v7;
	v7 =	vmul.f32 v12, v4  }
0x951: {  	v21 =	vld [tilespmem:s25+$0x60];
	v19 =	vtrunc.f32 v8;
	v8 =	vadd.f32 v11, v5;
	v11 =	vmul.f32 v13, v4  }
0x952: {  	v12 =	vld [tilespmem:s25+$0x40];
	v20 =	vtrunc.f32 v9;
	v17 =	vcvt.f32.s32 v6;
	v6 =	vadd.f32 v10, v5  }
0x953: {  	s22 =	simm.s32 $0xE180;
	v13 =	vmul.f32 v14, v4;
	v14 =	vld [tilespmem:s25+$0x50];
	v18 =	vcvt.f32.s32 v18;
	v9 =	vadd.f32 v7, v5  }
0x954: {  	v10 =	vld [tilespmem:s25+$0x30];
	v11 =	vadd.f32 v11, v5;
	v7 =	vtrunc.f32 v8;
	v6 =	vtrunc.f32 v6;
	[tilespmem:s22+$0x70] =	vst v17  }
0x955: {  	v15 =	vadd.f32 v15, v5;
	v17 =	vcvt.f32.s32 v19;
	[tilespmem:s22+$0xFFFFFF90] =	vst v18;
	v18 =	vcvt.f32.s32 v20  }
0x956: {  	v8 =	vtrunc.f32 v9;
	v9 =	vtrunc.f32 v11  }
0x957: {  	v16 =	vadd.f32 v16, v5;
	v11 =	vtrunc.f32 v15;
	v15 =	vmul.f32 v21, v4  }
0x958: {  	v13 =	vadd.f32 v13, v5;
	v12 =	vmul.f32 v12, v4;
	v62 =	vmul.f32 v14, v4  }
0x959: {  	v21 =	vadd.f32 v63, v5;
	v14 =	vtrunc.f32 v16;
	v23 =	vmul.f32 v10, v4  }
0x95a: {  	v10 =	vtrunc.f32 v13;
	v15 =	vadd.f32 v15, v5;
	v12 =	vadd.f32 v12, v5  }
0x95b: {  	v19 =	vtrunc.f32 v21;
	v16 =	vadd.f32 v62, v5;
	v13 =	vadd.f32 v23, v5  }
0x95c: {  	v15 =	vtrunc.f32 v15;
	v12 =	vtrunc.f32 v12  }
0x95d: {  	s24 =	simm.s32 $0x0;
	s23 =	simm.s32 $0xE180;
	s25 =	simm.s32 $0x6280;
	v16 =	vtrunc.f32 v16;
	v13 =	vtrunc.f32 v13  }
.LBB2_60:
0x95e: {  	v20 =	vld [tilespmem:s25+$0x70];
	s24 =	sadd.s32 $0x100, s24;
	v19 =	vcvt.f32.s32 v19;
	[tilespmem:s22+$0xFFFFFFA0] =	vst v17;
	v6 =	vcvt.f32.s32 v6  }
0x95f: {  	v7 =	vcvt.f32.s32 v7;
	v8 =	vcvt.f32.s32 v8;
	v17 =	vld [tilespmem:s25+$0xFFFFFF90];
	p0 =	slt.u32 s24, $0x3F00;
	[tilespmem:s22+$0xFFFFFFB0] =	vst v18  }
0x960: {  	v9 =	vcvt.f32.s32 v9;
	v10 =	vcvt.f32.s32 v10;
	v18 =	vld [tilespmem:s25+$0xFFFFFFA0];
	[tilespmem:s22+$0xFFFFFF80] =	vst v19  }
0x961: {  	v19 =	vld [tilespmem:s25+$0xFFFFFFB0];
	[tilespmem:s22+$0xFFFFFFC0] =	vst v6;
	v6 =	vcvt.f32.s32 v11;
	v11 =	vcvt.f32.s32 v14  }
0x962: {  	v12 =	vcvt.f32.s32 v12;
	v14 =	vld [tilespmem:s25+$0xFFFFFFC0];
	[tilespmem:s22+$0xFFFFFFD0] =	vst v7;
	v7 =	vcvt.f32.s32 v13  }
0x963: {  	v13 =	vld [tilespmem:s25+$0xFFFFFFD0];
	v20 =	vmul.f32 v20, v4;
	[tilespmem:s22+$0xFFFFFFE0] =	vst v8;
	v8 =	vcvt.f32.s32 v16  }
0x964: {  	v16 =	vmul.f32 v17, v4;
	v17 =	vld [tilespmem:s25+$0xFFFFFFE0];
	[tilespmem:s22+$0xFFFFFFF0] =	vst v9;
	v9 =	vcvt.f32.s32 v15  }
0x965: {  	v15 =	vmul.f32 v18, v4;
	v18 =	vld [tilespmem:s25+$0xFFFFFFF0];
	v20 =	vadd.f32 v20, v5;
	[tilespmem:s22+$0x0] =	vst v10  }
0x966: {  	v10 =	vadd.f32 v16, v5;
	v16 =	vmul.f32 v19, v4;
	v19 =	vld [tilespmem:s25+$0x0];
	[tilespmem:s22+$0x10] =	vst v6  }
0x967: {  	v6 =	vadd.f32 v15, v5;
	v14 =	vmul.f32 v14, v4;
	v15 =	vld [tilespmem:s25+$0x10];
	v20 =	vtrunc.f32 v20;
	[tilespmem:s22+$0x20] =	vst v11  }
0x968: {  	v11 =	vadd.f32 v16, v5;
	v13 =	vmul.f32 v13, v4;
	v16 =	vld [tilespmem:s25+$0x20];
	v20 =	vcvt.f32.s32 v20;
	[tilespmem:s22+$0x30] =	vst v7  }
0x969: {  	v21 =	vtrunc.f32 v10;
	s22 =	sadd.s32 $0x100, s22;
	v7 =	vadd.f32 v14, v5;
	v10 =	vmul.f32 v17, v4;
	v14 =	vld [tilespmem:s25+$0x30];
	[tilespmem:s23+$0x40] =	vst v12  }
0x96a: {  	v17 =	vtrunc.f32 v6;
	v12 =	vadd.f32 v13, v5;
	v13 =	vmul.f32 v18, v4;
	v18 =	vld [tilespmem:s25+$0x40];
	[tilespmem:s22+$0x70] =	vst v20  }
0x96b: {  	v20 =	vtrunc.f32 v11;
	v10 =	vadd.f32 v10, v5;
	v11 =	vmul.f32 v19, v4;
	v19 =	vld [tilespmem:s25+$0x50];
	[tilespmem:s23+$0x50] =	vst v8  }
0x96c: {  	v6 =	vtrunc.f32 v7;
	v13 =	vadd.f32 v13, v5;
	v15 =	vmul.f32 v15, v4;
	v22 =	vld [tilespmem:s25+$0x60];
	[tilespmem:s23+$0x60] =	vst v9;
	s23 =	smov.u32 s22  }
0x96d: {  	v7 =	vtrunc.f32 v12;
	v23 =	vld [tilespmem:s25+$0xFFFFFF80];
	v11 =	vadd.f32 v11, v5;
	v12 =	vmul.f32 v16, v4  }
0x96e: {  	v8 =	vtrunc.f32 v10;
	v15 =	vadd.f32 v15, v5;
	v14 =	vmul.f32 v14, v4  }
0x96f: {  	v9 =	vtrunc.f32 v13;
	v12 =	vadd.f32 v12, v5;
	v13 =	vmul.f32 v18, v4  }
0x970: {  	v10 =	vtrunc.f32 v11;
	v16 =	vadd.f32 v14, v5;
	v18 =	vmul.f32 v19, v4  }
0x971: {  	v11 =	vtrunc.f32 v15;
	v15 =	vadd.f32 v13, v5;
	v19 =	vmul.f32 v22, v4  }
.Ltmp29:
0x972: {  	v14 =	vtrunc.f32 v12;
	v22 =	vmul.f32 v23, v4;
	v18 =	vadd.f32 v18, v5;
	(pc) =	sbr.rel @p0 .LBB2_60-.Ltmp29, $4  }
0x973: {  	v13 =	vtrunc.f32 v16;
	v12 =	vtrunc.f32 v15;
	v15 =	vadd.f32 v19, v5  }
0x974: {  	v21 =	vcvt.f32.s32 v21;
	v19 =	vadd.f32 v22, v5;
	v16 =	vtrunc.f32 v18  }
0x975: {  	v17 =	vcvt.f32.s32 v17;
	v15 =	vtrunc.f32 v15  }
0x976: {  	s25 =	sadd.s32 $0x100, s25;
	v18 =	vcvt.f32.s32 v20;
	v19 =	vtrunc.f32 v19;
	[tilespmem:s22+$0xFFFFFF90] =	vst v21  }
0x977: {  	v19 =	vcvt.f32.s32 v19;
	[tilespmem:s22+$0xFFFFFFA0] =	vst v17  }
0x978: {  	v6 =	vcvt.f32.s32 v6;
	[tilespmem:s22+$0xFFFFFFB0] =	vst v18  }
0x979: {  	v7 =	vcvt.f32.s32 v7;
	[tilespmem:s22+$0xFFFFFF80] =	vst v19  }
0x97a: {  	v8 =	vcvt.f32.s32 v8;
	[tilespmem:s22+$0xFFFFFFC0] =	vst v6  }
0x97b: {  	v6 =	vcvt.f32.s32 v9;
	[tilespmem:s22+$0xFFFFFFD0] =	vst v7  }
0x97c: {  	v7 =	vcvt.f32.s32 v10;
	[tilespmem:s22+$0xFFFFFFE0] =	vst v8  }
0x97d: {  	v8 =	vcvt.f32.s32 v11;
	[tilespmem:s22+$0xFFFFFFF0] =	vst v6  }
0x97e: {  	v6 =	vcvt.f32.s32 v14;
	[tilespmem:s22+$0x0] =	vst v7  }
0x97f: {  	v7 =	vcvt.f32.s32 v13;
	[tilespmem:s22+$0x10] =	vst v8  }
0x980: {  	v8 =	vcvt.f32.s32 v12;
	[tilespmem:s22+$0x20] =	vst v6  }
0x981: {  	v6 =	vcvt.f32.s32 v16;
	[tilespmem:s22+$0x30] =	vst v7  }
0x982: {  	v7 =	vcvt.f32.s32 v15;
	[tilespmem:s23+$0x40] =	vst v8  }
0x983: {  	[tilespmem:s23+$0x50] =	vst v6  }
0x984: {  	[tilespmem:s23+$0x60] =	vst v7  }
0x985: {  	[hbm4b:s28+s1] =	stream.linear.scatter [tilespmem:s15], [sflag:$0x4], $0x4000, $0x38;
	[tilespmem:$0x16100] =	vst v63  }
0x986: {  	_ =	swait.ge [sflag:s18], $0x4000  }
0x987: {  	[sflag:s18] =	ssyncset.done $0x0  }
0x988: {  	[sflag:s18] =	ssyncadd.s32 $0xFFFFC000  }
0x989: {  	[tilespmem:s12], [sflag:$0x2] =	stream.linear.gather [hbm4b:s2+s1], $0x4000, $0x38;
	[tilespmem:$0x16100] =	vst v63  }
0x98a: {  	_ =	swait.ge [sflag:s20], $0x4000  }
0x98b: {  	[sflag:s20] =	ssyncset.done $0x0  }
0x98c: {  	s25 =	simm.s32 $0xA180;
	[sflag:s20] =	ssyncadd.s32 $0xFFFFC000  }
0x98d: {  	v6 =	vld [tilespmem:s25+$0x70]  }
0x98e: {  	v7 =	vld [tilespmem:s25+$0xFFFFFF90]  }
0x98f: {  	v8 =	vld [tilespmem:s25+$0xFFFFFFA0]  }
0x990: {  	v9 =	vld [tilespmem:s25+$0xFFFFFFB0]  }
0x991: {  	v10 =	vld [tilespmem:s25+$0xFFFFFFC0]  }
0x992: {  	v11 =	vld [tilespmem:s25+$0xFFFFFFD0]  }
0x993: {  	v15 =	vld [tilespmem:s25+$0x10]  }
0x994: {  	v16 =	vld [tilespmem:s25+$0x20]  }
0x995: {  	v22 =	vld [tilespmem:s25+$0xFFFFFF80]  }
0x996: {  	v12 =	vld [tilespmem:s25+$0xFFFFFFE0];
	v6 =	vmul.f32 v6, v4;
	v7 =	vmul.f32 v7, v4  }
0x997: {  	v13 =	vld [tilespmem:s25+$0xFFFFFFF0];
	v8 =	vmul.f32 v8, v4;
	v9 =	vmul.f32 v9, v4  }
0x998: {  	v10 =	vmul.f32 v10, v4;
	v11 =	vmul.f32 v11, v4;
	v6 =	vadd.f32 v6, v5  }
0x999: {  	v14 =	vld [tilespmem:s25+$0x0];
	v15 =	vmul.f32 v15, v4;
	v16 =	vmul.f32 v16, v4;
	v7 =	vadd.f32 v7, v5  }
0x99a: {  	v63 =	vmul.f32 v22, v4;
	v8 =	vadd.f32 v8, v5;
	v6 =	vtrunc.f32 v6  }
0x99b: {  	v9 =	vadd.f32 v9, v5;
	v18 =	vtrunc.f32 v7;
	v7 =	vmul.f32 v12, v4  }
0x99c: {  	v21 =	vld [tilespmem:s25+$0x60];
	v19 =	vtrunc.f32 v8;
	v8 =	vadd.f32 v11, v5;
	v11 =	vmul.f32 v13, v4  }
0x99d: {  	v12 =	vld [tilespmem:s25+$0x40];
	v20 =	vtrunc.f32 v9;
	v17 =	vcvt.f32.s32 v6;
	v6 =	vadd.f32 v10, v5  }
0x99e: {  	s22 =	simm.s32 $0x12180;
	v13 =	vmul.f32 v14, v4;
	v14 =	vld [tilespmem:s25+$0x50];
	v18 =	vcvt.f32.s32 v18;
	v9 =	vadd.f32 v7, v5  }
0x99f: {  	v10 =	vld [tilespmem:s25+$0x30];
	v11 =	vadd.f32 v11, v5;
	v7 =	vtrunc.f32 v8;
	v6 =	vtrunc.f32 v6;
	[tilespmem:s22+$0x70] =	vst v17  }
0x9a0: {  	v15 =	vadd.f32 v15, v5;
	v17 =	vcvt.f32.s32 v19;
	[tilespmem:s22+$0xFFFFFF90] =	vst v18;
	v18 =	vcvt.f32.s32 v20  }
0x9a1: {  	v8 =	vtrunc.f32 v9;
	v9 =	vtrunc.f32 v11  }
0x9a2: {  	v16 =	vadd.f32 v16, v5;
	v11 =	vtrunc.f32 v15;
	v15 =	vmul.f32 v21, v4  }
0x9a3: {  	v13 =	vadd.f32 v13, v5;
	v12 =	vmul.f32 v12, v4;
	v62 =	vmul.f32 v14, v4  }
0x9a4: {  	v21 =	vadd.f32 v63, v5;
	v14 =	vtrunc.f32 v16;
	v23 =	vmul.f32 v10, v4  }
0x9a5: {  	v10 =	vtrunc.f32 v13;
	v15 =	vadd.f32 v15, v5;
	v12 =	vadd.f32 v12, v5  }
0x9a6: {  	v19 =	vtrunc.f32 v21;
	v16 =	vadd.f32 v62, v5;
	v13 =	vadd.f32 v23, v5  }
0x9a7: {  	v15 =	vtrunc.f32 v15;
	v12 =	vtrunc.f32 v12  }
0x9a8: {  	s24 =	simm.s32 $0x0;
	s23 =	simm.s32 $0x12180;
	s25 =	simm.s32 $0xA280;
	v16 =	vtrunc.f32 v16;
	v13 =	vtrunc.f32 v13  }
.LBB2_62:
0x9a9: {  	v20 =	vld [tilespmem:s25+$0x70];
	s24 =	sadd.s32 $0x100, s24;
	v19 =	vcvt.f32.s32 v19;
	[tilespmem:s22+$0xFFFFFFA0] =	vst v17;
	v6 =	vcvt.f32.s32 v6  }
0x9aa: {  	v7 =	vcvt.f32.s32 v7;
	v8 =	vcvt.f32.s32 v8;
	v17 =	vld [tilespmem:s25+$0xFFFFFF90];
	p0 =	slt.u32 s24, $0x3F00;
	[tilespmem:s22+$0xFFFFFFB0] =	vst v18  }
0x9ab: {  	v9 =	vcvt.f32.s32 v9;
	v10 =	vcvt.f32.s32 v10;
	v18 =	vld [tilespmem:s25+$0xFFFFFFA0];
	[tilespmem:s22+$0xFFFFFF80] =	vst v19  }
0x9ac: {  	v19 =	vld [tilespmem:s25+$0xFFFFFFB0];
	[tilespmem:s22+$0xFFFFFFC0] =	vst v6;
	v6 =	vcvt.f32.s32 v11;
	v11 =	vcvt.f32.s32 v14  }
0x9ad: {  	v12 =	vcvt.f32.s32 v12;
	v14 =	vld [tilespmem:s25+$0xFFFFFFC0];
	[tilespmem:s22+$0xFFFFFFD0] =	vst v7;
	v7 =	vcvt.f32.s32 v13  }
0x9ae: {  	v13 =	vld [tilespmem:s25+$0xFFFFFFD0];
	v20 =	vmul.f32 v20, v4;
	[tilespmem:s22+$0xFFFFFFE0] =	vst v8;
	v8 =	vcvt.f32.s32 v16  }
0x9af: {  	v16 =	vmul.f32 v17, v4;
	v17 =	vld [tilespmem:s25+$0xFFFFFFE0];
	[tilespmem:s22+$0xFFFFFFF0] =	vst v9;
	v9 =	vcvt.f32.s32 v15  }
0x9b0: {  	v15 =	vmul.f32 v18, v4;
	v18 =	vld [tilespmem:s25+$0xFFFFFFF0];
	v20 =	vadd.f32 v20, v5;
	[tilespmem:s22+$0x0] =	vst v10  }
0x9b1: {  	v10 =	vadd.f32 v16, v5;
	v16 =	vmul.f32 v19, v4;
	v19 =	vld [tilespmem:s25+$0x0];
	[tilespmem:s22+$0x10] =	vst v6  }
0x9b2: {  	v6 =	vadd.f32 v15, v5;
	v14 =	vmul.f32 v14, v4;
	v15 =	vld [tilespmem:s25+$0x10];
	v20 =	vtrunc.f32 v20;
	[tilespmem:s22+$0x20] =	vst v11  }
0x9b3: {  	v11 =	vadd.f32 v16, v5;
	v13 =	vmul.f32 v13, v4;
	v16 =	vld [tilespmem:s25+$0x20];
	v20 =	vcvt.f32.s32 v20;
	[tilespmem:s22+$0x30] =	vst v7  }
0x9b4: {  	v21 =	vtrunc.f32 v10;
	s22 =	sadd.s32 $0x100, s22;
	v7 =	vadd.f32 v14, v5;
	v10 =	vmul.f32 v17, v4;
	v14 =	vld [tilespmem:s25+$0x30];
	[tilespmem:s23+$0x40] =	vst v12  }
0x9b5: {  	v17 =	vtrunc.f32 v6;
	v12 =	vadd.f32 v13, v5;
	v13 =	vmul.f32 v18, v4;
	v18 =	vld [tilespmem:s25+$0x40];
	[tilespmem:s22+$0x70] =	vst v20  }
0x9b6: {  	v20 =	vtrunc.f32 v11;
	v10 =	vadd.f32 v10, v5;
	v11 =	vmul.f32 v19, v4;
	v19 =	vld [tilespmem:s25+$0x50];
	[tilespmem:s23+$0x50] =	vst v8  }
0x9b7: {  	v6 =	vtrunc.f32 v7;
	v13 =	vadd.f32 v13, v5;
	v15 =	vmul.f32 v15, v4;
	v22 =	vld [tilespmem:s25+$0x60];
	[tilespmem:s23+$0x60] =	vst v9;
	s23 =	smov.u32 s22  }
0x9b8: {  	v7 =	vtrunc.f32 v12;
	v23 =	vld [tilespmem:s25+$0xFFFFFF80];
	v11 =	vadd.f32 v11, v5;
	v12 =	vmul.f32 v16, v4  }
0x9b9: {  	v8 =	vtrunc.f32 v10;
	v15 =	vadd.f32 v15, v5;
	v14 =	vmul.f32 v14, v4  }
0x9ba: {  	v9 =	vtrunc.f32 v13;
	v12 =	vadd.f32 v12, v5;
	v13 =	vmul.f32 v18, v4  }
0x9bb: {  	v10 =	vtrunc.f32 v11;
	v16 =	vadd.f32 v14, v5;
	v18 =	vmul.f32 v19, v4  }
0x9bc: {  	v11 =	vtrunc.f32 v15;
	v15 =	vadd.f32 v13, v5;
	v19 =	vmul.f32 v22, v4  }
.Ltmp30:
0x9bd: {  	v14 =	vtrunc.f32 v12;
	v22 =	vmul.f32 v23, v4;
	v18 =	vadd.f32 v18, v5;
	(pc) =	sbr.rel @p0 .LBB2_62-.Ltmp30, $4  }
0x9be: {  	v13 =	vtrunc.f32 v16;
	v12 =	vtrunc.f32 v15;
	v15 =	vadd.f32 v19, v5  }
0x9bf: {  	v21 =	vcvt.f32.s32 v21;
	v19 =	vadd.f32 v22, v5;
	v16 =	vtrunc.f32 v18  }
0x9c0: {  	v17 =	vcvt.f32.s32 v17;
	v15 =	vtrunc.f32 v15  }
0x9c1: {  	s25 =	sadd.s32 $0x100, s25;
	v18 =	vcvt.f32.s32 v20;
	v19 =	vtrunc.f32 v19;
	[tilespmem:s22+$0xFFFFFF90] =	vst v21  }
0x9c2: {  	v19 =	vcvt.f32.s32 v19;
	[tilespmem:s22+$0xFFFFFFA0] =	vst v17  }
0x9c3: {  	v6 =	vcvt.f32.s32 v6;
	[tilespmem:s22+$0xFFFFFFB0] =	vst v18  }
0x9c4: {  	v7 =	vcvt.f32.s32 v7;
	[tilespmem:s22+$0xFFFFFF80] =	vst v19  }
0x9c5: {  	v8 =	vcvt.f32.s32 v8;
	[tilespmem:s22+$0xFFFFFFC0] =	vst v6  }
0x9c6: {  	v6 =	vcvt.f32.s32 v9;
	[tilespmem:s22+$0xFFFFFFD0] =	vst v7  }
0x9c7: {  	v7 =	vcvt.f32.s32 v10;
	[tilespmem:s22+$0xFFFFFFE0] =	vst v8  }
0x9c8: {  	v8 =	vcvt.f32.s32 v11;
	[tilespmem:s22+$0xFFFFFFF0] =	vst v6  }
0x9c9: {  	v6 =	vcvt.f32.s32 v14;
	[tilespmem:s22+$0x0] =	vst v7  }
0x9ca: {  	v7 =	vcvt.f32.s32 v13;
	[tilespmem:s22+$0x10] =	vst v8  }
0x9cb: {  	v8 =	vcvt.f32.s32 v12;
	[tilespmem:s22+$0x20] =	vst v6  }
0x9cc: {  	v6 =	vcvt.f32.s32 v16;
	[tilespmem:s22+$0x30] =	vst v7  }
0x9cd: {  	v7 =	vcvt.f32.s32 v15;
	[tilespmem:s23+$0x40] =	vst v8  }
0x9ce: {  	[tilespmem:s23+$0x50] =	vst v6  }
0x9cf: {  	[tilespmem:s23+$0x60] =	vst v7  }
0x9d0: {  	[hbm4b:s3+s1] =	stream.linear.scatter [tilespmem:s17], [sflag:$0x5], $0x4000, $0x38;
	[tilespmem:$0x16100] =	vst v63  }
0x9d1: {  	_ =	swait.ge [sflag:s13], $0x4000  }
0x9d2: {  	[sflag:s13] =	ssyncset.done $0x0  }
0x9d3: {  	[sflag:s13] =	ssyncadd.s32 $0xFFFFC000  }
0x9d4: {  	_ =	swait.ge [sflag:s19], $0x4000  }
0x9d5: {  	[sflag:s19] =	ssyncset.done $0x0  }
0x9d6: {  	s25 =	simm.s32 $0x2180;
	[sflag:s19] =	ssyncadd.s32 $0xFFFFC000  }
0x9d7: {  	v6 =	vld [tilespmem:s25+$0x70]  }
0x9d8: {  	v7 =	vld [tilespmem:s25+$0xFFFFFF90]  }
0x9d9: {  	v8 =	vld [tilespmem:s25+$0xFFFFFFA0]  }
0x9da: {  	v9 =	vld [tilespmem:s25+$0xFFFFFFB0]  }
0x9db: {  	v10 =	vld [tilespmem:s25+$0xFFFFFFC0]  }
0x9dc: {  	v11 =	vld [tilespmem:s25+$0xFFFFFFD0]  }
0x9dd: {  	v15 =	vld [tilespmem:s25+$0x10]  }
0x9de: {  	v16 =	vld [tilespmem:s25+$0x20]  }
0x9df: {  	v22 =	vld [tilespmem:s25+$0xFFFFFF80]  }
0x9e0: {  	v12 =	vld [tilespmem:s25+$0xFFFFFFE0];
	v6 =	vmul.f32 v6, v4;
	v7 =	vmul.f32 v7, v4  }
0x9e1: {  	v13 =	vld [tilespmem:s25+$0xFFFFFFF0];
	v8 =	vmul.f32 v8, v4;
	v9 =	vmul.f32 v9, v4  }
0x9e2: {  	v10 =	vmul.f32 v10, v4;
	v11 =	vmul.f32 v11, v4;
	v6 =	vadd.f32 v6, v5  }
0x9e3: {  	v14 =	vld [tilespmem:s25+$0x0];
	v15 =	vmul.f32 v15, v4;
	v16 =	vmul.f32 v16, v4;
	v7 =	vadd.f32 v7, v5  }
0x9e4: {  	v63 =	vmul.f32 v22, v4;
	v8 =	vadd.f32 v8, v5;
	v6 =	vtrunc.f32 v6  }
0x9e5: {  	v9 =	vadd.f32 v9, v5;
	v18 =	vtrunc.f32 v7;
	v7 =	vmul.f32 v12, v4  }
0x9e6: {  	v21 =	vld [tilespmem:s25+$0x60];
	v19 =	vtrunc.f32 v8;
	v8 =	vadd.f32 v11, v5;
	v11 =	vmul.f32 v13, v4  }
0x9e7: {  	v12 =	vld [tilespmem:s25+$0x40];
	v20 =	vtrunc.f32 v9;
	v17 =	vcvt.f32.s32 v6;
	v6 =	vadd.f32 v10, v5  }
0x9e8: {  	s22 =	simm.s32 $0xE180;
	v13 =	vmul.f32 v14, v4;
	v14 =	vld [tilespmem:s25+$0x50];
	v18 =	vcvt.f32.s32 v18;
	v9 =	vadd.f32 v7, v5  }
0x9e9: {  	v10 =	vld [tilespmem:s25+$0x30];
	v11 =	vadd.f32 v11, v5;
	v7 =	vtrunc.f32 v8;
	v6 =	vtrunc.f32 v6;
	[tilespmem:s22+$0x70] =	vst v17  }
0x9ea: {  	v15 =	vadd.f32 v15, v5;
	v17 =	vcvt.f32.s32 v19;
	[tilespmem:s22+$0xFFFFFF90] =	vst v18;
	v18 =	vcvt.f32.s32 v20  }
0x9eb: {  	v8 =	vtrunc.f32 v9;
	v9 =	vtrunc.f32 v11  }
0x9ec: {  	v16 =	vadd.f32 v16, v5;
	v11 =	vtrunc.f32 v15;
	v15 =	vmul.f32 v21, v4  }
0x9ed: {  	v13 =	vadd.f32 v13, v5;
	v12 =	vmul.f32 v12, v4;
	v62 =	vmul.f32 v14, v4  }
0x9ee: {  	v21 =	vadd.f32 v63, v5;
	v14 =	vtrunc.f32 v16;
	v23 =	vmul.f32 v10, v4  }
0x9ef: {  	v10 =	vtrunc.f32 v13;
	v15 =	vadd.f32 v15, v5;
	v12 =	vadd.f32 v12, v5  }
0x9f0: {  	v19 =	vtrunc.f32 v21;
	v16 =	vadd.f32 v62, v5;
	v13 =	vadd.f32 v23, v5  }
0x9f1: {  	v15 =	vtrunc.f32 v15;
	v12 =	vtrunc.f32 v12  }
0x9f2: {  	s24 =	simm.s32 $0x0;
	s23 =	simm.s32 $0xE180;
	s25 =	simm.s32 $0x2280;
	v16 =	vtrunc.f32 v16;
	v13 =	vtrunc.f32 v13  }
.LBB2_64:
0x9f3: {  	v20 =	vld [tilespmem:s25+$0x70];
	s24 =	sadd.s32 $0x100, s24;
	v19 =	vcvt.f32.s32 v19;
	[tilespmem:s22+$0xFFFFFFA0] =	vst v17;
	v6 =	vcvt.f32.s32 v6  }
0x9f4: {  	v7 =	vcvt.f32.s32 v7;
	v8 =	vcvt.f32.s32 v8;
	v17 =	vld [tilespmem:s25+$0xFFFFFF90];
	p0 =	slt.u32 s24, $0x3F00;
	[tilespmem:s22+$0xFFFFFFB0] =	vst v18  }
0x9f5: {  	v9 =	vcvt.f32.s32 v9;
	v10 =	vcvt.f32.s32 v10;
	v18 =	vld [tilespmem:s25+$0xFFFFFFA0];
	[tilespmem:s22+$0xFFFFFF80] =	vst v19  }
0x9f6: {  	v19 =	vld [tilespmem:s25+$0xFFFFFFB0];
	[tilespmem:s22+$0xFFFFFFC0] =	vst v6;
	v6 =	vcvt.f32.s32 v11;
	v11 =	vcvt.f32.s32 v14  }
0x9f7: {  	v12 =	vcvt.f32.s32 v12;
	v14 =	vld [tilespmem:s25+$0xFFFFFFC0];
	[tilespmem:s22+$0xFFFFFFD0] =	vst v7;
	v7 =	vcvt.f32.s32 v13  }
0x9f8: {  	v13 =	vld [tilespmem:s25+$0xFFFFFFD0];
	v20 =	vmul.f32 v20, v4;
	[tilespmem:s22+$0xFFFFFFE0] =	vst v8;
	v8 =	vcvt.f32.s32 v16  }
0x9f9: {  	v16 =	vmul.f32 v17, v4;
	v17 =	vld [tilespmem:s25+$0xFFFFFFE0];
	[tilespmem:s22+$0xFFFFFFF0] =	vst v9;
	v9 =	vcvt.f32.s32 v15  }
0x9fa: {  	v15 =	vmul.f32 v18, v4;
	v18 =	vld [tilespmem:s25+$0xFFFFFFF0];
	v20 =	vadd.f32 v20, v5;
	[tilespmem:s22+$0x0] =	vst v10  }
0x9fb: {  	v10 =	vadd.f32 v16, v5;
	v16 =	vmul.f32 v19, v4;
	v19 =	vld [tilespmem:s25+$0x0];
	[tilespmem:s22+$0x10] =	vst v6  }
0x9fc: {  	v6 =	vadd.f32 v15, v5;
	v14 =	vmul.f32 v14, v4;
	v15 =	vld [tilespmem:s25+$0x10];
	v20 =	vtrunc.f32 v20;
	[tilespmem:s22+$0x20] =	vst v11  }
0x9fd: {  	v11 =	vadd.f32 v16, v5;
	v13 =	vmul.f32 v13, v4;
	v16 =	vld [tilespmem:s25+$0x20];
	v20 =	vcvt.f32.s32 v20;
	[tilespmem:s22+$0x30] =	vst v7  }
0x9fe: {  	v21 =	vtrunc.f32 v10;
	s22 =	sadd.s32 $0x100, s22;
	v7 =	vadd.f32 v14, v5;
	v10 =	vmul.f32 v17, v4;
	v14 =	vld [tilespmem:s25+$0x30];
	[tilespmem:s23+$0x40] =	vst v12  }
0x9ff: {  	v17 =	vtrunc.f32 v6;
	v12 =	vadd.f32 v13, v5;
	v13 =	vmul.f32 v18, v4;
	v18 =	vld [tilespmem:s25+$0x40];
	[tilespmem:s22+$0x70] =	vst v20  }
0xa00: {  	v20 =	vtrunc.f32 v11;
	v10 =	vadd.f32 v10, v5;
	v11 =	vmul.f32 v19, v4;
	v19 =	vld [tilespmem:s25+$0x50];
	[tilespmem:s23+$0x50] =	vst v8  }
0xa01: {  	v6 =	vtrunc.f32 v7;
	v13 =	vadd.f32 v13, v5;
	v15 =	vmul.f32 v15, v4;
	v22 =	vld [tilespmem:s25+$0x60];
	[tilespmem:s23+$0x60] =	vst v9;
	s23 =	smov.u32 s22  }
0xa02: {  	v7 =	vtrunc.f32 v12;
	v23 =	vld [tilespmem:s25+$0xFFFFFF80];
	v11 =	vadd.f32 v11, v5;
	v12 =	vmul.f32 v16, v4  }
0xa03: {  	v8 =	vtrunc.f32 v10;
	v15 =	vadd.f32 v15, v5;
	v14 =	vmul.f32 v14, v4  }
0xa04: {  	v9 =	vtrunc.f32 v13;
	v12 =	vadd.f32 v12, v5;
	v13 =	vmul.f32 v18, v4  }
0xa05: {  	v10 =	vtrunc.f32 v11;
	v16 =	vadd.f32 v14, v5;
	v18 =	vmul.f32 v19, v4  }
0xa06: {  	v11 =	vtrunc.f32 v15;
	v15 =	vadd.f32 v13, v5;
	v19 =	vmul.f32 v22, v4  }
.Ltmp31:
0xa07: {  	v14 =	vtrunc.f32 v12;
	v22 =	vmul.f32 v23, v4;
	v18 =	vadd.f32 v18, v5;
	(pc) =	sbr.rel @p0 .LBB2_64-.Ltmp31, $4  }
0xa08: {  	v13 =	vtrunc.f32 v16;
	v12 =	vtrunc.f32 v15;
	v15 =	vadd.f32 v19, v5  }
0xa09: {  	v21 =	vcvt.f32.s32 v21;
	v19 =	vadd.f32 v22, v5;
	v16 =	vtrunc.f32 v18  }
0xa0a: {  	v17 =	vcvt.f32.s32 v17;
	v15 =	vtrunc.f32 v15  }
0xa0b: {  	s25 =	sadd.s32 $0x100, s25;
	v18 =	vcvt.f32.s32 v20;
	v19 =	vtrunc.f32 v19;
	[tilespmem:s22+$0xFFFFFF90] =	vst v21  }
0xa0c: {  	v19 =	vcvt.f32.s32 v19;
	[tilespmem:s22+$0xFFFFFFA0] =	vst v17  }
0xa0d: {  	v6 =	vcvt.f32.s32 v6;
	[tilespmem:s22+$0xFFFFFFB0] =	vst v18  }
0xa0e: {  	v7 =	vcvt.f32.s32 v7;
	[tilespmem:s22+$0xFFFFFF80] =	vst v19  }
0xa0f: {  	v8 =	vcvt.f32.s32 v8;
	[tilespmem:s22+$0xFFFFFFC0] =	vst v6  }
0xa10: {  	v6 =	vcvt.f32.s32 v9;
	[tilespmem:s22+$0xFFFFFFD0] =	vst v7  }
0xa11: {  	v7 =	vcvt.f32.s32 v10;
	[tilespmem:s22+$0xFFFFFFE0] =	vst v8  }
0xa12: {  	v8 =	vcvt.f32.s32 v11;
	[tilespmem:s22+$0xFFFFFFF0] =	vst v6  }
0xa13: {  	v6 =	vcvt.f32.s32 v14;
	[tilespmem:s22+$0x0] =	vst v7  }
0xa14: {  	v7 =	vcvt.f32.s32 v13;
	[tilespmem:s22+$0x10] =	vst v8  }
0xa15: {  	v8 =	vcvt.f32.s32 v12;
	[tilespmem:s22+$0x20] =	vst v6  }
0xa16: {  	v6 =	vcvt.f32.s32 v16;
	[tilespmem:s22+$0x30] =	vst v7  }
0xa17: {  	v7 =	vcvt.f32.s32 v15;
	[tilespmem:s23+$0x40] =	vst v8  }
0xa18: {  	[tilespmem:s23+$0x50] =	vst v6  }
0xa19: {  	[tilespmem:s23+$0x60] =	vst v7  }
0xa1a: {  	[hbm4b:s4+s1] =	stream.linear.scatter [tilespmem:s15], [sflag:$0x4], $0x4000, $0x38;
	[tilespmem:$0x16100] =	vst v63  }
0xa1b: {  	_ =	swait.ge [sflag:s16], $0x4000  }
0xa1c: {  	[sflag:s16] =	ssyncset.done $0x0  }
0xa1d: {  	[sflag:s16] =	ssyncadd.s32 $0xFFFFC000  }
0xa1e: {  	_ =	swait.ge [sflag:s20], $0x4000  }
0xa1f: {  	[sflag:s20] =	ssyncset.done $0x0  }
0xa20: {  	s25 =	simm.s32 $0x6180;
	[sflag:s20] =	ssyncadd.s32 $0xFFFFC000  }
0xa21: {  	v6 =	vld [tilespmem:s25+$0x70]  }
0xa22: {  	v7 =	vld [tilespmem:s25+$0xFFFFFF90]  }
0xa23: {  	v8 =	vld [tilespmem:s25+$0xFFFFFFA0]  }
0xa24: {  	v9 =	vld [tilespmem:s25+$0xFFFFFFB0]  }
0xa25: {  	v10 =	vld [tilespmem:s25+$0xFFFFFFC0]  }
0xa26: {  	v11 =	vld [tilespmem:s25+$0xFFFFFFD0]  }
0xa27: {  	v15 =	vld [tilespmem:s25+$0x10]  }
0xa28: {  	v16 =	vld [tilespmem:s25+$0x20]  }
0xa29: {  	v22 =	vld [tilespmem:s25+$0xFFFFFF80]  }
0xa2a: {  	v12 =	vld [tilespmem:s25+$0xFFFFFFE0];
	v6 =	vmul.f32 v6, v4;
	v7 =	vmul.f32 v7, v4  }
0xa2b: {  	v13 =	vld [tilespmem:s25+$0xFFFFFFF0];
	v8 =	vmul.f32 v8, v4;
	v9 =	vmul.f32 v9, v4  }
0xa2c: {  	v10 =	vmul.f32 v10, v4;
	v11 =	vmul.f32 v11, v4;
	v6 =	vadd.f32 v6, v5  }
0xa2d: {  	v14 =	vld [tilespmem:s25+$0x0];
	v15 =	vmul.f32 v15, v4;
	v16 =	vmul.f32 v16, v4;
	v7 =	vadd.f32 v7, v5  }
0xa2e: {  	v63 =	vmul.f32 v22, v4;
	v8 =	vadd.f32 v8, v5;
	v6 =	vtrunc.f32 v6  }
0xa2f: {  	v9 =	vadd.f32 v9, v5;
	v18 =	vtrunc.f32 v7;
	v7 =	vmul.f32 v12, v4  }
0xa30: {  	v21 =	vld [tilespmem:s25+$0x60];
	v19 =	vtrunc.f32 v8;
	v8 =	vadd.f32 v11, v5;
	v11 =	vmul.f32 v13, v4  }
0xa31: {  	v12 =	vld [tilespmem:s25+$0x40];
	v20 =	vtrunc.f32 v9;
	v17 =	vcvt.f32.s32 v6;
	v6 =	vadd.f32 v10, v5  }
0xa32: {  	s22 =	simm.s32 $0x12180;
	v13 =	vmul.f32 v14, v4;
	v14 =	vld [tilespmem:s25+$0x50];
	v18 =	vcvt.f32.s32 v18;
	v9 =	vadd.f32 v7, v5  }
0xa33: {  	v10 =	vld [tilespmem:s25+$0x30];
	v11 =	vadd.f32 v11, v5;
	v7 =	vtrunc.f32 v8;
	v6 =	vtrunc.f32 v6;
	[tilespmem:s22+$0x70] =	vst v17  }
0xa34: {  	v15 =	vadd.f32 v15, v5;
	v17 =	vcvt.f32.s32 v19;
	[tilespmem:s22+$0xFFFFFF90] =	vst v18;
	v18 =	vcvt.f32.s32 v20  }
0xa35: {  	v8 =	vtrunc.f32 v9;
	v9 =	vtrunc.f32 v11  }
0xa36: {  	v16 =	vadd.f32 v16, v5;
	v11 =	vtrunc.f32 v15;
	v15 =	vmul.f32 v21, v4  }
0xa37: {  	v13 =	vadd.f32 v13, v5;
	v12 =	vmul.f32 v12, v4;
	v62 =	vmul.f32 v14, v4  }
0xa38: {  	v21 =	vadd.f32 v63, v5;
	v14 =	vtrunc.f32 v16;
	v23 =	vmul.f32 v10, v4  }
0xa39: {  	v10 =	vtrunc.f32 v13;
	v15 =	vadd.f32 v15, v5;
	v12 =	vadd.f32 v12, v5  }
0xa3a: {  	v19 =	vtrunc.f32 v21;
	v16 =	vadd.f32 v62, v5;
	v13 =	vadd.f32 v23, v5  }
0xa3b: {  	v15 =	vtrunc.f32 v15;
	v12 =	vtrunc.f32 v12  }
0xa3c: {  	s24 =	simm.s32 $0x0;
	s23 =	simm.s32 $0x12180;
	s25 =	simm.s32 $0x6280;
	v16 =	vtrunc.f32 v16;
	v13 =	vtrunc.f32 v13  }
.LBB2_66:
0xa3d: {  	v20 =	vld [tilespmem:s25+$0x70];
	s24 =	sadd.s32 $0x100, s24;
	v19 =	vcvt.f32.s32 v19;
	[tilespmem:s22+$0xFFFFFFA0] =	vst v17;
	v6 =	vcvt.f32.s32 v6  }
0xa3e: {  	v7 =	vcvt.f32.s32 v7;
	v8 =	vcvt.f32.s32 v8;
	v17 =	vld [tilespmem:s25+$0xFFFFFF90];
	p0 =	slt.u32 s24, $0x3F00;
	[tilespmem:s22+$0xFFFFFFB0] =	vst v18  }
0xa3f: {  	v9 =	vcvt.f32.s32 v9;
	v10 =	vcvt.f32.s32 v10;
	v18 =	vld [tilespmem:s25+$0xFFFFFFA0];
	[tilespmem:s22+$0xFFFFFF80] =	vst v19  }
0xa40: {  	v19 =	vld [tilespmem:s25+$0xFFFFFFB0];
	[tilespmem:s22+$0xFFFFFFC0] =	vst v6;
	v6 =	vcvt.f32.s32 v11;
	v11 =	vcvt.f32.s32 v14  }
0xa41: {  	v12 =	vcvt.f32.s32 v12;
	v14 =	vld [tilespmem:s25+$0xFFFFFFC0];
	[tilespmem:s22+$0xFFFFFFD0] =	vst v7;
	v7 =	vcvt.f32.s32 v13  }
0xa42: {  	v13 =	vld [tilespmem:s25+$0xFFFFFFD0];
	v20 =	vmul.f32 v20, v4;
	[tilespmem:s22+$0xFFFFFFE0] =	vst v8;
	v8 =	vcvt.f32.s32 v16  }
0xa43: {  	v16 =	vmul.f32 v17, v4;
	v17 =	vld [tilespmem:s25+$0xFFFFFFE0];
	[tilespmem:s22+$0xFFFFFFF0] =	vst v9;
	v9 =	vcvt.f32.s32 v15  }
0xa44: {  	v15 =	vmul.f32 v18, v4;
	v18 =	vld [tilespmem:s25+$0xFFFFFFF0];
	v20 =	vadd.f32 v20, v5;
	[tilespmem:s22+$0x0] =	vst v10  }
0xa45: {  	v10 =	vadd.f32 v16, v5;
	v16 =	vmul.f32 v19, v4;
	v19 =	vld [tilespmem:s25+$0x0];
	[tilespmem:s22+$0x10] =	vst v6  }
0xa46: {  	v6 =	vadd.f32 v15, v5;
	v14 =	vmul.f32 v14, v4;
	v15 =	vld [tilespmem:s25+$0x10];
	v20 =	vtrunc.f32 v20;
	[tilespmem:s22+$0x20] =	vst v11  }
0xa47: {  	v11 =	vadd.f32 v16, v5;
	v13 =	vmul.f32 v13, v4;
	v16 =	vld [tilespmem:s25+$0x20];
	v20 =	vcvt.f32.s32 v20;
	[tilespmem:s22+$0x30] =	vst v7  }
0xa48: {  	v21 =	vtrunc.f32 v10;
	s22 =	sadd.s32 $0x100, s22;
	v7 =	vadd.f32 v14, v5;
	v10 =	vmul.f32 v17, v4;
	v14 =	vld [tilespmem:s25+$0x30];
	[tilespmem:s23+$0x40] =	vst v12  }
0xa49: {  	v17 =	vtrunc.f32 v6;
	v12 =	vadd.f32 v13, v5;
	v13 =	vmul.f32 v18, v4;
	v18 =	vld [tilespmem:s25+$0x40];
	[tilespmem:s22+$0x70] =	vst v20  }
0xa4a: {  	v20 =	vtrunc.f32 v11;
	v10 =	vadd.f32 v10, v5;
	v11 =	vmul.f32 v19, v4;
	v19 =	vld [tilespmem:s25+$0x50];
	[tilespmem:s23+$0x50] =	vst v8  }
0xa4b: {  	v6 =	vtrunc.f32 v7;
	v13 =	vadd.f32 v13, v5;
	v15 =	vmul.f32 v15, v4;
	v22 =	vld [tilespmem:s25+$0x60];
	[tilespmem:s23+$0x60] =	vst v9;
	s23 =	smov.u32 s22  }
0xa4c: {  	v7 =	vtrunc.f32 v12;
	v23 =	vld [tilespmem:s25+$0xFFFFFF80];
	v11 =	vadd.f32 v11, v5;
	v12 =	vmul.f32 v16, v4  }
0xa4d: {  	v8 =	vtrunc.f32 v10;
	v15 =	vadd.f32 v15, v5;
	v14 =	vmul.f32 v14, v4  }
0xa4e: {  	v9 =	vtrunc.f32 v13;
	v12 =	vadd.f32 v12, v5;
	v13 =	vmul.f32 v18, v4  }
0xa4f: {  	v10 =	vtrunc.f32 v11;
	v16 =	vadd.f32 v14, v5;
	v18 =	vmul.f32 v19, v4  }
0xa50: {  	v11 =	vtrunc.f32 v15;
	v15 =	vadd.f32 v13, v5;
	v19 =	vmul.f32 v22, v4  }
.Ltmp32:
0xa51: {  	v14 =	vtrunc.f32 v12;
	v22 =	vmul.f32 v23, v4;
	v18 =	vadd.f32 v18, v5;
	(pc) =	sbr.rel @p0 .LBB2_66-.Ltmp32, $4  }
0xa52: {  	v13 =	vtrunc.f32 v16;
	v12 =	vtrunc.f32 v15;
	v15 =	vadd.f32 v19, v5  }
0xa53: {  	v21 =	vcvt.f32.s32 v21;
	v19 =	vadd.f32 v22, v5;
	v16 =	vtrunc.f32 v18  }
0xa54: {  	v17 =	vcvt.f32.s32 v17;
	v15 =	vtrunc.f32 v15  }
0xa55: {  	s25 =	sadd.s32 $0x100, s25;
	v18 =	vcvt.f32.s32 v20;
	v19 =	vtrunc.f32 v19;
	[tilespmem:s22+$0xFFFFFF90] =	vst v21  }
0xa56: {  	v4 =	vcvt.f32.s32 v19;
	[tilespmem:s22+$0xFFFFFFA0] =	vst v17  }
0xa57: {  	v5 =	vcvt.f32.s32 v6;
	[tilespmem:s22+$0xFFFFFFB0] =	vst v18  }
0xa58: {  	v60 =	vcvt.f32.s32 v7;
	[tilespmem:s22+$0xFFFFFF80] =	vst v4  }
0xa59: {  	v61 =	vcvt.f32.s32 v10;
	[tilespmem:s22+$0xFFFFFFC0] =	vst v5  }
0xa5a: {  	v62 =	vcvt.f32.s32 v13;
	[tilespmem:s22+$0xFFFFFFD0] =	vst v60  }
0xa5b: {  	v63 =	vcvt.f32.s32 v15;
	[tilespmem:s22+$0x0] =	vst v61  }
0xa5c: {  	v4 =	vcvt.f32.s32 v8;
	[tilespmem:s22+$0x30] =	vst v62  }
0xa5d: {  	v5 =	vcvt.f32.s32 v9;
	[tilespmem:s23+$0x60] =	vst v63  }
0xa5e: {  	[tilespmem:s22+$0xFFFFFFE0] =	vst v4;
	v4 =	vcvt.f32.s32 v11  }
0xa5f: {  	[tilespmem:s22+$0xFFFFFFF0] =	vst v5;
	v5 =	vcvt.f32.s32 v14  }
0xa60: {  	[tilespmem:s22+$0x10] =	vst v4;
	v4 =	vcvt.f32.s32 v12  }
0xa61: {  	[tilespmem:s22+$0x20] =	vst v5;
	v5 =	vcvt.f32.s32 v16  }
0xa62: {  	[tilespmem:s23+$0x40] =	vst v4  }
0xa63: {  	s21 =	sadd.s32 $0x1, s21;
	[tilespmem:s23+$0x50] =	vst v5  }
0xa64: {  	[hbm4b:s5+s1] =	stream.linear.scatter [tilespmem:s17], [sflag:$0x5], $0x4000, $0x38;
	[tilespmem:$0x16100] =	vst v63  }
0xa65: {  	p0 =	sne.s32 s21, s7;
	_ =	swait.ge [sflag:s19], $0x4000  }
.Ltmp33:
0xa66: {  	[sflag:s19] =	ssyncset.done $0x0;
	(pc) =	sbr.rel @p0 .LBB2_1-.Ltmp33, $4  }
0xa67: {  	[sflag:s19] =	ssyncadd.s32 $0xFFFFC000  }
0xa68: {  	_ =	swait.ge [sflag:s20], $0x4000  }
0xa69: {  	[sflag:s20] =	ssyncset.done $0x0  }
0xa6a: {  	[sflag:s20] =	ssyncadd.s32 $0xFFFFC000  }
0xa6b: {  	_ =	sfence.sel $0x180000  }
0xa6c: {  	[bflag:$0x0] =	sbarrier.arrive $0xFFFF  }
0xa6d: {  	_ =	strace $0x90000047  }
0xa6e: {  	s0 =	stileid.u32;
	[bflag:$0x2] =	sbarrier.arrive $0xFFFF  }
0xa6f: {  	p0 =	sne.s32 s0, $0x0;
	s0 =	rddreg [dreg:$0x3]  }
0xa70: {  	s0 =	sadd.s32 @!p0 $0x100000, s0  }
0xa71: {  	[sflag:s0] =	ssyncadd.tile.s32 @!p0 $0x1;
	_ =	shalt  }
.Lfunc_end2:
_tile_overlayer_lowered:
.L_overlay_start_2:
0xa72: {  	(tag) =	ssettag $0x2  }
0xa73: {  	s0 =	rddreg [dreg:$0x0];
	s2 =	stileid.u32  }
0xa74: {  	s1 =	rddreg [dreg:$0x1];
	p0 =	sne.s32 s2, $0x0  }
0xa75: {  	s3 =	rddreg [dreg:$0x2];
	[bflag:$0x3] =	sbarrier.arrive $0xFFFF;
	s2 =	simm.s32 @!p0 $0x1C06  }
0xa76: {  	[timem:s3], [sflag:s2] =	dma.local @!p0 [hbm:s0], s1  }
0xa77: {  	s0 =	simm.s32 @!p0 $0x6  }
0xa78: {  	_ =	swait.ge @!p0 [sflag:s0], s1  }
0xa79: {  	s1 =	ssub.s32 @!p0 $0x0, s1;
	[sflag:s0] =	ssyncset.done @!p0 $0x0  }
0xa7a: {  	[sflag:s0] =	ssyncadd.s32 @!p0 s1  }
0xa7b: {  	[bflag:$0x3] =	sbarrier.arrive $0xFFFF  }
0xa7c: {  	_ =	shalt  }

</sc_bundles>
